<compile_context>
chip_gen: v7x
topology: tpu7x:2x2x1
jax: 0.10.2.dev20260603
libtpu: 0.0.44.dev20260713+nightly
codegen_flags: <defaults>
</compile_context>

<pallas_src>
import functools

import jax
import jax.numpy as jnp
from jax import lax
from jax.experimental import pallas as pl
from jax.experimental.pallas import tpu as pltpu
from jax.experimental.pallas import tpu_sc as plsc

NBINS = 256
EPS = 1e-5

NC = 2
NS = 16
L = 16

TOTAL = 2 * 4 * 64 * 224 * 224
SLAB = 64 * 224 * 224
SLABS_PER_CORE = 4
SUBS_PER_SLAB = NS // SLABS_PER_CORE
PER_SUB = SLAB // SUBS_PER_SLAB
BLK = 28672
NBLK = PER_SUB // BLK
NVEC = BLK // L
UNROLL = 8

_INV_SLAB = 1.0 / SLAB


def _rsqrt_vec(v):
    i = plsc.bitcast(v, jnp.int32)
    i = jnp.int32(0x5F3759DF) - lax.shift_right_logical(i, 1)
    y = plsc.bitcast(i, jnp.float32)
    for _ in range(3):
        y = y * (1.5 - 0.5 * v * y * y)
    return y


def _body(x_hbm, g_hbm, b_hbm, lut_hbm, out_hbm,
          lut_v, lut_rep, g_v, b_v, stat_v, stat2_v, st4_s, st4_q,
          in0, in1, ou0, ou1, sh_s, sh_q, si0, si1, so0, so1):
    core = lax.axis_index("c")
    sub = lax.axis_index("s")
    slab = core * SLABS_PER_CORE + sub // SUBS_PER_SLAB
    base = slab * SLAB + (sub % SUBS_PER_SLAB) * PER_SUB

    pltpu.sync_copy(lut_hbm, lut_v)
    pltpu.sync_copy(g_hbm, g_v)
    pltpu.sync_copy(b_hbm, b_v)

    for i16 in range(NBINS // L):
        v = lut_v[pl.ds(i16 * L, L)]
        for j in range(L):
            lut_rep[pl.ds((i16 * L + j) * L, L)] = jnp.full(
                (L,), v[j], jnp.float32)

    def accum_block(buf, tot_s, tot_q):
        z = jnp.zeros((L,), jnp.float32)

        @plsc.parallel_loop(0, NVEC, 2, unroll=4, carry=(tot_s, tot_q, z, z))
        def vec1(i, c2):
            a_s, a_q, b_s, b_q = c2
            x0 = buf[pl.ds(i * L, L)]
            x1 = buf[pl.ds((i + 1) * L, L)]
            return a_s + x0, a_q + x0 * x0, b_s + x1, b_q + x1 * x1

        a_s, a_q, b_s, b_q = vec1
        return a_s + b_s, a_q + b_q

    NPAIR = NBLK // 2
    pltpu.async_copy(x_hbm.at[pl.ds(base, BLK)], in0, si0)

    def pair1(k, carry):
        tot_s, tot_q = carry
        b0 = base + (2 * k) * BLK
        pltpu.async_copy(x_hbm.at[pl.ds(b0 + BLK, BLK)], in1, si1)
        pltpu.make_async_copy(x_hbm.at[pl.ds(b0, BLK)], in0, si0).wait()
        tot_s, tot_q = accum_block(in0, tot_s, tot_q)

        @pl.when(k < NPAIR - 1)
        def _():
            pltpu.async_copy(x_hbm.at[pl.ds(b0 + 2 * BLK, BLK)], in0, si0)

        pltpu.make_async_copy(x_hbm.at[pl.ds(b0 + BLK, BLK)], in1, si1).wait()
        return accum_block(in1, tot_s, tot_q)

    tot_s, tot_q = lax.fori_loop(
        0, NPAIR, pair1,
        (jnp.zeros((L,), jnp.float32), jnp.zeros((L,), jnp.float32)))

    stat_v[...] = tot_s
    pltpu.sync_copy(stat_v, sh_s.at[pl.ds(sub * L, L)])
    stat2_v[...] = tot_q
    pltpu.sync_copy(stat2_v, sh_q.at[pl.ds(sub * L, L)])
    plsc.subcore_barrier()

    p0 = (sub // SUBS_PER_SLAB) * SUBS_PER_SLAB
    pltpu.sync_copy(sh_s.at[pl.ds(p0 * L, SUBS_PER_SLAB * L)], st4_s)
    pltpu.sync_copy(sh_q.at[pl.ds(p0 * L, SUBS_PER_SLAB * L)], st4_q)
    sum_v = st4_s[pl.ds(0, L)]
    sq_v = st4_q[pl.ds(0, L)]
    for j in range(1, SUBS_PER_SLAB):
        sum_v = sum_v + st4_s[pl.ds(j * L, L)]
        sq_v = sq_v + st4_q[pl.ds(j * L, L)]

    def _lane_sum(v):
        t = v[0]
        for j in range(1, L):
            t = t + v[j]
        return t

    mean = _lane_sum(sum_v) * _INV_SLAB
    var = _lane_sum(sq_v) * _INV_SLAB - mean * mean
    rstd_v = _rsqrt_vec(jnp.full((L,), var + EPS, jnp.float32))

    ch = slab % 4
    lanes = lax.iota(jnp.int32, L)
    gamma_c = _lane_sum(jnp.where(lanes == ch, g_v[...], 0.0))
    beta_c = _lane_sum(jnp.where(lanes == ch, b_v[...], 0.0))

    a_v = rstd_v * (gamma_c * (NBINS - 1.0))
    b_aff = beta_c * (NBINS - 1.0) - mean * a_v

    lanes_v = lax.iota(jnp.int32, L)

    def compute_block(ibuf, obuf):
        @plsc.parallel_loop(0, NVEC, 1, unroll=UNROLL)
        def vec2(i):
            o = i * L
            x = ibuf[pl.ds(o, L)]
            s = jnp.minimum(jnp.maximum(x * a_v + b_aff, 0.0), NBINS - 1.0)
            ci = s.astype(jnp.int32)
            frac = s - ci.astype(jnp.float32)
            c1 = jnp.minimum(ci + 1, NBINS - 1)
            l0 = plsc.load_gather(lut_rep, [ci * L + lanes_v])
            l1 = plsc.load_gather(lut_rep, [c1 * L + lanes_v])
            obuf[pl.ds(o, L)] = l0 + frac * (l1 - l0)

    pltpu.async_copy(x_hbm.at[pl.ds(base, BLK)], in0, si0)

    def pair2(k, carry):
        b0 = base + (2 * k) * BLK
        pltpu.async_copy(x_hbm.at[pl.ds(b0 + BLK, BLK)], in1, si1)
        pltpu.make_async_copy(x_hbm.at[pl.ds(b0, BLK)], in0, si0).wait()

        @pl.when(k > 0)
        def _():
            pltpu.make_async_copy(
                ou0, out_hbm.at[pl.ds(b0 - 2 * BLK, BLK)], so0).wait()

        compute_block(in0, ou0)
        pltpu.async_copy(ou0, out_hbm.at[pl.ds(b0, BLK)], so0)

        @pl.when(k < NPAIR - 1)
        def _():
            pltpu.async_copy(x_hbm.at[pl.ds(b0 + 2 * BLK, BLK)], in0, si0)

        pltpu.make_async_copy(x_hbm.at[pl.ds(b0 + BLK, BLK)], in1, si1).wait()

        @pl.when(k > 0)
        def _():
            pltpu.make_async_copy(
                ou1, out_hbm.at[pl.ds(b0 - BLK, BLK)], so1).wait()

        compute_block(in1, ou1)
        pltpu.async_copy(ou1, out_hbm.at[pl.ds(b0 + BLK, BLK)], so1)
        return carry

    lax.fori_loop(0, NPAIR, pair2, 0)
    last = base + (NBLK - 2) * BLK
    pltpu.make_async_copy(ou0, out_hbm.at[pl.ds(last, BLK)], so0).wait()
    pltpu.make_async_copy(ou1, out_hbm.at[pl.ds(last + BLK, BLK)], so1).wait()


@jax.jit
def _run(x_flat, g16, b16, lut):
    mesh = plsc.VectorSubcoreMesh(
        core_axis_name="c", subcore_axis_name="s",
        num_cores=NC, num_subcores=NS)
    f = pl.kernel(
        _body,
        out_type=jax.ShapeDtypeStruct((TOTAL,), jnp.float32),
        mesh=mesh,
        compiler_params=pltpu.CompilerParams(needs_layout_passes=False),
        scratch_types=[
            pltpu.VMEM((NBINS,), jnp.float32),
            pltpu.VMEM((NBINS * L,), jnp.float32),
            pltpu.VMEM((L,), jnp.float32),
            pltpu.VMEM((L,), jnp.float32),
            pltpu.VMEM((L,), jnp.float32),
            pltpu.VMEM((L,), jnp.float32),
            pltpu.VMEM((SUBS_PER_SLAB * L,), jnp.float32),
            pltpu.VMEM((SUBS_PER_SLAB * L,), jnp.float32),
            pltpu.VMEM((BLK,), jnp.float32),
            pltpu.VMEM((BLK,), jnp.float32),
            pltpu.VMEM((BLK,), jnp.float32),
            pltpu.VMEM((BLK,), jnp.float32),
            pltpu.VMEM_SHARED((NS * L,), jnp.float32),
            pltpu.VMEM_SHARED((NS * L,), jnp.float32),
            pltpu.SemaphoreType.DMA,
            pltpu.SemaphoreType.DMA,
            pltpu.SemaphoreType.DMA,
            pltpu.SemaphoreType.DMA,
        ],
    )
    return f(x_flat, g16, b16, lut)


def kernel(inputs, gamma, beta, projection_map):
    x = inputs.reshape(-1)
    g16 = jnp.zeros((L,), jnp.float32).at[: gamma.shape[0]].set(gamma)
    b16 = jnp.zeros((L,), jnp.float32).at[: beta.shape[0]].set(beta)
    out = _run(x, g16, b16, projection_map)
    return out.reshape(inputs.shape)

# --- scband reference (transcript-rebuilt; emitter-appended) ---
"""Pipeline reference for scband-value-wise-projector-56324201120039 (READ-ONLY COPY).

The authoritative reference and input builder live on the scoring server;
editing this copy changes nothing except your own understanding.
"""

import jax, jax.numpy as jnp
import numpy as np

NBINS = 256
EPS = 1e-5
SHAPE = (2, 4, 64, 224, 224)

def setup_inputs(seed: int = 0) -> dict:
    key = jax.random.key(seed)
    inputs = jax.random.normal(jax.random.fold_in(key, 0), SHAPE, dtype=jnp.float32)
    # InstanceNorm3d affine params (gamma=1, beta=0 at init)
    gamma = jnp.ones((SHAPE[1],), dtype=jnp.float32)
    beta = jnp.zeros((SHAPE[1],), dtype=jnp.float32)
    # learned projection LUT, initialized as linspace over remap_range [0, 1]
    projection_map = jnp.linspace(0.0, 1.0, NBINS).astype(jnp.float32)
    return {"inputs": inputs, "gamma": gamma, "beta": beta, "projection_map": projection_map}

def reference(inputs, gamma, beta, projection_map):
    # InstanceNorm3d (training mode: per-instance, per-channel stats, biased var)
    mean = jnp.mean(inputs, axis=(2, 3, 4), keepdims=True)
    var = jnp.var(inputs, axis=(2, 3, 4), keepdims=True)
    normed = (inputs - mean) / jnp.sqrt(var + EPS)
    normed = normed * gamma.reshape(1, -1, 1, 1, 1) + beta.reshape(1, -1, 1, 1, 1)
    # scale to bin coordinates and linearly interpolate through the learned LUT
    scaled = normed * (NBINS - 1)
    lower_f = jnp.floor(scaled)
    lower_idx = jnp.clip(lower_f.astype(jnp.int32), 0, NBINS - 1)
    upper_idx = jnp.clip(jnp.ceil(scaled).astype(jnp.int32), 0, NBINS - 1)
    lower_values = jnp.take(projection_map, lower_idx)
    upper_values = jnp.take(projection_map, upper_idx)
    weights = scaled - lower_f  # floor() detached in torch; jnp.floor has zero grad, same effect
    projected = lower_values * (1.0 - weights) + upper_values * weights
    return projected

if __name__ == "__main__":
    import jax
    _d = setup_inputs()
    print(jax.jit(kernel)(*tuple(_d.values())))

</pallas_src>

<mosaic_0001>
#map = affine_map<(d0, d1) -> (0)>
module attributes {stable_mosaic.version = 14 : i64} {
  func.func @_body(%arg0: i32, %arg1: i32, %arg2: memref<25690112xf32, #tpu.memory_space<hbm>>, %arg3: memref<16xf32, #tpu.memory_space<hbm>>, %arg4: memref<16xf32, #tpu.memory_space<hbm>>, %arg5: memref<256xf32, #tpu.memory_space<hbm>>, %arg6: memref<25690112xf32, #tpu.memory_space<hbm>>, %arg7: memref<256xf32, #tpu.memory_space<vmem>>, %arg8: memref<4096xf32, #tpu.memory_space<vmem>>, %arg9: memref<16xf32, #tpu.memory_space<vmem>>, %arg10: memref<16xf32, #tpu.memory_space<vmem>>, %arg11: memref<16xf32, #tpu.memory_space<vmem>>, %arg12: memref<16xf32, #tpu.memory_space<vmem>>, %arg13: memref<64xf32, #tpu.memory_space<vmem>>, %arg14: memref<64xf32, #tpu.memory_space<vmem>>, %arg15: memref<28672xf32, #tpu.memory_space<vmem>>, %arg16: memref<28672xf32, #tpu.memory_space<vmem>>, %arg17: memref<28672xf32, #tpu.memory_space<vmem>>, %arg18: memref<28672xf32, #tpu.memory_space<vmem>>, %arg19: memref<256xf32, #tpu.memory_space<vmem_shared>>, %arg20: memref<256xf32, #tpu.memory_space<vmem_shared>>, %arg21: memref<!tpu.dma_semaphore, #tpu.memory_space<semaphore_mem>>, %arg22: memref<!tpu.dma_semaphore, #tpu.memory_space<semaphore_mem>>, %arg23: memref<!tpu.dma_semaphore, #tpu.memory_space<semaphore_mem>>, %arg24: memref<!tpu.dma_semaphore, #tpu.memory_space<semaphore_mem>>) attributes {dimension_semantics = [#tpu.dimension_semantics<core_parallel>, #tpu.dimension_semantics<subcore_parallel>], iteration_bounds = array<i64: 2, 16>, scalar_prefetch = 0 : i64, scratch_operands = 18 : i64, tpu.core_type = #tpu.core_type<sc_vector_subcore>, window_params = [{transform_indices = #map}, {transform_indices = #map}, {transform_indices = #map}, {transform_indices = #map}, {transform_indices = #map}]} {
    %mul3A = arith.constant 4 : i32
    %mul3A_0 = arith.muli %arg0, %mul3A : i32
    %jit3A = arith.constant 4 : i32
    %div3A = arith.divsi %arg1, %jit3A : i32
    %sign3A = arith.constant 0 : i32
    %sign3A_1 = arith.cmpi sgt, %arg1, %sign3A : i32
    %sign3A_2 = arith.extui %sign3A_1 : i1 to i32
    %sign3A_3 = arith.constant 0 : i32
    %sign3A_4 = arith.cmpi slt, %arg1, %sign3A_3 : i32
    %sign3A_5 = arith.extui %sign3A_4 : i1 to i32
    %sign3A_6 = arith.subi %sign3A_2, %sign3A_5 : i32
    %sign3A_7 = arith.constant 0 : i32
    %sign3A_8 = arith.cmpi sgt, %jit3A, %sign3A_7 : i32
    %sign3A_9 = arith.extui %sign3A_8 : i1 to i32
    %sign3A_10 = arith.constant 0 : i32
    %sign3A_11 = arith.cmpi slt, %jit3A, %sign3A_10 : i32
    %sign3A_12 = arith.extui %sign3A_11 : i1 to i32
    %sign3A_13 = arith.subi %sign3A_9, %sign3A_12 : i32
    %ne3A = arith.cmpi ne, %sign3A_6, %sign3A_13 : i32
    %rem3A = arith.remsi %arg1, %jit3A : i32
    %ne3A_14 = arith.constant 0 : i32
    %ne3A_15 = arith.cmpi ne, %rem3A, %ne3A_14 : i32
    %and3A = arith.andi %ne3A, %ne3A_15 : i1
    %sub3A = arith.constant 1 : i32
    %sub3A_16 = arith.subi %div3A, %sub3A : i32
    %select_n3A = arith.select %and3A, %sub3A_16, %div3A : i32
    %add3A = arith.addi %mul3A_0, %select_n3A : i32
    %mul3A_17 = arith.constant 3211264 : i32
    %mul3A_18 = arith.muli %add3A, %mul3A_17 : i32
    %jit3A_19 = arith.constant 4 : i32
    %eq3A = arith.constant 0 : i32
    %eq3A_20 = arith.cmpi eq, %jit3A_19, %eq3A : i32
    %jit3A_21 = arith.constant 1 : i32
    %select_n3A_22 = arith.select %eq3A_20, %jit3A_21, %jit3A_19 : i32
    %rem3A_23 = arith.remsi %arg1, %select_n3A_22 : i32
    %ne3A_24 = arith.constant 0 : i32
    %ne3A_25 = arith.cmpi ne, %rem3A_23, %ne3A_24 : i32
    %lt3A = arith.constant 0 : i32
    %lt3A_26 = arith.cmpi slt, %rem3A_23, %lt3A : i32
    %lt3A_27 = arith.constant 0 : i32
    %lt3A_28 = arith.cmpi slt, %select_n3A_22, %lt3A_27 : i32
    %ne3A_29 = arith.xori %lt3A_26, %lt3A_28 : i1
    %and3A_30 = arith.andi %ne3A_29, %ne3A_25 : i1
    %add3A_31 = arith.addi %rem3A_23, %select_n3A_22 : i32
    %select_n3A_32 = arith.select %and3A_30, %add3A_31, %rem3A_23 : i32
    %mul3A_33 = arith.constant 802816 : i32
    %mul3A_34 = arith.muli %select_n3A_32, %mul3A_33 : i32
    %add3A_35 = arith.addi %mul3A_18, %mul3A_34 : i32
    "tpu.region"() ({
      %run_scoped3A = tpu.sem_alloc : memref<!tpu.dma_semaphore, #tpu.memory_space<semaphore_mem>>
      tpu.enqueue_dma source(%arg5 : memref<256xf32, #tpu.memory_space<hbm>>) target(%arg7 : memref<256xf32, #tpu.memory_space<vmem>>) target_semaphore(%run_scoped3A : memref<!tpu.dma_semaphore, #tpu.memory_space<semaphore_mem>>)
      tpu.wait_dma2 semaphore(%run_scoped3A : memref<!tpu.dma_semaphore, #tpu.memory_space<semaphore_mem>>) src(%arg5 : memref<256xf32, #tpu.memory_space<hbm>>) dst(%arg7 : memref<256xf32, #tpu.memory_space<vmem>>)
      tpu.yield
    }) : () -> ()
    "tpu.region"() ({
      %run_scoped3A = tpu.sem_alloc : memref<!tpu.dma_semaphore, #tpu.memory_space<semaphore_mem>>
      tpu.enqueue_dma source(%arg3 : memref<16xf32, #tpu.memory_space<hbm>>) target(%arg9 : memref<16xf32, #tpu.memory_space<vmem>>) target_semaphore(%run_scoped3A : memref<!tpu.dma_semaphore, #tpu.memory_space<semaphore_mem>>)
      tpu.wait_dma2 semaphore(%run_scoped3A : memref<!tpu.dma_semaphore, #tpu.memory_space<semaphore_mem>>) src(%arg3 : memref<16xf32, #tpu.memory_space<hbm>>) dst(%arg9 : memref<16xf32, #tpu.memory_space<vmem>>)
      tpu.yield
    }) : () -> ()
    "tpu.region"() ({
      %run_scoped3A = tpu.sem_alloc : memref<!tpu.dma_semaphore, #tpu.memory_space<semaphore_mem>>
      tpu.enqueue_dma source(%arg4 : memref<16xf32, #tpu.memory_space<hbm>>) target(%arg10 : memref<16xf32, #tpu.memory_space<vmem>>) target_semaphore(%run_scoped3A : memref<!tpu.dma_semaphore, #tpu.memory_space<semaphore_mem>>)
      tpu.wait_dma2 semaphore(%run_scoped3A : memref<!tpu.dma_semaphore, #tpu.memory_space<semaphore_mem>>) src(%arg4 : memref<16xf32, #tpu.memory_space<hbm>>) dst(%arg10 : memref<16xf32, #tpu.memory_space<vmem>>)
      tpu.yield
    }) : () -> ()
    %get3A = arith.constant 0 : index
    %get3A_36 = tpu.vector_load %arg7[%get3A] {strides = array<i32>} : memref<256xf32, #tpu.memory_space<vmem>>, vector<16xf32>,
    %slice3A = vector.extract_strided_slice %get3A_36 {offsets = [0], sizes = [1], strides = [1]} : vector<16xf32> to vector<1xf32>
    %squeeze3A = vector.extract %slice3A[0] : f32 from vector<1xf32>
    %broadcast_in_dim3A = vector.broadcast %squeeze3A : f32 to vector<16xf32>
    %swap3A = arith.constant 0 : index
    %swap3A_37 = tpu.vector_load %arg8[%swap3A] {strides = array<i32>} : memref<4096xf32, #tpu.memory_space<vmem>>, vector<16xf32>,
    tpu.vector_store %arg8[%swap3A], %broadcast_in_dim3A {strides = array<i32>} : memref<4096xf32, #tpu.memory_space<vmem>>, vector<16xf32>,
    %slice3A_38 = vector.extract_strided_slice %get3A_36 {offsets = [1], sizes = [1], strides = [1]} : vector<16xf32> to vector<1xf32>
    %squeeze3A_39 = vector.extract %slice3A_38[0] : f32 from vector<1xf32>
    %broadcast_in_dim3A_40 = vector.broadcast %squeeze3A_39 : f32 to vector<16xf32>
    %swap3A_41 = arith.constant 16 : index
    %swap3A_42 = tpu.vector_load %arg8[%swap3A_41] {strides = array<i32>} : memref<4096xf32, #tpu.memory_space<vmem>>, vector<16xf32>,
    tpu.vector_store %arg8[%swap3A_41], %broadcast_in_dim3A_40 {strides = array<i32>} : memref<4096xf32, #tpu.memory_space<vmem>>, vector<16xf32>,
    %slice3A_43 = vector.extract_strided_slice %get3A_36 {offsets = [2], sizes = [1], strides = [1]} : vector<16xf32> to vector<1xf32>
    %squeeze3A_44 = vector.extract %slice3A_43[0] : f32 from vector<1xf32>
    %broadcast_in_dim3A_45 = vector.broadcast %squeeze3A_44 : f32 to vector<16xf32>
    %swap3A_46 = arith.constant 32 : index
    %swap3A_47 = tpu.vector_load %arg8[%swap3A_46] {strides = array<i32>} : memref<4096xf32, #tpu.memory_space<vmem>>, vector<16xf32>,
    tpu.vector_store %arg8[%swap3A_46], %broadcast_in_dim3A_45 {strides = array<i32>} : memref<4096xf32, #tpu.memory_space<vmem>>, vector<16xf32>,
    %slice3A_48 = vector.extract_strided_slice %get3A_36 {offsets = [3], sizes = [1], strides = [1]} : vector<16xf32> to vector<1xf32>
    %squeeze3A_49 = vector.extract %slice3A_48[0] : f32 from vector<1xf32>
    %broadcast_in_dim3A_50 = vector.broadcast %squeeze3A_49 : f32 to vector<16xf32>
    %swap3A_51 = arith.constant 48 : index
    %swap3A_52 = tpu.vector_load %arg8[%swap3A_51] {strides = array<i32>} : memref<4096xf32, #tpu.memory_space<vmem>>, vector<16xf32>,
    tpu.vector_store %arg8[%swap3A_51], %broadcast_in_dim3A_50 {strides = array<i32>} : memref<4096xf32, #tpu.memory_space<vmem>>, vector<16xf32>,
    %slice3A_53 = vector.extract_strided_slice %get3A_36 {offsets = [4], sizes = [1], strides = [1]} : vector<16xf32> to vector<1xf32>
    %squeeze3A_54 = vector.extract %slice3A_53[0] : f32 from vector<1xf32>
    %broadcast_in_dim3A_55 = vector.broadcast %squeeze3A_54 : f32 to vector<16xf32>
    %swap3A_56 = arith.constant 64 : index
    %swap3A_57 = tpu.vector_load %arg8[%swap3A_56] {strides = array<i32>} : memref<4096xf32, #tpu.memory_space<vmem>>, vector<16xf32>,
    tpu.vector_store %arg8[%swap3A_56], %broadcast_in_dim3A_55 {strides = array<i32>} : memref<4096xf32, #tpu.memory_space<vmem>>, vector<16xf32>,
    %slice3A_58 = vector.extract_strided_slice %get3A_36 {offsets = [5], sizes = [1], strides = [1]} : vector<16xf32> to vector<1xf32>
    %squeeze3A_59 = vector.extract %slice3A_58[0] : f32 from vector<1xf32>
    %broadcast_in_dim3A_60 = vector.broadcast %squeeze3A_59 : f32 to vector<16xf32>
    %swap3A_61 = arith.constant 80 : index
    %swap3A_62 = tpu.vector_load %arg8[%swap3A_61] {strides = array<i32>} : memref<4096xf32, #tpu.memory_space<vmem>>, vector<16xf32>,
    tpu.vector_store %arg8[%swap3A_61], %broadcast_in_dim3A_60 {strides = array<i32>} : memref<4096xf32, #tpu.memory_space<vmem>>, vector<16xf32>,
    %slice3A_63 = vector.extract_strided_slice %get3A_36 {offsets = [6], sizes = [1], strides = [1]} : vector<16xf32> to vector<1xf32>
    %squeeze3A_64 = vector.extract %slice3A_63[0] : f32 from vector<1xf32>
    %broadcast_in_dim3A_65 = vector.broadcast %squeeze3A_64 : f32 to vector<16xf32>
    %swap3A_66 = arith.constant 96 : index
    %swap3A_67 = tpu.vector_load %arg8[%swap3A_66] {strides = array<i32>} : memref<4096xf32, #tpu.memory_space<vmem>>, vector<16xf32>,
    tpu.vector_store %arg8[%swap3A_66], %broadcast_in_dim3A_65 {strides = array<i32>} : memref<4096xf32, #tpu.memory_space<vmem>>, vector<16xf32>,
    %slice3A_68 = vector.extract_strided_slice %get3A_36 {offsets = [7], sizes = [1], strides = [1]} : vector<16xf32> to vector<1xf32>
    %squeeze3A_69 = vector.extract %slice3A_68[0] : f32 from vector<1xf32>
    %broadcast_in_dim3A_70 = vector.broadcast %squeeze3A_69 : f32 to vector<16xf32>
    %swap3A_71 = arith.constant 112 : index
    %swap3A_72 = tpu.vector_load %arg8[%swap3A_71] {strides = array<i32>} : memref<4096xf32, #tpu.memory_space<vmem>>, vector<16xf32>,
    tpu.vector_store %arg8[%swap3A_71], %broadcast_in_dim3A_70 {strides = array<i32>} : memref<4096xf32, #tpu.memory_space<vmem>>, vector<16xf32>,
    %slice3A_73 = vector.extract_strided_slice %get3A_36 {offsets = [8], sizes = [1], strides = [1]} : vector<16xf32> to vector<1xf32>
    %squeeze3A_74 = vector.extract %slice3A_73[0] : f32 from vector<1xf32>
    %broadcast_in_dim3A_75 = vector.broadcast %squeeze3A_74 : f32 to vector<16xf32>
    %swap3A_76 = arith.constant 128 : index
    %swap3A_77 = tpu.vector_load %arg8[%swap3A_76] {strides = array<i32>} : memref<4096xf32, #tpu.memory_space<vmem>>, vector<16xf32>,
    tpu.vector_store %arg8[%swap3A_76], %broadcast_in_dim3A_75 {strides = array<i32>} : memref<4096xf32, #tpu.memory_space<vmem>>, vector<16xf32>,
    %slice3A_78 = vector.extract_strided_slice %get3A_36 {offsets = [9], sizes = [1], strides = [1]} : vector<16xf32> to vector<1xf32>
    %squeeze3A_79 = vector.extract %slice3A_78[0] : f32 from vector<1xf32>
    %broadcast_in_dim3A_80 = vector.broadcast %squeeze3A_79 : f32 to vector<16xf32>
    %swap3A_81 = arith.constant 144 : index
    %swap3A_82 = tpu.vector_load %arg8[%swap3A_81] {strides = array<i32>} : memref<4096xf32, #tpu.memory_space<vmem>>, vector<16xf32>,
    tpu.vector_store %arg8[%swap3A_81], %broadcast_in_dim3A_80 {strides = array<i32>} : memref<4096xf32, #tpu.memory_space<vmem>>, vector<16xf32>,
    %slice3A_83 = vector.extract_strided_slice %get3A_36 {offsets = [10], sizes = [1], strides = [1]} : vector<16xf32> to vector<1xf32>
    %squeeze3A_84 = vector.extract %slice3A_83[0] : f32 from vector<1xf32>
    %broadcast_in_dim3A_85 = vector.broadcast %squeeze3A_84 : f32 to vector<16xf32>
    %swap3A_86 = arith.constant 160 : index
    %swap3A_87 = tpu.vector_load %arg8[%swap3A_86] {strides = array<i32>} : memref<4096xf32, #tpu.memory_space<vmem>>, vector<16xf32>,
    tpu.vector_store %arg8[%swap3A_86], %broadcast_in_dim3A_85 {strides = array<i32>} : memref<4096xf32, #tpu.memory_space<vmem>>, vector<16xf32>,
    %slice3A_88 = vector.extract_strided_slice %get3A_36 {offsets = [11], sizes = [1], strides = [1]} : vector<16xf32> to vector<1xf32>
    %squeeze3A_89 = vector.extract %slice3A_88[0] : f32 from vector<1xf32>
    %broadcast_in_dim3A_90 = vector.broadcast %squeeze3A_89 : f32 to vector<16xf32>
    %swap3A_91 = arith.constant 176 : index
    %swap3A_92 = tpu.vector_load %arg8[%swap3A_91] {strides = array<i32>} : memref<4096xf32, #tpu.memory_space<vmem>>, vector<16xf32>,
    tpu.vector_store %arg8[%swap3A_91], %broadcast_in_dim3A_90 {strides = array<i32>} : memref<4096xf32, #tpu.memory_space<vmem>>, vector<16xf32>,
    %slice3A_93 = vector.extract_strided_slice %get3A_36 {offsets = [12], sizes = [1], strides = [1]} : vector<16xf32> to vector<1xf32>
    %squeeze3A_94 = vector.extract %slice3A_93[0] : f32 from vector<1xf32>
    %broadcast_in_dim3A_95 = vector.broadcast %squeeze3A_94 : f32 to vector<16xf32>
    %swap3A_96 = arith.constant 192 : index
    %swap3A_97 = tpu.vector_load %arg8[%swap3A_96] {strides = array<i32>} : memref<4096xf32, #tpu.memory_space<vmem>>, vector<16xf32>,
    tpu.vector_store %arg8[%swap3A_96], %broadcast_in_dim3A_95 {strides = array<i32>} : memref<4096xf32, #tpu.memory_space<vmem>>, vector<16xf32>,
    %slice3A_98 = vector.extract_strided_slice %get3A_36 {offsets = [13], sizes = [1], strides = [1]} : vector<16xf32> to vector<1xf32>
    %squeeze3A_99 = vector.extract %slice3A_98[0] : f32 from vector<1xf32>
    %broadcast_in_dim3A_100 = vector.broadcast %squeeze3A_99 : f32 to vector<16xf32>
    %swap3A_101 = arith.constant 208 : index
    %swap3A_102 = tpu.vector_load %arg8[%swap3A_101] {strides = array<i32>} : memref<4096xf32, #tpu.memory_space<vmem>>, vector<16xf32>,
    tpu.vector_store %arg8[%swap3A_101], %broadcast_in_dim3A_100 {strides = array<i32>} : memref<4096xf32, #tpu.memory_space<vmem>>, vector<16xf32>,
    %slice3A_103 = vector.extract_strided_slice %get3A_36 {offsets = [14], sizes = [1], strides = [1]} : vector<16xf32> to vector<1xf32>
    %squeeze3A_104 = vector.extract %slice3A_103[0] : f32 from vector<1xf32>
    %broadcast_in_dim3A_105 = vector.broadcast %squeeze3A_104 : f32 to vector<16xf32>
    %swap3A_106 = arith.constant 224 : index
    %swap3A_107 = tpu.vector_load %arg8[%swap3A_106] {strides = array<i32>} : memref<4096xf32, #tpu.memory_space<vmem>>, vector<16xf32>,
    tpu.vector_store %arg8[%swap3A_106], %broadcast_in_dim3A_105 {strides = array<i32>} : memref<4096xf32, #tpu.memory_space<vmem>>, vector<16xf32>,
    %slice3A_108 = vector.extract_strided_slice %get3A_36 {offsets = [15], sizes = [1], strides = [1]} : vector<16xf32> to vector<1xf32>
    %squeeze3A_109 = vector.extract %slice3A_108[0] : f32 from vector<1xf32>
    %broadcast_in_dim3A_110 = vector.broadcast %squeeze3A_109 : f32 to vector<16xf32>
    %swap3A_111 = arith.constant 240 : index
    %swap3A_112 = tpu.vector_load %arg8[%swap3A_111] {strides = array<i32>} : memref<4096xf32, #tpu.memory_space<vmem>>, vector<16xf32>,
    tpu.vector_store %arg8[%swap3A_111], %broadcast_in_dim3A_110 {strides = array<i32>} : memref<4096xf32, #tpu.memory_space<vmem>>, vector<16xf32>,
    %get3A_113 = arith.constant 16 : index
    %get3A_114 = tpu.vector_load %arg7[%get3A_113] {strides = array<i32>} : memref<256xf32, #tpu.memory_space<vmem>>, vector<16xf32>,
    %slice3A_115 = vector.extract_strided_slice %get3A_114 {offsets = [0], sizes = [1], strides = [1]} : vector<16xf32> to vector<1xf32>
    %squeeze3A_116 = vector.extract %slice3A_115[0] : f32 from vector<1xf32>
    %broadcast_in_dim3A_117 = vector.broadcast %squeeze3A_116 : f32 to vector<16xf32>
    %swap3A_118 = arith.constant 256 : index
    %swap3A_119 = tpu.vector_load %arg8[%swap3A_118] {strides = array<i32>} : memref<4096xf32, #tpu.memory_space<vmem>>, vector<16xf32>,
    tpu.vector_store %arg8[%swap3A_118], %broadcast_in_dim3A_117 {strides = array<i32>} : memref<4096xf32, #tpu.memory_space<vmem>>, vector<16xf32>,
    %slice3A_120 = vector.extract_strided_slice %get3A_114 {offsets = [1], sizes = [1], strides = [1]} : vector<16xf32> to vector<1xf32>
    %squeeze3A_121 = vector.extract %slice3A_120[0] : f32 from vector<1xf32>
    %broadcast_in_dim3A_122 = vector.broadcast %squeeze3A_121 : f32 to vector<16xf32>
    %swap3A_123 = arith.constant 272 : index
    %swap3A_124 = tpu.vector_load %arg8[%swap3A_123] {strides = array<i32>} : memref<4096xf32, #tpu.memory_space<vmem>>, vector<16xf32>,
    tpu.vector_store %arg8[%swap3A_123], %broadcast_in_dim3A_122 {strides = array<i32>} : memref<4096xf32, #tpu.memory_space<vmem>>, vector<16xf32>,
    %slice3A_125 = vector.extract_strided_slice %get3A_114 {offsets = [2], sizes = [1], strides = [1]} : vector<16xf32> to vector<1xf32>
    %squeeze3A_126 = vector.extract %slice3A_125[0] : f32 from vector<1xf32>
    %broadcast_in_dim3A_127 = vector.broadcast %squeeze3A_126 : f32 to vector<16xf32>
    %swap3A_128 = arith.constant 288 : index
    %swap3A_129 = tpu.vector_load %arg8[%swap3A_128] {strides = array<i32>} : memref<4096xf32, #tpu.memory_space<vmem>>, vector<16xf32>,
    tpu.vector_store %arg8[%swap3A_128], %broadcast_in_dim3A_127 {strides = array<i32>} : memref<4096xf32, #tpu.memory_space<vmem>>, vector<16xf32>,
    %slice3A_130 = vector.extract_strided_slice %get3A_114 {offsets = [3], sizes = [1], strides = [1]} : vector<16xf32> to vector<1xf32>
    %squeeze3A_131 = vector.extract %slice3A_130[0] : f32 from vector<1xf32>
    %broadcast_in_dim3A_132 = vector.broadcast %squeeze3A_131 : f32 to vector<16xf32>
    %swap3A_133 = arith.constant 304 : index
    %swap3A_134 = tpu.vector_load %arg8[%swap3A_133] {strides = array<i32>} : memref<4096xf32, #tpu.memory_space<vmem>>, vector<16xf32>,
    tpu.vector_store %arg8[%swap3A_133], %broadcast_in_dim3A_132 {strides = array<i32>} : memref<4096xf32, #tpu.memory_space<vmem>>, vector<16xf32>,
    %slice3A_135 = vector.extract_strided_slice %get3A_114 {offsets = [4], sizes = [1], strides = [1]} : vector<16xf32> to vector<1xf32>
    %squeeze3A_136 = vector.extract %slice3A_135[0] : f32 from vector<1xf32>
    %broadcast_in_dim3A_137 = vector.broadcast %squeeze3A_136 : f32 to vector<16xf32>
    %swap3A_138 = arith.constant 320 : index
    %swap3A_139 = tpu.vector_load %arg8[%swap3A_138] {strides = array<i32>} : memref<4096xf32, #tpu.memory_space<vmem>>, vector<16xf32>,
    tpu.vector_store %arg8[%swap3A_138], %broadcast_in_dim3A_137 {strides = array<i32>} : memref<4096xf32, #tpu.memory_space<vmem>>, vector<16xf32>,
    %slice3A_140 = vector.extract_strided_slice %get3A_114 {offsets = [5], sizes = [1], strides = [1]} : vector<16xf32> to vector<1xf32>
    %squeeze3A_141 = vector.extract %slice3A_140[0] : f32 from vector<1xf32>
    %broadcast_in_dim3A_142 = vector.broadcast %squeeze3A_141 : f32 to vector<16xf32>
    %swap3A_143 = arith.constant 336 : index
    %swap3A_144 = tpu.vector_load %arg8[%swap3A_143] {strides = array<i32>} : memref<4096xf32, #tpu.memory_space<vmem>>, vector<16xf32>,
    tpu.vector_store %arg8[%swap3A_143], %broadcast_in_dim3A_142 {strides = array<i32>} : memref<4096xf32, #tpu.memory_space<vmem>>, vector<16xf32>,
    %slice3A_145 = vector.extract_strided_slice %get3A_114 {offsets = [6], sizes = [1], strides = [1]} : vector<16xf32> to vector<1xf32>
    %squeeze3A_146 = vector.extract %slice3A_145[0] : f32 from vector<1xf32>
    %broadcast_in_dim3A_147 = vector.broadcast %squeeze3A_146 : f32 to vector<16xf32>
    %swap3A_148 = arith.constant 352 : index
    %swap3A_149 = tpu.vector_load %arg8[%swap3A_148] {strides = array<i32>} : memref<4096xf32, #tpu.memory_space<vmem>>, vector<16xf32>,
    tpu.vector_store %arg8[%swap3A_148], %broadcast_in_dim3A_147 {strides = array<i32>} : memref<4096xf32, #tpu.memory_space<vmem>>, vector<16xf32>,
    %slice3A_150 = vector.extract_strided_slice %get3A_114 {offsets = [7], sizes = [1], strides = [1]} : vector<16xf32> to vector<1xf32>
    %squeeze3A_151 = vector.extract %slice3A_150[0] : f32 from vector<1xf32>
    %broadcast_in_dim3A_152 = vector.broadcast %squeeze3A_151 : f32 to vector<16xf32>
    %swap3A_153 = arith.constant 368 : index
    %swap3A_154 = tpu.vector_load %arg8[%swap3A_153] {strides = array<i32>} : memref<4096xf32, #tpu.memory_space<vmem>>, vector<16xf32>,
    tpu.vector_store %arg8[%swap3A_153], %broadcast_in_dim3A_152 {strides = array<i32>} : memref<4096xf32, #tpu.memory_space<vmem>>, vector<16xf32>,
    %slice3A_155 = vector.extract_strided_slice %get3A_114 {offsets = [8], sizes = [1], strides = [1]} : vector<16xf32> to vector<1xf32>
    %squeeze3A_156 = vector.extract %slice3A_155[0] : f32 from vector<1xf32>
    %broadcast_in_dim3A_157 = vector.broadcast %squeeze3A_156 : f32 to vector<16xf32>
    %swap3A_158 = arith.constant 384 : index
    %swap3A_159 = tpu.vector_load %arg8[%swap3A_158] {strides = array<i32>} : memref<4096xf32, #tpu.memory_space<vmem>>, vector<16xf32>,
    tpu.vector_store %arg8[%swap3A_158], %broadcast_in_dim3A_157 {strides = array<i32>} : memref<4096xf32, #tpu.memory_space<vmem>>, vector<16xf32>,
    %slice3A_160 = vector.extract_strided_slice %get3A_114 {offsets = [9], sizes = [1], strides = [1]} : vector<16xf32> to vector<1xf32>
    %squeeze3A_161 = vector.extract %slice3A_160[0] : f32 from vector<1xf32>
    %broadcast_in_dim3A_162 = vector.broadcast %squeeze3A_161 : f32 to vector<16xf32>
    %swap3A_163 = arith.constant 400 : index
    %swap3A_164 = tpu.vector_load %arg8[%swap3A_163] {strides = array<i32>} : memref<4096xf32, #tpu.memory_space<vmem>>, vector<16xf32>,
    tpu.vector_store %arg8[%swap3A_163], %broadcast_in_dim3A_162 {strides = array<i32>} : memref<4096xf32, #tpu.memory_space<vmem>>, vector<16xf32>,
    %slice3A_165 = vector.extract_strided_slice %get3A_114 {offsets = [10], sizes = [1], strides = [1]} : vector<16xf32> to vector<1xf32>
    %squeeze3A_166 = vector.extract %slice3A_165[0] : f32 from vector<1xf32>
    %broadcast_in_dim3A_167 = vector.broadcast %squeeze3A_166 : f32 to vector<16xf32>
    %swap3A_168 = arith.constant 416 : index
    %swap3A_169 = tpu.vector_load %arg8[%swap3A_168] {strides = array<i32>} : memref<4096xf32, #tpu.memory_space<vmem>>, vector<16xf32>,
    tpu.vector_store %arg8[%swap3A_168], %broadcast_in_dim3A_167 {strides = array<i32>} : memref<4096xf32, #tpu.memory_space<vmem>>, vector<16xf32>,
    %slice3A_170 = vector.extract_strided_slice %get3A_114 {offsets = [11], sizes = [1], strides = [1]} : vector<16xf32> to vector<1xf32>
    %squeeze3A_171 = vector.extract %slice3A_170[0] : f32 from vector<1xf32>
    %broadcast_in_dim3A_172 = vector.broadcast %squeeze3A_171 : f32 to vector<16xf32>
    %swap3A_173 = arith.constant 432 : index
    %swap3A_174 = tpu.vector_load %arg8[%swap3A_173] {strides = array<i32>} : memref<4096xf32, #tpu.memory_space<vmem>>, vector<16xf32>,
    tpu.vector_store %arg8[%swap3A_173], %broadcast_in_dim3A_172 {strides = array<i32>} : memref<4096xf32, #tpu.memory_space<vmem>>, vector<16xf32>,
    %slice3A_175 = vector.extract_strided_slice %get3A_114 {offsets = [12], sizes = [1], strides = [1]} : vector<16xf32> to vector<1xf32>
    %squeeze3A_176 = vector.extract %slice3A_175[0] : f32 from vector<1xf32>
    %broadcast_in_dim3A_177 = vector.broadcast %squeeze3A_176 : f32 to vector<16xf32>
    %swap3A_178 = arith.constant 448 : index
    %swap3A_179 = tpu.vector_load %arg8[%swap3A_178] {strides = array<i32>} : memref<4096xf32, #tpu.memory_space<vmem>>, vector<16xf32>,
    tpu.vector_store %arg8[%swap3A_178], %broadcast_in_dim3A_177 {strides = array<i32>} : memref<4096xf32, #tpu.memory_space<vmem>>, vector<16xf32>,
    %slice3A_180 = vector.extract_strided_slice %get3A_114 {offsets = [13], sizes = [1], strides = [1]} : vector<16xf32> to vector<1xf32>
    %squeeze3A_181 = vector.extract %slice3A_180[0] : f32 from vector<1xf32>
    %broadcast_in_dim3A_182 = vector.broadcast %squeeze3A_181 : f32 to vector<16xf32>
    %swap3A_183 = arith.constant 464 : index
    %swap3A_184 = tpu.vector_load %arg8[%swap3A_183] {strides = array<i32>} : memref<4096xf32, #tpu.memory_space<vmem>>, vector<16xf32>,
    tpu.vector_store %arg8[%swap3A_183], %broadcast_in_dim3A_182 {strides = array<i32>} : memref<4096xf32, #tpu.memory_space<vmem>>, vector<16xf32>,
    %slice3A_185 = vector.extract_strided_slice %get3A_114 {offsets = [14], sizes = [1], strides = [1]} : vector<16xf32> to vector<1xf32>
    %squeeze3A_186 = vector.extract %slice3A_185[0] : f32 from vector<1xf32>
    %broadcast_in_dim3A_187 = vector.broadcast %squeeze3A_186 : f32 to vector<16xf32>
    %swap3A_188 = arith.constant 480 : index
    %swap3A_189 = tpu.vector_load %arg8[%swap3A_188] {strides = array<i32>} : memref<4096xf32, #tpu.memory_space<vmem>>, vector<16xf32>,
    tpu.vector_store %arg8[%swap3A_188], %broadcast_in_dim3A_187 {strides = array<i32>} : memref<4096xf32, #tpu.memory_space<vmem>>, vector<16xf32>,
    %slice3A_190 = vector.extract_strided_slice %get3A_114 {offsets = [15], sizes = [1], strides = [1]} : vector<16xf32> to vector<1xf32>
    %squeeze3A_191 = vector.extract %slice3A_190[0] : f32 from vector<1xf32>
    %broadcast_in_dim3A_192 = vector.broadcast %squeeze3A_191 : f32 to vector<16xf32>
    %swap3A_193 = arith.constant 496 : index
    %swap3A_194 = tpu.vector_load %arg8[%swap3A_193] {strides = array<i32>} : memref<4096xf32, #tpu.memory_space<vmem>>, vector<16xf32>,
    tpu.vector_store %arg8[%swap3A_193], %broadcast_in_dim3A_192 {strides = array<i32>} : memref<4096xf32, #tpu.memory_space<vmem>>, vector<16xf32>,
    %get3A_195 = arith.constant 32 : index
    %get3A_196 = tpu.vector_load %arg7[%get3A_195] {strides = array<i32>} : memref<256xf32, #tpu.memory_space<vmem>>, vector<16xf32>,
    %slice3A_197 = vector.extract_strided_slice %get3A_196 {offsets = [0], sizes = [1], strides = [1]} : vector<16xf32> to vector<1xf32>
    %squeeze3A_198 = vector.extract %slice3A_197[0] : f32 from vector<1xf32>
    %broadcast_in_dim3A_199 = vector.broadcast %squeeze3A_198 : f32 to vector<16xf32>
    %swap3A_200 = arith.constant 512 : index
    %swap3A_201 = tpu.vector_load %arg8[%swap3A_200] {strides = array<i32>} : memref<4096xf32, #tpu.memory_space<vmem>>, vector<16xf32>,
    tpu.vector_store %arg8[%swap3A_200], %broadcast_in_dim3A_199 {strides = array<i32>} : memref<4096xf32, #tpu.memory_space<vmem>>, vector<16xf32>,
    %slice3A_202 = vector.extract_strided_slice %get3A_196 {offsets = [1], sizes = [1], strides = [1]} : vector<16xf32> to vector<1xf32>
    %squeeze3A_203 = vector.extract %slice3A_202[0] : f32 from vector<1xf32>
    %broadcast_in_dim3A_204 = vector.broadcast %squeeze3A_203 : f32 to vector<16xf32>
    %swap3A_205 = arith.constant 528 : index
    %swap3A_206 = tpu.vector_load %arg8[%swap3A_205] {strides = array<i32>} : memref<4096xf32, #tpu.memory_space<vmem>>, vector<16xf32>,
    tpu.vector_store %arg8[%swap3A_205], %broadcast_in_dim3A_204 {strides = array<i32>} : memref<4096xf32, #tpu.memory_space<vmem>>, vector<16xf32>,
    %slice3A_207 = vector.extract_strided_slice %get3A_196 {offsets = [2], sizes = [1], strides = [1]} : vector<16xf32> to vector<1xf32>
    %squeeze3A_208 = vector.extract %slice3A_207[0] : f32 from vector<1xf32>
    %broadcast_in_dim3A_209 = vector.broadcast %squeeze3A_208 : f32 to vector<16xf32>
    %swap3A_210 = arith.constant 544 : index
    %swap3A_211 = tpu.vector_load %arg8[%swap3A_210] {strides = array<i32>} : memref<4096xf32, #tpu.memory_space<vmem>>, vector<16xf32>,
    tpu.vector_store %arg8[%swap3A_210], %broadcast_in_dim3A_209 {strides = array<i32>} : memref<4096xf32, #tpu.memory_space<vmem>>, vector<16xf32>,
    %slice3A_212 = vector.extract_strided_slice %get3A_196 {offsets = [3], sizes = [1], strides = [1]} : vector<16xf32> to vector<1xf32>
    %squeeze3A_213 = vector.extract %slice3A_212[0] : f32 from vector<1xf32>
    %broadcast_in_dim3A_214 = vector.broadcast %squeeze3A_213 : f32 to vector<16xf32>
    %swap3A_215 = arith.constant 560 : index
    %swap3A_216 = tpu.vector_load %arg8[%swap3A_215] {strides = array<i32>} : memref<4096xf32, #tpu.memory_space<vmem>>, vector<16xf32>,
    tpu.vector_store %arg8[%swap3A_215], %broadcast_in_dim3A_214 {strides = array<i32>} : memref<4096xf32, #tpu.memory_space<vmem>>, vector<16xf32>,
    %slice3A_217 = vector.extract_strided_slice %get3A_196 {offsets = [4], sizes = [1], strides = [1]} : vector<16xf32> to vector<1xf32>
    %squeeze3A_218 = vector.extract %slice3A_217[0] : f32 from vector<1xf32>
    %broadcast_in_dim3A_219 = vector.broadcast %squeeze3A_218 : f32 to vector<16xf32>
    %swap3A_220 = arith.constant 576 : index
    %swap3A_221 = tpu.vector_load %arg8[%swap3A_220] {strides = array<i32>} : memref<4096xf32, #tpu.memory_space<vmem>>, vector<16xf32>,
    tpu.vector_store %arg8[%swap3A_220], %broadcast_in_dim3A_219 {strides = array<i32>} : memref<4096xf32, #tpu.memory_space<vmem>>, vector<16xf32>,
    %slice3A_222 = vector.extract_strided_slice %get3A_196 {offsets = [5], sizes = [1], strides = [1]} : vector<16xf32> to vector<1xf32>
    %squeeze3A_223 = vector.extract %slice3A_222[0] : f32 from vector<1xf32>
    %broadcast_in_dim3A_224 = vector.broadcast %squeeze3A_223 : f32 to vector<16xf32>
    %swap3A_225 = arith.constant 592 : index
    %swap3A_226 = tpu.vector_load %arg8[%swap3A_225] {strides = array<i32>} : memref<4096xf32, #tpu.memory_space<vmem>>, vector<16xf32>,
    tpu.vector_store %arg8[%swap3A_225], %broadcast_in_dim3A_224 {strides = array<i32>} : memref<4096xf32, #tpu.memory_space<vmem>>, vector<16xf32>,
    %slice3A_227 = vector.extract_strided_slice %get3A_196 {offsets = [6], sizes = [1], strides = [1]} : vector<16xf32> to vector<1xf32>
    %squeeze3A_228 = vector.extract %slice3A_227[0] : f32 from vector<1xf32>
    %broadcast_in_dim3A_229 = vector.broadcast %squeeze3A_228 : f32 to vector<16xf32>
    %swap3A_230 = arith.constant 608 : index
    %swap3A_231 = tpu.vector_load %arg8[%swap3A_230] {strides = array<i32>} : memref<4096xf32, #tpu.memory_space<vmem>>, vector<16xf32>,
    tpu.vector_store %arg8[%swap3A_230], %broadcast_in_dim3A_229 {strides = array<i32>} : memref<4096xf32, #tpu.memory_space<vmem>>, vector<16xf32>,
    %slice3A_232 = vector.extract_strided_slice %get3A_196 {offsets = [7], sizes = [1], strides = [1]} : vector<16xf32> to vector<1xf32>
    %squeeze3A_233 = vector.extract %slice3A_232[0] : f32 from vector<1xf32>
    %broadcast_in_dim3A_234 = vector.broadcast %squeeze3A_233 : f32 to vector<16xf32>
    %swap3A_235 = arith.constant 624 : index
    %swap3A_236 = tpu.vector_load %arg8[%swap3A_235] {strides = array<i32>} : memref<4096xf32, #tpu.memory_space<vmem>>, vector<16xf32>,
    tpu.vector_store %arg8[%swap3A_235], %broadcast_in_dim3A_234 {strides = array<i32>} : memref<4096xf32, #tpu.memory_space<vmem>>, vector<16xf32>,
    %slice3A_237 = vector.extract_strided_slice %get3A_196 {offsets = [8], sizes = [1], strides = [1]} : vector<16xf32> to vector<1xf32>
    %squeeze3A_238 = vector.extract %slice3A_237[0] : f32 from vector<1xf32>
    %broadcast_in_dim3A_239 = vector.broadcast %squeeze3A_238 : f32 to vector<16xf32>
    %swap3A_240 = arith.constant 640 : index
    %swap3A_241 = tpu.vector_load %arg8[%swap3A_240] {strides = array<i32>} : memref<4096xf32, #tpu.memory_space<vmem>>, vector<16xf32>,
    tpu.vector_store %arg8[%swap3A_240], %broadcast_in_dim3A_239 {strides = array<i32>} : memref<4096xf32, #tpu.memory_space<vmem>>, vector<16xf32>,
    %slice3A_242 = vector.extract_strided_slice %get3A_196 {offsets = [9], sizes = [1], strides = [1]} : vector<16xf32> to vector<1xf32>
    %squeeze3A_243 = vector.extract %slice3A_242[0] : f32 from vector<1xf32>
    %broadcast_in_dim3A_244 = vector.broadcast %squeeze3A_243 : f32 to vector<16xf32>
    %swap3A_245 = arith.constant 656 : index
    %swap3A_246 = tpu.vector_load %arg8[%swap3A_245] {strides = array<i32>} : memref<4096xf32, #tpu.memory_space<vmem>>, vector<16xf32>,
    tpu.vector_store %arg8[%swap3A_245], %broadcast_in_dim3A_244 {strides = array<i32>} : memref<4096xf32, #tpu.memory_space<vmem>>, vector<16xf32>,
    %slice3A_247 = vector.extract_strided_slice %get3A_196 {offsets = [10], sizes = [1], strides = [1]} : vector<16xf32> to vector<1xf32>
    %squeeze3A_248 = vector.extract %slice3A_247[0] : f32 from vector<1xf32>
    %broadcast_in_dim3A_249 = vector.broadcast %squeeze3A_248 : f32 to vector<16xf32>
    %swap3A_250 = arith.constant 672 : index
    %swap3A_251 = tpu.vector_load %arg8[%swap3A_250] {strides = array<i32>} : memref<4096xf32, #tpu.memory_space<vmem>>, vector<16xf32>,
    tpu.vector_store %arg8[%swap3A_250], %broadcast_in_dim3A_249 {strides = array<i32>} : memref<4096xf32, #tpu.memory_space<vmem>>, vector<16xf32>,
    %slice3A_252 = vector.extract_strided_slice %get3A_196 {offsets = [11], sizes = [1], strides = [1]} : vector<16xf32> to vector<1xf32>
    %squeeze3A_253 = vector.extract %slice3A_252[0] : f32 from vector<1xf32>
    %broadcast_in_dim3A_254 = vector.broadcast %squeeze3A_253 : f32 to vector<16xf32>
    %swap3A_255 = arith.constant 688 : index
    %swap3A_256 = tpu.vector_load %arg8[%swap3A_255] {strides = array<i32>} : memref<4096xf32, #tpu.memory_space<vmem>>, vector<16xf32>,
    tpu.vector_store %arg8[%swap3A_255], %broadcast_in_dim3A_254 {strides = array<i32>} : memref<4096xf32, #tpu.memory_space<vmem>>, vector<16xf32>,
    %slice3A_257 = vector.extract_strided_slice %get3A_196 {offsets = [12], sizes = [1], strides = [1]} : vector<16xf32> to vector<1xf32>
    %squeeze3A_258 = vector.extract %slice3A_257[0] : f32 from vector<1xf32>
    %broadcast_in_dim3A_259 = vector.broadcast %squeeze3A_258 : f32 to vector<16xf32>
    %swap3A_260 = arith.constant 704 : index
    %swap3A_261 = tpu.vector_load %arg8[%swap3A_260] {strides = array<i32>} : memref<4096xf32, #tpu.memory_space<vmem>>, vector<16xf32>,
    tpu.vector_store %arg8[%swap3A_260], %broadcast_in_dim3A_259 {strides = array<i32>} : memref<4096xf32, #tpu.memory_space<vmem>>, vector<16xf32>,
    %slice3A_262 = vector.extract_strided_slice %get3A_196 {offsets = [13], sizes = [1], strides = [1]} : vector<16xf32> to vector<1xf32>
    %squeeze3A_263 = vector.extract %slice3A_262[0] : f32 from vector<1xf32>
    %broadcast_in_dim3A_264 = vector.broadcast %squeeze3A_263 : f32 to vector<16xf32>
    %swap3A_265 = arith.constant 720 : index
    %swap3A_266 = tpu.vector_load %arg8[%swap3A_265] {strides = array<i32>} : memref<4096xf32, #tpu.memory_space<vmem>>, vector<16xf32>,
    tpu.vector_store %arg8[%swap3A_265], %broadcast_in_dim3A_264 {strides = array<i32>} : memref<4096xf32, #tpu.memory_space<vmem>>, vector<16xf32>,
    %slice3A_267 = vector.extract_strided_slice %get3A_196 {offsets = [14], sizes = [1], strides = [1]} : vector<16xf32> to vector<1xf32>
    %squeeze3A_268 = vector.extract %slice3A_267[0] : f32 from vector<1xf32>
    %broadcast_in_dim3A_269 = vector.broadcast %squeeze3A_268 : f32 to vector<16xf32>
    %swap3A_270 = arith.constant 736 : index
    %swap3A_271 = tpu.vector_load %arg8[%swap3A_270] {strides = array<i32>} : memref<4096xf32, #tpu.memory_space<vmem>>, vector<16xf32>,
    tpu.vector_store %arg8[%swap3A_270], %broadcast_in_dim3A_269 {strides = array<i32>} : memref<4096xf32, #tpu.memory_space<vmem>>, vector<16xf32>,
    %slice3A_272 = vector.extract_strided_slice %get3A_196 {offsets = [15], sizes = [1], strides = [1]} : vector<16xf32> to vector<1xf32>
    %squeeze3A_273 = vector.extract %slice3A_272[0] : f32 from vector<1xf32>
    %broadcast_in_dim3A_274 = vector.broadcast %squeeze3A_273 : f32 to vector<16xf32>
    %swap3A_275 = arith.constant 752 : index
    %swap3A_276 = tpu.vector_load %arg8[%swap3A_275] {strides = array<i32>} : memref<4096xf32, #tpu.memory_space<vmem>>, vector<16xf32>,
    tpu.vector_store %arg8[%swap3A_275], %broadcast_in_dim3A_274 {strides = array<i32>} : memref<4096xf32, #tpu.memory_space<vmem>>, vector<16xf32>,
    %get3A_277 = arith.constant 48 : index
    %get3A_278 = tpu.vector_load %arg7[%get3A_277] {strides = array<i32>} : memref<256xf32, #tpu.memory_space<vmem>>, vector<16xf32>,
    %slice3A_279 = vector.extract_strided_slice %get3A_278 {offsets = [0], sizes = [1], strides = [1]} : vector<16xf32> to vector<1xf32>
    %squeeze3A_280 = vector.extract %slice3A_279[0] : f32 from vector<1xf32>
    %broadcast_in_dim3A_281 = vector.broadcast %squeeze3A_280 : f32 to vector<16xf32>
    %swap3A_282 = arith.constant 768 : index
    %swap3A_283 = tpu.vector_load %arg8[%swap3A_282] {strides = array<i32>} : memref<4096xf32, #tpu.memory_space<vmem>>, vector<16xf32>,
    tpu.vector_store %arg8[%swap3A_282], %broadcast_in_dim3A_281 {strides = array<i32>} : memref<4096xf32, #tpu.memory_space<vmem>>, vector<16xf32>,
    %slice3A_284 = vector.extract_strided_slice %get3A_278 {offsets = [1], sizes = [1], strides = [1]} : vector<16xf32> to vector<1xf32>
    %squeeze3A_285 = vector.extract %slice3A_284[0] : f32 from vector<1xf32>
    %broadcast_in_dim3A_286 = vector.broadcast %squeeze3A_285 : f32 to vector<16xf32>
    %swap3A_287 = arith.constant 784 : index
    %swap3A_288 = tpu.vector_load %arg8[%swap3A_287] {strides = array<i32>} : memref<4096xf32, #tpu.memory_space<vmem>>, vector<16xf32>,
    tpu.vector_store %arg8[%swap3A_287], %broadcast_in_dim3A_286 {strides = array<i32>} : memref<4096xf32, #tpu.memory_space<vmem>>, vector<16xf32>,
    %slice3A_289 = vector.extract_strided_slice %get3A_278 {offsets = [2], sizes = [1], strides = [1]} : vector<16xf32> to vector<1xf32>
    %squeeze3A_290 = vector.extract %slice3A_289[0] : f32 from vector<1xf32>
    %broadcast_in_dim3A_291 = vector.broadcast %squeeze3A_290 : f32 to vector<16xf32>
    %swap3A_292 = arith.constant 800 : index
    %swap3A_293 = tpu.vector_load %arg8[%swap3A_292] {strides = array<i32>} : memref<4096xf32, #tpu.memory_space<vmem>>, vector<16xf32>,
    tpu.vector_store %arg8[%swap3A_292], %broadcast_in_dim3A_291 {strides = array<i32>} : memref<4096xf32, #tpu.memory_space<vmem>>, vector<16xf32>,
    %slice3A_294 = vector.extract_strided_slice %get3A_278 {offsets = [3], sizes = [1], strides = [1]} : vector<16xf32> to vector<1xf32>
    %squeeze3A_295 = vector.extract %slice3A_294[0] : f32 from vector<1xf32>
    %broadcast_in_dim3A_296 = vector.broadcast %squeeze3A_295 : f32 to vector<16xf32>
    %swap3A_297 = arith.constant 816 : index
    %swap3A_298 = tpu.vector_load %arg8[%swap3A_297] {strides = array<i32>} : memref<4096xf32, #tpu.memory_space<vmem>>, vector<16xf32>,
    tpu.vector_store %arg8[%swap3A_297], %broadcast_in_dim3A_296 {strides = array<i32>} : memref<4096xf32, #tpu.memory_space<vmem>>, vector<16xf32>,
    %slice3A_299 = vector.extract_strided_slice %get3A_278 {offsets = [4], sizes = [1], strides = [1]} : vector<16xf32> to vector<1xf32>
    %squeeze3A_300 = vector.extract %slice3A_299[0] : f32 from vector<1xf32>
    %broadcast_in_dim3A_301 = vector.broadcast %squeeze3A_300 : f32 to vector<16xf32>
    %swap3A_302 = arith.constant 832 : index
    %swap3A_303 = tpu.vector_load %arg8[%swap3A_302] {strides = array<i32>} : memref<4096xf32, #tpu.memory_space<vmem>>, vector<16xf32>,
    tpu.vector_store %arg8[%swap3A_302], %broadcast_in_dim3A_301 {strides = array<i32>} : memref<4096xf32, #tpu.memory_space<vmem>>, vector<16xf32>,
    %slice3A_304 = vector.extract_strided_slice %get3A_278 {offsets = [5], sizes = [1], strides = [1]} : vector<16xf32> to vector<1xf32>
    %squeeze3A_305 = vector.extract %slice3A_304[0] : f32 from vector<1xf32>
    %broadcast_in_dim3A_306 = vector.broadcast %squeeze3A_305 : f32 to vector<16xf32>
    %swap3A_307 = arith.constant 848 : index
    %swap3A_308 = tpu.vector_load %arg8[%swap3A_307] {strides = array<i32>} : memref<4096xf32, #tpu.memory_space<vmem>>, vector<16xf32>,
    tpu.vector_store %arg8[%swap3A_307], %broadcast_in_dim3A_306 {strides = array<i32>} : memref<4096xf32, #tpu.memory_space<vmem>>, vector<16xf32>,
    %slice3A_309 = vector.extract_strided_slice %get3A_278 {offsets = [6], sizes = [1], strides = [1]} : vector<16xf32> to vector<1xf32>
    %squeeze3A_310 = vector.extract %slice3A_309[0] : f32 from vector<1xf32>
    %broadcast_in_dim3A_311 = vector.broadcast %squeeze3A_310 : f32 to vector<16xf32>
    %swap3A_312 = arith.constant 864 : index
    %swap3A_313 = tpu.vector_load %arg8[%swap3A_312] {strides = array<i32>} : memref<4096xf32, #tpu.memory_space<vmem>>, vector<16xf32>,
    tpu.vector_store %arg8[%swap3A_312], %broadcast_in_dim3A_311 {strides = array<i32>} : memref<4096xf32, #tpu.memory_space<vmem>>, vector<16xf32>,
    %slice3A_314 = vector.extract_strided_slice %get3A_278 {offsets = [7], sizes = [1], strides = [1]} : vector<16xf32> to vector<1xf32>
    %squeeze3A_315 = vector.extract %slice3A_314[0] : f32 from vector<1xf32>
    %broadcast_in_dim3A_316 = vector.broadcast %squeeze3A_315 : f32 to vector<16xf32>
    %swap3A_317 = arith.constant 880 : index
    %swap3A_318 = tpu.vector_load %arg8[%swap3A_317] {strides = array<i32>} : memref<4096xf32, #tpu.memory_space<vmem>>, vector<16xf32>,
    tpu.vector_store %arg8[%swap3A_317], %broadcast_in_dim3A_316 {strides = array<i32>} : memref<4096xf32, #tpu.memory_space<vmem>>, vector<16xf32>,
    %slice3A_319 = vector.extract_strided_slice %get3A_278 {offsets = [8], sizes = [1], strides = [1]} : vector<16xf32> to vector<1xf32>
    %squeeze3A_320 = vector.extract %slice3A_319[0] : f32 from vector<1xf32>
    %broadcast_in_dim3A_321 = vector.broadcast %squeeze3A_320 : f32 to vector<16xf32>
    %swap3A_322 = arith.constant 896 : index
    %swap3A_323 = tpu.vector_load %arg8[%swap3A_322] {strides = array<i32>} : memref<4096xf32, #tpu.memory_space<vmem>>, vector<16xf32>,
    tpu.vector_store %arg8[%swap3A_322], %broadcast_in_dim3A_321 {strides = array<i32>} : memref<4096xf32, #tpu.memory_space<vmem>>, vector<16xf32>,
    %slice3A_324 = vector.extract_strided_slice %get3A_278 {offsets = [9], sizes = [1], strides = [1]} : vector<16xf32> to vector<1xf32>
    %squeeze3A_325 = vector.extract %slice3A_324[0] : f32 from vector<1xf32>
    %broadcast_in_dim3A_326 = vector.broadcast %squeeze3A_325 : f32 to vector<16xf32>
    %swap3A_327 = arith.constant 912 : index
    %swap3A_328 = tpu.vector_load %arg8[%swap3A_327] {strides = array<i32>} : memref<4096xf32, #tpu.memory_space<vmem>>, vector<16xf32>,
    tpu.vector_store %arg8[%swap3A_327], %broadcast_in_dim3A_326 {strides = array<i32>} : memref<4096xf32, #tpu.memory_space<vmem>>, vector<16xf32>,
    %slice3A_329 = vector.extract_strided_slice %get3A_278 {offsets = [10], sizes = [1], strides = [1]} : vector<16xf32> to vector<1xf32>
    %squeeze3A_330 = vector.extract %slice3A_329[0] : f32 from vector<1xf32>
    %broadcast_in_dim3A_331 = vector.broadcast %squeeze3A_330 : f32 to vector<16xf32>
    %swap3A_332 = arith.constant 928 : index
    %swap3A_333 = tpu.vector_load %arg8[%swap3A_332] {strides = array<i32>} : memref<4096xf32, #tpu.memory_space<vmem>>, vector<16xf32>,
    tpu.vector_store %arg8[%swap3A_332], %broadcast_in_dim3A_331 {strides = array<i32>} : memref<4096xf32, #tpu.memory_space<vmem>>, vector<16xf32>,
    %slice3A_334 = vector.extract_strided_slice %get3A_278 {offsets = [11], sizes = [1], strides = [1]} : vector<16xf32> to vector<1xf32>
    %squeeze3A_335 = vector.extract %slice3A_334[0] : f32 from vector<1xf32>
    %broadcast_in_dim3A_336 = vector.broadcast %squeeze3A_335 : f32 to vector<16xf32>
    %swap3A_337 = arith.constant 944 : index
    %swap3A_338 = tpu.vector_load %arg8[%swap3A_337] {strides = array<i32>} : memref<4096xf32, #tpu.memory_space<vmem>>, vector<16xf32>,
    tpu.vector_store %arg8[%swap3A_337], %broadcast_in_dim3A_336 {strides = array<i32>} : memref<4096xf32, #tpu.memory_space<vmem>>, vector<16xf32>,
    %slice3A_339 = vector.extract_strided_slice %get3A_278 {offsets = [12], sizes = [1], strides = [1]} : vector<16xf32> to vector<1xf32>
    %squeeze3A_340 = vector.extract %slice3A_339[0] : f32 from vector<1xf32>
    %broadcast_in_dim3A_341 = vector.broadcast %squeeze3A_340 : f32 to vector<16xf32>
    %swap3A_342 = arith.constant 960 : index
    %swap3A_343 = tpu.vector_load %arg8[%swap3A_342] {strides = array<i32>} : memref<4096xf32, #tpu.memory_space<vmem>>, vector<16xf32>,
    tpu.vector_store %arg8[%swap3A_342], %broadcast_in_dim3A_341 {strides = array<i32>} : memref<4096xf32, #tpu.memory_space<vmem>>, vector<16xf32>,
    %slice3A_344 = vector.extract_strided_slice %get3A_278 {offsets = [13], sizes = [1], strides = [1]} : vector<16xf32> to vector<1xf32>
    %squeeze3A_345 = vector.extract %slice3A_344[0] : f32 from vector<1xf32>
    %broadcast_in_dim3A_346 = vector.broadcast %squeeze3A_345 : f32 to vector<16xf32>
    %swap3A_347 = arith.constant 976 : index
    %swap3A_348 = tpu.vector_load %arg8[%swap3A_347] {strides = array<i32>} : memref<4096xf32, #tpu.memory_space<vmem>>, vector<16xf32>,
    tpu.vector_store %arg8[%swap3A_347], %broadcast_in_dim3A_346 {strides = array<i32>} : memref<4096xf32, #tpu.memory_space<vmem>>, vector<16xf32>,
    %slice3A_349 = vector.extract_strided_slice %get3A_278 {offsets = [14], sizes = [1], strides = [1]} : vector<16xf32> to vector<1xf32>
    %squeeze3A_350 = vector.extract %slice3A_349[0] : f32 from vector<1xf32>
    %broadcast_in_dim3A_351 = vector.broadcast %squeeze3A_350 : f32 to vector<16xf32>
    %swap3A_352 = arith.constant 992 : index
    %swap3A_353 = tpu.vector_load %arg8[%swap3A_352] {strides = array<i32>} : memref<4096xf32, #tpu.memory_space<vmem>>, vector<16xf32>,
    tpu.vector_store %arg8[%swap3A_352], %broadcast_in_dim3A_351 {strides = array<i32>} : memref<4096xf32, #tpu.memory_space<vmem>>, vector<16xf32>,
    %slice3A_354 = vector.extract_strided_slice %get3A_278 {offsets = [15], sizes = [1], strides = [1]} : vector<16xf32> to vector<1xf32>
    %squeeze3A_355 = vector.extract %slice3A_354[0] : f32 from vector<1xf32>
    %broadcast_in_dim3A_356 = vector.broadcast %squeeze3A_355 : f32 to vector<16xf32>
    %swap3A_357 = arith.constant 1008 : index
    %swap3A_358 = tpu.vector_load %arg8[%swap3A_357] {strides = array<i32>} : memref<4096xf32, #tpu.memory_space<vmem>>, vector<16xf32>,
    tpu.vector_store %arg8[%swap3A_357], %broadcast_in_dim3A_356 {strides = array<i32>} : memref<4096xf32, #tpu.memory_space<vmem>>, vector<16xf32>,
    %get3A_359 = arith.constant 64 : index
    %get3A_360 = tpu.vector_load %arg7[%get3A_359] {strides = array<i32>} : memref<256xf32, #tpu.memory_space<vmem>>, vector<16xf32>,
    %slice3A_361 = vector.extract_strided_slice %get3A_360 {offsets = [0], sizes = [1], strides = [1]} : vector<16xf32> to vector<1xf32>
    %squeeze3A_362 = vector.extract %slice3A_361[0] : f32 from vector<1xf32>
    %broadcast_in_dim3A_363 = vector.broadcast %squeeze3A_362 : f32 to vector<16xf32>
    %swap3A_364 = arith.constant 1024 : index
    %swap3A_365 = tpu.vector_load %arg8[%swap3A_364] {strides = array<i32>} : memref<4096xf32, #tpu.memory_space<vmem>>, vector<16xf32>,
    tpu.vector_store %arg8[%swap3A_364], %broadcast_in_dim3A_363 {strides = array<i32>} : memref<4096xf32, #tpu.memory_space<vmem>>, vector<16xf32>,
    %slice3A_366 = vector.extract_strided_slice %get3A_360 {offsets = [1], sizes = [1], strides = [1]} : vector<16xf32> to vector<1xf32>
    %squeeze3A_367 = vector.extract %slice3A_366[0] : f32 from vector<1xf32>
    %broadcast_in_dim3A_368 = vector.broadcast %squeeze3A_367 : f32 to vector<16xf32>
    %swap3A_369 = arith.constant 1040 : index
    %swap3A_370 = tpu.vector_load %arg8[%swap3A_369] {strides = array<i32>} : memref<4096xf32, #tpu.memory_space<vmem>>, vector<16xf32>,
    tpu.vector_store %arg8[%swap3A_369], %broadcast_in_dim3A_368 {strides = array<i32>} : memref<4096xf32, #tpu.memory_space<vmem>>, vector<16xf32>,
    %slice3A_371 = vector.extract_strided_slice %get3A_360 {offsets = [2], sizes = [1], strides = [1]} : vector<16xf32> to vector<1xf32>
    %squeeze3A_372 = vector.extract %slice3A_371[0] : f32 from vector<1xf32>
    %broadcast_in_dim3A_373 = vector.broadcast %squeeze3A_372 : f32 to vector<16xf32>
    %swap3A_374 = arith.constant 1056 : index
    %swap3A_375 = tpu.vector_load %arg8[%swap3A_374] {strides = array<i32>} : memref<4096xf32, #tpu.memory_space<vmem>>, vector<16xf32>,
    tpu.vector_store %arg8[%swap3A_374], %broadcast_in_dim3A_373 {strides = array<i32>} : memref<4096xf32, #tpu.memory_space<vmem>>, vector<16xf32>,
    %slice3A_376 = vector.extract_strided_slice %get3A_360 {offsets = [3], sizes = [1], strides = [1]} : vector<16xf32> to vector<1xf32>
    %squeeze3A_377 = vector.extract %slice3A_376[0] : f32 from vector<1xf32>
    %broadcast_in_dim3A_378 = vector.broadcast %squeeze3A_377 : f32 to vector<16xf32>
    %swap3A_379 = arith.constant 1072 : index
    %swap3A_380 = tpu.vector_load %arg8[%swap3A_379] {strides = array<i32>} : memref<4096xf32, #tpu.memory_space<vmem>>, vector<16xf32>,
    tpu.vector_store %arg8[%swap3A_379], %broadcast_in_dim3A_378 {strides = array<i32>} : memref<4096xf32, #tpu.memory_space<vmem>>, vector<16xf32>,
    %slice3A_381 = vector.extract_strided_slice %get3A_360 {offsets = [4], sizes = [1], strides = [1]} : vector<16xf32> to vector<1xf32>
    %squeeze3A_382 = vector.extract %slice3A_381[0] : f32 from vector<1xf32>
    %broadcast_in_dim3A_383 = vector.broadcast %squeeze3A_382 : f32 to vector<16xf32>
    %swap3A_384 = arith.constant 1088 : index
    %swap3A_385 = tpu.vector_load %arg8[%swap3A_384] {strides = array<i32>} : memref<4096xf32, #tpu.memory_space<vmem>>, vector<16xf32>,
    tpu.vector_store %arg8[%swap3A_384], %broadcast_in_dim3A_383 {strides = array<i32>} : memref<4096xf32, #tpu.memory_space<vmem>>, vector<16xf32>,
    %slice3A_386 = vector.extract_strided_slice %get3A_360 {offsets = [5], sizes = [1], strides = [1]} : vector<16xf32> to vector<1xf32>
    %squeeze3A_387 = vector.extract %slice3A_386[0] : f32 from vector<1xf32>
    %broadcast_in_dim3A_388 = vector.broadcast %squeeze3A_387 : f32 to vector<16xf32>
    %swap3A_389 = arith.constant 1104 : index
    %swap3A_390 = tpu.vector_load %arg8[%swap3A_389] {strides = array<i32>} : memref<4096xf32, #tpu.memory_space<vmem>>, vector<16xf32>,
    tpu.vector_store %arg8[%swap3A_389], %broadcast_in_dim3A_388 {strides = array<i32>} : memref<4096xf32, #tpu.memory_space<vmem>>, vector<16xf32>,
    %slice3A_391 = vector.extract_strided_slice %get3A_360 {offsets = [6], sizes = [1], strides = [1]} : vector<16xf32> to vector<1xf32>
    %squeeze3A_392 = vector.extract %slice3A_391[0] : f32 from vector<1xf32>
    %broadcast_in_dim3A_393 = vector.broadcast %squeeze3A_392 : f32 to vector<16xf32>
    %swap3A_394 = arith.constant 1120 : index
    %swap3A_395 = tpu.vector_load %arg8[%swap3A_394] {strides = array<i32>} : memref<4096xf32, #tpu.memory_space<vmem>>, vector<16xf32>,
    tpu.vector_store %arg8[%swap3A_394], %broadcast_in_dim3A_393 {strides = array<i32>} : memref<4096xf32, #tpu.memory_space<vmem>>, vector<16xf32>,
    %slice3A_396 = vector.extract_strided_slice %get3A_360 {offsets = [7], sizes = [1], strides = [1]} : vector<16xf32> to vector<1xf32>
    %squeeze3A_397 = vector.extract %slice3A_396[0] : f32 from vector<1xf32>
    %broadcast_in_dim3A_398 = vector.broadcast %squeeze3A_397 : f32 to vector<16xf32>
    %swap3A_399 = arith.constant 1136 : index
    %swap3A_400 = tpu.vector_load %arg8[%swap3A_399] {strides = array<i32>} : memref<4096xf32, #tpu.memory_space<vmem>>, vector<16xf32>,
    tpu.vector_store %arg8[%swap3A_399], %broadcast_in_dim3A_398 {strides = array<i32>} : memref<4096xf32, #tpu.memory_space<vmem>>, vector<16xf32>,
    %slice3A_401 = vector.extract_strided_slice %get3A_360 {offsets = [8], sizes = [1], strides = [1]} : vector<16xf32> to vector<1xf32>
    %squeeze3A_402 = vector.extract %slice3A_401[0] : f32 from vector<1xf32>
    %broadcast_in_dim3A_403 = vector.broadcast %squeeze3A_402 : f32 to vector<16xf32>
    %swap3A_404 = arith.constant 1152 : index
    %swap3A_405 = tpu.vector_load %arg8[%swap3A_404] {strides = array<i32>} : memref<4096xf32, #tpu.memory_space<vmem>>, vector<16xf32>,
    tpu.vector_store %arg8[%swap3A_404], %broadcast_in_dim3A_403 {strides = array<i32>} : memref<4096xf32, #tpu.memory_space<vmem>>, vector<16xf32>,
    %slice3A_406 = vector.extract_strided_slice %get3A_360 {offsets = [9], sizes = [1], strides = [1]} : vector<16xf32> to vector<1xf32>
    %squeeze3A_407 = vector.extract %slice3A_406[0] : f32 from vector<1xf32>
    %broadcast_in_dim3A_408 = vector.broadcast %squeeze3A_407 : f32 to vector<16xf32>
    %swap3A_409 = arith.constant 1168 : index
    %swap3A_410 = tpu.vector_load %arg8[%swap3A_409] {strides = array<i32>} : memref<4096xf32, #tpu.memory_space<vmem>>, vector<16xf32>,
    tpu.vector_store %arg8[%swap3A_409], %broadcast_in_dim3A_408 {strides = array<i32>} : memref<4096xf32, #tpu.memory_space<vmem>>, vector<16xf32>,
    %slice3A_411 = vector.extract_strided_slice %get3A_360 {offsets = [10], sizes = [1], strides = [1]} : vector<16xf32> to vector<1xf32>
    %squeeze3A_412 = vector.extract %slice3A_411[0] : f32 from vector<1xf32>
    %broadcast_in_dim3A_413 = vector.broadcast %squeeze3A_412 : f32 to vector<16xf32>
    %swap3A_414 = arith.constant 1184 : index
    %swap3A_415 = tpu.vector_load %arg8[%swap3A_414] {strides = array<i32>} : memref<4096xf32, #tpu.memory_space<vmem>>, vector<16xf32>,
    tpu.vector_store %arg8[%swap3A_414], %broadcast_in_dim3A_413 {strides = array<i32>} : memref<4096xf32, #tpu.memory_space<vmem>>, vector<16xf32>,
    %slice3A_416 = vector.extract_strided_slice %get3A_360 {offsets = [11], sizes = [1], strides = [1]} : vector<16xf32> to vector<1xf32>
    %squeeze3A_417 = vector.extract %slice3A_416[0] : f32 from vector<1xf32>
    %broadcast_in_dim3A_418 = vector.broadcast %squeeze3A_417 : f32 to vector<16xf32>
    %swap3A_419 = arith.constant 1200 : index
    %swap3A_420 = tpu.vector_load %arg8[%swap3A_419] {strides = array<i32>} : memref<4096xf32, #tpu.memory_space<vmem>>, vector<16xf32>,
    tpu.vector_store %arg8[%swap3A_419], %broadcast_in_dim3A_418 {strides = array<i32>} : memref<4096xf32, #tpu.memory_space<vmem>>, vector<16xf32>,
    %slice3A_421 = vector.extract_strided_slice %get3A_360 {offsets = [12], sizes = [1], strides = [1]} : vector<16xf32> to vector<1xf32>
    %squeeze3A_422 = vector.extract %slice3A_421[0] : f32 from vector<1xf32>
    %broadcast_in_dim3A_423 = vector.broadcast %squeeze3A_422 : f32 to vector<16xf32>
    %swap3A_424 = arith.constant 1216 : index
    %swap3A_425 = tpu.vector_load %arg8[%swap3A_424] {strides = array<i32>} : memref<4096xf32, #tpu.memory_space<vmem>>, vector<16xf32>,
    tpu.vector_store %arg8[%swap3A_424], %broadcast_in_dim3A_423 {strides = array<i32>} : memref<4096xf32, #tpu.memory_space<vmem>>, vector<16xf32>,
    %slice3A_426 = vector.extract_strided_slice %get3A_360 {offsets = [13], sizes = [1], strides = [1]} : vector<16xf32> to vector<1xf32>
    %squeeze3A_427 = vector.extract %slice3A_426[0] : f32 from vector<1xf32>
    %broadcast_in_dim3A_428 = vector.broadcast %squeeze3A_427 : f32 to vector<16xf32>
    %swap3A_429 = arith.constant 1232 : index
    %swap3A_430 = tpu.vector_load %arg8[%swap3A_429] {strides = array<i32>} : memref<4096xf32, #tpu.memory_space<vmem>>, vector<16xf32>,
    tpu.vector_store %arg8[%swap3A_429], %broadcast_in_dim3A_428 {strides = array<i32>} : memref<4096xf32, #tpu.memory_space<vmem>>, vector<16xf32>,
    %slice3A_431 = vector.extract_strided_slice %get3A_360 {offsets = [14], sizes = [1], strides = [1]} : vector<16xf32> to vector<1xf32>
    %squeeze3A_432 = vector.extract %slice3A_431[0] : f32 from vector<1xf32>
    %broadcast_in_dim3A_433 = vector.broadcast %squeeze3A_432 : f32 to vector<16xf32>
    %swap3A_434 = arith.constant 1248 : index
    %swap3A_435 = tpu.vector_load %arg8[%swap3A_434] {strides = array<i32>} : memref<4096xf32, #tpu.memory_space<vmem>>, vector<16xf32>,
    tpu.vector_store %arg8[%swap3A_434], %broadcast_in_dim3A_433 {strides = array<i32>} : memref<4096xf32, #tpu.memory_space<vmem>>, vector<16xf32>,
    %slice3A_436 = vector.extract_strided_slice %get3A_360 {offsets = [15], sizes = [1], strides = [1]} : vector<16xf32> to vector<1xf32>
    %squeeze3A_437 = vector.extract %slice3A_436[0] : f32 from vector<1xf32>
    %broadcast_in_dim3A_438 = vector.broadcast %squeeze3A_437 : f32 to vector<16xf32>
    %swap3A_439 = arith.constant 1264 : index
    %swap3A_440 = tpu.vector_load %arg8[%swap3A_439] {strides = array<i32>} : memref<4096xf32, #tpu.memory_space<vmem>>, vector<16xf32>,
    tpu.vector_store %arg8[%swap3A_439], %broadcast_in_dim3A_438 {strides = array<i32>} : memref<4096xf32, #tpu.memory_space<vmem>>, vector<16xf32>,
    %get3A_441 = arith.constant 80 : index
    %get3A_442 = tpu.vector_load %arg7[%get3A_441] {strides = array<i32>} : memref<256xf32, #tpu.memory_space<vmem>>, vector<16xf32>,
    %slice3A_443 = vector.extract_strided_slice %get3A_442 {offsets = [0], sizes = [1], strides = [1]} : vector<16xf32> to vector<1xf32>
    %squeeze3A_444 = vector.extract %slice3A_443[0] : f32 from vector<1xf32>
    %broadcast_in_dim3A_445 = vector.broadcast %squeeze3A_444 : f32 to vector<16xf32>
    %swap3A_446 = arith.constant 1280 : index
    %swap3A_447 = tpu.vector_load %arg8[%swap3A_446] {strides = array<i32>} : memref<4096xf32, #tpu.memory_space<vmem>>, vector<16xf32>,
    tpu.vector_store %arg8[%swap3A_446], %broadcast_in_dim3A_445 {strides = array<i32>} : memref<4096xf32, #tpu.memory_space<vmem>>, vector<16xf32>,
    %slice3A_448 = vector.extract_strided_slice %get3A_442 {offsets = [1], sizes = [1], strides = [1]} : vector<16xf32> to vector<1xf32>
    %squeeze3A_449 = vector.extract %slice3A_448[0] : f32 from vector<1xf32>
    %broadcast_in_dim3A_450 = vector.broadcast %squeeze3A_449 : f32 to vector<16xf32>
    %swap3A_451 = arith.constant 1296 : index
    %swap3A_452 = tpu.vector_load %arg8[%swap3A_451] {strides = array<i32>} : memref<4096xf32, #tpu.memory_space<vmem>>, vector<16xf32>,
    tpu.vector_store %arg8[%swap3A_451], %broadcast_in_dim3A_450 {strides = array<i32>} : memref<4096xf32, #tpu.memory_space<vmem>>, vector<16xf32>,
    %slice3A_453 = vector.extract_strided_slice %get3A_442 {offsets = [2], sizes = [1], strides = [1]} : vector<16xf32> to vector<1xf32>
    %squeeze3A_454 = vector.extract %slice3A_453[0] : f32 from vector<1xf32>
    %broadcast_in_dim3A_455 = vector.broadcast %squeeze3A_454 : f32 to vector<16xf32>
    %swap3A_456 = arith.constant 1312 : index
    %swap3A_457 = tpu.vector_load %arg8[%swap3A_456] {strides = array<i32>} : memref<4096xf32, #tpu.memory_space<vmem>>, vector<16xf32>,
    tpu.vector_store %arg8[%swap3A_456], %broadcast_in_dim3A_455 {strides = array<i32>} : memref<4096xf32, #tpu.memory_space<vmem>>, vector<16xf32>,
    %slice3A_458 = vector.extract_strided_slice %get3A_442 {offsets = [3], sizes = [1], strides = [1]} : vector<16xf32> to vector<1xf32>
    %squeeze3A_459 = vector.extract %slice3A_458[0] : f32 from vector<1xf32>
    %broadcast_in_dim3A_460 = vector.broadcast %squeeze3A_459 : f32 to vector<16xf32>
    %swap3A_461 = arith.constant 1328 : index
    %swap3A_462 = tpu.vector_load %arg8[%swap3A_461] {strides = array<i32>} : memref<4096xf32, #tpu.memory_space<vmem>>, vector<16xf32>,
    tpu.vector_store %arg8[%swap3A_461], %broadcast_in_dim3A_460 {strides = array<i32>} : memref<4096xf32, #tpu.memory_space<vmem>>, vector<16xf32>,
    %slice3A_463 = vector.extract_strided_slice %get3A_442 {offsets = [4], sizes = [1], strides = [1]} : vector<16xf32> to vector<1xf32>
    %squeeze3A_464 = vector.extract %slice3A_463[0] : f32 from vector<1xf32>
    %broadcast_in_dim3A_465 = vector.broadcast %squeeze3A_464 : f32 to vector<16xf32>
    %swap3A_466 = arith.constant 1344 : index
    %swap3A_467 = tpu.vector_load %arg8[%swap3A_466] {strides = array<i32>} : memref<4096xf32, #tpu.memory_space<vmem>>, vector<16xf32>,
    tpu.vector_store %arg8[%swap3A_466], %broadcast_in_dim3A_465 {strides = array<i32>} : memref<4096xf32, #tpu.memory_space<vmem>>, vector<16xf32>,
    %slice3A_468 = vector.extract_strided_slice %get3A_442 {offsets = [5], sizes = [1], strides = [1]} : vector<16xf32> to vector<1xf32>
    %squeeze3A_469 = vector.extract %slice3A_468[0] : f32 from vector<1xf32>
    %broadcast_in_dim3A_470 = vector.broadcast %squeeze3A_469 : f32 to vector<16xf32>
    %swap3A_471 = arith.constant 1360 : index
    %swap3A_472 = tpu.vector_load %arg8[%swap3A_471] {strides = array<i32>} : memref<4096xf32, #tpu.memory_space<vmem>>, vector<16xf32>,
    tpu.vector_store %arg8[%swap3A_471], %broadcast_in_dim3A_470 {strides = array<i32>} : memref<4096xf32, #tpu.memory_space<vmem>>, vector<16xf32>,
    %slice3A_473 = vector.extract_strided_slice %get3A_442 {offsets = [6], sizes = [1], strides = [1]} : vector<16xf32> to vector<1xf32>
    %squeeze3A_474 = vector.extract %slice3A_473[0] : f32 from vector<1xf32>
    %broadcast_in_dim3A_475 = vector.broadcast %squeeze3A_474 : f32 to vector<16xf32>
    %swap3A_476 = arith.constant 1376 : index
    %swap3A_477 = tpu.vector_load %arg8[%swap3A_476] {strides = array<i32>} : memref<4096xf32, #tpu.memory_space<vmem>>, vector<16xf32>,
    tpu.vector_store %arg8[%swap3A_476], %broadcast_in_dim3A_475 {strides = array<i32>} : memref<4096xf32, #tpu.memory_space<vmem>>, vector<16xf32>,
    %slice3A_478 = vector.extract_strided_slice %get3A_442 {offsets = [7], sizes = [1], strides = [1]} : vector<16xf32> to vector<1xf32>
    %squeeze3A_479 = vector.extract %slice3A_478[0] : f32 from vector<1xf32>
    %broadcast_in_dim3A_480 = vector.broadcast %squeeze3A_479 : f32 to vector<16xf32>
    %swap3A_481 = arith.constant 1392 : index
    %swap3A_482 = tpu.vector_load %arg8[%swap3A_481] {strides = array<i32>} : memref<4096xf32, #tpu.memory_space<vmem>>, vector<16xf32>,
    tpu.vector_store %arg8[%swap3A_481], %broadcast_in_dim3A_480 {strides = array<i32>} : memref<4096xf32, #tpu.memory_space<vmem>>, vector<16xf32>,
    %slice3A_483 = vector.extract_strided_slice %get3A_442 {offsets = [8], sizes = [1], strides = [1]} : vector<16xf32> to vector<1xf32>
    %squeeze3A_484 = vector.extract %slice3A_483[0] : f32 from vector<1xf32>
    %broadcast_in_dim3A_485 = vector.broadcast %squeeze3A_484 : f32 to vector<16xf32>
    %swap3A_486 = arith.constant 1408 : index
    %swap3A_487 = tpu.vector_load %arg8[%swap3A_486] {strides = array<i32>} : memref<4096xf32, #tpu.memory_space<vmem>>, vector<16xf32>,
    tpu.vector_store %arg8[%swap3A_486], %broadcast_in_dim3A_485 {strides = array<i32>} : memref<4096xf32, #tpu.memory_space<vmem>>, vector<16xf32>,
    %slice3A_488 = vector.extract_strided_slice %get3A_442 {offsets = [9], sizes = [1], strides = [1]} : vector<16xf32> to vector<1xf32>
    %squeeze3A_489 = vector.extract %slice3A_488[0] : f32 from vector<1xf32>
    %broadcast_in_dim3A_490 = vector.broadcast %squeeze3A_489 : f32 to vector<16xf32>
    %swap3A_491 = arith.constant 1424 : index
    %swap3A_492 = tpu.vector_load %arg8[%swap3A_491] {strides = array<i32>} : memref<4096xf32, #tpu.memory_space<vmem>>, vector<16xf32>,
    tpu.vector_store %arg8[%swap3A_491], %broadcast_in_dim3A_490 {strides = array<i32>} : memref<4096xf32, #tpu.memory_space<vmem>>, vector<16xf32>,
    %slice3A_493 = vector.extract_strided_slice %get3A_442 {offsets = [10], sizes = [1], strides = [1]} : vector<16xf32> to vector<1xf32>
    %squeeze3A_494 = vector.extract %slice3A_493[0] : f32 from vector<1xf32>
    %broadcast_in_dim3A_495 = vector.broadcast %squeeze3A_494 : f32 to vector<16xf32>
    %swap3A_496 = arith.constant 1440 : index
    %swap3A_497 = tpu.vector_load %arg8[%swap3A_496] {strides = array<i32>} : memref<4096xf32, #tpu.memory_space<vmem>>, vector<16xf32>,
    tpu.vector_store %arg8[%swap3A_496], %broadcast_in_dim3A_495 {strides = array<i32>} : memref<4096xf32, #tpu.memory_space<vmem>>, vector<16xf32>,
    %slice3A_498 = vector.extract_strided_slice %get3A_442 {offsets = [11], sizes = [1], strides = [1]} : vector<16xf32> to vector<1xf32>
    %squeeze3A_499 = vector.extract %slice3A_498[0] : f32 from vector<1xf32>
    %broadcast_in_dim3A_500 = vector.broadcast %squeeze3A_499 : f32 to vector<16xf32>
    %swap3A_501 = arith.constant 1456 : index
    %swap3A_502 = tpu.vector_load %arg8[%swap3A_501] {strides = array<i32>} : memref<4096xf32, #tpu.memory_space<vmem>>, vector<16xf32>,
    tpu.vector_store %arg8[%swap3A_501], %broadcast_in_dim3A_500 {strides = array<i32>} : memref<4096xf32, #tpu.memory_space<vmem>>, vector<16xf32>,
    %slice3A_503 = vector.extract_strided_slice %get3A_442 {offsets = [12], sizes = [1], strides = [1]} : vector<16xf32> to vector<1xf32>
    %squeeze3A_504 = vector.extract %slice3A_503[0] : f32 from vector<1xf32>
    %broadcast_in_dim3A_505 = vector.broadcast %squeeze3A_504 : f32 to vector<16xf32>
    %swap3A_506 = arith.constant 1472 : index
    %swap3A_507 = tpu.vector_load %arg8[%swap3A_506] {strides = array<i32>} : memref<4096xf32, #tpu.memory_space<vmem>>, vector<16xf32>,
    tpu.vector_store %arg8[%swap3A_506], %broadcast_in_dim3A_505 {strides = array<i32>} : memref<4096xf32, #tpu.memory_space<vmem>>, vector<16xf32>,
    %slice3A_508 = vector.extract_strided_slice %get3A_442 {offsets = [13], sizes = [1], strides = [1]} : vector<16xf32> to vector<1xf32>
    %squeeze3A_509 = vector.extract %slice3A_508[0] : f32 from vector<1xf32>
    %broadcast_in_dim3A_510 = vector.broadcast %squeeze3A_509 : f32 to vector<16xf32>
    %swap3A_511 = arith.constant 1488 : index
    %swap3A_512 = tpu.vector_load %arg8[%swap3A_511] {strides = array<i32>} : memref<4096xf32, #tpu.memory_space<vmem>>, vector<16xf32>,
    tpu.vector_store %arg8[%swap3A_511], %broadcast_in_dim3A_510 {strides = array<i32>} : memref<4096xf32, #tpu.memory_space<vmem>>, vector<16xf32>,
    %slice3A_513 = vector.extract_strided_slice %get3A_442 {offsets = [14], sizes = [1], strides = [1]} : vector<16xf32> to vector<1xf32>
    %squeeze3A_514 = vector.extract %slice3A_513[0] : f32 from vector<1xf32>
    %broadcast_in_dim3A_515 = vector.broadcast %squeeze3A_514 : f32 to vector<16xf32>
    %swap3A_516 = arith.constant 1504 : index
    %swap3A_517 = tpu.vector_load %arg8[%swap3A_516] {strides = array<i32>} : memref<4096xf32, #tpu.memory_space<vmem>>, vector<16xf32>,
    tpu.vector_store %arg8[%swap3A_516], %broadcast_in_dim3A_515 {strides = array<i32>} : memref<4096xf32, #tpu.memory_space<vmem>>, vector<16xf32>,
    %slice3A_518 = vector.extract_strided_slice %get3A_442 {offsets = [15], sizes = [1], strides = [1]} : vector<16xf32> to vector<1xf32>
    %squeeze3A_519 = vector.extract %slice3A_518[0] : f32 from vector<1xf32>
    %broadcast_in_dim3A_520 = vector.broadcast %squeeze3A_519 : f32 to vector<16xf32>
    %swap3A_521 = arith.constant 1520 : index
    %swap3A_522 = tpu.vector_load %arg8[%swap3A_521] {strides = array<i32>} : memref<4096xf32, #tpu.memory_space<vmem>>, vector<16xf32>,
    tpu.vector_store %arg8[%swap3A_521], %broadcast_in_dim3A_520 {strides = array<i32>} : memref<4096xf32, #tpu.memory_space<vmem>>, vector<16xf32>,
    %get3A_523 = arith.constant 96 : index
    %get3A_524 = tpu.vector_load %arg7[%get3A_523] {strides = array<i32>} : memref<256xf32, #tpu.memory_space<vmem>>, vector<16xf32>,
    %slice3A_525 = vector.extract_strided_slice %get3A_524 {offsets = [0], sizes = [1], strides = [1]} : vector<16xf32> to vector<1xf32>
    %squeeze3A_526 = vector.extract %slice3A_525[0] : f32 from vector<1xf32>
    %broadcast_in_dim3A_527 = vector.broadcast %squeeze3A_526 : f32 to vector<16xf32>
    %swap3A_528 = arith.constant 1536 : index
    %swap3A_529 = tpu.vector_load %arg8[%swap3A_528] {strides = array<i32>} : memref<4096xf32, #tpu.memory_space<vmem>>, vector<16xf32>,
    tpu.vector_store %arg8[%swap3A_528], %broadcast_in_dim3A_527 {strides = array<i32>} : memref<4096xf32, #tpu.memory_space<vmem>>, vector<16xf32>,
    %slice3A_530 = vector.extract_strided_slice %get3A_524 {offsets = [1], sizes = [1], strides = [1]} : vector<16xf32> to vector<1xf32>
    %squeeze3A_531 = vector.extract %slice3A_530[0] : f32 from vector<1xf32>
    %broadcast_in_dim3A_532 = vector.broadcast %squeeze3A_531 : f32 to vector<16xf32>
    %swap3A_533 = arith.constant 1552 : index
    %swap3A_534 = tpu.vector_load %arg8[%swap3A_533] {strides = array<i32>} : memref<4096xf32, #tpu.memory_space<vmem>>, vector<16xf32>,
    tpu.vector_store %arg8[%swap3A_533], %broadcast_in_dim3A_532 {strides = array<i32>} : memref<4096xf32, #tpu.memory_space<vmem>>, vector<16xf32>,
    %slice3A_535 = vector.extract_strided_slice %get3A_524 {offsets = [2], sizes = [1], strides = [1]} : vector<16xf32> to vector<1xf32>
    %squeeze3A_536 = vector.extract %slice3A_535[0] : f32 from vector<1xf32>
    %broadcast_in_dim3A_537 = vector.broadcast %squeeze3A_536 : f32 to vector<16xf32>
    %swap3A_538 = arith.constant 1568 : index
    %swap3A_539 = tpu.vector_load %arg8[%swap3A_538] {strides = array<i32>} : memref<4096xf32, #tpu.memory_space<vmem>>, vector<16xf32>,
    tpu.vector_store %arg8[%swap3A_538], %broadcast_in_dim3A_537 {strides = array<i32>} : memref<4096xf32, #tpu.memory_space<vmem>>, vector<16xf32>,
    %slice3A_540 = vector.extract_strided_slice %get3A_524 {offsets = [3], sizes = [1], strides = [1]} : vector<16xf32> to vector<1xf32>
    %squeeze3A_541 = vector.extract %slice3A_540[0] : f32 from vector<1xf32>
    %broadcast_in_dim3A_542 = vector.broadcast %squeeze3A_541 : f32 to vector<16xf32>
    %swap3A_543 = arith.constant 1584 : index
    %swap3A_544 = tpu.vector_load %arg8[%swap3A_543] {strides = array<i32>} : memref<4096xf32, #tpu.memory_space<vmem>>, vector<16xf32>,
    tpu.vector_store %arg8[%swap3A_543], %broadcast_in_dim3A_542 {strides = array<i32>} : memref<4096xf32, #tpu.memory_space<vmem>>, vector<16xf32>,
    %slice3A_545 = vector.extract_strided_slice %get3A_524 {offsets = [4], sizes = [1], strides = [1]} : vector<16xf32> to vector<1xf32>
    %squeeze3A_546 = vector.extract %slice3A_545[0] : f32 from vector<1xf32>
    %broadcast_in_dim3A_547 = vector.broadcast %squeeze3A_546 : f32 to vector<16xf32>
    %swap3A_548 = arith.constant 1600 : index
    %swap3A_549 = tpu.vector_load %arg8[%swap3A_548] {strides = array<i32>} : memref<4096xf32, #tpu.memory_space<vmem>>, vector<16xf32>,
    tpu.vector_store %arg8[%swap3A_548], %broadcast_in_dim3A_547 {strides = array<i32>} : memref<4096xf32, #tpu.memory_space<vmem>>, vector<16xf32>,
    %slice3A_550 = vector.extract_strided_slice %get3A_524 {offsets = [5], sizes = [1], strides = [1]} : vector<16xf32> to vector<1xf32>
    %squeeze3A_551 = vector.extract %slice3A_550[0] : f32 from vector<1xf32>
    %broadcast_in_dim3A_552 = vector.broadcast %squeeze3A_551 : f32 to vector<16xf32>
    %swap3A_553 = arith.constant 1616 : index
    %swap3A_554 = tpu.vector_load %arg8[%swap3A_553] {strides = array<i32>} : memref<4096xf32, #tpu.memory_space<vmem>>, vector<16xf32>,
    tpu.vector_store %arg8[%swap3A_553], %broadcast_in_dim3A_552 {strides = array<i32>} : memref<4096xf32, #tpu.memory_space<vmem>>, vector<16xf32>,
    %slice3A_555 = vector.extract_strided_slice %get3A_524 {offsets = [6], sizes = [1], strides = [1]} : vector<16xf32> to vector<1xf32>
    %squeeze3A_556 = vector.extract %slice3A_555[0] : f32 from vector<1xf32>
    %broadcast_in_dim3A_557 = vector.broadcast %squeeze3A_556 : f32 to vector<16xf32>
    %swap3A_558 = arith.constant 1632 : index
    %swap3A_559 = tpu.vector_load %arg8[%swap3A_558] {strides = array<i32>} : memref<4096xf32, #tpu.memory_space<vmem>>, vector<16xf32>,
    tpu.vector_store %arg8[%swap3A_558], %broadcast_in_dim3A_557 {strides = array<i32>} : memref<4096xf32, #tpu.memory_space<vmem>>, vector<16xf32>,
    %slice3A_560 = vector.extract_strided_slice %get3A_524 {offsets = [7], sizes = [1], strides = [1]} : vector<16xf32> to vector<1xf32>
    %squeeze3A_561 = vector.extract %slice3A_560[0] : f32 from vector<1xf32>
    %broadcast_in_dim3A_562 = vector.broadcast %squeeze3A_561 : f32 to vector<16xf32>
    %swap3A_563 = arith.constant 1648 : index
    %swap3A_564 = tpu.vector_load %arg8[%swap3A_563] {strides = array<i32>} : memref<4096xf32, #tpu.memory_space<vmem>>, vector<16xf32>,
    tpu.vector_store %arg8[%swap3A_563], %broadcast_in_dim3A_562 {strides = array<i32>} : memref<4096xf32, #tpu.memory_space<vmem>>, vector<16xf32>,
    %slice3A_565 = vector.extract_strided_slice %get3A_524 {offsets = [8], sizes = [1], strides = [1]} : vector<16xf32> to vector<1xf32>
    %squeeze3A_566 = vector.extract %slice3A_565[0] : f32 from vector<1xf32>
    %broadcast_in_dim3A_567 = vector.broadcast %squeeze3A_566 : f32 to vector<16xf32>
    %swap3A_568 = arith.constant 1664 : index
    %swap3A_569 = tpu.vector_load %arg8[%swap3A_568] {strides = array<i32>} : memref<4096xf32, #tpu.memory_space<vmem>>, vector<16xf32>,
    tpu.vector_store %arg8[%swap3A_568], %broadcast_in_dim3A_567 {strides = array<i32>} : memref<4096xf32, #tpu.memory_space<vmem>>, vector<16xf32>,
    %slice3A_570 = vector.extract_strided_slice %get3A_524 {offsets = [9], sizes = [1], strides = [1]} : vector<16xf32> to vector<1xf32>
    %squeeze3A_571 = vector.extract %slice3A_570[0] : f32 from vector<1xf32>
    %broadcast_in_dim3A_572 = vector.broadcast %squeeze3A_571 : f32 to vector<16xf32>
    %swap3A_573 = arith.constant 1680 : index
    %swap3A_574 = tpu.vector_load %arg8[%swap3A_573] {strides = array<i32>} : memref<4096xf32, #tpu.memory_space<vmem>>, vector<16xf32>,
    tpu.vector_store %arg8[%swap3A_573], %broadcast_in_dim3A_572 {strides = array<i32>} : memref<4096xf32, #tpu.memory_space<vmem>>, vector<16xf32>,
    %slice3A_575 = vector.extract_strided_slice %get3A_524 {offsets = [10], sizes = [1], strides = [1]} : vector<16xf32> to vector<1xf32>
    %squeeze3A_576 = vector.extract %slice3A_575[0] : f32 from vector<1xf32>
    %broadcast_in_dim3A_577 = vector.broadcast %squeeze3A_576 : f32 to vector<16xf32>
    %swap3A_578 = arith.constant 1696 : index
    %swap3A_579 = tpu.vector_load %arg8[%swap3A_578] {strides = array<i32>} : memref<4096xf32, #tpu.memory_space<vmem>>, vector<16xf32>,
    tpu.vector_store %arg8[%swap3A_578], %broadcast_in_dim3A_577 {strides = array<i32>} : memref<4096xf32, #tpu.memory_space<vmem>>, vector<16xf32>,
    %slice3A_580 = vector.extract_strided_slice %get3A_524 {offsets = [11], sizes = [1], strides = [1]} : vector<16xf32> to vector<1xf32>
    %squeeze3A_581 = vector.extract %slice3A_580[0] : f32 from vector<1xf32>
    %broadcast_in_dim3A_582 = vector.broadcast %squeeze3A_581 : f32 to vector<16xf32>
    %swap3A_583 = arith.constant 1712 : index
    %swap3A_584 = tpu.vector_load %arg8[%swap3A_583] {strides = array<i32>} : memref<4096xf32, #tpu.memory_space<vmem>>, vector<16xf32>,
    tpu.vector_store %arg8[%swap3A_583], %broadcast_in_dim3A_582 {strides = array<i32>} : memref<4096xf32, #tpu.memory_space<vmem>>, vector<16xf32>,
    %slice3A_585 = vector.extract_strided_slice %get3A_524 {offsets = [12], sizes = [1], strides = [1]} : vector<16xf32> to vector<1xf32>
    %squeeze3A_586 = vector.extract %slice3A_585[0] : f32 from vector<1xf32>
    %broadcast_in_dim3A_587 = vector.broadcast %squeeze3A_586 : f32 to vector<16xf32>
    %swap3A_588 = arith.constant 1728 : index
    %swap3A_589 = tpu.vector_load %arg8[%swap3A_588] {strides = array<i32>} : memref<4096xf32, #tpu.memory_space<vmem>>, vector<16xf32>,
    tpu.vector_store %arg8[%swap3A_588], %broadcast_in_dim3A_587 {strides = array<i32>} : memref<4096xf32, #tpu.memory_space<vmem>>, vector<16xf32>,
    %slice3A_590 = vector.extract_strided_slice %get3A_524 {offsets = [13], sizes = [1], strides = [1]} : vector<16xf32> to vector<1xf32>
    %squeeze3A_591 = vector.extract %slice3A_590[0] : f32 from vector<1xf32>
    %broadcast_in_dim3A_592 = vector.broadcast %squeeze3A_591 : f32 to vector<16xf32>
    %swap3A_593 = arith.constant 1744 : index
    %swap3A_594 = tpu.vector_load %arg8[%swap3A_593] {strides = array<i32>} : memref<4096xf32, #tpu.memory_space<vmem>>, vector<16xf32>,
    tpu.vector_store %arg8[%swap3A_593], %broadcast_in_dim3A_592 {strides = array<i32>} : memref<4096xf32, #tpu.memory_space<vmem>>, vector<16xf32>,
    %slice3A_595 = vector.extract_strided_slice %get3A_524 {offsets = [14], sizes = [1], strides = [1]} : vector<16xf32> to vector<1xf32>
    %squeeze3A_596 = vector.extract %slice3A_595[0] : f32 from vector<1xf32>
    %broadcast_in_dim3A_597 = vector.broadcast %squeeze3A_596 : f32 to vector<16xf32>
    %swap3A_598 = arith.constant 1760 : index
    %swap3A_599 = tpu.vector_load %arg8[%swap3A_598] {strides = array<i32>} : memref<4096xf32, #tpu.memory_space<vmem>>, vector<16xf32>,
    tpu.vector_store %arg8[%swap3A_598], %broadcast_in_dim3A_597 {strides = array<i32>} : memref<4096xf32, #tpu.memory_space<vmem>>, vector<16xf32>,
    %slice3A_600 = vector.extract_strided_slice %get3A_524 {offsets = [15], sizes = [1], strides = [1]} : vector<16xf32> to vector<1xf32>
    %squeeze3A_601 = vector.extract %slice3A_600[0] : f32 from vector<1xf32>
    %broadcast_in_dim3A_602 = vector.broadcast %squeeze3A_601 : f32 to vector<16xf32>
    %swap3A_603 = arith.constant 1776 : index
    %swap3A_604 = tpu.vector_load %arg8[%swap3A_603] {strides = array<i32>} : memref<4096xf32, #tpu.memory_space<vmem>>, vector<16xf32>,
    tpu.vector_store %arg8[%swap3A_603], %broadcast_in_dim3A_602 {strides = array<i32>} : memref<4096xf32, #tpu.memory_space<vmem>>, vector<16xf32>,
    %get3A_605 = arith.constant 112 : index
    %get3A_606 = tpu.vector_load %arg7[%get3A_605] {strides = array<i32>} : memref<256xf32, #tpu.memory_space<vmem>>, vector<16xf32>,
    %slice3A_607 = vector.extract_strided_slice %get3A_606 {offsets = [0], sizes = [1], strides = [1]} : vector<16xf32> to vector<1xf32>
    %squeeze3A_608 = vector.extract %slice3A_607[0] : f32 from vector<1xf32>
    %broadcast_in_dim3A_609 = vector.broadcast %squeeze3A_608 : f32 to vector<16xf32>
    %swap3A_610 = arith.constant 1792 : index
    %swap3A_611 = tpu.vector_load %arg8[%swap3A_610] {strides = array<i32>} : memref<4096xf32, #tpu.memory_space<vmem>>, vector<16xf32>,
    tpu.vector_store %arg8[%swap3A_610], %broadcast_in_dim3A_609 {strides = array<i32>} : memref<4096xf32, #tpu.memory_space<vmem>>, vector<16xf32>,
    %slice3A_612 = vector.extract_strided_slice %get3A_606 {offsets = [1], sizes = [1], strides = [1]} : vector<16xf32> to vector<1xf32>
    %squeeze3A_613 = vector.extract %slice3A_612[0] : f32 from vector<1xf32>
    %broadcast_in_dim3A_614 = vector.broadcast %squeeze3A_613 : f32 to vector<16xf32>
    %swap3A_615 = arith.constant 1808 : index
    %swap3A_616 = tpu.vector_load %arg8[%swap3A_615] {strides = array<i32>} : memref<4096xf32, #tpu.memory_space<vmem>>, vector<16xf32>,
    tpu.vector_store %arg8[%swap3A_615], %broadcast_in_dim3A_614 {strides = array<i32>} : memref<4096xf32, #tpu.memory_space<vmem>>, vector<16xf32>,
    %slice3A_617 = vector.extract_strided_slice %get3A_606 {offsets = [2], sizes = [1], strides = [1]} : vector<16xf32> to vector<1xf32>
    %squeeze3A_618 = vector.extract %slice3A_617[0] : f32 from vector<1xf32>
    %broadcast_in_dim3A_619 = vector.broadcast %squeeze3A_618 : f32 to vector<16xf32>
    %swap3A_620 = arith.constant 1824 : index
    %swap3A_621 = tpu.vector_load %arg8[%swap3A_620] {strides = array<i32>} : memref<4096xf32, #tpu.memory_space<vmem>>, vector<16xf32>,
    tpu.vector_store %arg8[%swap3A_620], %broadcast_in_dim3A_619 {strides = array<i32>} : memref<4096xf32, #tpu.memory_space<vmem>>, vector<16xf32>,
    %slice3A_622 = vector.extract_strided_slice %get3A_606 {offsets = [3], sizes = [1], strides = [1]} : vector<16xf32> to vector<1xf32>
    %squeeze3A_623 = vector.extract %slice3A_622[0] : f32 from vector<1xf32>
    %broadcast_in_dim3A_624 = vector.broadcast %squeeze3A_623 : f32 to vector<16xf32>
    %swap3A_625 = arith.constant 1840 : index
    %swap3A_626 = tpu.vector_load %arg8[%swap3A_625] {strides = array<i32>} : memref<4096xf32, #tpu.memory_space<vmem>>, vector<16xf32>,
    tpu.vector_store %arg8[%swap3A_625], %broadcast_in_dim3A_624 {strides = array<i32>} : memref<4096xf32, #tpu.memory_space<vmem>>, vector<16xf32>,
    %slice3A_627 = vector.extract_strided_slice %get3A_606 {offsets = [4], sizes = [1], strides = [1]} : vector<16xf32> to vector<1xf32>
    %squeeze3A_628 = vector.extract %slice3A_627[0] : f32 from vector<1xf32>
    %broadcast_in_dim3A_629 = vector.broadcast %squeeze3A_628 : f32 to vector<16xf32>
    %swap3A_630 = arith.constant 1856 : index
    %swap3A_631 = tpu.vector_load %arg8[%swap3A_630] {strides = array<i32>} : memref<4096xf32, #tpu.memory_space<vmem>>, vector<16xf32>,
    tpu.vector_store %arg8[%swap3A_630], %broadcast_in_dim3A_629 {strides = array<i32>} : memref<4096xf32, #tpu.memory_space<vmem>>, vector<16xf32>,
    %slice3A_632 = vector.extract_strided_slice %get3A_606 {offsets = [5], sizes = [1], strides = [1]} : vector<16xf32> to vector<1xf32>
    %squeeze3A_633 = vector.extract %slice3A_632[0] : f32 from vector<1xf32>
    %broadcast_in_dim3A_634 = vector.broadcast %squeeze3A_633 : f32 to vector<16xf32>
    %swap3A_635 = arith.constant 1872 : index
    %swap3A_636 = tpu.vector_load %arg8[%swap3A_635] {strides = array<i32>} : memref<4096xf32, #tpu.memory_space<vmem>>, vector<16xf32>,
    tpu.vector_store %arg8[%swap3A_635], %broadcast_in_dim3A_634 {strides = array<i32>} : memref<4096xf32, #tpu.memory_space<vmem>>, vector<16xf32>,
    %slice3A_637 = vector.extract_strided_slice %get3A_606 {offsets = [6], sizes = [1], strides = [1]} : vector<16xf32> to vector<1xf32>
    %squeeze3A_638 = vector.extract %slice3A_637[0] : f32 from vector<1xf32>
    %broadcast_in_dim3A_639 = vector.broadcast %squeeze3A_638 : f32 to vector<16xf32>
    %swap3A_640 = arith.constant 1888 : index
    %swap3A_641 = tpu.vector_load %arg8[%swap3A_640] {strides = array<i32>} : memref<4096xf32, #tpu.memory_space<vmem>>, vector<16xf32>,
    tpu.vector_store %arg8[%swap3A_640], %broadcast_in_dim3A_639 {strides = array<i32>} : memref<4096xf32, #tpu.memory_space<vmem>>, vector<16xf32>,
    %slice3A_642 = vector.extract_strided_slice %get3A_606 {offsets = [7], sizes = [1], strides = [1]} : vector<16xf32> to vector<1xf32>
    %squeeze3A_643 = vector.extract %slice3A_642[0] : f32 from vector<1xf32>
    %broadcast_in_dim3A_644 = vector.broadcast %squeeze3A_643 : f32 to vector<16xf32>
    %swap3A_645 = arith.constant 1904 : index
    %swap3A_646 = tpu.vector_load %arg8[%swap3A_645] {strides = array<i32>} : memref<4096xf32, #tpu.memory_space<vmem>>, vector<16xf32>,
    tpu.vector_store %arg8[%swap3A_645], %broadcast_in_dim3A_644 {strides = array<i32>} : memref<4096xf32, #tpu.memory_space<vmem>>, vector<16xf32>,
    %slice3A_647 = vector.extract_strided_slice %get3A_606 {offsets = [8], sizes = [1], strides = [1]} : vector<16xf32> to vector<1xf32>
    %squeeze3A_648 = vector.extract %slice3A_647[0] : f32 from vector<1xf32>
    %broadcast_in_dim3A_649 = vector.broadcast %squeeze3A_648 : f32 to vector<16xf32>
    %swap3A_650 = arith.constant 1920 : index
    %swap3A_651 = tpu.vector_load %arg8[%swap3A_650] {strides = array<i32>} : memref<4096xf32, #tpu.memory_space<vmem>>, vector<16xf32>,
    tpu.vector_store %arg8[%swap3A_650], %broadcast_in_dim3A_649 {strides = array<i32>} : memref<4096xf32, #tpu.memory_space<vmem>>, vector<16xf32>,
    %slice3A_652 = vector.extract_strided_slice %get3A_606 {offsets = [9], sizes = [1], strides = [1]} : vector<16xf32> to vector<1xf32>
    %squeeze3A_653 = vector.extract %slice3A_652[0] : f32 from vector<1xf32>
    %broadcast_in_dim3A_654 = vector.broadcast %squeeze3A_653 : f32 to vector<16xf32>
    %swap3A_655 = arith.constant 1936 : index
    %swap3A_656 = tpu.vector_load %arg8[%swap3A_655] {strides = array<i32>} : memref<4096xf32, #tpu.memory_space<vmem>>, vector<16xf32>,
    tpu.vector_store %arg8[%swap3A_655], %broadcast_in_dim3A_654 {strides = array<i32>} : memref<4096xf32, #tpu.memory_space<vmem>>, vector<16xf32>,
    %slice3A_657 = vector.extract_strided_slice %get3A_606 {offsets = [10], sizes = [1], strides = [1]} : vector<16xf32> to vector<1xf32>
    %squeeze3A_658 = vector.extract %slice3A_657[0] : f32 from vector<1xf32>
    %broadcast_in_dim3A_659 = vector.broadcast %squeeze3A_658 : f32 to vector<16xf32>
    %swap3A_660 = arith.constant 1952 : index
    %swap3A_661 = tpu.vector_load %arg8[%swap3A_660] {strides = array<i32>} : memref<4096xf32, #tpu.memory_space<vmem>>, vector<16xf32>,
    tpu.vector_store %arg8[%swap3A_660], %broadcast_in_dim3A_659 {strides = array<i32>} : memref<4096xf32, #tpu.memory_space<vmem>>, vector<16xf32>,
    %slice3A_662 = vector.extract_strided_slice %get3A_606 {offsets = [11], sizes = [1], strides = [1]} : vector<16xf32> to vector<1xf32>
    %squeeze3A_663 = vector.extract %slice3A_662[0] : f32 from vector<1xf32>
    %broadcast_in_dim3A_664 = vector.broadcast %squeeze3A_663 : f32 to vector<16xf32>
    %swap3A_665 = arith.constant 1968 : index
    %swap3A_666 = tpu.vector_load %arg8[%swap3A_665] {strides = array<i32>} : memref<4096xf32, #tpu.memory_space<vmem>>, vector<16xf32>,
    tpu.vector_store %arg8[%swap3A_665], %broadcast_in_dim3A_664 {strides = array<i32>} : memref<4096xf32, #tpu.memory_space<vmem>>, vector<16xf32>,
    %slice3A_667 = vector.extract_strided_slice %get3A_606 {offsets = [12], sizes = [1], strides = [1]} : vector<16xf32> to vector<1xf32>
    %squeeze3A_668 = vector.extract %slice3A_667[0] : f32 from vector<1xf32>
    %broadcast_in_dim3A_669 = vector.broadcast %squeeze3A_668 : f32 to vector<16xf32>
    %swap3A_670 = arith.constant 1984 : index
    %swap3A_671 = tpu.vector_load %arg8[%swap3A_670] {strides = array<i32>} : memref<4096xf32, #tpu.memory_space<vmem>>, vector<16xf32>,
    tpu.vector_store %arg8[%swap3A_670], %broadcast_in_dim3A_669 {strides = array<i32>} : memref<4096xf32, #tpu.memory_space<vmem>>, vector<16xf32>,
    %slice3A_672 = vector.extract_strided_slice %get3A_606 {offsets = [13], sizes = [1], strides = [1]} : vector<16xf32> to vector<1xf32>
    %squeeze3A_673 = vector.extract %slice3A_672[0] : f32 from vector<1xf32>
    %broadcast_in_dim3A_674 = vector.broadcast %squeeze3A_673 : f32 to vector<16xf32>
    %swap3A_675 = arith.constant 2000 : index
    %swap3A_676 = tpu.vector_load %arg8[%swap3A_675] {strides = array<i32>} : memref<4096xf32, #tpu.memory_space<vmem>>, vector<16xf32>,
    tpu.vector_store %arg8[%swap3A_675], %broadcast_in_dim3A_674 {strides = array<i32>} : memref<4096xf32, #tpu.memory_space<vmem>>, vector<16xf32>,
    %slice3A_677 = vector.extract_strided_slice %get3A_606 {offsets = [14], sizes = [1], strides = [1]} : vector<16xf32> to vector<1xf32>
    %squeeze3A_678 = vector.extract %slice3A_677[0] : f32 from vector<1xf32>
    %broadcast_in_dim3A_679 = vector.broadcast %squeeze3A_678 : f32 to vector<16xf32>
    %swap3A_680 = arith.constant 2016 : index
    %swap3A_681 = tpu.vector_load %arg8[%swap3A_680] {strides = array<i32>} : memref<4096xf32, #tpu.memory_space<vmem>>, vector<16xf32>,
    tpu.vector_store %arg8[%swap3A_680], %broadcast_in_dim3A_679 {strides = array<i32>} : memref<4096xf32, #tpu.memory_space<vmem>>, vector<16xf32>,
    %slice3A_682 = vector.extract_strided_slice %get3A_606 {offsets = [15], sizes = [1], strides = [1]} : vector<16xf32> to vector<1xf32>
    %squeeze3A_683 = vector.extract %slice3A_682[0] : f32 from vector<1xf32>
    %broadcast_in_dim3A_684 = vector.broadcast %squeeze3A_683 : f32 to vector<16xf32>
    %swap3A_685 = arith.constant 2032 : index
    %swap3A_686 = tpu.vector_load %arg8[%swap3A_685] {strides = array<i32>} : memref<4096xf32, #tpu.memory_space<vmem>>, vector<16xf32>,
    tpu.vector_store %arg8[%swap3A_685], %broadcast_in_dim3A_684 {strides = array<i32>} : memref<4096xf32, #tpu.memory_space<vmem>>, vector<16xf32>,
    %get3A_687 = arith.constant 128 : index
    %get3A_688 = tpu.vector_load %arg7[%get3A_687] {strides = array<i32>} : memref<256xf32, #tpu.memory_space<vmem>>, vector<16xf32>,
    %slice3A_689 = vector.extract_strided_slice %get3A_688 {offsets = [0], sizes = [1], strides = [1]} : vector<16xf32> to vector<1xf32>
    %squeeze3A_690 = vector.extract %slice3A_689[0] : f32 from vector<1xf32>
    %broadcast_in_dim3A_691 = vector.broadcast %squeeze3A_690 : f32 to vector<16xf32>
    %swap3A_692 = arith.constant 2048 : index
    %swap3A_693 = tpu.vector_load %arg8[%swap3A_692] {strides = array<i32>} : memref<4096xf32, #tpu.memory_space<vmem>>, vector<16xf32>,
    tpu.vector_store %arg8[%swap3A_692], %broadcast_in_dim3A_691 {strides = array<i32>} : memref<4096xf32, #tpu.memory_space<vmem>>, vector<16xf32>,
    %slice3A_694 = vector.extract_strided_slice %get3A_688 {offsets = [1], sizes = [1], strides = [1]} : vector<16xf32> to vector<1xf32>
    %squeeze3A_695 = vector.extract %slice3A_694[0] : f32 from vector<1xf32>
    %broadcast_in_dim3A_696 = vector.broadcast %squeeze3A_695 : f32 to vector<16xf32>
    %swap3A_697 = arith.constant 2064 : index
    %swap3A_698 = tpu.vector_load %arg8[%swap3A_697] {strides = array<i32>} : memref<4096xf32, #tpu.memory_space<vmem>>, vector<16xf32>,
    tpu.vector_store %arg8[%swap3A_697], %broadcast_in_dim3A_696 {strides = array<i32>} : memref<4096xf32, #tpu.memory_space<vmem>>, vector<16xf32>,
    %slice3A_699 = vector.extract_strided_slice %get3A_688 {offsets = [2], sizes = [1], strides = [1]} : vector<16xf32> to vector<1xf32>
    %squeeze3A_700 = vector.extract %slice3A_699[0] : f32 from vector<1xf32>
    %broadcast_in_dim3A_701 = vector.broadcast %squeeze3A_700 : f32 to vector<16xf32>
    %swap3A_702 = arith.constant 2080 : index
    %swap3A_703 = tpu.vector_load %arg8[%swap3A_702] {strides = array<i32>} : memref<4096xf32, #tpu.memory_space<vmem>>, vector<16xf32>,
    tpu.vector_store %arg8[%swap3A_702], %broadcast_in_dim3A_701 {strides = array<i32>} : memref<4096xf32, #tpu.memory_space<vmem>>, vector<16xf32>,
    %slice3A_704 = vector.extract_strided_slice %get3A_688 {offsets = [3], sizes = [1], strides = [1]} : vector<16xf32> to vector<1xf32>
    %squeeze3A_705 = vector.extract %slice3A_704[0] : f32 from vector<1xf32>
    %broadcast_in_dim3A_706 = vector.broadcast %squeeze3A_705 : f32 to vector<16xf32>
    %swap3A_707 = arith.constant 2096 : index
    %swap3A_708 = tpu.vector_load %arg8[%swap3A_707] {strides = array<i32>} : memref<4096xf32, #tpu.memory_space<vmem>>, vector<16xf32>,
    tpu.vector_store %arg8[%swap3A_707], %broadcast_in_dim3A_706 {strides = array<i32>} : memref<4096xf32, #tpu.memory_space<vmem>>, vector<16xf32>,
    %slice3A_709 = vector.extract_strided_slice %get3A_688 {offsets = [4], sizes = [1], strides = [1]} : vector<16xf32> to vector<1xf32>
    %squeeze3A_710 = vector.extract %slice3A_709[0] : f32 from vector<1xf32>
    %broadcast_in_dim3A_711 = vector.broadcast %squeeze3A_710 : f32 to vector<16xf32>
    %swap3A_712 = arith.constant 2112 : index
    %swap3A_713 = tpu.vector_load %arg8[%swap3A_712] {strides = array<i32>} : memref<4096xf32, #tpu.memory_space<vmem>>, vector<16xf32>,
    tpu.vector_store %arg8[%swap3A_712], %broadcast_in_dim3A_711 {strides = array<i32>} : memref<4096xf32, #tpu.memory_space<vmem>>, vector<16xf32>,
    %slice3A_714 = vector.extract_strided_slice %get3A_688 {offsets = [5], sizes = [1], strides = [1]} : vector<16xf32> to vector<1xf32>
    %squeeze3A_715 = vector.extract %slice3A_714[0] : f32 from vector<1xf32>
    %broadcast_in_dim3A_716 = vector.broadcast %squeeze3A_715 : f32 to vector<16xf32>
    %swap3A_717 = arith.constant 2128 : index
    %swap3A_718 = tpu.vector_load %arg8[%swap3A_717] {strides = array<i32>} : memref<4096xf32, #tpu.memory_space<vmem>>, vector<16xf32>,
    tpu.vector_store %arg8[%swap3A_717], %broadcast_in_dim3A_716 {strides = array<i32>} : memref<4096xf32, #tpu.memory_space<vmem>>, vector<16xf32>,
    %slice3A_719 = vector.extract_strided_slice %get3A_688 {offsets = [6], sizes = [1], strides = [1]} : vector<16xf32> to vector<1xf32>
    %squeeze3A_720 = vector.extract %slice3A_719[0] : f32 from vector<1xf32>
    %broadcast_in_dim3A_721 = vector.broadcast %squeeze3A_720 : f32 to vector<16xf32>
    %swap3A_722 = arith.constant 2144 : index
    %swap3A_723 = tpu.vector_load %arg8[%swap3A_722] {strides = array<i32>} : memref<4096xf32, #tpu.memory_space<vmem>>, vector<16xf32>,
    tpu.vector_store %arg8[%swap3A_722], %broadcast_in_dim3A_721 {strides = array<i32>} : memref<4096xf32, #tpu.memory_space<vmem>>, vector<16xf32>,
    %slice3A_724 = vector.extract_strided_slice %get3A_688 {offsets = [7], sizes = [1], strides = [1]} : vector<16xf32> to vector<1xf32>
    %squeeze3A_725 = vector.extract %slice3A_724[0] : f32 from vector<1xf32>
    %broadcast_in_dim3A_726 = vector.broadcast %squeeze3A_725 : f32 to vector<16xf32>
    %swap3A_727 = arith.constant 2160 : index
    %swap3A_728 = tpu.vector_load %arg8[%swap3A_727] {strides = array<i32>} : memref<4096xf32, #tpu.memory_space<vmem>>, vector<16xf32>,
    tpu.vector_store %arg8[%swap3A_727], %broadcast_in_dim3A_726 {strides = array<i32>} : memref<4096xf32, #tpu.memory_space<vmem>>, vector<16xf32>,
    %slice3A_729 = vector.extract_strided_slice %get3A_688 {offsets = [8], sizes = [1], strides = [1]} : vector<16xf32> to vector<1xf32>
    %squeeze3A_730 = vector.extract %slice3A_729[0] : f32 from vector<1xf32>
    %broadcast_in_dim3A_731 = vector.broadcast %squeeze3A_730 : f32 to vector<16xf32>
    %swap3A_732 = arith.constant 2176 : index
    %swap3A_733 = tpu.vector_load %arg8[%swap3A_732] {strides = array<i32>} : memref<4096xf32, #tpu.memory_space<vmem>>, vector<16xf32>,
    tpu.vector_store %arg8[%swap3A_732], %broadcast_in_dim3A_731 {strides = array<i32>} : memref<4096xf32, #tpu.memory_space<vmem>>, vector<16xf32>,
    %slice3A_734 = vector.extract_strided_slice %get3A_688 {offsets = [9], sizes = [1], strides = [1]} : vector<16xf32> to vector<1xf32>
    %squeeze3A_735 = vector.extract %slice3A_734[0] : f32 from vector<1xf32>
    %broadcast_in_dim3A_736 = vector.broadcast %squeeze3A_735 : f32 to vector<16xf32>
    %swap3A_737 = arith.constant 2192 : index
    %swap3A_738 = tpu.vector_load %arg8[%swap3A_737] {strides = array<i32>} : memref<4096xf32, #tpu.memory_space<vmem>>, vector<16xf32>,
    tpu.vector_store %arg8[%swap3A_737], %broadcast_in_dim3A_736 {strides = array<i32>} : memref<4096xf32, #tpu.memory_space<vmem>>, vector<16xf32>,
    %slice3A_739 = vector.extract_strided_slice %get3A_688 {offsets = [10], sizes = [1], strides = [1]} : vector<16xf32> to vector<1xf32>
    %squeeze3A_740 = vector.extract %slice3A_739[0] : f32 from vector<1xf32>
    %broadcast_in_dim3A_741 = vector.broadcast %squeeze3A_740 : f32 to vector<16xf32>
    %swap3A_742 = arith.constant 2208 : index
    %swap3A_743 = tpu.vector_load %arg8[%swap3A_742] {strides = array<i32>} : memref<4096xf32, #tpu.memory_space<vmem>>, vector<16xf32>,
    tpu.vector_store %arg8[%swap3A_742], %broadcast_in_dim3A_741 {strides = array<i32>} : memref<4096xf32, #tpu.memory_space<vmem>>, vector<16xf32>,
    %slice3A_744 = vector.extract_strided_slice %get3A_688 {offsets = [11], sizes = [1], strides = [1]} : vector<16xf32> to vector<1xf32>
    %squeeze3A_745 = vector.extract %slice3A_744[0] : f32 from vector<1xf32>
    %broadcast_in_dim3A_746 = vector.broadcast %squeeze3A_745 : f32 to vector<16xf32>
    %swap3A_747 = arith.constant 2224 : index
    %swap3A_748 = tpu.vector_load %arg8[%swap3A_747] {strides = array<i32>} : memref<4096xf32, #tpu.memory_space<vmem>>, vector<16xf32>,
    tpu.vector_store %arg8[%swap3A_747], %broadcast_in_dim3A_746 {strides = array<i32>} : memref<4096xf32, #tpu.memory_space<vmem>>, vector<16xf32>,
    %slice3A_749 = vector.extract_strided_slice %get3A_688 {offsets = [12], sizes = [1], strides = [1]} : vector<16xf32> to vector<1xf32>
    %squeeze3A_750 = vector.extract %slice3A_749[0] : f32 from vector<1xf32>
    %broadcast_in_dim3A_751 = vector.broadcast %squeeze3A_750 : f32 to vector<16xf32>
    %swap3A_752 = arith.constant 2240 : index
    %swap3A_753 = tpu.vector_load %arg8[%swap3A_752] {strides = array<i32>} : memref<4096xf32, #tpu.memory_space<vmem>>, vector<16xf32>,
    tpu.vector_store %arg8[%swap3A_752], %broadcast_in_dim3A_751 {strides = array<i32>} : memref<4096xf32, #tpu.memory_space<vmem>>, vector<16xf32>,
    %slice3A_754 = vector.extract_strided_slice %get3A_688 {offsets = [13], sizes = [1], strides = [1]} : vector<16xf32> to vector<1xf32>
    %squeeze3A_755 = vector.extract %slice3A_754[0] : f32 from vector<1xf32>
    %broadcast_in_dim3A_756 = vector.broadcast %squeeze3A_755 : f32 to vector<16xf32>
    %swap3A_757 = arith.constant 2256 : index
    %swap3A_758 = tpu.vector_load %arg8[%swap3A_757] {strides = array<i32>} : memref<4096xf32, #tpu.memory_space<vmem>>, vector<16xf32>,
    tpu.vector_store %arg8[%swap3A_757], %broadcast_in_dim3A_756 {strides = array<i32>} : memref<4096xf32, #tpu.memory_space<vmem>>, vector<16xf32>,
    %slice3A_759 = vector.extract_strided_slice %get3A_688 {offsets = [14], sizes = [1], strides = [1]} : vector<16xf32> to vector<1xf32>
    %squeeze3A_760 = vector.extract %slice3A_759[0] : f32 from vector<1xf32>
    %broadcast_in_dim3A_761 = vector.broadcast %squeeze3A_760 : f32 to vector<16xf32>
    %swap3A_762 = arith.constant 2272 : index
    %swap3A_763 = tpu.vector_load %arg8[%swap3A_762] {strides = array<i32>} : memref<4096xf32, #tpu.memory_space<vmem>>, vector<16xf32>,
    tpu.vector_store %arg8[%swap3A_762], %broadcast_in_dim3A_761 {strides = array<i32>} : memref<4096xf32, #tpu.memory_space<vmem>>, vector<16xf32>,
    %slice3A_764 = vector.extract_strided_slice %get3A_688 {offsets = [15], sizes = [1], strides = [1]} : vector<16xf32> to vector<1xf32>
    %squeeze3A_765 = vector.extract %slice3A_764[0] : f32 from vector<1xf32>
    %broadcast_in_dim3A_766 = vector.broadcast %squeeze3A_765 : f32 to vector<16xf32>
    %swap3A_767 = arith.constant 2288 : index
    %swap3A_768 = tpu.vector_load %arg8[%swap3A_767] {strides = array<i32>} : memref<4096xf32, #tpu.memory_space<vmem>>, vector<16xf32>,
    tpu.vector_store %arg8[%swap3A_767], %broadcast_in_dim3A_766 {strides = array<i32>} : memref<4096xf32, #tpu.memory_space<vmem>>, vector<16xf32>,
    %get3A_769 = arith.constant 144 : index
    %get3A_770 = tpu.vector_load %arg7[%get3A_769] {strides = array<i32>} : memref<256xf32, #tpu.memory_space<vmem>>, vector<16xf32>,
    %slice3A_771 = vector.extract_strided_slice %get3A_770 {offsets = [0], sizes = [1], strides = [1]} : vector<16xf32> to vector<1xf32>
    %squeeze3A_772 = vector.extract %slice3A_771[0] : f32 from vector<1xf32>
    %broadcast_in_dim3A_773 = vector.broadcast %squeeze3A_772 : f32 to vector<16xf32>
    %swap3A_774 = arith.constant 2304 : index
    %swap3A_775 = tpu.vector_load %arg8[%swap3A_774] {strides = array<i32>} : memref<4096xf32, #tpu.memory_space<vmem>>, vector<16xf32>,
    tpu.vector_store %arg8[%swap3A_774], %broadcast_in_dim3A_773 {strides = array<i32>} : memref<4096xf32, #tpu.memory_space<vmem>>, vector<16xf32>,
    %slice3A_776 = vector.extract_strided_slice %get3A_770 {offsets = [1], sizes = [1], strides = [1]} : vector<16xf32> to vector<1xf32>
    %squeeze3A_777 = vector.extract %slice3A_776[0] : f32 from vector<1xf32>
    %broadcast_in_dim3A_778 = vector.broadcast %squeeze3A_777 : f32 to vector<16xf32>
    %swap3A_779 = arith.constant 2320 : index
    %swap3A_780 = tpu.vector_load %arg8[%swap3A_779] {strides = array<i32>} : memref<4096xf32, #tpu.memory_space<vmem>>, vector<16xf32>,
    tpu.vector_store %arg8[%swap3A_779], %broadcast_in_dim3A_778 {strides = array<i32>} : memref<4096xf32, #tpu.memory_space<vmem>>, vector<16xf32>,
    %slice3A_781 = vector.extract_strided_slice %get3A_770 {offsets = [2], sizes = [1], strides = [1]} : vector<16xf32> to vector<1xf32>
    %squeeze3A_782 = vector.extract %slice3A_781[0] : f32 from vector<1xf32>
    %broadcast_in_dim3A_783 = vector.broadcast %squeeze3A_782 : f32 to vector<16xf32>
    %swap3A_784 = arith.constant 2336 : index
    %swap3A_785 = tpu.vector_load %arg8[%swap3A_784] {strides = array<i32>} : memref<4096xf32, #tpu.memory_space<vmem>>, vector<16xf32>,
    tpu.vector_store %arg8[%swap3A_784], %broadcast_in_dim3A_783 {strides = array<i32>} : memref<4096xf32, #tpu.memory_space<vmem>>, vector<16xf32>,
    %slice3A_786 = vector.extract_strided_slice %get3A_770 {offsets = [3], sizes = [1], strides = [1]} : vector<16xf32> to vector<1xf32>
    %squeeze3A_787 = vector.extract %slice3A_786[0] : f32 from vector<1xf32>
    %broadcast_in_dim3A_788 = vector.broadcast %squeeze3A_787 : f32 to vector<16xf32>
    %swap3A_789 = arith.constant 2352 : index
    %swap3A_790 = tpu.vector_load %arg8[%swap3A_789] {strides = array<i32>} : memref<4096xf32, #tpu.memory_space<vmem>>, vector<16xf32>,
    tpu.vector_store %arg8[%swap3A_789], %broadcast_in_dim3A_788 {strides = array<i32>} : memref<4096xf32, #tpu.memory_space<vmem>>, vector<16xf32>,
    %slice3A_791 = vector.extract_strided_slice %get3A_770 {offsets = [4], sizes = [1], strides = [1]} : vector<16xf32> to vector<1xf32>
    %squeeze3A_792 = vector.extract %slice3A_791[0] : f32 from vector<1xf32>
    %broadcast_in_dim3A_793 = vector.broadcast %squeeze3A_792 : f32 to vector<16xf32>
    %swap3A_794 = arith.constant 2368 : index
    %swap3A_795 = tpu.vector_load %arg8[%swap3A_794] {strides = array<i32>} : memref<4096xf32, #tpu.memory_space<vmem>>, vector<16xf32>,
    tpu.vector_store %arg8[%swap3A_794], %broadcast_in_dim3A_793 {strides = array<i32>} : memref<4096xf32, #tpu.memory_space<vmem>>, vector<16xf32>,
    %slice3A_796 = vector.extract_strided_slice %get3A_770 {offsets = [5], sizes = [1], strides = [1]} : vector<16xf32> to vector<1xf32>
    %squeeze3A_797 = vector.extract %slice3A_796[0] : f32 from vector<1xf32>
    %broadcast_in_dim3A_798 = vector.broadcast %squeeze3A_797 : f32 to vector<16xf32>
    %swap3A_799 = arith.constant 2384 : index
    %swap3A_800 = tpu.vector_load %arg8[%swap3A_799] {strides = array<i32>} : memref<4096xf32, #tpu.memory_space<vmem>>, vector<16xf32>,
    tpu.vector_store %arg8[%swap3A_799], %broadcast_in_dim3A_798 {strides = array<i32>} : memref<4096xf32, #tpu.memory_space<vmem>>, vector<16xf32>,
    %slice3A_801 = vector.extract_strided_slice %get3A_770 {offsets = [6], sizes = [1], strides = [1]} : vector<16xf32> to vector<1xf32>
    %squeeze3A_802 = vector.extract %slice3A_801[0] : f32 from vector<1xf32>
    %broadcast_in_dim3A_803 = vector.broadcast %squeeze3A_802 : f32 to vector<16xf32>
    %swap3A_804 = arith.constant 2400 : index
    %swap3A_805 = tpu.vector_load %arg8[%swap3A_804] {strides = array<i32>} : memref<4096xf32, #tpu.memory_space<vmem>>, vector<16xf32>,
    tpu.vector_store %arg8[%swap3A_804], %broadcast_in_dim3A_803 {strides = array<i32>} : memref<4096xf32, #tpu.memory_space<vmem>>, vector<16xf32>,
    %slice3A_806 = vector.extract_strided_slice %get3A_770 {offsets = [7], sizes = [1], strides = [1]} : vector<16xf32> to vector<1xf32>
    %squeeze3A_807 = vector.extract %slice3A_806[0] : f32 from vector<1xf32>
    %broadcast_in_dim3A_808 = vector.broadcast %squeeze3A_807 : f32 to vector<16xf32>
    %swap3A_809 = arith.constant 2416 : index
    %swap3A_810 = tpu.vector_load %arg8[%swap3A_809] {strides = array<i32>} : memref<4096xf32, #tpu.memory_space<vmem>>, vector<16xf32>,
    tpu.vector_store %arg8[%swap3A_809], %broadcast_in_dim3A_808 {strides = array<i32>} : memref<4096xf32, #tpu.memory_space<vmem>>, vector<16xf32>,
    %slice3A_811 = vector.extract_strided_slice %get3A_770 {offsets = [8], sizes = [1], strides = [1]} : vector<16xf32> to vector<1xf32>
    %squeeze3A_812 = vector.extract %slice3A_811[0] : f32 from vector<1xf32>
    %broadcast_in_dim3A_813 = vector.broadcast %squeeze3A_812 : f32 to vector<16xf32>
    %swap3A_814 = arith.constant 2432 : index
    %swap3A_815 = tpu.vector_load %arg8[%swap3A_814] {strides = array<i32>} : memref<4096xf32, #tpu.memory_space<vmem>>, vector<16xf32>,
    tpu.vector_store %arg8[%swap3A_814], %broadcast_in_dim3A_813 {strides = array<i32>} : memref<4096xf32, #tpu.memory_space<vmem>>, vector<16xf32>,
    %slice3A_816 = vector.extract_strided_slice %get3A_770 {offsets = [9], sizes = [1], strides = [1]} : vector<16xf32> to vector<1xf32>
    %squeeze3A_817 = vector.extract %slice3A_816[0] : f32 from vector<1xf32>
    %broadcast_in_dim3A_818 = vector.broadcast %squeeze3A_817 : f32 to vector<16xf32>
    %swap3A_819 = arith.constant 2448 : index
    %swap3A_820 = tpu.vector_load %arg8[%swap3A_819] {strides = array<i32>} : memref<4096xf32, #tpu.memory_space<vmem>>, vector<16xf32>,
    tpu.vector_store %arg8[%swap3A_819], %broadcast_in_dim3A_818 {strides = array<i32>} : memref<4096xf32, #tpu.memory_space<vmem>>, vector<16xf32>,
    %slice3A_821 = vector.extract_strided_slice %get3A_770 {offsets = [10], sizes = [1], strides = [1]} : vector<16xf32> to vector<1xf32>
    %squeeze3A_822 = vector.extract %slice3A_821[0] : f32 from vector<1xf32>
    %broadcast_in_dim3A_823 = vector.broadcast %squeeze3A_822 : f32 to vector<16xf32>
    %swap3A_824 = arith.constant 2464 : index
    %swap3A_825 = tpu.vector_load %arg8[%swap3A_824] {strides = array<i32>} : memref<4096xf32, #tpu.memory_space<vmem>>, vector<16xf32>,
    tpu.vector_store %arg8[%swap3A_824], %broadcast_in_dim3A_823 {strides = array<i32>} : memref<4096xf32, #tpu.memory_space<vmem>>, vector<16xf32>,
    %slice3A_826 = vector.extract_strided_slice %get3A_770 {offsets = [11], sizes = [1], strides = [1]} : vector<16xf32> to vector<1xf32>
    %squeeze3A_827 = vector.extract %slice3A_826[0] : f32 from vector<1xf32>
    %broadcast_in_dim3A_828 = vector.broadcast %squeeze3A_827 : f32 to vector<16xf32>
    %swap3A_829 = arith.constant 2480 : index
    %swap3A_830 = tpu.vector_load %arg8[%swap3A_829] {strides = array<i32>} : memref<4096xf32, #tpu.memory_space<vmem>>, vector<16xf32>,
    tpu.vector_store %arg8[%swap3A_829], %broadcast_in_dim3A_828 {strides = array<i32>} : memref<4096xf32, #tpu.memory_space<vmem>>, vector<16xf32>,
    %slice3A_831 = vector.extract_strided_slice %get3A_770 {offsets = [12], sizes = [1], strides = [1]} : vector<16xf32> to vector<1xf32>
    %squeeze3A_832 = vector.extract %slice3A_831[0] : f32 from vector<1xf32>
    %broadcast_in_dim3A_833 = vector.broadcast %squeeze3A_832 : f32 to vector<16xf32>
    %swap3A_834 = arith.constant 2496 : index
    %swap3A_835 = tpu.vector_load %arg8[%swap3A_834] {strides = array<i32>} : memref<4096xf32, #tpu.memory_space<vmem>>, vector<16xf32>,
    tpu.vector_store %arg8[%swap3A_834], %broadcast_in_dim3A_833 {strides = array<i32>} : memref<4096xf32, #tpu.memory_space<vmem>>, vector<16xf32>,
    %slice3A_836 = vector.extract_strided_slice %get3A_770 {offsets = [13], sizes = [1], strides = [1]} : vector<16xf32> to vector<1xf32>
    %squeeze3A_837 = vector.extract %slice3A_836[0] : f32 from vector<1xf32>
    %broadcast_in_dim3A_838 = vector.broadcast %squeeze3A_837 : f32 to vector<16xf32>
    %swap3A_839 = arith.constant 2512 : index
    %swap3A_840 = tpu.vector_load %arg8[%swap3A_839] {strides = array<i32>} : memref<4096xf32, #tpu.memory_space<vmem>>, vector<16xf32>,
    tpu.vector_store %arg8[%swap3A_839], %broadcast_in_dim3A_838 {strides = array<i32>} : memref<4096xf32, #tpu.memory_space<vmem>>, vector<16xf32>,
    %slice3A_841 = vector.extract_strided_slice %get3A_770 {offsets = [14], sizes = [1], strides = [1]} : vector<16xf32> to vector<1xf32>
    %squeeze3A_842 = vector.extract %slice3A_841[0] : f32 from vector<1xf32>
    %broadcast_in_dim3A_843 = vector.broadcast %squeeze3A_842 : f32 to vector<16xf32>
    %swap3A_844 = arith.constant 2528 : index
    %swap3A_845 = tpu.vector_load %arg8[%swap3A_844] {strides = array<i32>} : memref<4096xf32, #tpu.memory_space<vmem>>, vector<16xf32>,
    tpu.vector_store %arg8[%swap3A_844], %broadcast_in_dim3A_843 {strides = array<i32>} : memref<4096xf32, #tpu.memory_space<vmem>>, vector<16xf32>,
    %slice3A_846 = vector.extract_strided_slice %get3A_770 {offsets = [15], sizes = [1], strides = [1]} : vector<16xf32> to vector<1xf32>
    %squeeze3A_847 = vector.extract %slice3A_846[0] : f32 from vector<1xf32>
    %broadcast_in_dim3A_848 = vector.broadcast %squeeze3A_847 : f32 to vector<16xf32>
    %swap3A_849 = arith.constant 2544 : index
    %swap3A_850 = tpu.vector_load %arg8[%swap3A_849] {strides = array<i32>} : memref<4096xf32, #tpu.memory_space<vmem>>, vector<16xf32>,
    tpu.vector_store %arg8[%swap3A_849], %broadcast_in_dim3A_848 {strides = array<i32>} : memref<4096xf32, #tpu.memory_space<vmem>>, vector<16xf32>,
    %get3A_851 = arith.constant 160 : index
    %get3A_852 = tpu.vector_load %arg7[%get3A_851] {strides = array<i32>} : memref<256xf32, #tpu.memory_space<vmem>>, vector<16xf32>,
    %slice3A_853 = vector.extract_strided_slice %get3A_852 {offsets = [0], sizes = [1], strides = [1]} : vector<16xf32> to vector<1xf32>
    %squeeze3A_854 = vector.extract %slice3A_853[0] : f32 from vector<1xf32>
    %broadcast_in_dim3A_855 = vector.broadcast %squeeze3A_854 : f32 to vector<16xf32>
    %swap3A_856 = arith.constant 2560 : index
    %swap3A_857 = tpu.vector_load %arg8[%swap3A_856] {strides = array<i32>} : memref<4096xf32, #tpu.memory_space<vmem>>, vector<16xf32>,
    tpu.vector_store %arg8[%swap3A_856], %broadcast_in_dim3A_855 {strides = array<i32>} : memref<4096xf32, #tpu.memory_space<vmem>>, vector<16xf32>,
    %slice3A_858 = vector.extract_strided_slice %get3A_852 {offsets = [1], sizes = [1], strides = [1]} : vector<16xf32> to vector<1xf32>
    %squeeze3A_859 = vector.extract %slice3A_858[0] : f32 from vector<1xf32>
    %broadcast_in_dim3A_860 = vector.broadcast %squeeze3A_859 : f32 to vector<16xf32>
    %swap3A_861 = arith.constant 2576 : index
    %swap3A_862 = tpu.vector_load %arg8[%swap3A_861] {strides = array<i32>} : memref<4096xf32, #tpu.memory_space<vmem>>, vector<16xf32>,
    tpu.vector_store %arg8[%swap3A_861], %broadcast_in_dim3A_860 {strides = array<i32>} : memref<4096xf32, #tpu.memory_space<vmem>>, vector<16xf32>,
    %slice3A_863 = vector.extract_strided_slice %get3A_852 {offsets = [2], sizes = [1], strides = [1]} : vector<16xf32> to vector<1xf32>
    %squeeze3A_864 = vector.extract %slice3A_863[0] : f32 from vector<1xf32>
    %broadcast_in_dim3A_865 = vector.broadcast %squeeze3A_864 : f32 to vector<16xf32>
    %swap3A_866 = arith.constant 2592 : index
    %swap3A_867 = tpu.vector_load %arg8[%swap3A_866] {strides = array<i32>} : memref<4096xf32, #tpu.memory_space<vmem>>, vector<16xf32>,
    tpu.vector_store %arg8[%swap3A_866], %broadcast_in_dim3A_865 {strides = array<i32>} : memref<4096xf32, #tpu.memory_space<vmem>>, vector<16xf32>,
    %slice3A_868 = vector.extract_strided_slice %get3A_852 {offsets = [3], sizes = [1], strides = [1]} : vector<16xf32> to vector<1xf32>
    %squeeze3A_869 = vector.extract %slice3A_868[0] : f32 from vector<1xf32>
    %broadcast_in_dim3A_870 = vector.broadcast %squeeze3A_869 : f32 to vector<16xf32>
    %swap3A_871 = arith.constant 2608 : index
    %swap3A_872 = tpu.vector_load %arg8[%swap3A_871] {strides = array<i32>} : memref<4096xf32, #tpu.memory_space<vmem>>, vector<16xf32>,
    tpu.vector_store %arg8[%swap3A_871], %broadcast_in_dim3A_870 {strides = array<i32>} : memref<4096xf32, #tpu.memory_space<vmem>>, vector<16xf32>,
    %slice3A_873 = vector.extract_strided_slice %get3A_852 {offsets = [4], sizes = [1], strides = [1]} : vector<16xf32> to vector<1xf32>
    %squeeze3A_874 = vector.extract %slice3A_873[0] : f32 from vector<1xf32>
    %broadcast_in_dim3A_875 = vector.broadcast %squeeze3A_874 : f32 to vector<16xf32>
    %swap3A_876 = arith.constant 2624 : index
    %swap3A_877 = tpu.vector_load %arg8[%swap3A_876] {strides = array<i32>} : memref<4096xf32, #tpu.memory_space<vmem>>, vector<16xf32>,
    tpu.vector_store %arg8[%swap3A_876], %broadcast_in_dim3A_875 {strides = array<i32>} : memref<4096xf32, #tpu.memory_space<vmem>>, vector<16xf32>,
    %slice3A_878 = vector.extract_strided_slice %get3A_852 {offsets = [5], sizes = [1], strides = [1]} : vector<16xf32> to vector<1xf32>
    %squeeze3A_879 = vector.extract %slice3A_878[0] : f32 from vector<1xf32>
    %broadcast_in_dim3A_880 = vector.broadcast %squeeze3A_879 : f32 to vector<16xf32>
    %swap3A_881 = arith.constant 2640 : index
    %swap3A_882 = tpu.vector_load %arg8[%swap3A_881] {strides = array<i32>} : memref<4096xf32, #tpu.memory_space<vmem>>, vector<16xf32>,
    tpu.vector_store %arg8[%swap3A_881], %broadcast_in_dim3A_880 {strides = array<i32>} : memref<4096xf32, #tpu.memory_space<vmem>>, vector<16xf32>,
    %slice3A_883 = vector.extract_strided_slice %get3A_852 {offsets = [6], sizes = [1], strides = [1]} : vector<16xf32> to vector<1xf32>
    %squeeze3A_884 = vector.extract %slice3A_883[0] : f32 from vector<1xf32>
    %broadcast_in_dim3A_885 = vector.broadcast %squeeze3A_884 : f32 to vector<16xf32>
    %swap3A_886 = arith.constant 2656 : index
    %swap3A_887 = tpu.vector_load %arg8[%swap3A_886] {strides = array<i32>} : memref<4096xf32, #tpu.memory_space<vmem>>, vector<16xf32>,
    tpu.vector_store %arg8[%swap3A_886], %broadcast_in_dim3A_885 {strides = array<i32>} : memref<4096xf32, #tpu.memory_space<vmem>>, vector<16xf32>,
    %slice3A_888 = vector.extract_strided_slice %get3A_852 {offsets = [7], sizes = [1], strides = [1]} : vector<16xf32> to vector<1xf32>
    %squeeze3A_889 = vector.extract %slice3A_888[0] : f32 from vector<1xf32>
    %broadcast_in_dim3A_890 = vector.broadcast %squeeze3A_889 : f32 to vector<16xf32>
    %swap3A_891 = arith.constant 2672 : index
    %swap3A_892 = tpu.vector_load %arg8[%swap3A_891] {strides = array<i32>} : memref<4096xf32, #tpu.memory_space<vmem>>, vector<16xf32>,
    tpu.vector_store %arg8[%swap3A_891], %broadcast_in_dim3A_890 {strides = array<i32>} : memref<4096xf32, #tpu.memory_space<vmem>>, vector<16xf32>,
    %slice3A_893 = vector.extract_strided_slice %get3A_852 {offsets = [8], sizes = [1], strides = [1]} : vector<16xf32> to vector<1xf32>
    %squeeze3A_894 = vector.extract %slice3A_893[0] : f32 from vector<1xf32>
    %broadcast_in_dim3A_895 = vector.broadcast %squeeze3A_894 : f32 to vector<16xf32>
    %swap3A_896 = arith.constant 2688 : index
    %swap3A_897 = tpu.vector_load %arg8[%swap3A_896] {strides = array<i32>} : memref<4096xf32, #tpu.memory_space<vmem>>, vector<16xf32>,
    tpu.vector_store %arg8[%swap3A_896], %broadcast_in_dim3A_895 {strides = array<i32>} : memref<4096xf32, #tpu.memory_space<vmem>>, vector<16xf32>,
    %slice3A_898 = vector.extract_strided_slice %get3A_852 {offsets = [9], sizes = [1], strides = [1]} : vector<16xf32> to vector<1xf32>
    %squeeze3A_899 = vector.extract %slice3A_898[0] : f32 from vector<1xf32>
    %broadcast_in_dim3A_900 = vector.broadcast %squeeze3A_899 : f32 to vector<16xf32>
    %swap3A_901 = arith.constant 2704 : index
    %swap3A_902 = tpu.vector_load %arg8[%swap3A_901] {strides = array<i32>} : memref<4096xf32, #tpu.memory_space<vmem>>, vector<16xf32>,
    tpu.vector_store %arg8[%swap3A_901], %broadcast_in_dim3A_900 {strides = array<i32>} : memref<4096xf32, #tpu.memory_space<vmem>>, vector<16xf32>,
    %slice3A_903 = vector.extract_strided_slice %get3A_852 {offsets = [10], sizes = [1], strides = [1]} : vector<16xf32> to vector<1xf32>
    %squeeze3A_904 = vector.extract %slice3A_903[0] : f32 from vector<1xf32>
    %broadcast_in_dim3A_905 = vector.broadcast %squeeze3A_904 : f32 to vector<16xf32>
    %swap3A_906 = arith.constant 2720 : index
    %swap3A_907 = tpu.vector_load %arg8[%swap3A_906] {strides = array<i32>} : memref<4096xf32, #tpu.memory_space<vmem>>, vector<16xf32>,
    tpu.vector_store %arg8[%swap3A_906], %broadcast_in_dim3A_905 {strides = array<i32>} : memref<4096xf32, #tpu.memory_space<vmem>>, vector<16xf32>,
    %slice3A_908 = vector.extract_strided_slice %get3A_852 {offsets = [11], sizes = [1], strides = [1]} : vector<16xf32> to vector<1xf32>
    %squeeze3A_909 = vector.extract %slice3A_908[0] : f32 from vector<1xf32>
    %broadcast_in_dim3A_910 = vector.broadcast %squeeze3A_909 : f32 to vector<16xf32>
    %swap3A_911 = arith.constant 2736 : index
    %swap3A_912 = tpu.vector_load %arg8[%swap3A_911] {strides = array<i32>} : memref<4096xf32, #tpu.memory_space<vmem>>, vector<16xf32>,
    tpu.vector_store %arg8[%swap3A_911], %broadcast_in_dim3A_910 {strides = array<i32>} : memref<4096xf32, #tpu.memory_space<vmem>>, vector<16xf32>,
    %slice3A_913 = vector.extract_strided_slice %get3A_852 {offsets = [12], sizes = [1], strides = [1]} : vector<16xf32> to vector<1xf32>
    %squeeze3A_914 = vector.extract %slice3A_913[0] : f32 from vector<1xf32>
    %broadcast_in_dim3A_915 = vector.broadcast %squeeze3A_914 : f32 to vector<16xf32>
    %swap3A_916 = arith.constant 2752 : index
    %swap3A_917 = tpu.vector_load %arg8[%swap3A_916] {strides = array<i32>} : memref<4096xf32, #tpu.memory_space<vmem>>, vector<16xf32>,
    tpu.vector_store %arg8[%swap3A_916], %broadcast_in_dim3A_915 {strides = array<i32>} : memref<4096xf32, #tpu.memory_space<vmem>>, vector<16xf32>,
    %slice3A_918 = vector.extract_strided_slice %get3A_852 {offsets = [13], sizes = [1], strides = [1]} : vector<16xf32> to vector<1xf32>
    %squeeze3A_919 = vector.extract %slice3A_918[0] : f32 from vector<1xf32>
    %broadcast_in_dim3A_920 = vector.broadcast %squeeze3A_919 : f32 to vector<16xf32>
    %swap3A_921 = arith.constant 2768 : index
    %swap3A_922 = tpu.vector_load %arg8[%swap3A_921] {strides = array<i32>} : memref<4096xf32, #tpu.memory_space<vmem>>, vector<16xf32>,
    tpu.vector_store %arg8[%swap3A_921], %broadcast_in_dim3A_920 {strides = array<i32>} : memref<4096xf32, #tpu.memory_space<vmem>>, vector<16xf32>,
    %slice3A_923 = vector.extract_strided_slice %get3A_852 {offsets = [14], sizes = [1], strides = [1]} : vector<16xf32> to vector<1xf32>
    %squeeze3A_924 = vector.extract %slice3A_923[0] : f32 from vector<1xf32>
    %broadcast_in_dim3A_925 = vector.broadcast %squeeze3A_924 : f32 to vector<16xf32>
    %swap3A_926 = arith.constant 2784 : index
    %swap3A_927 = tpu.vector_load %arg8[%swap3A_926] {strides = array<i32>} : memref<4096xf32, #tpu.memory_space<vmem>>, vector<16xf32>,
    tpu.vector_store %arg8[%swap3A_926], %broadcast_in_dim3A_925 {strides = array<i32>} : memref<4096xf32, #tpu.memory_space<vmem>>, vector<16xf32>,
    %slice3A_928 = vector.extract_strided_slice %get3A_852 {offsets = [15], sizes = [1], strides = [1]} : vector<16xf32> to vector<1xf32>
    %squeeze3A_929 = vector.extract %slice3A_928[0] : f32 from vector<1xf32>
    %broadcast_in_dim3A_930 = vector.broadcast %squeeze3A_929 : f32 to vector<16xf32>
    %swap3A_931 = arith.constant 2800 : index
    %swap3A_932 = tpu.vector_load %arg8[%swap3A_931] {strides = array<i32>} : memref<4096xf32, #tpu.memory_space<vmem>>, vector<16xf32>,
    tpu.vector_store %arg8[%swap3A_931], %broadcast_in_dim3A_930 {strides = array<i32>} : memref<4096xf32, #tpu.memory_space<vmem>>, vector<16xf32>,
    %get3A_933 = arith.constant 176 : index
    %get3A_934 = tpu.vector_load %arg7[%get3A_933] {strides = array<i32>} : memref<256xf32, #tpu.memory_space<vmem>>, vector<16xf32>,
    %slice3A_935 = vector.extract_strided_slice %get3A_934 {offsets = [0], sizes = [1], strides = [1]} : vector<16xf32> to vector<1xf32>
    %squeeze3A_936 = vector.extract %slice3A_935[0] : f32 from vector<1xf32>
    %broadcast_in_dim3A_937 = vector.broadcast %squeeze3A_936 : f32 to vector<16xf32>
    %swap3A_938 = arith.constant 2816 : index
    %swap3A_939 = tpu.vector_load %arg8[%swap3A_938] {strides = array<i32>} : memref<4096xf32, #tpu.memory_space<vmem>>, vector<16xf32>,
    tpu.vector_store %arg8[%swap3A_938], %broadcast_in_dim3A_937 {strides = array<i32>} : memref<4096xf32, #tpu.memory_space<vmem>>, vector<16xf32>,
    %slice3A_940 = vector.extract_strided_slice %get3A_934 {offsets = [1], sizes = [1], strides = [1]} : vector<16xf32> to vector<1xf32>
    %squeeze3A_941 = vector.extract %slice3A_940[0] : f32 from vector<1xf32>
    %broadcast_in_dim3A_942 = vector.broadcast %squeeze3A_941 : f32 to vector<16xf32>
    %swap3A_943 = arith.constant 2832 : index
    %swap3A_944 = tpu.vector_load %arg8[%swap3A_943] {strides = array<i32>} : memref<4096xf32, #tpu.memory_space<vmem>>, vector<16xf32>,
    tpu.vector_store %arg8[%swap3A_943], %broadcast_in_dim3A_942 {strides = array<i32>} : memref<4096xf32, #tpu.memory_space<vmem>>, vector<16xf32>,
    %slice3A_945 = vector.extract_strided_slice %get3A_934 {offsets = [2], sizes = [1], strides = [1]} : vector<16xf32> to vector<1xf32>
    %squeeze3A_946 = vector.extract %slice3A_945[0] : f32 from vector<1xf32>
    %broadcast_in_dim3A_947 = vector.broadcast %squeeze3A_946 : f32 to vector<16xf32>
    %swap3A_948 = arith.constant 2848 : index
    %swap3A_949 = tpu.vector_load %arg8[%swap3A_948] {strides = array<i32>} : memref<4096xf32, #tpu.memory_space<vmem>>, vector<16xf32>,
    tpu.vector_store %arg8[%swap3A_948], %broadcast_in_dim3A_947 {strides = array<i32>} : memref<4096xf32, #tpu.memory_space<vmem>>, vector<16xf32>,
    %slice3A_950 = vector.extract_strided_slice %get3A_934 {offsets = [3], sizes = [1], strides = [1]} : vector<16xf32> to vector<1xf32>
    %squeeze3A_951 = vector.extract %slice3A_950[0] : f32 from vector<1xf32>
    %broadcast_in_dim3A_952 = vector.broadcast %squeeze3A_951 : f32 to vector<16xf32>
    %swap3A_953 = arith.constant 2864 : index
    %swap3A_954 = tpu.vector_load %arg8[%swap3A_953] {strides = array<i32>} : memref<4096xf32, #tpu.memory_space<vmem>>, vector<16xf32>,
    tpu.vector_store %arg8[%swap3A_953], %broadcast_in_dim3A_952 {strides = array<i32>} : memref<4096xf32, #tpu.memory_space<vmem>>, vector<16xf32>,
    %slice3A_955 = vector.extract_strided_slice %get3A_934 {offsets = [4], sizes = [1], strides = [1]} : vector<16xf32> to vector<1xf32>
    %squeeze3A_956 = vector.extract %slice3A_955[0] : f32 from vector<1xf32>
    %broadcast_in_dim3A_957 = vector.broadcast %squeeze3A_956 : f32 to vector<16xf32>
    %swap3A_958 = arith.constant 2880 : index
    %swap3A_959 = tpu.vector_load %arg8[%swap3A_958] {strides = array<i32>} : memref<4096xf32, #tpu.memory_space<vmem>>, vector<16xf32>,
    tpu.vector_store %arg8[%swap3A_958], %broadcast_in_dim3A_957 {strides = array<i32>} : memref<4096xf32, #tpu.memory_space<vmem>>, vector<16xf32>,
    %slice3A_960 = vector.extract_strided_slice %get3A_934 {offsets = [5], sizes = [1], strides = [1]} : vector<16xf32> to vector<1xf32>
    %squeeze3A_961 = vector.extract %slice3A_960[0] : f32 from vector<1xf32>
    %broadcast_in_dim3A_962 = vector.broadcast %squeeze3A_961 : f32 to vector<16xf32>
    %swap3A_963 = arith.constant 2896 : index
    %swap3A_964 = tpu.vector_load %arg8[%swap3A_963] {strides = array<i32>} : memref<4096xf32, #tpu.memory_space<vmem>>, vector<16xf32>,
    tpu.vector_store %arg8[%swap3A_963], %broadcast_in_dim3A_962 {strides = array<i32>} : memref<4096xf32, #tpu.memory_space<vmem>>, vector<16xf32>,
    %slice3A_965 = vector.extract_strided_slice %get3A_934 {offsets = [6], sizes = [1], strides = [1]} : vector<16xf32> to vector<1xf32>
    %squeeze3A_966 = vector.extract %slice3A_965[0] : f32 from vector<1xf32>
    %broadcast_in_dim3A_967 = vector.broadcast %squeeze3A_966 : f32 to vector<16xf32>
    %swap3A_968 = arith.constant 2912 : index
    %swap3A_969 = tpu.vector_load %arg8[%swap3A_968] {strides = array<i32>} : memref<4096xf32, #tpu.memory_space<vmem>>, vector<16xf32>,
    tpu.vector_store %arg8[%swap3A_968], %broadcast_in_dim3A_967 {strides = array<i32>} : memref<4096xf32, #tpu.memory_space<vmem>>, vector<16xf32>,
    %slice3A_970 = vector.extract_strided_slice %get3A_934 {offsets = [7], sizes = [1], strides = [1]} : vector<16xf32> to vector<1xf32>
    %squeeze3A_971 = vector.extract %slice3A_970[0] : f32 from vector<1xf32>
    %broadcast_in_dim3A_972 = vector.broadcast %squeeze3A_971 : f32 to vector<16xf32>
    %swap3A_973 = arith.constant 2928 : index
    %swap3A_974 = tpu.vector_load %arg8[%swap3A_973] {strides = array<i32>} : memref<4096xf32, #tpu.memory_space<vmem>>, vector<16xf32>,
    tpu.vector_store %arg8[%swap3A_973], %broadcast_in_dim3A_972 {strides = array<i32>} : memref<4096xf32, #tpu.memory_space<vmem>>, vector<16xf32>,
    %slice3A_975 = vector.extract_strided_slice %get3A_934 {offsets = [8], sizes = [1], strides = [1]} : vector<16xf32> to vector<1xf32>
    %squeeze3A_976 = vector.extract %slice3A_975[0] : f32 from vector<1xf32>
    %broadcast_in_dim3A_977 = vector.broadcast %squeeze3A_976 : f32 to vector<16xf32>
    %swap3A_978 = arith.constant 2944 : index
    %swap3A_979 = tpu.vector_load %arg8[%swap3A_978] {strides = array<i32>} : memref<4096xf32, #tpu.memory_space<vmem>>, vector<16xf32>,
    tpu.vector_store %arg8[%swap3A_978], %broadcast_in_dim3A_977 {strides = array<i32>} : memref<4096xf32, #tpu.memory_space<vmem>>, vector<16xf32>,
    %slice3A_980 = vector.extract_strided_slice %get3A_934 {offsets = [9], sizes = [1], strides = [1]} : vector<16xf32> to vector<1xf32>
    %squeeze3A_981 = vector.extract %slice3A_980[0] : f32 from vector<1xf32>
    %broadcast_in_dim3A_982 = vector.broadcast %squeeze3A_981 : f32 to vector<16xf32>
    %swap3A_983 = arith.constant 2960 : index
    %swap3A_984 = tpu.vector_load %arg8[%swap3A_983] {strides = array<i32>} : memref<4096xf32, #tpu.memory_space<vmem>>, vector<16xf32>,
    tpu.vector_store %arg8[%swap3A_983], %broadcast_in_dim3A_982 {strides = array<i32>} : memref<4096xf32, #tpu.memory_space<vmem>>, vector<16xf32>,
    %slice3A_985 = vector.extract_strided_slice %get3A_934 {offsets = [10], sizes = [1], strides = [1]} : vector<16xf32> to vector<1xf32>
    %squeeze3A_986 = vector.extract %slice3A_985[0] : f32 from vector<1xf32>
    %broadcast_in_dim3A_987 = vector.broadcast %squeeze3A_986 : f32 to vector<16xf32>
    %swap3A_988 = arith.constant 2976 : index
    %swap3A_989 = tpu.vector_load %arg8[%swap3A_988] {strides = array<i32>} : memref<4096xf32, #tpu.memory_space<vmem>>, vector<16xf32>,
    tpu.vector_store %arg8[%swap3A_988], %broadcast_in_dim3A_987 {strides = array<i32>} : memref<4096xf32, #tpu.memory_space<vmem>>, vector<16xf32>,
    %slice3A_990 = vector.extract_strided_slice %get3A_934 {offsets = [11], sizes = [1], strides = [1]} : vector<16xf32> to vector<1xf32>
    %squeeze3A_991 = vector.extract %slice3A_990[0] : f32 from vector<1xf32>
    %broadcast_in_dim3A_992 = vector.broadcast %squeeze3A_991 : f32 to vector<16xf32>
    %swap3A_993 = arith.constant 2992 : index
    %swap3A_994 = tpu.vector_load %arg8[%swap3A_993] {strides = array<i32>} : memref<4096xf32, #tpu.memory_space<vmem>>, vector<16xf32>,
    tpu.vector_store %arg8[%swap3A_993], %broadcast_in_dim3A_992 {strides = array<i32>} : memref<4096xf32, #tpu.memory_space<vmem>>, vector<16xf32>,
    %slice3A_995 = vector.extract_strided_slice %get3A_934 {offsets = [12], sizes = [1], strides = [1]} : vector<16xf32> to vector<1xf32>
    %squeeze3A_996 = vector.extract %slice3A_995[0] : f32 from vector<1xf32>
    %broadcast_in_dim3A_997 = vector.broadcast %squeeze3A_996 : f32 to vector<16xf32>
    %swap3A_998 = arith.constant 3008 : index
    %swap3A_999 = tpu.vector_load %arg8[%swap3A_998] {strides = array<i32>} : memref<4096xf32, #tpu.memory_space<vmem>>, vector<16xf32>,
    tpu.vector_store %arg8[%swap3A_998], %broadcast_in_dim3A_997 {strides = array<i32>} : memref<4096xf32, #tpu.memory_space<vmem>>, vector<16xf32>,
    %slice3A_1000 = vector.extract_strided_slice %get3A_934 {offsets = [13], sizes = [1], strides = [1]} : vector<16xf32> to vector<1xf32>
    %squeeze3A_1001 = vector.extract %slice3A_1000[0] : f32 from vector<1xf32>
    %broadcast_in_dim3A_1002 = vector.broadcast %squeeze3A_1001 : f32 to vector<16xf32>
    %swap3A_1003 = arith.constant 3024 : index
    %swap3A_1004 = tpu.vector_load %arg8[%swap3A_1003] {strides = array<i32>} : memref<4096xf32, #tpu.memory_space<vmem>>, vector<16xf32>,
    tpu.vector_store %arg8[%swap3A_1003], %broadcast_in_dim3A_1002 {strides = array<i32>} : memref<4096xf32, #tpu.memory_space<vmem>>, vector<16xf32>,
    %slice3A_1005 = vector.extract_strided_slice %get3A_934 {offsets = [14], sizes = [1], strides = [1]} : vector<16xf32> to vector<1xf32>
    %squeeze3A_1006 = vector.extract %slice3A_1005[0] : f32 from vector<1xf32>
    %broadcast_in_dim3A_1007 = vector.broadcast %squeeze3A_1006 : f32 to vector<16xf32>
    %swap3A_1008 = arith.constant 3040 : index
    %swap3A_1009 = tpu.vector_load %arg8[%swap3A_1008] {strides = array<i32>} : memref<4096xf32, #tpu.memory_space<vmem>>, vector<16xf32>,
    tpu.vector_store %arg8[%swap3A_1008], %broadcast_in_dim3A_1007 {strides = array<i32>} : memref<4096xf32, #tpu.memory_space<vmem>>, vector<16xf32>,
    %slice3A_1010 = vector.extract_strided_slice %get3A_934 {offsets = [15], sizes = [1], strides = [1]} : vector<16xf32> to vector<1xf32>
    %squeeze3A_1011 = vector.extract %slice3A_1010[0] : f32 from vector<1xf32>
    %broadcast_in_dim3A_1012 = vector.broadcast %squeeze3A_1011 : f32 to vector<16xf32>
    %swap3A_1013 = arith.constant 3056 : index
    %swap3A_1014 = tpu.vector_load %arg8[%swap3A_1013] {strides = array<i32>} : memref<4096xf32, #tpu.memory_space<vmem>>, vector<16xf32>,
    tpu.vector_store %arg8[%swap3A_1013], %broadcast_in_dim3A_1012 {strides = array<i32>} : memref<4096xf32, #tpu.memory_space<vmem>>, vector<16xf32>,
    %get3A_1015 = arith.constant 192 : index
    %get3A_1016 = tpu.vector_load %arg7[%get3A_1015] {strides = array<i32>} : memref<256xf32, #tpu.memory_space<vmem>>, vector<16xf32>,
    %slice3A_1017 = vector.extract_strided_slice %get3A_1016 {offsets = [0], sizes = [1], strides = [1]} : vector<16xf32> to vector<1xf32>
    %squeeze3A_1018 = vector.extract %slice3A_1017[0] : f32 from vector<1xf32>
    %broadcast_in_dim3A_1019 = vector.broadcast %squeeze3A_1018 : f32 to vector<16xf32>
    %swap3A_1020 = arith.constant 3072 : index
    %swap3A_1021 = tpu.vector_load %arg8[%swap3A_1020] {strides = array<i32>} : memref<4096xf32, #tpu.memory_space<vmem>>, vector<16xf32>,
    tpu.vector_store %arg8[%swap3A_1020], %broadcast_in_dim3A_1019 {strides = array<i32>} : memref<4096xf32, #tpu.memory_space<vmem>>, vector<16xf32>,
    %slice3A_1022 = vector.extract_strided_slice %get3A_1016 {offsets = [1], sizes = [1], strides = [1]} : vector<16xf32> to vector<1xf32>
    %squeeze3A_1023 = vector.extract %slice3A_1022[0] : f32 from vector<1xf32>
    %broadcast_in_dim3A_1024 = vector.broadcast %squeeze3A_1023 : f32 to vector<16xf32>
    %swap3A_1025 = arith.constant 3088 : index
    %swap3A_1026 = tpu.vector_load %arg8[%swap3A_1025] {strides = array<i32>} : memref<4096xf32, #tpu.memory_space<vmem>>, vector<16xf32>,
    tpu.vector_store %arg8[%swap3A_1025], %broadcast_in_dim3A_1024 {strides = array<i32>} : memref<4096xf32, #tpu.memory_space<vmem>>, vector<16xf32>,
    %slice3A_1027 = vector.extract_strided_slice %get3A_1016 {offsets = [2], sizes = [1], strides = [1]} : vector<16xf32> to vector<1xf32>
    %squeeze3A_1028 = vector.extract %slice3A_1027[0] : f32 from vector<1xf32>
    %broadcast_in_dim3A_1029 = vector.broadcast %squeeze3A_1028 : f32 to vector<16xf32>
    %swap3A_1030 = arith.constant 3104 : index
    %swap3A_1031 = tpu.vector_load %arg8[%swap3A_1030] {strides = array<i32>} : memref<4096xf32, #tpu.memory_space<vmem>>, vector<16xf32>,
    tpu.vector_store %arg8[%swap3A_1030], %broadcast_in_dim3A_1029 {strides = array<i32>} : memref<4096xf32, #tpu.memory_space<vmem>>, vector<16xf32>,
    %slice3A_1032 = vector.extract_strided_slice %get3A_1016 {offsets = [3], sizes = [1], strides = [1]} : vector<16xf32> to vector<1xf32>
    %squeeze3A_1033 = vector.extract %slice3A_1032[0] : f32 from vector<1xf32>
    %broadcast_in_dim3A_1034 = vector.broadcast %squeeze3A_1033 : f32 to vector<16xf32>
    %swap3A_1035 = arith.constant 3120 : index
    %swap3A_1036 = tpu.vector_load %arg8[%swap3A_1035] {strides = array<i32>} : memref<4096xf32, #tpu.memory_space<vmem>>, vector<16xf32>,
    tpu.vector_store %arg8[%swap3A_1035], %broadcast_in_dim3A_1034 {strides = array<i32>} : memref<4096xf32, #tpu.memory_space<vmem>>, vector<16xf32>,
    %slice3A_1037 = vector.extract_strided_slice %get3A_1016 {offsets = [4], sizes = [1], strides = [1]} : vector<16xf32> to vector<1xf32>
    %squeeze3A_1038 = vector.extract %slice3A_1037[0] : f32 from vector<1xf32>
    %broadcast_in_dim3A_1039 = vector.broadcast %squeeze3A_1038 : f32 to vector<16xf32>
    %swap3A_1040 = arith.constant 3136 : index
    %swap3A_1041 = tpu.vector_load %arg8[%swap3A_1040] {strides = array<i32>} : memref<4096xf32, #tpu.memory_space<vmem>>, vector<16xf32>,
    tpu.vector_store %arg8[%swap3A_1040], %broadcast_in_dim3A_1039 {strides = array<i32>} : memref<4096xf32, #tpu.memory_space<vmem>>, vector<16xf32>,
    %slice3A_1042 = vector.extract_strided_slice %get3A_1016 {offsets = [5], sizes = [1], strides = [1]} : vector<16xf32> to vector<1xf32>
    %squeeze3A_1043 = vector.extract %slice3A_1042[0] : f32 from vector<1xf32>
    %broadcast_in_dim3A_1044 = vector.broadcast %squeeze3A_1043 : f32 to vector<16xf32>
    %swap3A_1045 = arith.constant 3152 : index
    %swap3A_1046 = tpu.vector_load %arg8[%swap3A_1045] {strides = array<i32>} : memref<4096xf32, #tpu.memory_space<vmem>>, vector<16xf32>,
    tpu.vector_store %arg8[%swap3A_1045], %broadcast_in_dim3A_1044 {strides = array<i32>} : memref<4096xf32, #tpu.memory_space<vmem>>, vector<16xf32>,
    %slice3A_1047 = vector.extract_strided_slice %get3A_1016 {offsets = [6], sizes = [1], strides = [1]} : vector<16xf32> to vector<1xf32>
    %squeeze3A_1048 = vector.extract %slice3A_1047[0] : f32 from vector<1xf32>
    %broadcast_in_dim3A_1049 = vector.broadcast %squeeze3A_1048 : f32 to vector<16xf32>
    %swap3A_1050 = arith.constant 3168 : index
    %swap3A_1051 = tpu.vector_load %arg8[%swap3A_1050] {strides = array<i32>} : memref<4096xf32, #tpu.memory_space<vmem>>, vector<16xf32>,
    tpu.vector_store %arg8[%swap3A_1050], %broadcast_in_dim3A_1049 {strides = array<i32>} : memref<4096xf32, #tpu.memory_space<vmem>>, vector<16xf32>,
    %slice3A_1052 = vector.extract_strided_slice %get3A_1016 {offsets = [7], sizes = [1], strides = [1]} : vector<16xf32> to vector<1xf32>
    %squeeze3A_1053 = vector.extract %slice3A_1052[0] : f32 from vector<1xf32>
    %broadcast_in_dim3A_1054 = vector.broadcast %squeeze3A_1053 : f32 to vector<16xf32>
    %swap3A_1055 = arith.constant 3184 : index
    %swap3A_1056 = tpu.vector_load %arg8[%swap3A_1055] {strides = array<i32>} : memref<4096xf32, #tpu.memory_space<vmem>>, vector<16xf32>,
    tpu.vector_store %arg8[%swap3A_1055], %broadcast_in_dim3A_1054 {strides = array<i32>} : memref<4096xf32, #tpu.memory_space<vmem>>, vector<16xf32>,
    %slice3A_1057 = vector.extract_strided_slice %get3A_1016 {offsets = [8], sizes = [1], strides = [1]} : vector<16xf32> to vector<1xf32>
    %squeeze3A_1058 = vector.extract %slice3A_1057[0] : f32 from vector<1xf32>
    %broadcast_in_dim3A_1059 = vector.broadcast %squeeze3A_1058 : f32 to vector<16xf32>
    %swap3A_1060 = arith.constant 3200 : index
    %swap3A_1061 = tpu.vector_load %arg8[%swap3A_1060] {strides = array<i32>} : memref<4096xf32, #tpu.memory_space<vmem>>, vector<16xf32>,
    tpu.vector_store %arg8[%swap3A_1060], %broadcast_in_dim3A_1059 {strides = array<i32>} : memref<4096xf32, #tpu.memory_space<vmem>>, vector<16xf32>,
    %slice3A_1062 = vector.extract_strided_slice %get3A_1016 {offsets = [9], sizes = [1], strides = [1]} : vector<16xf32> to vector<1xf32>
    %squeeze3A_1063 = vector.extract %slice3A_1062[0] : f32 from vector<1xf32>
    %broadcast_in_dim3A_1064 = vector.broadcast %squeeze3A_1063 : f32 to vector<16xf32>
    %swap3A_1065 = arith.constant 3216 : index
    %swap3A_1066 = tpu.vector_load %arg8[%swap3A_1065] {strides = array<i32>} : memref<4096xf32, #tpu.memory_space<vmem>>, vector<16xf32>,
    tpu.vector_store %arg8[%swap3A_1065], %broadcast_in_dim3A_1064 {strides = array<i32>} : memref<4096xf32, #tpu.memory_space<vmem>>, vector<16xf32>,
    %slice3A_1067 = vector.extract_strided_slice %get3A_1016 {offsets = [10], sizes = [1], strides = [1]} : vector<16xf32> to vector<1xf32>
    %squeeze3A_1068 = vector.extract %slice3A_1067[0] : f32 from vector<1xf32>
    %broadcast_in_dim3A_1069 = vector.broadcast %squeeze3A_1068 : f32 to vector<16xf32>
    %swap3A_1070 = arith.constant 3232 : index
    %swap3A_1071 = tpu.vector_load %arg8[%swap3A_1070] {strides = array<i32>} : memref<4096xf32, #tpu.memory_space<vmem>>, vector<16xf32>,
    tpu.vector_store %arg8[%swap3A_1070], %broadcast_in_dim3A_1069 {strides = array<i32>} : memref<4096xf32, #tpu.memory_space<vmem>>, vector<16xf32>,
    %slice3A_1072 = vector.extract_strided_slice %get3A_1016 {offsets = [11], sizes = [1], strides = [1]} : vector<16xf32> to vector<1xf32>
    %squeeze3A_1073 = vector.extract %slice3A_1072[0] : f32 from vector<1xf32>
    %broadcast_in_dim3A_1074 = vector.broadcast %squeeze3A_1073 : f32 to vector<16xf32>
    %swap3A_1075 = arith.constant 3248 : index
    %swap3A_1076 = tpu.vector_load %arg8[%swap3A_1075] {strides = array<i32>} : memref<4096xf32, #tpu.memory_space<vmem>>, vector<16xf32>,
    tpu.vector_store %arg8[%swap3A_1075], %broadcast_in_dim3A_1074 {strides = array<i32>} : memref<4096xf32, #tpu.memory_space<vmem>>, vector<16xf32>,
    %slice3A_1077 = vector.extract_strided_slice %get3A_1016 {offsets = [12], sizes = [1], strides = [1]} : vector<16xf32> to vector<1xf32>
    %squeeze3A_1078 = vector.extract %slice3A_1077[0] : f32 from vector<1xf32>
    %broadcast_in_dim3A_1079 = vector.broadcast %squeeze3A_1078 : f32 to vector<16xf32>
    %swap3A_1080 = arith.constant 3264 : index
    %swap3A_1081 = tpu.vector_load %arg8[%swap3A_1080] {strides = array<i32>} : memref<4096xf32, #tpu.memory_space<vmem>>, vector<16xf32>,
    tpu.vector_store %arg8[%swap3A_1080], %broadcast_in_dim3A_1079 {strides = array<i32>} : memref<4096xf32, #tpu.memory_space<vmem>>, vector<16xf32>,
    %slice3A_1082 = vector.extract_strided_slice %get3A_1016 {offsets = [13], sizes = [1], strides = [1]} : vector<16xf32> to vector<1xf32>
    %squeeze3A_1083 = vector.extract %slice3A_1082[0] : f32 from vector<1xf32>
    %broadcast_in_dim3A_1084 = vector.broadcast %squeeze3A_1083 : f32 to vector<16xf32>
    %swap3A_1085 = arith.constant 3280 : index
    %swap3A_1086 = tpu.vector_load %arg8[%swap3A_1085] {strides = array<i32>} : memref<4096xf32, #tpu.memory_space<vmem>>, vector<16xf32>,
    tpu.vector_store %arg8[%swap3A_1085], %broadcast_in_dim3A_1084 {strides = array<i32>} : memref<4096xf32, #tpu.memory_space<vmem>>, vector<16xf32>,
    %slice3A_1087 = vector.extract_strided_slice %get3A_1016 {offsets = [14], sizes = [1], strides = [1]} : vector<16xf32> to vector<1xf32>
    %squeeze3A_1088 = vector.extract %slice3A_1087[0] : f32 from vector<1xf32>
    %broadcast_in_dim3A_1089 = vector.broadcast %squeeze3A_1088 : f32 to vector<16xf32>
    %swap3A_1090 = arith.constant 3296 : index
    %swap3A_1091 = tpu.vector_load %arg8[%swap3A_1090] {strides = array<i32>} : memref<4096xf32, #tpu.memory_space<vmem>>, vector<16xf32>,
    tpu.vector_store %arg8[%swap3A_1090], %broadcast_in_dim3A_1089 {strides = array<i32>} : memref<4096xf32, #tpu.memory_space<vmem>>, vector<16xf32>,
    %slice3A_1092 = vector.extract_strided_slice %get3A_1016 {offsets = [15], sizes = [1], strides = [1]} : vector<16xf32> to vector<1xf32>
    %squeeze3A_1093 = vector.extract %slice3A_1092[0] : f32 from vector<1xf32>
    %broadcast_in_dim3A_1094 = vector.broadcast %squeeze3A_1093 : f32 to vector<16xf32>
    %swap3A_1095 = arith.constant 3312 : index
    %swap3A_1096 = tpu.vector_load %arg8[%swap3A_1095] {strides = array<i32>} : memref<4096xf32, #tpu.memory_space<vmem>>, vector<16xf32>,
    tpu.vector_store %arg8[%swap3A_1095], %broadcast_in_dim3A_1094 {strides = array<i32>} : memref<4096xf32, #tpu.memory_space<vmem>>, vector<16xf32>,
    %get3A_1097 = arith.constant 208 : index
    %get3A_1098 = tpu.vector_load %arg7[%get3A_1097] {strides = array<i32>} : memref<256xf32, #tpu.memory_space<vmem>>, vector<16xf32>,
    %slice3A_1099 = vector.extract_strided_slice %get3A_1098 {offsets = [0], sizes = [1], strides = [1]} : vector<16xf32> to vector<1xf32>
    %squeeze3A_1100 = vector.extract %slice3A_1099[0] : f32 from vector<1xf32>
    %broadcast_in_dim3A_1101 = vector.broadcast %squeeze3A_1100 : f32 to vector<16xf32>
    %swap3A_1102 = arith.constant 3328 : index
    %swap3A_1103 = tpu.vector_load %arg8[%swap3A_1102] {strides = array<i32>} : memref<4096xf32, #tpu.memory_space<vmem>>, vector<16xf32>,
    tpu.vector_store %arg8[%swap3A_1102], %broadcast_in_dim3A_1101 {strides = array<i32>} : memref<4096xf32, #tpu.memory_space<vmem>>, vector<16xf32>,
    %slice3A_1104 = vector.extract_strided_slice %get3A_1098 {offsets = [1], sizes = [1], strides = [1]} : vector<16xf32> to vector<1xf32>
    %squeeze3A_1105 = vector.extract %slice3A_1104[0] : f32 from vector<1xf32>
    %broadcast_in_dim3A_1106 = vector.broadcast %squeeze3A_1105 : f32 to vector<16xf32>
    %swap3A_1107 = arith.constant 3344 : index
    %swap3A_1108 = tpu.vector_load %arg8[%swap3A_1107] {strides = array<i32>} : memref<4096xf32, #tpu.memory_space<vmem>>, vector<16xf32>,
    tpu.vector_store %arg8[%swap3A_1107], %broadcast_in_dim3A_1106 {strides = array<i32>} : memref<4096xf32, #tpu.memory_space<vmem>>, vector<16xf32>,
    %slice3A_1109 = vector.extract_strided_slice %get3A_1098 {offsets = [2], sizes = [1], strides = [1]} : vector<16xf32> to vector<1xf32>
    %squeeze3A_1110 = vector.extract %slice3A_1109[0] : f32 from vector<1xf32>
    %broadcast_in_dim3A_1111 = vector.broadcast %squeeze3A_1110 : f32 to vector<16xf32>
    %swap3A_1112 = arith.constant 3360 : index
    %swap3A_1113 = tpu.vector_load %arg8[%swap3A_1112] {strides = array<i32>} : memref<4096xf32, #tpu.memory_space<vmem>>, vector<16xf32>,
    tpu.vector_store %arg8[%swap3A_1112], %broadcast_in_dim3A_1111 {strides = array<i32>} : memref<4096xf32, #tpu.memory_space<vmem>>, vector<16xf32>,
    %slice3A_1114 = vector.extract_strided_slice %get3A_1098 {offsets = [3], sizes = [1], strides = [1]} : vector<16xf32> to vector<1xf32>
    %squeeze3A_1115 = vector.extract %slice3A_1114[0] : f32 from vector<1xf32>
    %broadcast_in_dim3A_1116 = vector.broadcast %squeeze3A_1115 : f32 to vector<16xf32>
    %swap3A_1117 = arith.constant 3376 : index
    %swap3A_1118 = tpu.vector_load %arg8[%swap3A_1117] {strides = array<i32>} : memref<4096xf32, #tpu.memory_space<vmem>>, vector<16xf32>,
    tpu.vector_store %arg8[%swap3A_1117], %broadcast_in_dim3A_1116 {strides = array<i32>} : memref<4096xf32, #tpu.memory_space<vmem>>, vector<16xf32>,
    %slice3A_1119 = vector.extract_strided_slice %get3A_1098 {offsets = [4], sizes = [1], strides = [1]} : vector<16xf32> to vector<1xf32>
    %squeeze3A_1120 = vector.extract %slice3A_1119[0] : f32 from vector<1xf32>
    %broadcast_in_dim3A_1121 = vector.broadcast %squeeze3A_1120 : f32 to vector<16xf32>
    %swap3A_1122 = arith.constant 3392 : index
    %swap3A_1123 = tpu.vector_load %arg8[%swap3A_1122] {strides = array<i32>} : memref<4096xf32, #tpu.memory_space<vmem>>, vector<16xf32>,
    tpu.vector_store %arg8[%swap3A_1122], %broadcast_in_dim3A_1121 {strides = array<i32>} : memref<4096xf32, #tpu.memory_space<vmem>>, vector<16xf32>,
    %slice3A_1124 = vector.extract_strided_slice %get3A_1098 {offsets = [5], sizes = [1], strides = [1]} : vector<16xf32> to vector<1xf32>
    %squeeze3A_1125 = vector.extract %slice3A_1124[0] : f32 from vector<1xf32>
    %broadcast_in_dim3A_1126 = vector.broadcast %squeeze3A_1125 : f32 to vector<16xf32>
    %swap3A_1127 = arith.constant 3408 : index
    %swap3A_1128 = tpu.vector_load %arg8[%swap3A_1127] {strides = array<i32>} : memref<4096xf32, #tpu.memory_space<vmem>>, vector<16xf32>,
    tpu.vector_store %arg8[%swap3A_1127], %broadcast_in_dim3A_1126 {strides = array<i32>} : memref<4096xf32, #tpu.memory_space<vmem>>, vector<16xf32>,
    %slice3A_1129 = vector.extract_strided_slice %get3A_1098 {offsets = [6], sizes = [1], strides = [1]} : vector<16xf32> to vector<1xf32>
    %squeeze3A_1130 = vector.extract %slice3A_1129[0] : f32 from vector<1xf32>
    %broadcast_in_dim3A_1131 = vector.broadcast %squeeze3A_1130 : f32 to vector<16xf32>
    %swap3A_1132 = arith.constant 3424 : index
    %swap3A_1133 = tpu.vector_load %arg8[%swap3A_1132] {strides = array<i32>} : memref<4096xf32, #tpu.memory_space<vmem>>, vector<16xf32>,
    tpu.vector_store %arg8[%swap3A_1132], %broadcast_in_dim3A_1131 {strides = array<i32>} : memref<4096xf32, #tpu.memory_space<vmem>>, vector<16xf32>,
    %slice3A_1134 = vector.extract_strided_slice %get3A_1098 {offsets = [7], sizes = [1], strides = [1]} : vector<16xf32> to vector<1xf32>
    %squeeze3A_1135 = vector.extract %slice3A_1134[0] : f32 from vector<1xf32>
    %broadcast_in_dim3A_1136 = vector.broadcast %squeeze3A_1135 : f32 to vector<16xf32>
    %swap3A_1137 = arith.constant 3440 : index
    %swap3A_1138 = tpu.vector_load %arg8[%swap3A_1137] {strides = array<i32>} : memref<4096xf32, #tpu.memory_space<vmem>>, vector<16xf32>,
    tpu.vector_store %arg8[%swap3A_1137], %broadcast_in_dim3A_1136 {strides = array<i32>} : memref<4096xf32, #tpu.memory_space<vmem>>, vector<16xf32>,
    %slice3A_1139 = vector.extract_strided_slice %get3A_1098 {offsets = [8], sizes = [1], strides = [1]} : vector<16xf32> to vector<1xf32>
    %squeeze3A_1140 = vector.extract %slice3A_1139[0] : f32 from vector<1xf32>
    %broadcast_in_dim3A_1141 = vector.broadcast %squeeze3A_1140 : f32 to vector<16xf32>
    %swap3A_1142 = arith.constant 3456 : index
    %swap3A_1143 = tpu.vector_load %arg8[%swap3A_1142] {strides = array<i32>} : memref<4096xf32, #tpu.memory_space<vmem>>, vector<16xf32>,
    tpu.vector_store %arg8[%swap3A_1142], %broadcast_in_dim3A_1141 {strides = array<i32>} : memref<4096xf32, #tpu.memory_space<vmem>>, vector<16xf32>,
    %slice3A_1144 = vector.extract_strided_slice %get3A_1098 {offsets = [9], sizes = [1], strides = [1]} : vector<16xf32> to vector<1xf32>
    %squeeze3A_1145 = vector.extract %slice3A_1144[0] : f32 from vector<1xf32>
    %broadcast_in_dim3A_1146 = vector.broadcast %squeeze3A_1145 : f32 to vector<16xf32>
    %swap3A_1147 = arith.constant 3472 : index
    %swap3A_1148 = tpu.vector_load %arg8[%swap3A_1147] {strides = array<i32>} : memref<4096xf32, #tpu.memory_space<vmem>>, vector<16xf32>,
    tpu.vector_store %arg8[%swap3A_1147], %broadcast_in_dim3A_1146 {strides = array<i32>} : memref<4096xf32, #tpu.memory_space<vmem>>, vector<16xf32>,
    %slice3A_1149 = vector.extract_strided_slice %get3A_1098 {offsets = [10], sizes = [1], strides = [1]} : vector<16xf32> to vector<1xf32>
    %squeeze3A_1150 = vector.extract %slice3A_1149[0] : f32 from vector<1xf32>
    %broadcast_in_dim3A_1151 = vector.broadcast %squeeze3A_1150 : f32 to vector<16xf32>
    %swap3A_1152 = arith.constant 3488 : index
    %swap3A_1153 = tpu.vector_load %arg8[%swap3A_1152] {strides = array<i32>} : memref<4096xf32, #tpu.memory_space<vmem>>, vector<16xf32>,
    tpu.vector_store %arg8[%swap3A_1152], %broadcast_in_dim3A_1151 {strides = array<i32>} : memref<4096xf32, #tpu.memory_space<vmem>>, vector<16xf32>,
    %slice3A_1154 = vector.extract_strided_slice %get3A_1098 {offsets = [11], sizes = [1], strides = [1]} : vector<16xf32> to vector<1xf32>
    %squeeze3A_1155 = vector.extract %slice3A_1154[0] : f32 from vector<1xf32>
    %broadcast_in_dim3A_1156 = vector.broadcast %squeeze3A_1155 : f32 to vector<16xf32>
    %swap3A_1157 = arith.constant 3504 : index
    %swap3A_1158 = tpu.vector_load %arg8[%swap3A_1157] {strides = array<i32>} : memref<4096xf32, #tpu.memory_space<vmem>>, vector<16xf32>,
    tpu.vector_store %arg8[%swap3A_1157], %broadcast_in_dim3A_1156 {strides = array<i32>} : memref<4096xf32, #tpu.memory_space<vmem>>, vector<16xf32>,
    %slice3A_1159 = vector.extract_strided_slice %get3A_1098 {offsets = [12], sizes = [1], strides = [1]} : vector<16xf32> to vector<1xf32>
    %squeeze3A_1160 = vector.extract %slice3A_1159[0] : f32 from vector<1xf32>
    %broadcast_in_dim3A_1161 = vector.broadcast %squeeze3A_1160 : f32 to vector<16xf32>
    %swap3A_1162 = arith.constant 3520 : index
    %swap3A_1163 = tpu.vector_load %arg8[%swap3A_1162] {strides = array<i32>} : memref<4096xf32, #tpu.memory_space<vmem>>, vector<16xf32>,
    tpu.vector_store %arg8[%swap3A_1162], %broadcast_in_dim3A_1161 {strides = array<i32>} : memref<4096xf32, #tpu.memory_space<vmem>>, vector<16xf32>,
    %slice3A_1164 = vector.extract_strided_slice %get3A_1098 {offsets = [13], sizes = [1], strides = [1]} : vector<16xf32> to vector<1xf32>
    %squeeze3A_1165 = vector.extract %slice3A_1164[0] : f32 from vector<1xf32>
    %broadcast_in_dim3A_1166 = vector.broadcast %squeeze3A_1165 : f32 to vector<16xf32>
    %swap3A_1167 = arith.constant 3536 : index
    %swap3A_1168 = tpu.vector_load %arg8[%swap3A_1167] {strides = array<i32>} : memref<4096xf32, #tpu.memory_space<vmem>>, vector<16xf32>,
    tpu.vector_store %arg8[%swap3A_1167], %broadcast_in_dim3A_1166 {strides = array<i32>} : memref<4096xf32, #tpu.memory_space<vmem>>, vector<16xf32>,
    %slice3A_1169 = vector.extract_strided_slice %get3A_1098 {offsets = [14], sizes = [1], strides = [1]} : vector<16xf32> to vector<1xf32>
    %squeeze3A_1170 = vector.extract %slice3A_1169[0] : f32 from vector<1xf32>
    %broadcast_in_dim3A_1171 = vector.broadcast %squeeze3A_1170 : f32 to vector<16xf32>
    %swap3A_1172 = arith.constant 3552 : index
    %swap3A_1173 = tpu.vector_load %arg8[%swap3A_1172] {strides = array<i32>} : memref<4096xf32, #tpu.memory_space<vmem>>, vector<16xf32>,
    tpu.vector_store %arg8[%swap3A_1172], %broadcast_in_dim3A_1171 {strides = array<i32>} : memref<4096xf32, #tpu.memory_space<vmem>>, vector<16xf32>,
    %slice3A_1174 = vector.extract_strided_slice %get3A_1098 {offsets = [15], sizes = [1], strides = [1]} : vector<16xf32> to vector<1xf32>
    %squeeze3A_1175 = vector.extract %slice3A_1174[0] : f32 from vector<1xf32>
    %broadcast_in_dim3A_1176 = vector.broadcast %squeeze3A_1175 : f32 to vector<16xf32>
    %swap3A_1177 = arith.constant 3568 : index
    %swap3A_1178 = tpu.vector_load %arg8[%swap3A_1177] {strides = array<i32>} : memref<4096xf32, #tpu.memory_space<vmem>>, vector<16xf32>,
    tpu.vector_store %arg8[%swap3A_1177], %broadcast_in_dim3A_1176 {strides = array<i32>} : memref<4096xf32, #tpu.memory_space<vmem>>, vector<16xf32>,
    %get3A_1179 = arith.constant 224 : index
    %get3A_1180 = tpu.vector_load %arg7[%get3A_1179] {strides = array<i32>} : memref<256xf32, #tpu.memory_space<vmem>>, vector<16xf32>,
    %slice3A_1181 = vector.extract_strided_slice %get3A_1180 {offsets = [0], sizes = [1], strides = [1]} : vector<16xf32> to vector<1xf32>
    %squeeze3A_1182 = vector.extract %slice3A_1181[0] : f32 from vector<1xf32>
    %broadcast_in_dim3A_1183 = vector.broadcast %squeeze3A_1182 : f32 to vector<16xf32>
    %swap3A_1184 = arith.constant 3584 : index
    %swap3A_1185 = tpu.vector_load %arg8[%swap3A_1184] {strides = array<i32>} : memref<4096xf32, #tpu.memory_space<vmem>>, vector<16xf32>,
    tpu.vector_store %arg8[%swap3A_1184], %broadcast_in_dim3A_1183 {strides = array<i32>} : memref<4096xf32, #tpu.memory_space<vmem>>, vector<16xf32>,
    %slice3A_1186 = vector.extract_strided_slice %get3A_1180 {offsets = [1], sizes = [1], strides = [1]} : vector<16xf32> to vector<1xf32>
    %squeeze3A_1187 = vector.extract %slice3A_1186[0] : f32 from vector<1xf32>
    %broadcast_in_dim3A_1188 = vector.broadcast %squeeze3A_1187 : f32 to vector<16xf32>
    %swap3A_1189 = arith.constant 3600 : index
    %swap3A_1190 = tpu.vector_load %arg8[%swap3A_1189] {strides = array<i32>} : memref<4096xf32, #tpu.memory_space<vmem>>, vector<16xf32>,
    tpu.vector_store %arg8[%swap3A_1189], %broadcast_in_dim3A_1188 {strides = array<i32>} : memref<4096xf32, #tpu.memory_space<vmem>>, vector<16xf32>,
    %slice3A_1191 = vector.extract_strided_slice %get3A_1180 {offsets = [2], sizes = [1], strides = [1]} : vector<16xf32> to vector<1xf32>
    %squeeze3A_1192 = vector.extract %slice3A_1191[0] : f32 from vector<1xf32>
    %broadcast_in_dim3A_1193 = vector.broadcast %squeeze3A_1192 : f32 to vector<16xf32>
    %swap3A_1194 = arith.constant 3616 : index
    %swap3A_1195 = tpu.vector_load %arg8[%swap3A_1194] {strides = array<i32>} : memref<4096xf32, #tpu.memory_space<vmem>>, vector<16xf32>,
    tpu.vector_store %arg8[%swap3A_1194], %broadcast_in_dim3A_1193 {strides = array<i32>} : memref<4096xf32, #tpu.memory_space<vmem>>, vector<16xf32>,
    %slice3A_1196 = vector.extract_strided_slice %get3A_1180 {offsets = [3], sizes = [1], strides = [1]} : vector<16xf32> to vector<1xf32>
    %squeeze3A_1197 = vector.extract %slice3A_1196[0] : f32 from vector<1xf32>
    %broadcast_in_dim3A_1198 = vector.broadcast %squeeze3A_1197 : f32 to vector<16xf32>
    %swap3A_1199 = arith.constant 3632 : index
    %swap3A_1200 = tpu.vector_load %arg8[%swap3A_1199] {strides = array<i32>} : memref<4096xf32, #tpu.memory_space<vmem>>, vector<16xf32>,
    tpu.vector_store %arg8[%swap3A_1199], %broadcast_in_dim3A_1198 {strides = array<i32>} : memref<4096xf32, #tpu.memory_space<vmem>>, vector<16xf32>,
    %slice3A_1201 = vector.extract_strided_slice %get3A_1180 {offsets = [4], sizes = [1], strides = [1]} : vector<16xf32> to vector<1xf32>
    %squeeze3A_1202 = vector.extract %slice3A_1201[0] : f32 from vector<1xf32>
    %broadcast_in_dim3A_1203 = vector.broadcast %squeeze3A_1202 : f32 to vector<16xf32>
    %swap3A_1204 = arith.constant 3648 : index
    %swap3A_1205 = tpu.vector_load %arg8[%swap3A_1204] {strides = array<i32>} : memref<4096xf32, #tpu.memory_space<vmem>>, vector<16xf32>,
    tpu.vector_store %arg8[%swap3A_1204], %broadcast_in_dim3A_1203 {strides = array<i32>} : memref<4096xf32, #tpu.memory_space<vmem>>, vector<16xf32>,
    %slice3A_1206 = vector.extract_strided_slice %get3A_1180 {offsets = [5], sizes = [1], strides = [1]} : vector<16xf32> to vector<1xf32>
    %squeeze3A_1207 = vector.extract %slice3A_1206[0] : f32 from vector<1xf32>
    %broadcast_in_dim3A_1208 = vector.broadcast %squeeze3A_1207 : f32 to vector<16xf32>
    %swap3A_1209 = arith.constant 3664 : index
    %swap3A_1210 = tpu.vector_load %arg8[%swap3A_1209] {strides = array<i32>} : memref<4096xf32, #tpu.memory_space<vmem>>, vector<16xf32>,
    tpu.vector_store %arg8[%swap3A_1209], %broadcast_in_dim3A_1208 {strides = array<i32>} : memref<4096xf32, #tpu.memory_space<vmem>>, vector<16xf32>,
    %slice3A_1211 = vector.extract_strided_slice %get3A_1180 {offsets = [6], sizes = [1], strides = [1]} : vector<16xf32> to vector<1xf32>
    %squeeze3A_1212 = vector.extract %slice3A_1211[0] : f32 from vector<1xf32>
    %broadcast_in_dim3A_1213 = vector.broadcast %squeeze3A_1212 : f32 to vector<16xf32>
    %swap3A_1214 = arith.constant 3680 : index
    %swap3A_1215 = tpu.vector_load %arg8[%swap3A_1214] {strides = array<i32>} : memref<4096xf32, #tpu.memory_space<vmem>>, vector<16xf32>,
    tpu.vector_store %arg8[%swap3A_1214], %broadcast_in_dim3A_1213 {strides = array<i32>} : memref<4096xf32, #tpu.memory_space<vmem>>, vector<16xf32>,
    %slice3A_1216 = vector.extract_strided_slice %get3A_1180 {offsets = [7], sizes = [1], strides = [1]} : vector<16xf32> to vector<1xf32>
    %squeeze3A_1217 = vector.extract %slice3A_1216[0] : f32 from vector<1xf32>
    %broadcast_in_dim3A_1218 = vector.broadcast %squeeze3A_1217 : f32 to vector<16xf32>
    %swap3A_1219 = arith.constant 3696 : index
    %swap3A_1220 = tpu.vector_load %arg8[%swap3A_1219] {strides = array<i32>} : memref<4096xf32, #tpu.memory_space<vmem>>, vector<16xf32>,
    tpu.vector_store %arg8[%swap3A_1219], %broadcast_in_dim3A_1218 {strides = array<i32>} : memref<4096xf32, #tpu.memory_space<vmem>>, vector<16xf32>,
    %slice3A_1221 = vector.extract_strided_slice %get3A_1180 {offsets = [8], sizes = [1], strides = [1]} : vector<16xf32> to vector<1xf32>
    %squeeze3A_1222 = vector.extract %slice3A_1221[0] : f32 from vector<1xf32>
    %broadcast_in_dim3A_1223 = vector.broadcast %squeeze3A_1222 : f32 to vector<16xf32>
    %swap3A_1224 = arith.constant 3712 : index
    %swap3A_1225 = tpu.vector_load %arg8[%swap3A_1224] {strides = array<i32>} : memref<4096xf32, #tpu.memory_space<vmem>>, vector<16xf32>,
    tpu.vector_store %arg8[%swap3A_1224], %broadcast_in_dim3A_1223 {strides = array<i32>} : memref<4096xf32, #tpu.memory_space<vmem>>, vector<16xf32>,
    %slice3A_1226 = vector.extract_strided_slice %get3A_1180 {offsets = [9], sizes = [1], strides = [1]} : vector<16xf32> to vector<1xf32>
    %squeeze3A_1227 = vector.extract %slice3A_1226[0] : f32 from vector<1xf32>
    %broadcast_in_dim3A_1228 = vector.broadcast %squeeze3A_1227 : f32 to vector<16xf32>
    %swap3A_1229 = arith.constant 3728 : index
    %swap3A_1230 = tpu.vector_load %arg8[%swap3A_1229] {strides = array<i32>} : memref<4096xf32, #tpu.memory_space<vmem>>, vector<16xf32>,
    tpu.vector_store %arg8[%swap3A_1229], %broadcast_in_dim3A_1228 {strides = array<i32>} : memref<4096xf32, #tpu.memory_space<vmem>>, vector<16xf32>,
    %slice3A_1231 = vector.extract_strided_slice %get3A_1180 {offsets = [10], sizes = [1], strides = [1]} : vector<16xf32> to vector<1xf32>
    %squeeze3A_1232 = vector.extract %slice3A_1231[0] : f32 from vector<1xf32>
    %broadcast_in_dim3A_1233 = vector.broadcast %squeeze3A_1232 : f32 to vector<16xf32>
    %swap3A_1234 = arith.constant 3744 : index
    %swap3A_1235 = tpu.vector_load %arg8[%swap3A_1234] {strides = array<i32>} : memref<4096xf32, #tpu.memory_space<vmem>>, vector<16xf32>,
    tpu.vector_store %arg8[%swap3A_1234], %broadcast_in_dim3A_1233 {strides = array<i32>} : memref<4096xf32, #tpu.memory_space<vmem>>, vector<16xf32>,
    %slice3A_1236 = vector.extract_strided_slice %get3A_1180 {offsets = [11], sizes = [1], strides = [1]} : vector<16xf32> to vector<1xf32>
    %squeeze3A_1237 = vector.extract %slice3A_1236[0] : f32 from vector<1xf32>
    %broadcast_in_dim3A_1238 = vector.broadcast %squeeze3A_1237 : f32 to vector<16xf32>
    %swap3A_1239 = arith.constant 3760 : index
    %swap3A_1240 = tpu.vector_load %arg8[%swap3A_1239] {strides = array<i32>} : memref<4096xf32, #tpu.memory_space<vmem>>, vector<16xf32>,
    tpu.vector_store %arg8[%swap3A_1239], %broadcast_in_dim3A_1238 {strides = array<i32>} : memref<4096xf32, #tpu.memory_space<vmem>>, vector<16xf32>,
    %slice3A_1241 = vector.extract_strided_slice %get3A_1180 {offsets = [12], sizes = [1], strides = [1]} : vector<16xf32> to vector<1xf32>
    %squeeze3A_1242 = vector.extract %slice3A_1241[0] : f32 from vector<1xf32>
    %broadcast_in_dim3A_1243 = vector.broadcast %squeeze3A_1242 : f32 to vector<16xf32>
    %swap3A_1244 = arith.constant 3776 : index
    %swap3A_1245 = tpu.vector_load %arg8[%swap3A_1244] {strides = array<i32>} : memref<4096xf32, #tpu.memory_space<vmem>>, vector<16xf32>,
    tpu.vector_store %arg8[%swap3A_1244], %broadcast_in_dim3A_1243 {strides = array<i32>} : memref<4096xf32, #tpu.memory_space<vmem>>, vector<16xf32>,
    %slice3A_1246 = vector.extract_strided_slice %get3A_1180 {offsets = [13], sizes = [1], strides = [1]} : vector<16xf32> to vector<1xf32>
    %squeeze3A_1247 = vector.extract %slice3A_1246[0] : f32 from vector<1xf32>
    %broadcast_in_dim3A_1248 = vector.broadcast %squeeze3A_1247 : f32 to vector<16xf32>
    %swap3A_1249 = arith.constant 3792 : index
    %swap3A_1250 = tpu.vector_load %arg8[%swap3A_1249] {strides = array<i32>} : memref<4096xf32, #tpu.memory_space<vmem>>, vector<16xf32>,
    tpu.vector_store %arg8[%swap3A_1249], %broadcast_in_dim3A_1248 {strides = array<i32>} : memref<4096xf32, #tpu.memory_space<vmem>>, vector<16xf32>,
    %slice3A_1251 = vector.extract_strided_slice %get3A_1180 {offsets = [14], sizes = [1], strides = [1]} : vector<16xf32> to vector<1xf32>
    %squeeze3A_1252 = vector.extract %slice3A_1251[0] : f32 from vector<1xf32>
    %broadcast_in_dim3A_1253 = vector.broadcast %squeeze3A_1252 : f32 to vector<16xf32>
    %swap3A_1254 = arith.constant 3808 : index
    %swap3A_1255 = tpu.vector_load %arg8[%swap3A_1254] {strides = array<i32>} : memref<4096xf32, #tpu.memory_space<vmem>>, vector<16xf32>,
    tpu.vector_store %arg8[%swap3A_1254], %broadcast_in_dim3A_1253 {strides = array<i32>} : memref<4096xf32, #tpu.memory_space<vmem>>, vector<16xf32>,
    %slice3A_1256 = vector.extract_strided_slice %get3A_1180 {offsets = [15], sizes = [1], strides = [1]} : vector<16xf32> to vector<1xf32>
    %squeeze3A_1257 = vector.extract %slice3A_1256[0] : f32 from vector<1xf32>
    %broadcast_in_dim3A_1258 = vector.broadcast %squeeze3A_1257 : f32 to vector<16xf32>
    %swap3A_1259 = arith.constant 3824 : index
    %swap3A_1260 = tpu.vector_load %arg8[%swap3A_1259] {strides = array<i32>} : memref<4096xf32, #tpu.memory_space<vmem>>, vector<16xf32>,
    tpu.vector_store %arg8[%swap3A_1259], %broadcast_in_dim3A_1258 {strides = array<i32>} : memref<4096xf32, #tpu.memory_space<vmem>>, vector<16xf32>,
    %get3A_1261 = arith.constant 240 : index
    %get3A_1262 = tpu.vector_load %arg7[%get3A_1261] {strides = array<i32>} : memref<256xf32, #tpu.memory_space<vmem>>, vector<16xf32>,
    %slice3A_1263 = vector.extract_strided_slice %get3A_1262 {offsets = [0], sizes = [1], strides = [1]} : vector<16xf32> to vector<1xf32>
    %squeeze3A_1264 = vector.extract %slice3A_1263[0] : f32 from vector<1xf32>
    %broadcast_in_dim3A_1265 = vector.broadcast %squeeze3A_1264 : f32 to vector<16xf32>
    %swap3A_1266 = arith.constant 3840 : index
    %swap3A_1267 = tpu.vector_load %arg8[%swap3A_1266] {strides = array<i32>} : memref<4096xf32, #tpu.memory_space<vmem>>, vector<16xf32>,
    tpu.vector_store %arg8[%swap3A_1266], %broadcast_in_dim3A_1265 {strides = array<i32>} : memref<4096xf32, #tpu.memory_space<vmem>>, vector<16xf32>,
    %slice3A_1268 = vector.extract_strided_slice %get3A_1262 {offsets = [1], sizes = [1], strides = [1]} : vector<16xf32> to vector<1xf32>
    %squeeze3A_1269 = vector.extract %slice3A_1268[0] : f32 from vector<1xf32>
    %broadcast_in_dim3A_1270 = vector.broadcast %squeeze3A_1269 : f32 to vector<16xf32>
    %swap3A_1271 = arith.constant 3856 : index
    %swap3A_1272 = tpu.vector_load %arg8[%swap3A_1271] {strides = array<i32>} : memref<4096xf32, #tpu.memory_space<vmem>>, vector<16xf32>,
    tpu.vector_store %arg8[%swap3A_1271], %broadcast_in_dim3A_1270 {strides = array<i32>} : memref<4096xf32, #tpu.memory_space<vmem>>, vector<16xf32>,
    %slice3A_1273 = vector.extract_strided_slice %get3A_1262 {offsets = [2], sizes = [1], strides = [1]} : vector<16xf32> to vector<1xf32>
    %squeeze3A_1274 = vector.extract %slice3A_1273[0] : f32 from vector<1xf32>
    %broadcast_in_dim3A_1275 = vector.broadcast %squeeze3A_1274 : f32 to vector<16xf32>
    %swap3A_1276 = arith.constant 3872 : index
    %swap3A_1277 = tpu.vector_load %arg8[%swap3A_1276] {strides = array<i32>} : memref<4096xf32, #tpu.memory_space<vmem>>, vector<16xf32>,
    tpu.vector_store %arg8[%swap3A_1276], %broadcast_in_dim3A_1275 {strides = array<i32>} : memref<4096xf32, #tpu.memory_space<vmem>>, vector<16xf32>,
    %slice3A_1278 = vector.extract_strided_slice %get3A_1262 {offsets = [3], sizes = [1], strides = [1]} : vector<16xf32> to vector<1xf32>
    %squeeze3A_1279 = vector.extract %slice3A_1278[0] : f32 from vector<1xf32>
    %broadcast_in_dim3A_1280 = vector.broadcast %squeeze3A_1279 : f32 to vector<16xf32>
    %swap3A_1281 = arith.constant 3888 : index
    %swap3A_1282 = tpu.vector_load %arg8[%swap3A_1281] {strides = array<i32>} : memref<4096xf32, #tpu.memory_space<vmem>>, vector<16xf32>,
    tpu.vector_store %arg8[%swap3A_1281], %broadcast_in_dim3A_1280 {strides = array<i32>} : memref<4096xf32, #tpu.memory_space<vmem>>, vector<16xf32>,
    %slice3A_1283 = vector.extract_strided_slice %get3A_1262 {offsets = [4], sizes = [1], strides = [1]} : vector<16xf32> to vector<1xf32>
    %squeeze3A_1284 = vector.extract %slice3A_1283[0] : f32 from vector<1xf32>
    %broadcast_in_dim3A_1285 = vector.broadcast %squeeze3A_1284 : f32 to vector<16xf32>
    %swap3A_1286 = arith.constant 3904 : index
    %swap3A_1287 = tpu.vector_load %arg8[%swap3A_1286] {strides = array<i32>} : memref<4096xf32, #tpu.memory_space<vmem>>, vector<16xf32>,
    tpu.vector_store %arg8[%swap3A_1286], %broadcast_in_dim3A_1285 {strides = array<i32>} : memref<4096xf32, #tpu.memory_space<vmem>>, vector<16xf32>,
    %slice3A_1288 = vector.extract_strided_slice %get3A_1262 {offsets = [5], sizes = [1], strides = [1]} : vector<16xf32> to vector<1xf32>
    %squeeze3A_1289 = vector.extract %slice3A_1288[0] : f32 from vector<1xf32>
    %broadcast_in_dim3A_1290 = vector.broadcast %squeeze3A_1289 : f32 to vector<16xf32>
    %swap3A_1291 = arith.constant 3920 : index
    %swap3A_1292 = tpu.vector_load %arg8[%swap3A_1291] {strides = array<i32>} : memref<4096xf32, #tpu.memory_space<vmem>>, vector<16xf32>,
    tpu.vector_store %arg8[%swap3A_1291], %broadcast_in_dim3A_1290 {strides = array<i32>} : memref<4096xf32, #tpu.memory_space<vmem>>, vector<16xf32>,
    %slice3A_1293 = vector.extract_strided_slice %get3A_1262 {offsets = [6], sizes = [1], strides = [1]} : vector<16xf32> to vector<1xf32>
    %squeeze3A_1294 = vector.extract %slice3A_1293[0] : f32 from vector<1xf32>
    %broadcast_in_dim3A_1295 = vector.broadcast %squeeze3A_1294 : f32 to vector<16xf32>
    %swap3A_1296 = arith.constant 3936 : index
    %swap3A_1297 = tpu.vector_load %arg8[%swap3A_1296] {strides = array<i32>} : memref<4096xf32, #tpu.memory_space<vmem>>, vector<16xf32>,
    tpu.vector_store %arg8[%swap3A_1296], %broadcast_in_dim3A_1295 {strides = array<i32>} : memref<4096xf32, #tpu.memory_space<vmem>>, vector<16xf32>,
    %slice3A_1298 = vector.extract_strided_slice %get3A_1262 {offsets = [7], sizes = [1], strides = [1]} : vector<16xf32> to vector<1xf32>
    %squeeze3A_1299 = vector.extract %slice3A_1298[0] : f32 from vector<1xf32>
    %broadcast_in_dim3A_1300 = vector.broadcast %squeeze3A_1299 : f32 to vector<16xf32>
    %swap3A_1301 = arith.constant 3952 : index
    %swap3A_1302 = tpu.vector_load %arg8[%swap3A_1301] {strides = array<i32>} : memref<4096xf32, #tpu.memory_space<vmem>>, vector<16xf32>,
    tpu.vector_store %arg8[%swap3A_1301], %broadcast_in_dim3A_1300 {strides = array<i32>} : memref<4096xf32, #tpu.memory_space<vmem>>, vector<16xf32>,
    %slice3A_1303 = vector.extract_strided_slice %get3A_1262 {offsets = [8], sizes = [1], strides = [1]} : vector<16xf32> to vector<1xf32>
    %squeeze3A_1304 = vector.extract %slice3A_1303[0] : f32 from vector<1xf32>
    %broadcast_in_dim3A_1305 = vector.broadcast %squeeze3A_1304 : f32 to vector<16xf32>
    %swap3A_1306 = arith.constant 3968 : index
    %swap3A_1307 = tpu.vector_load %arg8[%swap3A_1306] {strides = array<i32>} : memref<4096xf32, #tpu.memory_space<vmem>>, vector<16xf32>,
    tpu.vector_store %arg8[%swap3A_1306], %broadcast_in_dim3A_1305 {strides = array<i32>} : memref<4096xf32, #tpu.memory_space<vmem>>, vector<16xf32>,
    %slice3A_1308 = vector.extract_strided_slice %get3A_1262 {offsets = [9], sizes = [1], strides = [1]} : vector<16xf32> to vector<1xf32>
    %squeeze3A_1309 = vector.extract %slice3A_1308[0] : f32 from vector<1xf32>
    %broadcast_in_dim3A_1310 = vector.broadcast %squeeze3A_1309 : f32 to vector<16xf32>
    %swap3A_1311 = arith.constant 3984 : index
    %swap3A_1312 = tpu.vector_load %arg8[%swap3A_1311] {strides = array<i32>} : memref<4096xf32, #tpu.memory_space<vmem>>, vector<16xf32>,
    tpu.vector_store %arg8[%swap3A_1311], %broadcast_in_dim3A_1310 {strides = array<i32>} : memref<4096xf32, #tpu.memory_space<vmem>>, vector<16xf32>,
    %slice3A_1313 = vector.extract_strided_slice %get3A_1262 {offsets = [10], sizes = [1], strides = [1]} : vector<16xf32> to vector<1xf32>
    %squeeze3A_1314 = vector.extract %slice3A_1313[0] : f32 from vector<1xf32>
    %broadcast_in_dim3A_1315 = vector.broadcast %squeeze3A_1314 : f32 to vector<16xf32>
    %swap3A_1316 = arith.constant 4000 : index
    %swap3A_1317 = tpu.vector_load %arg8[%swap3A_1316] {strides = array<i32>} : memref<4096xf32, #tpu.memory_space<vmem>>, vector<16xf32>,
    tpu.vector_store %arg8[%swap3A_1316], %broadcast_in_dim3A_1315 {strides = array<i32>} : memref<4096xf32, #tpu.memory_space<vmem>>, vector<16xf32>,
    %slice3A_1318 = vector.extract_strided_slice %get3A_1262 {offsets = [11], sizes = [1], strides = [1]} : vector<16xf32> to vector<1xf32>
    %squeeze3A_1319 = vector.extract %slice3A_1318[0] : f32 from vector<1xf32>
    %broadcast_in_dim3A_1320 = vector.broadcast %squeeze3A_1319 : f32 to vector<16xf32>
    %swap3A_1321 = arith.constant 4016 : index
    %swap3A_1322 = tpu.vector_load %arg8[%swap3A_1321] {strides = array<i32>} : memref<4096xf32, #tpu.memory_space<vmem>>, vector<16xf32>,
    tpu.vector_store %arg8[%swap3A_1321], %broadcast_in_dim3A_1320 {strides = array<i32>} : memref<4096xf32, #tpu.memory_space<vmem>>, vector<16xf32>,
    %slice3A_1323 = vector.extract_strided_slice %get3A_1262 {offsets = [12], sizes = [1], strides = [1]} : vector<16xf32> to vector<1xf32>
    %squeeze3A_1324 = vector.extract %slice3A_1323[0] : f32 from vector<1xf32>
    %broadcast_in_dim3A_1325 = vector.broadcast %squeeze3A_1324 : f32 to vector<16xf32>
    %swap3A_1326 = arith.constant 4032 : index
    %swap3A_1327 = tpu.vector_load %arg8[%swap3A_1326] {strides = array<i32>} : memref<4096xf32, #tpu.memory_space<vmem>>, vector<16xf32>,
    tpu.vector_store %arg8[%swap3A_1326], %broadcast_in_dim3A_1325 {strides = array<i32>} : memref<4096xf32, #tpu.memory_space<vmem>>, vector<16xf32>,
    %slice3A_1328 = vector.extract_strided_slice %get3A_1262 {offsets = [13], sizes = [1], strides = [1]} : vector<16xf32> to vector<1xf32>
    %squeeze3A_1329 = vector.extract %slice3A_1328[0] : f32 from vector<1xf32>
    %broadcast_in_dim3A_1330 = vector.broadcast %squeeze3A_1329 : f32 to vector<16xf32>
    %swap3A_1331 = arith.constant 4048 : index
    %swap3A_1332 = tpu.vector_load %arg8[%swap3A_1331] {strides = array<i32>} : memref<4096xf32, #tpu.memory_space<vmem>>, vector<16xf32>,
    tpu.vector_store %arg8[%swap3A_1331], %broadcast_in_dim3A_1330 {strides = array<i32>} : memref<4096xf32, #tpu.memory_space<vmem>>, vector<16xf32>,
    %slice3A_1333 = vector.extract_strided_slice %get3A_1262 {offsets = [14], sizes = [1], strides = [1]} : vector<16xf32> to vector<1xf32>
    %squeeze3A_1334 = vector.extract %slice3A_1333[0] : f32 from vector<1xf32>
    %broadcast_in_dim3A_1335 = vector.broadcast %squeeze3A_1334 : f32 to vector<16xf32>
    %swap3A_1336 = arith.constant 4064 : index
    %swap3A_1337 = tpu.vector_load %arg8[%swap3A_1336] {strides = array<i32>} : memref<4096xf32, #tpu.memory_space<vmem>>, vector<16xf32>,
    tpu.vector_store %arg8[%swap3A_1336], %broadcast_in_dim3A_1335 {strides = array<i32>} : memref<4096xf32, #tpu.memory_space<vmem>>, vector<16xf32>,
    %slice3A_1338 = vector.extract_strided_slice %get3A_1262 {offsets = [15], sizes = [1], strides = [1]} : vector<16xf32> to vector<1xf32>
    %squeeze3A_1339 = vector.extract %slice3A_1338[0] : f32 from vector<1xf32>
    %broadcast_in_dim3A_1340 = vector.broadcast %squeeze3A_1339 : f32 to vector<16xf32>
    %swap3A_1341 = arith.constant 4080 : index
    %swap3A_1342 = tpu.vector_load %arg8[%swap3A_1341] {strides = array<i32>} : memref<4096xf32, #tpu.memory_space<vmem>>, vector<16xf32>,
    tpu.vector_store %arg8[%swap3A_1341], %broadcast_in_dim3A_1340 {strides = array<i32>} : memref<4096xf32, #tpu.memory_space<vmem>>, vector<16xf32>,
    %dma_start3A = tpu.memref_slice %arg2[%add3A_35] : memref<25690112xf32, #tpu.memory_space<hbm>> -> memref<28672xf32, #tpu.memory_space<hbm>>
    %dma_start3A_1343 = tpu.memref_slice %arg2[%add3A_35] : memref<25690112xf32, #tpu.memory_space<hbm>> -> memref<28672xf32, #tpu.memory_space<hbm>>
    tpu.enqueue_dma source(%dma_start3A_1343 : memref<28672xf32, #tpu.memory_space<hbm>>) target(%arg15 : memref<28672xf32, #tpu.memory_space<vmem>>) target_semaphore(%arg21 : memref<!tpu.dma_semaphore, #tpu.memory_space<semaphore_mem>>)
    %broadcast_in_dim3A_1344 = arith.constant 0.000000e+00 : f32
    %broadcast_in_dim3A_1345 = vector.broadcast %broadcast_in_dim3A_1344 : f32 to vector<16xf32>
    %broadcast_in_dim3A_1346 = arith.constant 0.000000e+00 : f32
    %broadcast_in_dim3A_1347 = vector.broadcast %broadcast_in_dim3A_1346 : f32 to vector<16xf32>
    %scan3A = arith.constant 0 : i32
    %scan3A_1348 = arith.constant 14 : i32
    %scan3A_1349 = arith.addi %scan3A, %scan3A_1348 : i32
    %scan3A_1350 = arith.constant 1 : i32
    %scan3A_1351:2 = scf.for %scan3A_1699 = %scan3A to %scan3A_1349 step %scan3A_1350 iter_args(%scan3A_1700 = %broadcast_in_dim3A_1345, %scan3A_1701 = %broadcast_in_dim3A_1347) -> (vector<16xf32>, vector<16xf32>)  : i32 {
      %mul3A_1702 = arith.constant 2 : i32
      %mul3A_1703 = arith.muli %mul3A_1702, %scan3A_1699 : i32
      %mul3A_1704 = arith.constant 28672 : i32
      %mul3A_1705 = arith.muli %mul3A_1703, %mul3A_1704 : i32
      %add3A_1706 = arith.addi %add3A_35, %mul3A_1705 : i32
      %add3A_1707 = arith.constant 28672 : i32
      %add3A_1708 = arith.addi %add3A_1706, %add3A_1707 : i32
      %dma_start3A_1709 = tpu.memref_slice %arg2[%add3A_1708] : memref<25690112xf32, #tpu.memory_space<hbm>> -> memref<28672xf32, #tpu.memory_space<hbm>>
      %dma_start3A_1710 = tpu.memref_slice %arg2[%add3A_1708] : memref<25690112xf32, #tpu.memory_space<hbm>> -> memref<28672xf32, #tpu.memory_space<hbm>>
      tpu.enqueue_dma source(%dma_start3A_1710 : memref<28672xf32, #tpu.memory_space<hbm>>) target(%arg16 : memref<28672xf32, #tpu.memory_space<vmem>>) target_semaphore(%arg22 : memref<!tpu.dma_semaphore, #tpu.memory_space<semaphore_mem>>)
      %dma_wait3A_1711 = tpu.memref_slice %arg2[%add3A_1706] : memref<25690112xf32, #tpu.memory_space<hbm>> -> memref<28672xf32, #tpu.memory_space<hbm>>
      %dma_wait3A_1712 = tpu.memref_slice %arg2[%add3A_1706] : memref<25690112xf32, #tpu.memory_space<hbm>> -> memref<28672xf32, #tpu.memory_space<hbm>>
      tpu.wait_dma2 semaphore(%arg21 : memref<!tpu.dma_semaphore, #tpu.memory_space<semaphore_mem>>) src(%dma_wait3A_1712 : memref<28672xf32, #tpu.memory_space<hbm>>) dst(%arg15 : memref<28672xf32, #tpu.memory_space<vmem>>)
      %broadcast_in_dim3A_1713 = arith.constant 0.000000e+00 : f32
      %broadcast_in_dim3A_1714 = vector.broadcast %broadcast_in_dim3A_1713 : f32 to vector<16xf32>
      %parallel_loop3A = arith.constant 0 : i32
      %parallel_loop3A_1715 = arith.constant 1792 : i32
      %parallel_loop3A_1716 = arith.constant 2 : i32
      %parallel_loop3A_1717:4 = scf.for %parallel_loop3A_1735 = %parallel_loop3A to %parallel_loop3A_1715 step %parallel_loop3A_1716 iter_args(%parallel_loop3A_1736 = %scan3A_1700, %parallel_loop3A_1737 = %scan3A_1701, %parallel_loop3A_1738 = %broadcast_in_dim3A_1714, %parallel_loop3A_1739 = %broadcast_in_dim3A_1714) -> (vector<16xf32>, vector<16xf32>, vector<16xf32>, vector<16xf32>)  : i32 {
        %parallel_loop3A_1740 = arith.constant 16 : i32
        %parallel_loop3A_1741 = arith.muli %parallel_loop3A_1735, %parallel_loop3A_1740 : i32
        %parallel_loop3A_1742 = arith.index_cast %parallel_loop3A_1741 : i32 to index
        %parallel_loop3A_1743 = tpu.vector_load %arg15[%parallel_loop3A_1742] {strides = array<i32>} : memref<28672xf32, #tpu.memory_space<vmem>>, vector<16xf32>,
        %parallel_loop3A_1744 = arith.constant 1 : i32
        %parallel_loop3A_1745 = arith.addi %parallel_loop3A_1735, %parallel_loop3A_1744 : i32
        %parallel_loop3A_1746 = arith.constant 16 : i32
        %parallel_loop3A_1747 = arith.muli %parallel_loop3A_1745, %parallel_loop3A_1746 : i32
        %parallel_loop3A_1748 = arith.index_cast %parallel_loop3A_1747 : i32 to index
        %parallel_loop3A_1749 = tpu.vector_load %arg15[%parallel_loop3A_1748] {strides = array<i32>} : memref<28672xf32, #tpu.memory_space<vmem>>, vector<16xf32>,
        %parallel_loop3A_1750 = arith.addf %parallel_loop3A_1736, %parallel_loop3A_1743 : vector<16xf32>
        %parallel_loop3A_1751 = arith.mulf %parallel_loop3A_1743, %parallel_loop3A_1743 : vector<16xf32>
        %parallel_loop3A_1752 = arith.addf %parallel_loop3A_1737, %parallel_loop3A_1751 : vector<16xf32>
        %parallel_loop3A_1753 = arith.addf %parallel_loop3A_1738, %parallel_loop3A_1749 : vector<16xf32>
        %parallel_loop3A_1754 = arith.mulf %parallel_loop3A_1749, %parallel_loop3A_1749 : vector<16xf32>
        %parallel_loop3A_1755 = arith.addf %parallel_loop3A_1739, %parallel_loop3A_1754 : vector<16xf32>
        scf.yield %parallel_loop3A_1750, %parallel_loop3A_1752, %parallel_loop3A_1753, %parallel_loop3A_1755 : vector<16xf32>, vector<16xf32>, vector<16xf32>, vector<16xf32>
      } {sc.loop_unroll_factor = 4 : i64, sc.parallel_access}
      %add3A_1718 = arith.addf %parallel_loop3A_1717#0, %parallel_loop3A_1717#2 : vector<16xf32>
      %add3A_1719 = arith.addf %parallel_loop3A_1717#1, %parallel_loop3A_1717#3 : vector<16xf32>
      %lt3A_1720 = arith.constant 13 : i32
      %lt3A_1721 = arith.cmpi slt, %scan3A_1699, %lt3A_1720 : i32
      %convert_element_type3A = arith.extui %lt3A_1721 : i1 to i32
      %cond3A = arith.constant 0 : i32
      %cond3A_1722 = arith.cmpi ne, %convert_element_type3A, %cond3A : i32
      scf.if %cond3A_1722 {
        %add3A_1735 = arith.constant 57344 : i32
        %add3A_1736 = arith.addi %add3A_1706, %add3A_1735 : i32
        %dma_start3A_1737 = tpu.memref_slice %arg2[%add3A_1736] : memref<25690112xf32, #tpu.memory_space<hbm>> -> memref<28672xf32, #tpu.memory_space<hbm>>
        %dma_start3A_1738 = tpu.memref_slice %arg2[%add3A_1736] : memref<25690112xf32, #tpu.memory_space<hbm>> -> memref<28672xf32, #tpu.memory_space<hbm>>
        tpu.enqueue_dma source(%dma_start3A_1738 : memref<28672xf32, #tpu.memory_space<hbm>>) target(%arg15 : memref<28672xf32, #tpu.memory_space<vmem>>) target_semaphore(%arg21 : memref<!tpu.dma_semaphore, #tpu.memory_space<semaphore_mem>>)
      } else {
      }
      %add3A_1723 = arith.constant 28672 : i32
      %add3A_1724 = arith.addi %add3A_1706, %add3A_1723 : i32
      %dma_wait3A_1725 = tpu.memref_slice %arg2[%add3A_1724] : memref<25690112xf32, #tpu.memory_space<hbm>> -> memref<28672xf32, #tpu.memory_space<hbm>>
      %dma_wait3A_1726 = tpu.memref_slice %arg2[%add3A_1724] : memref<25690112xf32, #tpu.memory_space<hbm>> -> memref<28672xf32, #tpu.memory_space<hbm>>
      tpu.wait_dma2 semaphore(%arg22 : memref<!tpu.dma_semaphore, #tpu.memory_space<semaphore_mem>>) src(%dma_wait3A_1726 : memref<28672xf32, #tpu.memory_space<hbm>>) dst(%arg16 : memref<28672xf32, #tpu.memory_space<vmem>>)
      %broadcast_in_dim3A_1727 = arith.constant 0.000000e+00 : f32
      %broadcast_in_dim3A_1728 = vector.broadcast %broadcast_in_dim3A_1727 : f32 to vector<16xf32>
      %parallel_loop3A_1729 = arith.constant 0 : i32
      %parallel_loop3A_1730 = arith.constant 1792 : i32
      %parallel_loop3A_1731 = arith.constant 2 : i32
      %parallel_loop3A_1732:4 = scf.for %parallel_loop3A_1735 = %parallel_loop3A_1729 to %parallel_loop3A_1730 step %parallel_loop3A_1731 iter_args(%parallel_loop3A_1736 = %add3A_1718, %parallel_loop3A_1737 = %add3A_1719, %parallel_loop3A_1738 = %broadcast_in_dim3A_1728, %parallel_loop3A_1739 = %broadcast_in_dim3A_1728) -> (vector<16xf32>, vector<16xf32>, vector<16xf32>, vector<16xf32>)  : i32 {
        %parallel_loop3A_1740 = arith.constant 16 : i32
        %parallel_loop3A_1741 = arith.muli %parallel_loop3A_1735, %parallel_loop3A_1740 : i32
        %parallel_loop3A_1742 = arith.index_cast %parallel_loop3A_1741 : i32 to index
        %parallel_loop3A_1743 = tpu.vector_load %arg16[%parallel_loop3A_1742] {strides = array<i32>} : memref<28672xf32, #tpu.memory_space<vmem>>, vector<16xf32>,
        %parallel_loop3A_1744 = arith.constant 1 : i32
        %parallel_loop3A_1745 = arith.addi %parallel_loop3A_1735, %parallel_loop3A_1744 : i32
        %parallel_loop3A_1746 = arith.constant 16 : i32
        %parallel_loop3A_1747 = arith.muli %parallel_loop3A_1745, %parallel_loop3A_1746 : i32
        %parallel_loop3A_1748 = arith.index_cast %parallel_loop3A_1747 : i32 to index
        %parallel_loop3A_1749 = tpu.vector_load %arg16[%parallel_loop3A_1748] {strides = array<i32>} : memref<28672xf32, #tpu.memory_space<vmem>>, vector<16xf32>,
        %parallel_loop3A_1750 = arith.addf %parallel_loop3A_1736, %parallel_loop3A_1743 : vector<16xf32>
        %parallel_loop3A_1751 = arith.mulf %parallel_loop3A_1743, %parallel_loop3A_1743 : vector<16xf32>
        %parallel_loop3A_1752 = arith.addf %parallel_loop3A_1737, %parallel_loop3A_1751 : vector<16xf32>
        %parallel_loop3A_1753 = arith.addf %parallel_loop3A_1738, %parallel_loop3A_1749 : vector<16xf32>
        %parallel_loop3A_1754 = arith.mulf %parallel_loop3A_1749, %parallel_loop3A_1749 : vector<16xf32>
        %parallel_loop3A_1755 = arith.addf %parallel_loop3A_1739, %parallel_loop3A_1754 : vector<16xf32>
        scf.yield %parallel_loop3A_1750, %parallel_loop3A_1752, %parallel_loop3A_1753, %parallel_loop3A_1755 : vector<16xf32>, vector<16xf32>, vector<16xf32>, vector<16xf32>
      } {sc.loop_unroll_factor = 4 : i64, sc.parallel_access}
      %add3A_1733 = arith.addf %parallel_loop3A_1732#0, %parallel_loop3A_1732#2 : vector<16xf32>
      %add3A_1734 = arith.addf %parallel_loop3A_1732#1, %parallel_loop3A_1732#3 : vector<16xf32>
      scf.yield %add3A_1733, %add3A_1734 : vector<16xf32>, vector<16xf32>
    }
    %scan3A_1352 = arith.constant 14 : i32
    %swap3A_1353 = arith.constant 0 : index
    %swap3A_1354 = tpu.vector_load %arg11[%swap3A_1353] {strides = array<i32>} : memref<16xf32, #tpu.memory_space<vmem>>, vector<16xf32>,
    tpu.vector_store %arg11[%swap3A_1353], %scan3A_1351#0 {strides = array<i32>} : memref<16xf32, #tpu.memory_space<vmem>>, vector<16xf32>,
    %mul3A_1355 = arith.constant 16 : i32
    %mul3A_1356 = arith.muli %arg1, %mul3A_1355 : i32
    "tpu.region"() ({
      %run_scoped3A = tpu.sem_alloc : memref<!tpu.dma_semaphore, #tpu.memory_space<semaphore_mem>>
      %dma_start3A_1699 = tpu.memref_slice %arg19[%mul3A_1356] : memref<256xf32, #tpu.memory_space<vmem_shared>> -> memref<16xf32, #tpu.memory_space<vmem_shared>>
      %dma_start3A_1700 = tpu.memref_slice %arg19[%mul3A_1356] : memref<256xf32, #tpu.memory_space<vmem_shared>> -> memref<16xf32, #tpu.memory_space<vmem_shared>>
      tpu.enqueue_dma source(%arg11 : memref<16xf32, #tpu.memory_space<vmem>>) target(%dma_start3A_1700 : memref<16xf32, #tpu.memory_space<vmem_shared>>) target_semaphore(%run_scoped3A : memref<!tpu.dma_semaphore, #tpu.memory_space<semaphore_mem>>)
      %dma_wait3A_1701 = tpu.memref_slice %arg19[%mul3A_1356] : memref<256xf32, #tpu.memory_space<vmem_shared>> -> memref<16xf32, #tpu.memory_space<vmem_shared>>
      %dma_wait3A_1702 = tpu.memref_slice %arg19[%mul3A_1356] : memref<256xf32, #tpu.memory_space<vmem_shared>> -> memref<16xf32, #tpu.memory_space<vmem_shared>>
      tpu.wait_dma2 semaphore(%run_scoped3A : memref<!tpu.dma_semaphore, #tpu.memory_space<semaphore_mem>>) src(%arg11 : memref<16xf32, #tpu.memory_space<vmem>>) dst(%dma_wait3A_1702 : memref<16xf32, #tpu.memory_space<vmem_shared>>)
      tpu.yield
    }) : () -> ()
    %swap3A_1357 = arith.constant 0 : index
    %swap3A_1358 = tpu.vector_load %arg12[%swap3A_1357] {strides = array<i32>} : memref<16xf32, #tpu.memory_space<vmem>>, vector<16xf32>,
    tpu.vector_store %arg12[%swap3A_1357], %scan3A_1351#1 {strides = array<i32>} : memref<16xf32, #tpu.memory_space<vmem>>, vector<16xf32>,
    %mul3A_1359 = arith.constant 16 : i32
    %mul3A_1360 = arith.muli %arg1, %mul3A_1359 : i32
    "tpu.region"() ({
      %run_scoped3A = tpu.sem_alloc : memref<!tpu.dma_semaphore, #tpu.memory_space<semaphore_mem>>
      %dma_start3A_1699 = tpu.memref_slice %arg20[%mul3A_1360] : memref<256xf32, #tpu.memory_space<vmem_shared>> -> memref<16xf32, #tpu.memory_space<vmem_shared>>
      %dma_start3A_1700 = tpu.memref_slice %arg20[%mul3A_1360] : memref<256xf32, #tpu.memory_space<vmem_shared>> -> memref<16xf32, #tpu.memory_space<vmem_shared>>
      tpu.enqueue_dma source(%arg12 : memref<16xf32, #tpu.memory_space<vmem>>) target(%dma_start3A_1700 : memref<16xf32, #tpu.memory_space<vmem_shared>>) target_semaphore(%run_scoped3A : memref<!tpu.dma_semaphore, #tpu.memory_space<semaphore_mem>>)
      %dma_wait3A_1701 = tpu.memref_slice %arg20[%mul3A_1360] : memref<256xf32, #tpu.memory_space<vmem_shared>> -> memref<16xf32, #tpu.memory_space<vmem_shared>>
      %dma_wait3A_1702 = tpu.memref_slice %arg20[%mul3A_1360] : memref<256xf32, #tpu.memory_space<vmem_shared>> -> memref<16xf32, #tpu.memory_space<vmem_shared>>
      tpu.wait_dma2 semaphore(%run_scoped3A : memref<!tpu.dma_semaphore, #tpu.memory_space<semaphore_mem>>) src(%arg12 : memref<16xf32, #tpu.memory_space<vmem>>) dst(%dma_wait3A_1702 : memref<16xf32, #tpu.memory_space<vmem_shared>>)
      tpu.yield
    }) : () -> ()
    %barrier3A = arith.constant 0 : index
    tpu.barrier barrier_id(%barrier3A)
    %jit3A_1361 = arith.constant 4 : i32
    %div3A_1362 = arith.divsi %arg1, %jit3A_1361 : i32
    %sign3A_1363 = arith.constant 0 : i32
    %sign3A_1364 = arith.cmpi sgt, %arg1, %sign3A_1363 : i32
    %sign3A_1365 = arith.extui %sign3A_1364 : i1 to i32
    %sign3A_1366 = arith.constant 0 : i32
    %sign3A_1367 = arith.cmpi slt, %arg1, %sign3A_1366 : i32
    %sign3A_1368 = arith.extui %sign3A_1367 : i1 to i32
    %sign3A_1369 = arith.subi %sign3A_1365, %sign3A_1368 : i32
    %sign3A_1370 = arith.constant 0 : i32
    %sign3A_1371 = arith.cmpi sgt, %jit3A_1361, %sign3A_1370 : i32
    %sign3A_1372 = arith.extui %sign3A_1371 : i1 to i32
    %sign3A_1373 = arith.constant 0 : i32
    %sign3A_1374 = arith.cmpi slt, %jit3A_1361, %sign3A_1373 : i32
    %sign3A_1375 = arith.extui %sign3A_1374 : i1 to i32
    %sign3A_1376 = arith.subi %sign3A_1372, %sign3A_1375 : i32
    %ne3A_1377 = arith.cmpi ne, %sign3A_1369, %sign3A_1376 : i32
    %rem3A_1378 = arith.remsi %arg1, %jit3A_1361 : i32
    %ne3A_1379 = arith.constant 0 : i32
    %ne3A_1380 = arith.cmpi ne, %rem3A_1378, %ne3A_1379 : i32
    %and3A_1381 = arith.andi %ne3A_1377, %ne3A_1380 : i1
    %sub3A_1382 = arith.constant 1 : i32
    %sub3A_1383 = arith.subi %div3A_1362, %sub3A_1382 : i32
    %select_n3A_1384 = arith.select %and3A_1381, %sub3A_1383, %div3A_1362 : i32
    %mul3A_1385 = arith.constant 4 : i32
    %mul3A_1386 = arith.muli %select_n3A_1384, %mul3A_1385 : i32
    %mul3A_1387 = arith.constant 16 : i32
    %mul3A_1388 = arith.muli %mul3A_1386, %mul3A_1387 : i32
    "tpu.region"() ({
      %run_scoped3A = tpu.sem_alloc : memref<!tpu.dma_semaphore, #tpu.memory_space<semaphore_mem>>
      %dma_start3A_1699 = tpu.memref_slice %arg19[%mul3A_1388] : memref<256xf32, #tpu.memory_space<vmem_shared>> -> memref<64xf32, #tpu.memory_space<vmem_shared>>
      %dma_start3A_1700 = tpu.memref_slice %arg19[%mul3A_1388] : memref<256xf32, #tpu.memory_space<vmem_shared>> -> memref<64xf32, #tpu.memory_space<vmem_shared>>
      tpu.enqueue_dma source(%dma_start3A_1700 : memref<64xf32, #tpu.memory_space<vmem_shared>>) target(%arg13 : memref<64xf32, #tpu.memory_space<vmem>>) target_semaphore(%run_scoped3A : memref<!tpu.dma_semaphore, #tpu.memory_space<semaphore_mem>>)
      %dma_wait3A_1701 = tpu.memref_slice %arg19[%mul3A_1388] : memref<256xf32, #tpu.memory_space<vmem_shared>> -> memref<64xf32, #tpu.memory_space<vmem_shared>>
      %dma_wait3A_1702 = tpu.memref_slice %arg19[%mul3A_1388] : memref<256xf32, #tpu.memory_space<vmem_shared>> -> memref<64xf32, #tpu.memory_space<vmem_shared>>
      tpu.wait_dma2 semaphore(%run_scoped3A : memref<!tpu.dma_semaphore, #tpu.memory_space<semaphore_mem>>) src(%dma_wait3A_1702 : memref<64xf32, #tpu.memory_space<vmem_shared>>) dst(%arg13 : memref<64xf32, #tpu.memory_space<vmem>>)
      tpu.yield
    }) : () -> ()
    %mul3A_1389 = arith.constant 16 : i32
    %mul3A_1390 = arith.muli %mul3A_1386, %mul3A_1389 : i32
    "tpu.region"() ({
      %run_scoped3A = tpu.sem_alloc : memref<!tpu.dma_semaphore, #tpu.memory_space<semaphore_mem>>
      %dma_start3A_1699 = tpu.memref_slice %arg20[%mul3A_1390] : memref<256xf32, #tpu.memory_space<vmem_shared>> -> memref<64xf32, #tpu.memory_space<vmem_shared>>
      %dma_start3A_1700 = tpu.memref_slice %arg20[%mul3A_1390] : memref<256xf32, #tpu.memory_space<vmem_shared>> -> memref<64xf32, #tpu.memory_space<vmem_shared>>
      tpu.enqueue_dma source(%dma_start3A_1700 : memref<64xf32, #tpu.memory_space<vmem_shared>>) target(%arg14 : memref<64xf32, #tpu.memory_space<vmem>>) target_semaphore(%run_scoped3A : memref<!tpu.dma_semaphore, #tpu.memory_space<semaphore_mem>>)
      %dma_wait3A_1701 = tpu.memref_slice %arg20[%mul3A_1390] : memref<256xf32, #tpu.memory_space<vmem_shared>> -> memref<64xf32, #tpu.memory_space<vmem_shared>>
      %dma_wait3A_1702 = tpu.memref_slice %arg20[%mul3A_1390] : memref<256xf32, #tpu.memory_space<vmem_shared>> -> memref<64xf32, #tpu.memory_space<vmem_shared>>
      tpu.wait_dma2 semaphore(%run_scoped3A : memref<!tpu.dma_semaphore, #tpu.memory_space<semaphore_mem>>) src(%dma_wait3A_1702 : memref<64xf32, #tpu.memory_space<vmem_shared>>) dst(%arg14 : memref<64xf32, #tpu.memory_space<vmem>>)
      tpu.yield
    }) : () -> ()
    %get3A_1391 = arith.constant 0 : index
    %get3A_1392 = tpu.vector_load %arg13[%get3A_1391] {strides = array<i32>} : memref<64xf32, #tpu.memory_space<vmem>>, vector<16xf32>,
    %get3A_1393 = arith.constant 0 : index
    %get3A_1394 = tpu.vector_load %arg14[%get3A_1393] {strides = array<i32>} : memref<64xf32, #tpu.memory_space<vmem>>, vector<16xf32>,
    %get3A_1395 = arith.constant 16 : index
    %get3A_1396 = tpu.vector_load %arg13[%get3A_1395] {strides = array<i32>} : memref<64xf32, #tpu.memory_space<vmem>>, vector<16xf32>,
    %add3A_1397 = arith.addf %get3A_1392, %get3A_1396 : vector<16xf32>
    %get3A_1398 = arith.constant 16 : index
    %get3A_1399 = tpu.vector_load %arg14[%get3A_1398] {strides = array<i32>} : memref<64xf32, #tpu.memory_space<vmem>>, vector<16xf32>,
    %add3A_1400 = arith.addf %get3A_1394, %get3A_1399 : vector<16xf32>
    %get3A_1401 = arith.constant 32 : index
    %get3A_1402 = tpu.vector_load %arg13[%get3A_1401] {strides = array<i32>} : memref<64xf32, #tpu.memory_space<vmem>>, vector<16xf32>,
    %add3A_1403 = arith.addf %add3A_1397, %get3A_1402 : vector<16xf32>
    %get3A_1404 = arith.constant 32 : index
    %get3A_1405 = tpu.vector_load %arg14[%get3A_1404] {strides = array<i32>} : memref<64xf32, #tpu.memory_space<vmem>>, vector<16xf32>,
    %add3A_1406 = arith.addf %add3A_1400, %get3A_1405 : vector<16xf32>
    %get3A_1407 = arith.constant 48 : index
    %get3A_1408 = tpu.vector_load %arg13[%get3A_1407] {strides = array<i32>} : memref<64xf32, #tpu.memory_space<vmem>>, vector<16xf32>,
    %add3A_1409 = arith.addf %add3A_1403, %get3A_1408 : vector<16xf32>
    %get3A_1410 = arith.constant 48 : index
    %get3A_1411 = tpu.vector_load %arg14[%get3A_1410] {strides = array<i32>} : memref<64xf32, #tpu.memory_space<vmem>>, vector<16xf32>,
    %add3A_1412 = arith.addf %add3A_1406, %get3A_1411 : vector<16xf32>
    %slice3A_1413 = vector.extract_strided_slice %add3A_1409 {offsets = [0], sizes = [1], strides = [1]} : vector<16xf32> to vector<1xf32>
    %squeeze3A_1414 = vector.extract %slice3A_1413[0] : f32 from vector<1xf32>
    %slice3A_1415 = vector.extract_strided_slice %add3A_1409 {offsets = [1], sizes = [1], strides = [1]} : vector<16xf32> to vector<1xf32>
    %squeeze3A_1416 = vector.extract %slice3A_1415[0] : f32 from vector<1xf32>
    %add3A_1417 = arith.addf %squeeze3A_1414, %squeeze3A_1416 : f32
    %slice3A_1418 = vector.extract_strided_slice %add3A_1409 {offsets = [2], sizes = [1], strides = [1]} : vector<16xf32> to vector<1xf32>
    %squeeze3A_1419 = vector.extract %slice3A_1418[0] : f32 from vector<1xf32>
    %add3A_1420 = arith.addf %add3A_1417, %squeeze3A_1419 : f32
    %slice3A_1421 = vector.extract_strided_slice %add3A_1409 {offsets = [3], sizes = [1], strides = [1]} : vector<16xf32> to vector<1xf32>
    %squeeze3A_1422 = vector.extract %slice3A_1421[0] : f32 from vector<1xf32>
    %add3A_1423 = arith.addf %add3A_1420, %squeeze3A_1422 : f32
    %slice3A_1424 = vector.extract_strided_slice %add3A_1409 {offsets = [4], sizes = [1], strides = [1]} : vector<16xf32> to vector<1xf32>
    %squeeze3A_1425 = vector.extract %slice3A_1424[0] : f32 from vector<1xf32>
    %add3A_1426 = arith.addf %add3A_1423, %squeeze3A_1425 : f32
    %slice3A_1427 = vector.extract_strided_slice %add3A_1409 {offsets = [5], sizes = [1], strides = [1]} : vector<16xf32> to vector<1xf32>
    %squeeze3A_1428 = vector.extract %slice3A_1427[0] : f32 from vector<1xf32>
    %add3A_1429 = arith.addf %add3A_1426, %squeeze3A_1428 : f32
    %slice3A_1430 = vector.extract_strided_slice %add3A_1409 {offsets = [6], sizes = [1], strides = [1]} : vector<16xf32> to vector<1xf32>
    %squeeze3A_1431 = vector.extract %slice3A_1430[0] : f32 from vector<1xf32>
    %add3A_1432 = arith.addf %add3A_1429, %squeeze3A_1431 : f32
    %slice3A_1433 = vector.extract_strided_slice %add3A_1409 {offsets = [7], sizes = [1], strides = [1]} : vector<16xf32> to vector<1xf32>
    %squeeze3A_1434 = vector.extract %slice3A_1433[0] : f32 from vector<1xf32>
    %add3A_1435 = arith.addf %add3A_1432, %squeeze3A_1434 : f32
    %slice3A_1436 = vector.extract_strided_slice %add3A_1409 {offsets = [8], sizes = [1], strides = [1]} : vector<16xf32> to vector<1xf32>
    %squeeze3A_1437 = vector.extract %slice3A_1436[0] : f32 from vector<1xf32>
    %add3A_1438 = arith.addf %add3A_1435, %squeeze3A_1437 : f32
    %slice3A_1439 = vector.extract_strided_slice %add3A_1409 {offsets = [9], sizes = [1], strides = [1]} : vector<16xf32> to vector<1xf32>
    %squeeze3A_1440 = vector.extract %slice3A_1439[0] : f32 from vector<1xf32>
    %add3A_1441 = arith.addf %add3A_1438, %squeeze3A_1440 : f32
    %slice3A_1442 = vector.extract_strided_slice %add3A_1409 {offsets = [10], sizes = [1], strides = [1]} : vector<16xf32> to vector<1xf32>
    %squeeze3A_1443 = vector.extract %slice3A_1442[0] : f32 from vector<1xf32>
    %add3A_1444 = arith.addf %add3A_1441, %squeeze3A_1443 : f32
    %slice3A_1445 = vector.extract_strided_slice %add3A_1409 {offsets = [11], sizes = [1], strides = [1]} : vector<16xf32> to vector<1xf32>
    %squeeze3A_1446 = vector.extract %slice3A_1445[0] : f32 from vector<1xf32>
    %add3A_1447 = arith.addf %add3A_1444, %squeeze3A_1446 : f32
    %slice3A_1448 = vector.extract_strided_slice %add3A_1409 {offsets = [12], sizes = [1], strides = [1]} : vector<16xf32> to vector<1xf32>
    %squeeze3A_1449 = vector.extract %slice3A_1448[0] : f32 from vector<1xf32>
    %add3A_1450 = arith.addf %add3A_1447, %squeeze3A_1449 : f32
    %slice3A_1451 = vector.extract_strided_slice %add3A_1409 {offsets = [13], sizes = [1], strides = [1]} : vector<16xf32> to vector<1xf32>
    %squeeze3A_1452 = vector.extract %slice3A_1451[0] : f32 from vector<1xf32>
    %add3A_1453 = arith.addf %add3A_1450, %squeeze3A_1452 : f32
    %slice3A_1454 = vector.extract_strided_slice %add3A_1409 {offsets = [14], sizes = [1], strides = [1]} : vector<16xf32> to vector<1xf32>
    %squeeze3A_1455 = vector.extract %slice3A_1454[0] : f32 from vector<1xf32>
    %add3A_1456 = arith.addf %add3A_1453, %squeeze3A_1455 : f32
    %slice3A_1457 = vector.extract_strided_slice %add3A_1409 {offsets = [15], sizes = [1], strides = [1]} : vector<16xf32> to vector<1xf32>
    %squeeze3A_1458 = vector.extract %slice3A_1457[0] : f32 from vector<1xf32>
    %add3A_1459 = arith.addf %add3A_1456, %squeeze3A_1458 : f32
    %mul3A_1460 = arith.constant 3.11403852E-7 : f32
    %mul3A_1461 = arith.mulf %add3A_1459, %mul3A_1460 : f32
    %slice3A_1462 = vector.extract_strided_slice %add3A_1412 {offsets = [0], sizes = [1], strides = [1]} : vector<16xf32> to vector<1xf32>
    %squeeze3A_1463 = vector.extract %slice3A_1462[0] : f32 from vector<1xf32>
    %slice3A_1464 = vector.extract_strided_slice %add3A_1412 {offsets = [1], sizes = [1], strides = [1]} : vector<16xf32> to vector<1xf32>
    %squeeze3A_1465 = vector.extract %slice3A_1464[0] : f32 from vector<1xf32>
    %add3A_1466 = arith.addf %squeeze3A_1463, %squeeze3A_1465 : f32
    %slice3A_1467 = vector.extract_strided_slice %add3A_1412 {offsets = [2], sizes = [1], strides = [1]} : vector<16xf32> to vector<1xf32>
    %squeeze3A_1468 = vector.extract %slice3A_1467[0] : f32 from vector<1xf32>
    %add3A_1469 = arith.addf %add3A_1466, %squeeze3A_1468 : f32
    %slice3A_1470 = vector.extract_strided_slice %add3A_1412 {offsets = [3], sizes = [1], strides = [1]} : vector<16xf32> to vector<1xf32>
    %squeeze3A_1471 = vector.extract %slice3A_1470[0] : f32 from vector<1xf32>
    %add3A_1472 = arith.addf %add3A_1469, %squeeze3A_1471 : f32
    %slice3A_1473 = vector.extract_strided_slice %add3A_1412 {offsets = [4], sizes = [1], strides = [1]} : vector<16xf32> to vector<1xf32>
    %squeeze3A_1474 = vector.extract %slice3A_1473[0] : f32 from vector<1xf32>
    %add3A_1475 = arith.addf %add3A_1472, %squeeze3A_1474 : f32
    %slice3A_1476 = vector.extract_strided_slice %add3A_1412 {offsets = [5], sizes = [1], strides = [1]} : vector<16xf32> to vector<1xf32>
    %squeeze3A_1477 = vector.extract %slice3A_1476[0] : f32 from vector<1xf32>
    %add3A_1478 = arith.addf %add3A_1475, %squeeze3A_1477 : f32
    %slice3A_1479 = vector.extract_strided_slice %add3A_1412 {offsets = [6], sizes = [1], strides = [1]} : vector<16xf32> to vector<1xf32>
    %squeeze3A_1480 = vector.extract %slice3A_1479[0] : f32 from vector<1xf32>
    %add3A_1481 = arith.addf %add3A_1478, %squeeze3A_1480 : f32
    %slice3A_1482 = vector.extract_strided_slice %add3A_1412 {offsets = [7], sizes = [1], strides = [1]} : vector<16xf32> to vector<1xf32>
    %squeeze3A_1483 = vector.extract %slice3A_1482[0] : f32 from vector<1xf32>
    %add3A_1484 = arith.addf %add3A_1481, %squeeze3A_1483 : f32
    %slice3A_1485 = vector.extract_strided_slice %add3A_1412 {offsets = [8], sizes = [1], strides = [1]} : vector<16xf32> to vector<1xf32>
    %squeeze3A_1486 = vector.extract %slice3A_1485[0] : f32 from vector<1xf32>
    %add3A_1487 = arith.addf %add3A_1484, %squeeze3A_1486 : f32
    %slice3A_1488 = vector.extract_strided_slice %add3A_1412 {offsets = [9], sizes = [1], strides = [1]} : vector<16xf32> to vector<1xf32>
    %squeeze3A_1489 = vector.extract %slice3A_1488[0] : f32 from vector<1xf32>
    %add3A_1490 = arith.addf %add3A_1487, %squeeze3A_1489 : f32
    %slice3A_1491 = vector.extract_strided_slice %add3A_1412 {offsets = [10], sizes = [1], strides = [1]} : vector<16xf32> to vector<1xf32>
    %squeeze3A_1492 = vector.extract %slice3A_1491[0] : f32 from vector<1xf32>
    %add3A_1493 = arith.addf %add3A_1490, %squeeze3A_1492 : f32
    %slice3A_1494 = vector.extract_strided_slice %add3A_1412 {offsets = [11], sizes = [1], strides = [1]} : vector<16xf32> to vector<1xf32>
    %squeeze3A_1495 = vector.extract %slice3A_1494[0] : f32 from vector<1xf32>
    %add3A_1496 = arith.addf %add3A_1493, %squeeze3A_1495 : f32
    %slice3A_1497 = vector.extract_strided_slice %add3A_1412 {offsets = [12], sizes = [1], strides = [1]} : vector<16xf32> to vector<1xf32>
    %squeeze3A_1498 = vector.extract %slice3A_1497[0] : f32 from vector<1xf32>
    %add3A_1499 = arith.addf %add3A_1496, %squeeze3A_1498 : f32
    %slice3A_1500 = vector.extract_strided_slice %add3A_1412 {offsets = [13], sizes = [1], strides = [1]} : vector<16xf32> to vector<1xf32>
    %squeeze3A_1501 = vector.extract %slice3A_1500[0] : f32 from vector<1xf32>
    %add3A_1502 = arith.addf %add3A_1499, %squeeze3A_1501 : f32
    %slice3A_1503 = vector.extract_strided_slice %add3A_1412 {offsets = [14], sizes = [1], strides = [1]} : vector<16xf32> to vector<1xf32>
    %squeeze3A_1504 = vector.extract %slice3A_1503[0] : f32 from vector<1xf32>
    %add3A_1505 = arith.addf %add3A_1502, %squeeze3A_1504 : f32
    %slice3A_1506 = vector.extract_strided_slice %add3A_1412 {offsets = [15], sizes = [1], strides = [1]} : vector<16xf32> to vector<1xf32>
    %squeeze3A_1507 = vector.extract %slice3A_1506[0] : f32 from vector<1xf32>
    %add3A_1508 = arith.addf %add3A_1505, %squeeze3A_1507 : f32
    %mul3A_1509 = arith.constant 3.11403852E-7 : f32
    %mul3A_1510 = arith.mulf %add3A_1508, %mul3A_1509 : f32
    %mul3A_1511 = arith.mulf %mul3A_1461, %mul3A_1461 : f32
    %sub3A_1512 = arith.subf %mul3A_1510, %mul3A_1511 : f32
    %add3A_1513 = arith.constant 9.99999974E-6 : f32
    %add3A_1514 = arith.addf %sub3A_1512, %add3A_1513 : f32
    %broadcast_in_dim3A_1515 = vector.broadcast %add3A_1514 : f32 to vector<16xf32>
    %bitcast3A = vector.bitcast %broadcast_in_dim3A_1515 : vector<16xf32> to vector<16xi32>
    %shift_right_logical3A = arith.constant 1 : i32
    %shift_right_logical3A_1516 = vector.broadcast %shift_right_logical3A : i32 to vector<16xi32>
    %shift_right_logical3A_1517 = arith.shrui %bitcast3A, %shift_right_logical3A_1516 : vector<16xi32>
    %sub3A_1518 = arith.constant 1597463007 : i32
    %sub3A_1519 = vector.broadcast %sub3A_1518 : i32 to vector<16xi32>
    %sub3A_1520 = arith.subi %sub3A_1519, %shift_right_logical3A_1517 : vector<16xi32>
    %bitcast3A_1521 = vector.bitcast %sub3A_1520 : vector<16xi32> to vector<16xf32>
    %mul3A_1522 = arith.constant 5.000000e-01 : f32
    %mul3A_1523 = vector.broadcast %mul3A_1522 : f32 to vector<16xf32>
    %mul3A_1524 = arith.mulf %mul3A_1523, %broadcast_in_dim3A_1515 : vector<16xf32>
    %mul3A_1525 = arith.mulf %mul3A_1524, %bitcast3A_1521 : vector<16xf32>
    %mul3A_1526 = arith.mulf %mul3A_1525, %bitcast3A_1521 : vector<16xf32>
    %sub3A_1527 = arith.constant 1.500000e+00 : f32
    %sub3A_1528 = vector.broadcast %sub3A_1527 : f32 to vector<16xf32>
    %sub3A_1529 = arith.subf %sub3A_1528, %mul3A_1526 : vector<16xf32>
    %mul3A_1530 = arith.mulf %bitcast3A_1521, %sub3A_1529 : vector<16xf32>
    %mul3A_1531 = arith.constant 5.000000e-01 : f32
    %mul3A_1532 = vector.broadcast %mul3A_1531 : f32 to vector<16xf32>
    %mul3A_1533 = arith.mulf %mul3A_1532, %broadcast_in_dim3A_1515 : vector<16xf32>
    %mul3A_1534 = arith.mulf %mul3A_1533, %mul3A_1530 : vector<16xf32>
    %mul3A_1535 = arith.mulf %mul3A_1534, %mul3A_1530 : vector<16xf32>
    %sub3A_1536 = arith.constant 1.500000e+00 : f32
    %sub3A_1537 = vector.broadcast %sub3A_1536 : f32 to vector<16xf32>
    %sub3A_1538 = arith.subf %sub3A_1537, %mul3A_1535 : vector<16xf32>
    %mul3A_1539 = arith.mulf %mul3A_1530, %sub3A_1538 : vector<16xf32>
    %mul3A_1540 = arith.constant 5.000000e-01 : f32
    %mul3A_1541 = vector.broadcast %mul3A_1540 : f32 to vector<16xf32>
    %mul3A_1542 = arith.mulf %mul3A_1541, %broadcast_in_dim3A_1515 : vector<16xf32>
    %mul3A_1543 = arith.mulf %mul3A_1542, %mul3A_1539 : vector<16xf32>
    %mul3A_1544 = arith.mulf %mul3A_1543, %mul3A_1539 : vector<16xf32>
    %sub3A_1545 = arith.constant 1.500000e+00 : f32
    %sub3A_1546 = vector.broadcast %sub3A_1545 : f32 to vector<16xf32>
    %sub3A_1547 = arith.subf %sub3A_1546, %mul3A_1544 : vector<16xf32>
    %mul3A_1548 = arith.mulf %mul3A_1539, %sub3A_1547 : vector<16xf32>
    %jit3A_1549 = arith.constant 4 : i32
    %eq3A_1550 = arith.constant 0 : i32
    %eq3A_1551 = arith.cmpi eq, %jit3A_1549, %eq3A_1550 : i32
    %jit3A_1552 = arith.constant 1 : i32
    %select_n3A_1553 = arith.select %eq3A_1551, %jit3A_1552, %jit3A_1549 : i32
    %rem3A_1554 = arith.remsi %add3A, %select_n3A_1553 : i32
    %ne3A_1555 = arith.constant 0 : i32
    %ne3A_1556 = arith.cmpi ne, %rem3A_1554, %ne3A_1555 : i32
    %lt3A_1557 = arith.constant 0 : i32
    %lt3A_1558 = arith.cmpi slt, %rem3A_1554, %lt3A_1557 : i32
    %lt3A_1559 = arith.constant 0 : i32
    %lt3A_1560 = arith.cmpi slt, %select_n3A_1553, %lt3A_1559 : i32
    %ne3A_1561 = arith.xori %lt3A_1558, %lt3A_1560 : i1
    %and3A_1562 = arith.andi %ne3A_1561, %ne3A_1556 : i1
    %add3A_1563 = arith.addi %rem3A_1554, %select_n3A_1553 : i32
    %select_n3A_1564 = arith.select %and3A_1562, %add3A_1563, %rem3A_1554 : i32
    %iota3A = tpu.iota {dimensions = array<i32: 0>} : vector<16xi32>
    %eq3A_1565 = vector.broadcast %select_n3A_1564 : i32 to vector<16xi32>
    %eq3A_1566 = arith.cmpi eq, %iota3A, %eq3A_1565 : vector<16xi32>
    %get3A_1567 = arith.constant 0 : index
    %get3A_1568 = tpu.vector_load %arg9[%get3A_1567] {strides = array<i32>} : memref<16xf32, #tpu.memory_space<vmem>>, vector<16xf32>,
    %jit3A_1569 = arith.constant 0.000000e+00 : f32
    %broadcast_in_dim3A_1570 = vector.broadcast %jit3A_1569 : f32 to vector<16xf32>
    %select_n3A_1571 = arith.select %eq3A_1566, %get3A_1568, %broadcast_in_dim3A_1570 : vector<16xi1>, vector<16xf32>
    %slice3A_1572 = vector.extract_strided_slice %select_n3A_1571 {offsets = [0], sizes = [1], strides = [1]} : vector<16xf32> to vector<1xf32>
    %squeeze3A_1573 = vector.extract %slice3A_1572[0] : f32 from vector<1xf32>
    %slice3A_1574 = vector.extract_strided_slice %select_n3A_1571 {offsets = [1], sizes = [1], strides = [1]} : vector<16xf32> to vector<1xf32>
    %squeeze3A_1575 = vector.extract %slice3A_1574[0] : f32 from vector<1xf32>
    %add3A_1576 = arith.addf %squeeze3A_1573, %squeeze3A_1575 : f32
    %slice3A_1577 = vector.extract_strided_slice %select_n3A_1571 {offsets = [2], sizes = [1], strides = [1]} : vector<16xf32> to vector<1xf32>
    %squeeze3A_1578 = vector.extract %slice3A_1577[0] : f32 from vector<1xf32>
    %add3A_1579 = arith.addf %add3A_1576, %squeeze3A_1578 : f32
    %slice3A_1580 = vector.extract_strided_slice %select_n3A_1571 {offsets = [3], sizes = [1], strides = [1]} : vector<16xf32> to vector<1xf32>
    %squeeze3A_1581 = vector.extract %slice3A_1580[0] : f32 from vector<1xf32>
    %add3A_1582 = arith.addf %add3A_1579, %squeeze3A_1581 : f32
    %slice3A_1583 = vector.extract_strided_slice %select_n3A_1571 {offsets = [4], sizes = [1], strides = [1]} : vector<16xf32> to vector<1xf32>
    %squeeze3A_1584 = vector.extract %slice3A_1583[0] : f32 from vector<1xf32>
    %add3A_1585 = arith.addf %add3A_1582, %squeeze3A_1584 : f32
    %slice3A_1586 = vector.extract_strided_slice %select_n3A_1571 {offsets = [5], sizes = [1], strides = [1]} : vector<16xf32> to vector<1xf32>
    %squeeze3A_1587 = vector.extract %slice3A_1586[0] : f32 from vector<1xf32>
    %add3A_1588 = arith.addf %add3A_1585, %squeeze3A_1587 : f32
    %slice3A_1589 = vector.extract_strided_slice %select_n3A_1571 {offsets = [6], sizes = [1], strides = [1]} : vector<16xf32> to vector<1xf32>
    %squeeze3A_1590 = vector.extract %slice3A_1589[0] : f32 from vector<1xf32>
    %add3A_1591 = arith.addf %add3A_1588, %squeeze3A_1590 : f32
    %slice3A_1592 = vector.extract_strided_slice %select_n3A_1571 {offsets = [7], sizes = [1], strides = [1]} : vector<16xf32> to vector<1xf32>
    %squeeze3A_1593 = vector.extract %slice3A_1592[0] : f32 from vector<1xf32>
    %add3A_1594 = arith.addf %add3A_1591, %squeeze3A_1593 : f32
    %slice3A_1595 = vector.extract_strided_slice %select_n3A_1571 {offsets = [8], sizes = [1], strides = [1]} : vector<16xf32> to vector<1xf32>
    %squeeze3A_1596 = vector.extract %slice3A_1595[0] : f32 from vector<1xf32>
    %add3A_1597 = arith.addf %add3A_1594, %squeeze3A_1596 : f32
    %slice3A_1598 = vector.extract_strided_slice %select_n3A_1571 {offsets = [9], sizes = [1], strides = [1]} : vector<16xf32> to vector<1xf32>
    %squeeze3A_1599 = vector.extract %slice3A_1598[0] : f32 from vector<1xf32>
    %add3A_1600 = arith.addf %add3A_1597, %squeeze3A_1599 : f32
    %slice3A_1601 = vector.extract_strided_slice %select_n3A_1571 {offsets = [10], sizes = [1], strides = [1]} : vector<16xf32> to vector<1xf32>
    %squeeze3A_1602 = vector.extract %slice3A_1601[0] : f32 from vector<1xf32>
    %add3A_1603 = arith.addf %add3A_1600, %squeeze3A_1602 : f32
    %slice3A_1604 = vector.extract_strided_slice %select_n3A_1571 {offsets = [11], sizes = [1], strides = [1]} : vector<16xf32> to vector<1xf32>
    %squeeze3A_1605 = vector.extract %slice3A_1604[0] : f32 from vector<1xf32>
    %add3A_1606 = arith.addf %add3A_1603, %squeeze3A_1605 : f32
    %slice3A_1607 = vector.extract_strided_slice %select_n3A_1571 {offsets = [12], sizes = [1], strides = [1]} : vector<16xf32> to vector<1xf32>
    %squeeze3A_1608 = vector.extract %slice3A_1607[0] : f32 from vector<1xf32>
    %add3A_1609 = arith.addf %add3A_1606, %squeeze3A_1608 : f32
    %slice3A_1610 = vector.extract_strided_slice %select_n3A_1571 {offsets = [13], sizes = [1], strides = [1]} : vector<16xf32> to vector<1xf32>
    %squeeze3A_1611 = vector.extract %slice3A_1610[0] : f32 from vector<1xf32>
    %add3A_1612 = arith.addf %add3A_1609, %squeeze3A_1611 : f32
    %slice3A_1613 = vector.extract_strided_slice %select_n3A_1571 {offsets = [14], sizes = [1], strides = [1]} : vector<16xf32> to vector<1xf32>
    %squeeze3A_1614 = vector.extract %slice3A_1613[0] : f32 from vector<1xf32>
    %add3A_1615 = arith.addf %add3A_1612, %squeeze3A_1614 : f32
    %slice3A_1616 = vector.extract_strided_slice %select_n3A_1571 {offsets = [15], sizes = [1], strides = [1]} : vector<16xf32> to vector<1xf32>
    %squeeze3A_1617 = vector.extract %slice3A_1616[0] : f32 from vector<1xf32>
    %add3A_1618 = arith.addf %add3A_1615, %squeeze3A_1617 : f32
    %eq3A_1619 = vector.broadcast %select_n3A_1564 : i32 to vector<16xi32>
    %eq3A_1620 = arith.cmpi eq, %iota3A, %eq3A_1619 : vector<16xi32>
    %get3A_1621 = arith.constant 0 : index
    %get3A_1622 = tpu.vector_load %arg10[%get3A_1621] {strides = array<i32>} : memref<16xf32, #tpu.memory_space<vmem>>, vector<16xf32>,
    %jit3A_1623 = arith.constant 0.000000e+00 : f32
    %broadcast_in_dim3A_1624 = vector.broadcast %jit3A_1623 : f32 to vector<16xf32>
    %select_n3A_1625 = arith.select %eq3A_1620, %get3A_1622, %broadcast_in_dim3A_1624 : vector<16xi1>, vector<16xf32>
    %slice3A_1626 = vector.extract_strided_slice %select_n3A_1625 {offsets = [0], sizes = [1], strides = [1]} : vector<16xf32> to vector<1xf32>
    %squeeze3A_1627 = vector.extract %slice3A_1626[0] : f32 from vector<1xf32>
    %slice3A_1628 = vector.extract_strided_slice %select_n3A_1625 {offsets = [1], sizes = [1], strides = [1]} : vector<16xf32> to vector<1xf32>
    %squeeze3A_1629 = vector.extract %slice3A_1628[0] : f32 from vector<1xf32>
    %add3A_1630 = arith.addf %squeeze3A_1627, %squeeze3A_1629 : f32
    %slice3A_1631 = vector.extract_strided_slice %select_n3A_1625 {offsets = [2], sizes = [1], strides = [1]} : vector<16xf32> to vector<1xf32>
    %squeeze3A_1632 = vector.extract %slice3A_1631[0] : f32 from vector<1xf32>
    %add3A_1633 = arith.addf %add3A_1630, %squeeze3A_1632 : f32
    %slice3A_1634 = vector.extract_strided_slice %select_n3A_1625 {offsets = [3], sizes = [1], strides = [1]} : vector<16xf32> to vector<1xf32>
    %squeeze3A_1635 = vector.extract %slice3A_1634[0] : f32 from vector<1xf32>
    %add3A_1636 = arith.addf %add3A_1633, %squeeze3A_1635 : f32
    %slice3A_1637 = vector.extract_strided_slice %select_n3A_1625 {offsets = [4], sizes = [1], strides = [1]} : vector<16xf32> to vector<1xf32>
    %squeeze3A_1638 = vector.extract %slice3A_1637[0] : f32 from vector<1xf32>
    %add3A_1639 = arith.addf %add3A_1636, %squeeze3A_1638 : f32
    %slice3A_1640 = vector.extract_strided_slice %select_n3A_1625 {offsets = [5], sizes = [1], strides = [1]} : vector<16xf32> to vector<1xf32>
    %squeeze3A_1641 = vector.extract %slice3A_1640[0] : f32 from vector<1xf32>
    %add3A_1642 = arith.addf %add3A_1639, %squeeze3A_1641 : f32
    %slice3A_1643 = vector.extract_strided_slice %select_n3A_1625 {offsets = [6], sizes = [1], strides = [1]} : vector<16xf32> to vector<1xf32>
    %squeeze3A_1644 = vector.extract %slice3A_1643[0] : f32 from vector<1xf32>
    %add3A_1645 = arith.addf %add3A_1642, %squeeze3A_1644 : f32
    %slice3A_1646 = vector.extract_strided_slice %select_n3A_1625 {offsets = [7], sizes = [1], strides = [1]} : vector<16xf32> to vector<1xf32>
    %squeeze3A_1647 = vector.extract %slice3A_1646[0] : f32 from vector<1xf32>
    %add3A_1648 = arith.addf %add3A_1645, %squeeze3A_1647 : f32
    %slice3A_1649 = vector.extract_strided_slice %select_n3A_1625 {offsets = [8], sizes = [1], strides = [1]} : vector<16xf32> to vector<1xf32>
    %squeeze3A_1650 = vector.extract %slice3A_1649[0] : f32 from vector<1xf32>
    %add3A_1651 = arith.addf %add3A_1648, %squeeze3A_1650 : f32
    %slice3A_1652 = vector.extract_strided_slice %select_n3A_1625 {offsets = [9], sizes = [1], strides = [1]} : vector<16xf32> to vector<1xf32>
    %squeeze3A_1653 = vector.extract %slice3A_1652[0] : f32 from vector<1xf32>
    %add3A_1654 = arith.addf %add3A_1651, %squeeze3A_1653 : f32
    %slice3A_1655 = vector.extract_strided_slice %select_n3A_1625 {offsets = [10], sizes = [1], strides = [1]} : vector<16xf32> to vector<1xf32>
    %squeeze3A_1656 = vector.extract %slice3A_1655[0] : f32 from vector<1xf32>
    %add3A_1657 = arith.addf %add3A_1654, %squeeze3A_1656 : f32
    %slice3A_1658 = vector.extract_strided_slice %select_n3A_1625 {offsets = [11], sizes = [1], strides = [1]} : vector<16xf32> to vector<1xf32>
    %squeeze3A_1659 = vector.extract %slice3A_1658[0] : f32 from vector<1xf32>
    %add3A_1660 = arith.addf %add3A_1657, %squeeze3A_1659 : f32
    %slice3A_1661 = vector.extract_strided_slice %select_n3A_1625 {offsets = [12], sizes = [1], strides = [1]} : vector<16xf32> to vector<1xf32>
    %squeeze3A_1662 = vector.extract %slice3A_1661[0] : f32 from vector<1xf32>
    %add3A_1663 = arith.addf %add3A_1660, %squeeze3A_1662 : f32
    %slice3A_1664 = vector.extract_strided_slice %select_n3A_1625 {offsets = [13], sizes = [1], strides = [1]} : vector<16xf32> to vector<1xf32>
    %squeeze3A_1665 = vector.extract %slice3A_1664[0] : f32 from vector<1xf32>
    %add3A_1666 = arith.addf %add3A_1663, %squeeze3A_1665 : f32
    %slice3A_1667 = vector.extract_strided_slice %select_n3A_1625 {offsets = [14], sizes = [1], strides = [1]} : vector<16xf32> to vector<1xf32>
    %squeeze3A_1668 = vector.extract %slice3A_1667[0] : f32 from vector<1xf32>
    %add3A_1669 = arith.addf %add3A_1666, %squeeze3A_1668 : f32
    %slice3A_1670 = vector.extract_strided_slice %select_n3A_1625 {offsets = [15], sizes = [1], strides = [1]} : vector<16xf32> to vector<1xf32>
    %squeeze3A_1671 = vector.extract %slice3A_1670[0] : f32 from vector<1xf32>
    %add3A_1672 = arith.addf %add3A_1669, %squeeze3A_1671 : f32
    %mul3A_1673 = arith.constant 2.550000e+02 : f32
    %mul3A_1674 = arith.mulf %add3A_1618, %mul3A_1673 : f32
    %mul3A_1675 = vector.broadcast %mul3A_1674 : f32 to vector<16xf32>
    %mul3A_1676 = arith.mulf %mul3A_1548, %mul3A_1675 : vector<16xf32>
    %mul3A_1677 = arith.constant 2.550000e+02 : f32
    %mul3A_1678 = arith.mulf %add3A_1672, %mul3A_1677 : f32
    %mul3A_1679 = vector.broadcast %mul3A_1461 : f32 to vector<16xf32>
    %mul3A_1680 = arith.mulf %mul3A_1679, %mul3A_1676 : vector<16xf32>
    %sub3A_1681 = vector.broadcast %mul3A_1678 : f32 to vector<16xf32>
    %sub3A_1682 = arith.subf %sub3A_1681, %mul3A_1680 : vector<16xf32>
    %iota3A_1683 = tpu.iota {dimensions = array<i32: 0>} : vector<16xi32>
    %dma_start3A_1684 = tpu.memref_slice %arg2[%add3A_35] : memref<25690112xf32, #tpu.memory_space<hbm>> -> memref<28672xf32, #tpu.memory_space<hbm>>
    %dma_start3A_1685 = tpu.memref_slice %arg2[%add3A_35] : memref<25690112xf32, #tpu.memory_space<hbm>> -> memref<28672xf32, #tpu.memory_space<hbm>>
    tpu.enqueue_dma source(%dma_start3A_1685 : memref<28672xf32, #tpu.memory_space<hbm>>) target(%arg15 : memref<28672xf32, #tpu.memory_space<vmem>>) target_semaphore(%arg21 : memref<!tpu.dma_semaphore, #tpu.memory_space<semaphore_mem>>)
    %scan3A_1686 = arith.constant 0 : i32
    %scan3A_1687 = arith.constant 0 : i32
    %scan3A_1688 = arith.constant 14 : i32
    %scan3A_1689 = arith.addi %scan3A_1687, %scan3A_1688 : i32
    %scan3A_1690 = arith.constant 1 : i32
    scf.for %scan3A_1699 = %scan3A_1687 to %scan3A_1689 step %scan3A_1690  : i32 {
      %mul3A_1700 = arith.constant 2 : i32
      %mul3A_1701 = arith.muli %mul3A_1700, %scan3A_1699 : i32
      %mul3A_1702 = arith.constant 28672 : i32
      %mul3A_1703 = arith.muli %mul3A_1701, %mul3A_1702 : i32
      %add3A_1704 = arith.addi %add3A_35, %mul3A_1703 : i32
      %add3A_1705 = arith.constant 28672 : i32
      %add3A_1706 = arith.addi %add3A_1704, %add3A_1705 : i32
      %dma_start3A_1707 = tpu.memref_slice %arg2[%add3A_1706] : memref<25690112xf32, #tpu.memory_space<hbm>> -> memref<28672xf32, #tpu.memory_space<hbm>>
      %dma_start3A_1708 = tpu.memref_slice %arg2[%add3A_1706] : memref<25690112xf32, #tpu.memory_space<hbm>> -> memref<28672xf32, #tpu.memory_space<hbm>>
      tpu.enqueue_dma source(%dma_start3A_1708 : memref<28672xf32, #tpu.memory_space<hbm>>) target(%arg16 : memref<28672xf32, #tpu.memory_space<vmem>>) target_semaphore(%arg22 : memref<!tpu.dma_semaphore, #tpu.memory_space<semaphore_mem>>)
      %dma_wait3A_1709 = tpu.memref_slice %arg2[%add3A_1704] : memref<25690112xf32, #tpu.memory_space<hbm>> -> memref<28672xf32, #tpu.memory_space<hbm>>
      %dma_wait3A_1710 = tpu.memref_slice %arg2[%add3A_1704] : memref<25690112xf32, #tpu.memory_space<hbm>> -> memref<28672xf32, #tpu.memory_space<hbm>>
      tpu.wait_dma2 semaphore(%arg21 : memref<!tpu.dma_semaphore, #tpu.memory_space<semaphore_mem>>) src(%dma_wait3A_1710 : memref<28672xf32, #tpu.memory_space<hbm>>) dst(%arg15 : memref<28672xf32, #tpu.memory_space<vmem>>)
      %gt3A = arith.constant 0 : i32
      %gt3A_1711 = arith.cmpi sgt, %scan3A_1699, %gt3A : i32
      %convert_element_type3A = arith.extui %gt3A_1711 : i1 to i32
      %cond3A = arith.constant 0 : i32
      %cond3A_1712 = arith.cmpi ne, %convert_element_type3A, %cond3A : i32
      scf.if %cond3A_1712 {
        %sub3A_1738 = arith.constant 57344 : i32
        %sub3A_1739 = arith.subi %add3A_1704, %sub3A_1738 : i32
        %dma_wait3A_1740 = tpu.memref_slice %arg6[%sub3A_1739] : memref<25690112xf32, #tpu.memory_space<hbm>> -> memref<28672xf32, #tpu.memory_space<hbm>>
        %dma_wait3A_1741 = tpu.memref_slice %arg6[%sub3A_1739] : memref<25690112xf32, #tpu.memory_space<hbm>> -> memref<28672xf32, #tpu.memory_space<hbm>>
        tpu.wait_dma2 semaphore(%arg23 : memref<!tpu.dma_semaphore, #tpu.memory_space<semaphore_mem>>) src(%arg17 : memref<28672xf32, #tpu.memory_space<vmem>>) dst(%dma_wait3A_1741 : memref<28672xf32, #tpu.memory_space<hbm>>)
      } else {
      }
      %parallel_loop3A = arith.constant 0 : i32
      %parallel_loop3A_1713 = arith.constant 1792 : i32
      %parallel_loop3A_1714 = arith.constant 1 : i32
      scf.for %parallel_loop3A_1738 = %parallel_loop3A to %parallel_loop3A_1713 step %parallel_loop3A_1714  : i32 {
        %parallel_loop3A_1739 = arith.constant 16 : i32
        %parallel_loop3A_1740 = arith.muli %parallel_loop3A_1738, %parallel_loop3A_1739 : i32
        %parallel_loop3A_1741 = arith.index_cast %parallel_loop3A_1740 : i32 to index
        %parallel_loop3A_1742 = tpu.vector_load %arg15[%parallel_loop3A_1741] {strides = array<i32>} : memref<28672xf32, #tpu.memory_space<vmem>>, vector<16xf32>,
        %parallel_loop3A_1743 = arith.mulf %parallel_loop3A_1742, %mul3A_1676 : vector<16xf32>
        %parallel_loop3A_1744 = arith.addf %parallel_loop3A_1743, %sub3A_1682 : vector<16xf32>
        %parallel_loop3A_1745 = arith.constant 0.000000e+00 : f32
        %parallel_loop3A_1746 = vector.broadcast %parallel_loop3A_1745 : f32 to vector<16xf32>
        %parallel_loop3A_1747 = arith.maximumf %parallel_loop3A_1744, %parallel_loop3A_1746 : vector<16xf32>
        %parallel_loop3A_1748 = arith.constant 2.550000e+02 : f32
        %parallel_loop3A_1749 = vector.broadcast %parallel_loop3A_1748 : f32 to vector<16xf32>
        %parallel_loop3A_1750 = arith.minimumf %parallel_loop3A_1747, %parallel_loop3A_1749 : vector<16xf32>
        %parallel_loop3A_1751 = arith.fptosi %parallel_loop3A_1750 : vector<16xf32> to vector<16xi32>
        %parallel_loop3A_1752 = arith.sitofp %parallel_loop3A_1751 : vector<16xi32> to vector<16xf32>
        %parallel_loop3A_1753 = arith.subf %parallel_loop3A_1750, %parallel_loop3A_1752 : vector<16xf32>
        %parallel_loop3A_1754 = arith.constant 1 : i32
        %parallel_loop3A_1755 = vector.broadcast %parallel_loop3A_1754 : i32 to vector<16xi32>
        %parallel_loop3A_1756 = arith.addi %parallel_loop3A_1751, %parallel_loop3A_1755 : vector<16xi32>
        %parallel_loop3A_1757 = arith.constant 255 : i32
        %parallel_loop3A_1758 = vector.broadcast %parallel_loop3A_1757 : i32 to vector<16xi32>
        %parallel_loop3A_1759 = arith.minsi %parallel_loop3A_1756, %parallel_loop3A_1758 : vector<16xi32>
        %parallel_loop3A_1760 = arith.constant 16 : i32
        %parallel_loop3A_1761 = vector.broadcast %parallel_loop3A_1760 : i32 to vector<16xi32>
        %parallel_loop3A_1762 = arith.muli %parallel_loop3A_1751, %parallel_loop3A_1761 : vector<16xi32>
        %parallel_loop3A_1763 = arith.addi %parallel_loop3A_1762, %iota3A_1683 : vector<16xi32>
        %parallel_loop3A_1764 = tpu.vector_load_idx %arg8[%parallel_loop3A_1763] : memref<4096xf32, #tpu.memory_space<vmem>>[vector<16xi32>], vector<16xf32>,
        %parallel_loop3A_1765 = arith.constant 16 : i32
        %parallel_loop3A_1766 = vector.broadcast %parallel_loop3A_1765 : i32 to vector<16xi32>
        %parallel_loop3A_1767 = arith.muli %parallel_loop3A_1759, %parallel_loop3A_1766 : vector<16xi32>
        %parallel_loop3A_1768 = arith.addi %parallel_loop3A_1767, %iota3A_1683 : vector<16xi32>
        %parallel_loop3A_1769 = tpu.vector_load_idx %arg8[%parallel_loop3A_1768] : memref<4096xf32, #tpu.memory_space<vmem>>[vector<16xi32>], vector<16xf32>,
        %parallel_loop3A_1770 = arith.subf %parallel_loop3A_1769, %parallel_loop3A_1764 : vector<16xf32>
        %parallel_loop3A_1771 = arith.mulf %parallel_loop3A_1753, %parallel_loop3A_1770 : vector<16xf32>
        %parallel_loop3A_1772 = arith.addf %parallel_loop3A_1764, %parallel_loop3A_1771 : vector<16xf32>
        %parallel_loop3A_1773 = arith.index_cast %parallel_loop3A_1740 : i32 to index
        %parallel_loop3A_1774 = tpu.vector_load %arg17[%parallel_loop3A_1773] {strides = array<i32>} : memref<28672xf32, #tpu.memory_space<vmem>>, vector<16xf32>,
        tpu.vector_store %arg17[%parallel_loop3A_1773], %parallel_loop3A_1772 {strides = array<i32>} : memref<28672xf32, #tpu.memory_space<vmem>>, vector<16xf32>,
      } {sc.loop_unroll_factor = 8 : i64, sc.parallel_access}
      %dma_start3A_1715 = tpu.memref_slice %arg6[%add3A_1704] : memref<25690112xf32, #tpu.memory_space<hbm>> -> memref<28672xf32, #tpu.memory_space<hbm>>
      %dma_start3A_1716 = tpu.memref_slice %arg6[%add3A_1704] : memref<25690112xf32, #tpu.memory_space<hbm>> -> memref<28672xf32, #tpu.memory_space<hbm>>
      tpu.enqueue_dma source(%arg17 : memref<28672xf32, #tpu.memory_space<vmem>>) target(%dma_start3A_1716 : memref<28672xf32, #tpu.memory_space<hbm>>) target_semaphore(%arg23 : memref<!tpu.dma_semaphore, #tpu.memory_space<semaphore_mem>>)
      %lt3A_1717 = arith.constant 13 : i32
      %lt3A_1718 = arith.cmpi slt, %scan3A_1699, %lt3A_1717 : i32
      %convert_element_type3A_1719 = arith.extui %lt3A_1718 : i1 to i32
      %cond3A_1720 = arith.constant 0 : i32
      %cond3A_1721 = arith.cmpi ne, %convert_element_type3A_1719, %cond3A_1720 : i32
      scf.if %cond3A_1721 {
        %add3A_1738 = arith.constant 57344 : i32
        %add3A_1739 = arith.addi %add3A_1704, %add3A_1738 : i32
        %dma_start3A_1740 = tpu.memref_slice %arg2[%add3A_1739] : memref<25690112xf32, #tpu.memory_space<hbm>> -> memref<28672xf32, #tpu.memory_space<hbm>>
        %dma_start3A_1741 = tpu.memref_slice %arg2[%add3A_1739] : memref<25690112xf32, #tpu.memory_space<hbm>> -> memref<28672xf32, #tpu.memory_space<hbm>>
        tpu.enqueue_dma source(%dma_start3A_1741 : memref<28672xf32, #tpu.memory_space<hbm>>) target(%arg15 : memref<28672xf32, #tpu.memory_space<vmem>>) target_semaphore(%arg21 : memref<!tpu.dma_semaphore, #tpu.memory_space<semaphore_mem>>)
      } else {
      }
      %add3A_1722 = arith.constant 28672 : i32
      %add3A_1723 = arith.addi %add3A_1704, %add3A_1722 : i32
      %dma_wait3A_1724 = tpu.memref_slice %arg2[%add3A_1723] : memref<25690112xf32, #tpu.memory_space<hbm>> -> memref<28672xf32, #tpu.memory_space<hbm>>
      %dma_wait3A_1725 = tpu.memref_slice %arg2[%add3A_1723] : memref<25690112xf32, #tpu.memory_space<hbm>> -> memref<28672xf32, #tpu.memory_space<hbm>>
      tpu.wait_dma2 semaphore(%arg22 : memref<!tpu.dma_semaphore, #tpu.memory_space<semaphore_mem>>) src(%dma_wait3A_1725 : memref<28672xf32, #tpu.memory_space<hbm>>) dst(%arg16 : memref<28672xf32, #tpu.memory_space<vmem>>)
      %gt3A_1726 = arith.constant 0 : i32
      %gt3A_1727 = arith.cmpi sgt, %scan3A_1699, %gt3A_1726 : i32
      %convert_element_type3A_1728 = arith.extui %gt3A_1727 : i1 to i32
      %cond3A_1729 = arith.constant 0 : i32
      %cond3A_1730 = arith.cmpi ne, %convert_element_type3A_1728, %cond3A_1729 : i32
      scf.if %cond3A_1730 {
        %sub3A_1738 = arith.constant 28672 : i32
        %sub3A_1739 = arith.subi %add3A_1704, %sub3A_1738 : i32
        %dma_wait3A_1740 = tpu.memref_slice %arg6[%sub3A_1739] : memref<25690112xf32, #tpu.memory_space<hbm>> -> memref<28672xf32, #tpu.memory_space<hbm>>
        %dma_wait3A_1741 = tpu.memref_slice %arg6[%sub3A_1739] : memref<25690112xf32, #tpu.memory_space<hbm>> -> memref<28672xf32, #tpu.memory_space<hbm>>
        tpu.wait_dma2 semaphore(%arg24 : memref<!tpu.dma_semaphore, #tpu.memory_space<semaphore_mem>>) src(%arg18 : memref<28672xf32, #tpu.memory_space<vmem>>) dst(%dma_wait3A_1741 : memref<28672xf32, #tpu.memory_space<hbm>>)
      } else {
      }
      %parallel_loop3A_1731 = arith.constant 0 : i32
      %parallel_loop3A_1732 = arith.constant 1792 : i32
      %parallel_loop3A_1733 = arith.constant 1 : i32
      scf.for %parallel_loop3A_1738 = %parallel_loop3A_1731 to %parallel_loop3A_1732 step %parallel_loop3A_1733  : i32 {
        %parallel_loop3A_1739 = arith.constant 16 : i32
        %parallel_loop3A_1740 = arith.muli %parallel_loop3A_1738, %parallel_loop3A_1739 : i32
        %parallel_loop3A_1741 = arith.index_cast %parallel_loop3A_1740 : i32 to index
        %parallel_loop3A_1742 = tpu.vector_load %arg16[%parallel_loop3A_1741] {strides = array<i32>} : memref<28672xf32, #tpu.memory_space<vmem>>, vector<16xf32>,
        %parallel_loop3A_1743 = arith.mulf %parallel_loop3A_1742, %mul3A_1676 : vector<16xf32>
        %parallel_loop3A_1744 = arith.addf %parallel_loop3A_1743, %sub3A_1682 : vector<16xf32>
        %parallel_loop3A_1745 = arith.constant 0.000000e+00 : f32
        %parallel_loop3A_1746 = vector.broadcast %parallel_loop3A_1745 : f32 to vector<16xf32>
        %parallel_loop3A_1747 = arith.maximumf %parallel_loop3A_1744, %parallel_loop3A_1746 : vector<16xf32>
        %parallel_loop3A_1748 = arith.constant 2.550000e+02 : f32
        %parallel_loop3A_1749 = vector.broadcast %parallel_loop3A_1748 : f32 to vector<16xf32>
        %parallel_loop3A_1750 = arith.minimumf %parallel_loop3A_1747, %parallel_loop3A_1749 : vector<16xf32>
        %parallel_loop3A_1751 = arith.fptosi %parallel_loop3A_1750 : vector<16xf32> to vector<16xi32>
        %parallel_loop3A_1752 = arith.sitofp %parallel_loop3A_1751 : vector<16xi32> to vector<16xf32>
        %parallel_loop3A_1753 = arith.subf %parallel_loop3A_1750, %parallel_loop3A_1752 : vector<16xf32>
        %parallel_loop3A_1754 = arith.constant 1 : i32
        %parallel_loop3A_1755 = vector.broadcast %parallel_loop3A_1754 : i32 to vector<16xi32>
        %parallel_loop3A_1756 = arith.addi %parallel_loop3A_1751, %parallel_loop3A_1755 : vector<16xi32>
        %parallel_loop3A_1757 = arith.constant 255 : i32
        %parallel_loop3A_1758 = vector.broadcast %parallel_loop3A_1757 : i32 to vector<16xi32>
        %parallel_loop3A_1759 = arith.minsi %parallel_loop3A_1756, %parallel_loop3A_1758 : vector<16xi32>
        %parallel_loop3A_1760 = arith.constant 16 : i32
        %parallel_loop3A_1761 = vector.broadcast %parallel_loop3A_1760 : i32 to vector<16xi32>
        %parallel_loop3A_1762 = arith.muli %parallel_loop3A_1751, %parallel_loop3A_1761 : vector<16xi32>
        %parallel_loop3A_1763 = arith.addi %parallel_loop3A_1762, %iota3A_1683 : vector<16xi32>
        %parallel_loop3A_1764 = tpu.vector_load_idx %arg8[%parallel_loop3A_1763] : memref<4096xf32, #tpu.memory_space<vmem>>[vector<16xi32>], vector<16xf32>,
        %parallel_loop3A_1765 = arith.constant 16 : i32
        %parallel_loop3A_1766 = vector.broadcast %parallel_loop3A_1765 : i32 to vector<16xi32>
        %parallel_loop3A_1767 = arith.muli %parallel_loop3A_1759, %parallel_loop3A_1766 : vector<16xi32>
        %parallel_loop3A_1768 = arith.addi %parallel_loop3A_1767, %iota3A_1683 : vector<16xi32>
        %parallel_loop3A_1769 = tpu.vector_load_idx %arg8[%parallel_loop3A_1768] : memref<4096xf32, #tpu.memory_space<vmem>>[vector<16xi32>], vector<16xf32>,
        %parallel_loop3A_1770 = arith.subf %parallel_loop3A_1769, %parallel_loop3A_1764 : vector<16xf32>
        %parallel_loop3A_1771 = arith.mulf %parallel_loop3A_1753, %parallel_loop3A_1770 : vector<16xf32>
        %parallel_loop3A_1772 = arith.addf %parallel_loop3A_1764, %parallel_loop3A_1771 : vector<16xf32>
        %parallel_loop3A_1773 = arith.index_cast %parallel_loop3A_1740 : i32 to index
        %parallel_loop3A_1774 = tpu.vector_load %arg18[%parallel_loop3A_1773] {strides = array<i32>} : memref<28672xf32, #tpu.memory_space<vmem>>, vector<16xf32>,
        tpu.vector_store %arg18[%parallel_loop3A_1773], %parallel_loop3A_1772 {strides = array<i32>} : memref<28672xf32, #tpu.memory_space<vmem>>, vector<16xf32>,
      } {sc.loop_unroll_factor = 8 : i64, sc.parallel_access}
      %add3A_1734 = arith.constant 28672 : i32
      %add3A_1735 = arith.addi %add3A_1704, %add3A_1734 : i32
      %dma_start3A_1736 = tpu.memref_slice %arg6[%add3A_1735] : memref<25690112xf32, #tpu.memory_space<hbm>> -> memref<28672xf32, #tpu.memory_space<hbm>>
      %dma_start3A_1737 = tpu.memref_slice %arg6[%add3A_1735] : memref<25690112xf32, #tpu.memory_space<hbm>> -> memref<28672xf32, #tpu.memory_space<hbm>>
      tpu.enqueue_dma source(%arg18 : memref<28672xf32, #tpu.memory_space<vmem>>) target(%dma_start3A_1737 : memref<28672xf32, #tpu.memory_space<hbm>>) target_semaphore(%arg24 : memref<!tpu.dma_semaphore, #tpu.memory_space<semaphore_mem>>)
    }
    %scan3A_1691 = arith.constant 14 : i32
    %add3A_1692 = arith.constant 745472 : i32
    %add3A_1693 = arith.addi %add3A_35, %add3A_1692 : i32
    %dma_wait3A = tpu.memref_slice %arg6[%add3A_1693] : memref<25690112xf32, #tpu.memory_space<hbm>> -> memref<28672xf32, #tpu.memory_space<hbm>>
    %dma_wait3A_1694 = tpu.memref_slice %arg6[%add3A_1693] : memref<25690112xf32, #tpu.memory_space<hbm>> -> memref<28672xf32, #tpu.memory_space<hbm>>
    tpu.wait_dma2 semaphore(%arg23 : memref<!tpu.dma_semaphore, #tpu.memory_space<semaphore_mem>>) src(%arg17 : memref<28672xf32, #tpu.memory_space<vmem>>) dst(%dma_wait3A_1694 : memref<28672xf32, #tpu.memory_space<hbm>>)
    %add3A_1695 = arith.constant 28672 : i32
    %add3A_1696 = arith.addi %add3A_1693, %add3A_1695 : i32
    %dma_wait3A_1697 = tpu.memref_slice %arg6[%add3A_1696] : memref<25690112xf32, #tpu.memory_space<hbm>> -> memref<28672xf32, #tpu.memory_space<hbm>>
    %dma_wait3A_1698 = tpu.memref_slice %arg6[%add3A_1696] : memref<25690112xf32, #tpu.memory_space<hbm>> -> memref<28672xf32, #tpu.memory_space<hbm>>
    tpu.wait_dma2 semaphore(%arg24 : memref<!tpu.dma_semaphore, #tpu.memory_space<semaphore_mem>>) src(%arg18 : memref<28672xf32, #tpu.memory_space<vmem>>) dst(%dma_wait3A_1698 : memref<28672xf32, #tpu.memory_space<hbm>>)
    return
  }
}

</mosaic_0001>

<sc_bundles>
// kernel: _run.3.cloned.1.call-start
scs
__scs_entry_jumppad:
0x0: {  	(pc) =	sbr.rel $0x88, $3  }
0x1: {  	(tag) =	ssettag $0x0;
	lr =	simm.s32 $0x1  }
0x2: {  	[smem:$0x3F9D] =	sst lr;
	_ =	strace $0xD0000000  }
0x3: {  	_ = 	snop  }
0x4: {  	_ = 	snop  }
0x5: {  	_ = 	snop  }
0x6: {  	_ = 	snop  }
0x7: {  	_ = 	snop  }
__scs_overlays_trampoline_lowered:
0x8: {  	[smem:$0x3FAC] =	sst s0  }
0x9: {  	[smem:$0x3FAD] =	sst s1  }
0xa: {  	[smem:$0x3FAE] =	sst s2  }
0xb: {  	[smem:$0x3FAF] =	sst s3  }
0xc: {  	[smem:$0x3FB0] =	sst s4  }
0xd: {  	[smem:$0x3FB1] =	sst s5  }
0xe: {  	[smem:$0x3FB2] =	sst s6  }
0xf: {  	[smem:$0x3FB3] =	sst s7  }
0x10: {  	[smem:$0x3FB4] =	sst s8  }
0x11: {  	[smem:$0x3FB5] =	sst s9;
	s0 =	simm.s32 @!p0 $0x0  }
0x12: {  	s1 =	sld [smem:$0x3F9B];
	s0 =	simm.s32 @p0 $0x1  }
0x13: {  	[smem:$0x3FB6] =	sst s0;
	s0 =	simm.s32 @!p1 $0x0  }
0x14: {  	s2 =	sld [smem:$0x3F9A];
	s0 =	simm.s32 @p1 $0x1  }
0x15: {  	[smem:$0x3FB7] =	sst s0;
	s0 =	simm.s32 @!p2 $0x0  }
0x16: {  	s3 =	sld [smem:$0x3FDB];
	s0 =	simm.s32 @p2 $0x1  }
0x17: {  	s4 =	simm.s32 $0x1BF5;
	[smem:$0x3FB9] =	sst s0  }
0x18: {  	s0 =	sld [smem:$0x3F9C];
	_ =	swait.ge [sflag:s4], $0x0  }
0x19: {  	s7 =	sld [smem:$0x3F9D]  }
0x1a: {  	s8 =	sadd.s32 $0xFFFFE003, lr  }
0x1b: {  	s9 =	sadd.s32 $0xFFFFFEF7, lr;
	s5 =	simm.s32 $0xFFFFFFFF;
	p2 =	slt.u32 s8, $0xFFFFF086  }
0x1c: {  	p1 =	slt.u32 s9, $0xF7A;
	s5 =	simm.s32 @!p2 $0x0  }
0x1d: {  	s5 =	simm.s32 @p1 $0x1;
	p0 =	seq.s32 s7, s2  }
0x1e: {  	s7 =	smul.u32 @!p0 $0xF7A, s2;
	p2 =	seq.s32 @!p0 s5, $0x0  }
0x1f: {  	s9 =	smul.u32 $0xF7A, s1;
	s8 =	simm.s32 @!p0 $0x1BF5;
	p2 =	por !p2, p0  }
0x20: {  	[sflag:s8] =	ssyncset.s32 @!p0 $0xFFFFF086;
	s6 =	sadd.s32 @!p0 s3, s7;
	s7 =	simm.s32 @!p0 $0x108  }
0x21: {  	s3 =	sadd.s32 s3, s9;
	s6 =	sadd.s32 @!p0 $0x88, s6;
	s7 =	simm.s32 @p2 $0x1082  }
0x22: {  	[simem:s7], [sflag:s8] =	dma.local @!p0 [hbm:s6], $0xF7A  }
0x23: {  	s9 =	sor.u32 $0xD0000000, s2;
	s6 =	simm.s32 $0x108;
	_ =	swait.ge @!p0 [sflag:s8], $0x0  }
0x24: {  	s3 =	sadd.s32 $0x88, s3;
	s6 =	simm.s32 @!p1 $0x1082;
	[sflag:s4] =	ssyncset.s32 $0xFFFFF086  }
0x25: {  	[simem:s6], [sflag:s4] =	dma.local [hbm:s3], $0xF7A  }
0x26: {  	[smem:$0x3F9D] =	sst s1;
	(tag) =	ssettag s2;
	_ =	strace s9  }
0x27: {  	s1 =	sld [smem:$0x3FAD]  }
0x28: {  	s2 =	sld [smem:$0x3FAE]  }
0x29: {  	s4 =	sld [smem:$0x3FB0]  }
0x2a: {  	p0 =	seq.s32 s5, $0x0;
	s5 =	sld [smem:$0x3FB1]  }
0x2b: {  	s6 =	sld [smem:$0x3FB2]  }
0x2c: {  	s7 =	sld [smem:$0x3FB3]  }
0x2d: {  	s3 =	simm.s32 $0x108;
	s8 =	sld [smem:$0x3FB4]  }
0x2e: {  	s3 =	simm.s32 @!p0 $0x1082;
	s9 =	sld [smem:$0x3FB5]  }
0x2f: {  	lr =	sadd.s32 s0, s3;
	s0 =	sld [smem:$0x3FAC]  }
0x30: {  	s3 =	sld [smem:$0x3FAF]  }
0x31: {  	[smem:$0x3FB8] =	sst s10  }
0x32: {  	s10 =	sld [smem:$0x3FB6];
	_ =	sdelay $0x3  }
0x33: {  	p0 =	seq.s32 s10, $0x1;
	s10 =	sld [smem:$0x3FB8];
	_ =	sdelay $0x3  }
0x34: {  	[smem:$0x3FB8] =	sst s10  }
0x35: {  	s10 =	sld [smem:$0x3FB7];
	_ =	sdelay $0x3  }
0x36: {  	p1 =	seq.s32 s10, $0x1;
	s10 =	sld [smem:$0x3FB8];
	_ =	sdelay $0x3  }
0x37: {  	[smem:$0x3FB8] =	sst s10  }
0x38: {  	s10 =	sld [smem:$0x3FB9]  }
0x39: {  	_ = 	snop;
	(pc) =	sbr.ind lr, $3  }
0x3a: {  	_ = 	snop  }
0x3b: {  	_ = 	snop  }
0x3c: {  	p2 =	seq.s32 s10, $0x1;
	s10 =	sld [smem:$0x3FB8]  }
0x3d: {  	_ =	shalt  }
0x3e: {  	_ =	shalt  }
0x3f: {  	_ =	shalt  }
0x40: {  	_ =	shalt  }
0x41: {  	_ =	shalt  }
0x42: {  	_ =	shalt  }
0x43: {  	_ =	shalt  }
0x44: {  	_ =	shalt  }
0x45: {  	_ =	shalt  }
0x46: {  	_ =	shalt  }
0x47: {  	_ =	shalt  }
0x48: {  	_ =	shalt  }
0x49: {  	_ =	shalt  }
0x4a: {  	_ =	shalt  }
0x4b: {  	_ =	shalt  }
0x4c: {  	_ =	shalt  }
0x4d: {  	_ =	shalt  }
0x4e: {  	_ =	shalt  }
0x4f: {  	_ =	shalt  }
0x50: {  	_ =	shalt  }
0x51: {  	_ =	shalt  }
0x52: {  	_ =	shalt  }
0x53: {  	_ =	shalt  }
0x54: {  	_ =	shalt  }
0x55: {  	_ =	shalt  }
0x56: {  	_ =	shalt  }
0x57: {  	_ =	shalt  }
0x58: {  	_ =	shalt  }
0x59: {  	_ =	shalt  }
0x5a: {  	_ =	shalt  }
0x5b: {  	_ =	shalt  }
0x5c: {  	_ =	shalt  }
0x5d: {  	_ =	shalt  }
0x5e: {  	_ =	shalt  }
0x5f: {  	_ =	shalt  }
0x60: {  	_ =	shalt  }
0x61: {  	_ =	shalt  }
0x62: {  	_ =	shalt  }
0x63: {  	_ =	shalt  }
0x64: {  	_ =	shalt  }
0x65: {  	_ =	shalt  }
0x66: {  	_ =	shalt  }
0x67: {  	_ =	shalt  }
0x68: {  	_ =	shalt  }
0x69: {  	_ =	shalt  }
0x6a: {  	_ =	shalt  }
0x6b: {  	_ =	shalt  }
0x6c: {  	_ =	shalt  }
0x6d: {  	_ =	shalt  }
0x6e: {  	_ =	shalt  }
0x6f: {  	_ =	shalt  }
0x70: {  	_ =	shalt  }
0x71: {  	_ =	shalt  }
0x72: {  	_ =	shalt  }
0x73: {  	_ =	shalt  }
0x74: {  	_ =	shalt  }
0x75: {  	_ =	shalt  }
0x76: {  	_ =	shalt  }
0x77: {  	_ =	shalt  }
0x78: {  	_ =	shalt  }
0x79: {  	_ =	shalt  }
0x7a: {  	_ =	shalt  }
0x7b: {  	_ =	shalt  }
0x7c: {  	_ =	shalt  }
0x7d: {  	_ =	shalt  }
0x7e: {  	_ =	shalt  }
0x7f: {  	_ =	shalt  }
0x80: {  	_ =	shalt  }
0x81: {  	_ =	shalt  }
0x82: {  	_ =	shalt  }
0x83: {  	_ =	shalt  }
0x84: {  	_ =	shalt  }
0x85: {  	_ =	shalt  }
0x86: {  	_ =	shalt  }
0x87: {  	_ =	shalt  }
.Lfunc_end0:
.L_simem_size_0:
called_computation_lowered:
.L_overlay_start_0:
0x88: {  	s2 =	sld [smem:$0x3FD9]  }
0x89: {  	s3 =	sld [smem:$0x3FFE];
	_ =	sdelay $0x1  }
0x8a: {  	s1 =	srdreg.scid  }
0x8b: {  	s0 =	sand.u32 $0x1, s1  }
0x8c: {  	s18 =	sshll.u32 s0, $0xA;
	s2 =	sadd.s32 s3, s2  }
0x8d: {  	s2 =	sadd.s32 s2, s18  }
0x8e: {  	[smem:$0x3FC4] =	sst s2  }
0x8f: {  	_ = 	snop  }
0x90: {  	s2 =	sld [smem:$0x3FC9]  }
0x91: {  	s19 =	sld [smem:$0x3FC8]  }
0x92: {  	s4 =	sld [smem:$0x3FC7]  }
0x93: {  	s5 =	sld [smem:$0x3FC6]  }
0x94: {  	s6 =	sld [smem:$0x3FD0];
	(tm) =	ssettm $0x1  }
0x95: {  	s7 =	sld [smem:$0x3FFB];
	_ =	sdelay $0x3  }
0x96: {  	_ =	strace s7  }
0x97: {  	s7 =	sld [smem:$0x3FFC];
	_ =	sdelay $0x3  }
0x98: {  	_ =	strace s7  }
0x99: {  	s7 =	sld [smem:$0x3FFD];
	_ =	sdelay $0x3  }
0x9a: {  	_ =	strace s7  }
0x9b: {  	_ =	strace $0x8FFFFFFF  }
0x9c: {  	s20 =	sld [smem:$0x3FDB];
	_ =	sdelay $0x1  }
0x9d: {  	s8 =	simm.s32 $_scs_section_size  }
0x9e: {  	s9 =	simm.s32 $_size__tile_overlayer_lowered;
	s10 =	simm.s32 $_tile_overlayer_lowered  }
0x9f: {  	s23 =	simm.s32 $0x1BFF;
	s22 =	sshll.u32 s10, $0x1;
	s7 =	sadd.s32 s8, s20  }
0xa0: {  	s11 =	simm.s32 $0x0;
	s21 =	sshll.u32 s9, $0x1;
	s9 =	sadd.s32 s22, s7  }
0xa1: {  	[timem:s11], [sflag:s23] =	dma.local [hbm:s9], s21  }
0xa2: {  	_ =	swait.ge [sflag:s23], s21  }
0xa3: {  	s8 =	ssub.s32 $0x0, s21;
	[sflag:s23] =	ssyncset.done $0x0  }
0xa4: {  	[sflag:s23] =	ssyncadd.s32 s8;
	_ =	sdelay $0x1  }
0xa5: {  	s24 =	simm.s32 $0x1B8B  }
0xa6: {  	_ =	swait.ge [sflag:s24], $0x1  }
0xa7: {  	[sflag:s24] =	ssyncset.done $0x0  }
0xa8: {  	s25 =	simm.s32 $0x1B8E;
	[sflag:s24] =	ssyncadd.s32 $0xFFFFFFFF  }
0xa9: {  	s26 =	simm.s32 $execute0_lowered;
	[smem:$0x3FD2] =	sst s25  }
0xaa: {  	s8 =	sshll.u32 s26, $0x1;
	_ =	strace $0x80000046;
	[dreg:$0x1] =	wrdreg $0xFFFFFFFF  }
0xab: {  	s28 =	simm.s32 $_size_execute0_lowered;
	s7 =	sadd.s32 s7, s8;
	[dreg:$0x0] =	wrdreg $0x0  }
0xac: {  	s8 =	sshll.u32 s28, $0x1;
	[dreg:$0x2] =	wrdreg s7  }
0xad: {  	[dreg:$0x3] =	wrdreg s8  }
0xae: {  	[dreg:$0x4] =	wrdreg $0xC0  }
0xaf: {  	_ =	task [dreg:s11], $0x5FFFF  }
0xb0: {  	[dreg:$0x1] =	wrdreg $0xFFFFFFFF  }
0xb1: {  	[dreg:$0x0] =	wrdreg $0x60  }
0xb2: {  	[dreg:$0x2] =	wrdreg s2  }
0xb3: {  	[dreg:$0x3] =	wrdreg s19  }
0xb4: {  	[dreg:$0x4] =	wrdreg s4  }
0xb5: {  	[dreg:$0x5] =	wrdreg s5  }
0xb6: {  	[dreg:$0x6] =	wrdreg s6  }
0xb7: {  	[dreg:$0x7] =	wrdreg $0x1D4000  }
0xb8: {  	[dreg:$0x8] =	wrdreg $0x1D4100  }
0xb9: {  	[dreg:$0x9] =	wrdreg $0x9  }
0xba: {  	_ =	task.clear_ibuf [dreg:s11], $0xAFFFF;
	_ =	strace $0x90000046  }
0xbb: {  	s29 =	simm.s32 $0x9;
	_ =	strace $0x80000048  }
0xbc: {  	_ =	swait.ge [sflag:s29], $0x1  }
0xbd: {  	[sflag:s29] =	ssyncadd.s32 $0xFFFFFFFF  }
0xbe: {  	_ =	strace $0x90000048  }
0xbf: {  	_ =	sfence  }
0xc0: {  	s30 =	sld [smem:$0x0];
	_ =	sdelay $0x2  }
0xc1: {  	s31 =	sshll.u32 s1, $0xD;
	s1 =	sshrl.u32 s1, $0x2  }
0xc2: {  	s3 =	sand.u32 $0x4000, s31;
	s1 =	sadd.s32 s1, s30  }
0xc3: {  	s0 =	sor.u32 s3, s0;
	s1 =	sshll.u32 s1, $0x11  }
0xc4: {  	s0 =	sor.u32 s1, s0  }
0xc5: {  	s0 =	sadd.s32 $0x8F2B, s0  }
0xc6: {  	[sflag:s0] =	ssyncadd.remote.s32 $0x1  }
0xc7: {  	_ =	sfence.sel $0xFFFF  }
0xc8: {  	[dreg:$0x0] =	wrdreg $0xFFFFFFFF;
	(pc) =	sbr.abs _section_cstart, $3  }
0xc9: {  	[dreg:$0x1] =	wrdreg $0xFFFFFFFF  }
0xca: {  	_ =	task.clear_ibuf [dreg:s11], $0x2FFFF;
	_ =	strace $0x9FFFFFFF  }
0xcb: {  	(tm) =	ssettm $0x7FFFFFFF  }
tec
execute0_lowered:
.L_overlay_start_1:
0x0: {  	(tag) =	ssettag $0x1  }
0x1: {  	s0 =	rddreg [dreg:$0x0]  }
0x2: {  	s5 =	rddreg [dreg:$0x4]  }
0x3: {  	s1 =	srdreg.scid;
	s4 =	rddreg [dreg:$0x5]  }
0x4: {  	s10 =	stileid.u32;
	s6 =	rddreg [dreg:$0x6]  }
0x5: {  	s7 =	simm.s32 $0x0;
	s15 =	simm.s32 $0x5;
	s19 =	simm.s32 $0x8400  }
0x6: {  	s20 =	simm.s32 $0x1;
	s21 =	simm.s32 $0x2;
	s28 =	simm.s32 $0xF400  }
0x7: {  	s29 =	simm.s32 $0x4;
	s1 =	sand.u32 $0x1, s1;
	s3 =	sshrl.u32 s10, $0x2  }
0x8: {  	s8 =	sand.u32 $0x3, s10;
	[smem:$0x7FF] =	sst s7;
	s11 =	sshll.u32 s10, $0x4  }
0x9: {  	s2 =	sshll.u32 s1, $0x2;
	s8 =	smul.u32 $0xC4000, s8;
	s1 =	ssub.s32 $0x2, s1  }
0xa: {  	_ =	strace $0x80000047;
	s26 =	sadd.s32 s11, s4;
	s2 =	sor.u32 s3, s2  }
0xb: {  	s10 =	sadd.s32 s11, s6;
	[dreg:$0x9] =	wrdreg s26;
	s2 =	smul.u32 $0x310000, s2  }
0xc: {  	s31 =	sshll.u32 s3, $0x6;
	s9 =	sshrl.u32 s1, $0x1;
	[dreg:$0xa] =	wrdreg s10  }
0xd: {  	s4 =	sadd.s32 s31, s4;
	s1 =	ssub.s32 s1, s9;
	s8 =	sadd.s32 s8, s2  }
0xe: {  	[dreg:$0xb] =	wrdreg s4;
	s1 =	smax.u32 s1, $0x1;
	s2 =	sshrl.u32 s8, $0x3  }
0xf: {  	[dreg:$0xd] =	wrdreg s1;
	s9 =	sadd.s32 s0, s2;
	s2 =	sadd.s32 s31, s6  }
0x10: {  	v0 =	vlaneseq.u32;
	s30 =	simm.s32 $0x16400;
	v1 =	vmov s3;
	s26 =	simm.s32 $0x100;
	[dreg:$0xc] =	wrdreg s2  }
0x11: {  	vm0 =	veq.s32 v1, v0;
	s6 =	simm.s32 $0x1400;
	s2 =	simm.s32 $0x0;
	[dreg:$0x8] =	wrdreg s9  }
.LBB2_1:
0x12: {  	[dreg:$0xe] =	wrdreg s2  }
0x13: {  	s1 =	rddreg [dreg:$0x3]  }
0x14: {  	[tilespmem:s7], [sflag:$0x5] =	stream.linear.gather [hbm4b:s1+s7], $0x100, $0x38;
	[tilespmem:$0x1D420] =	vst v63  }
0x15: {  	_ =	swait.ge [sflag:s15], $0x100  }
0x16: {  	[sflag:s15] =	ssyncset.done $0x0  }
0x17: {  	[sflag:s15] =	ssyncadd.s32 $0xFFFFFF00  }
0x18: {  	s24 =	simm.s32 $0x1100;
	s23 =	rddreg [dreg:$0x1]  }
0x19: {  	[tilespmem:s24], [sflag:$0x5] =	stream.linear.gather [hbm4b:s23+s7], $0x80, $0x38;
	[tilespmem:$0x1D420] =	vst v63  }
0x1a: {  	_ =	swait.ge [sflag:s15], $0x80  }
0x1b: {  	[sflag:s15] =	ssyncset.done $0x0  }
0x1c: {  	[sflag:s15] =	ssyncadd.s32 $0xFFFFFF80  }
0x1d: {  	s31 =	simm.s32 $0x1180;
	s25 =	rddreg [dreg:$0x2]  }
0x1e: {  	[tilespmem:s31], [sflag:$0x5] =	stream.linear.gather [hbm4b:s25+s7], $0x80, $0x38;
	[tilespmem:$0x1D420] =	vst v63  }
0x1f: {  	_ =	swait.ge [sflag:s15], $0x80  }
0x20: {  	[sflag:s15] =	ssyncset.done $0x0  }
0x21: {  	[sflag:s15] =	ssyncadd.s32 $0xFFFFFF80  }
0x22: {  	v1 =	vld [tilespmem:$0x0];
	_ =	sdelay $0x4  }
0x23: {  	v2 =	vbroadcast v1, $0x0  }
0x24: {  	v3 =	vbroadcast v1, $0x1  }
0x25: {  	[tilespmem:$0x100] =	vst v2;
	v2 =	vbroadcast v1, $0x2  }
0x26: {  	[tilespmem:$0x110] =	vst v3;
	v3 =	vbroadcast v1, $0x3  }
0x27: {  	[tilespmem:$0x120] =	vst v2;
	v2 =	vbroadcast v1, $0x4  }
0x28: {  	[tilespmem:$0x130] =	vst v3;
	v3 =	vbroadcast v1, $0x5  }
0x29: {  	[tilespmem:$0x140] =	vst v2;
	v2 =	vbroadcast v1, $0x6  }
0x2a: {  	[tilespmem:$0x150] =	vst v3;
	v3 =	vbroadcast v1, $0x7  }
0x2b: {  	[tilespmem:$0x160] =	vst v2;
	v2 =	vbroadcast v1, $0x8  }
0x2c: {  	[tilespmem:$0x170] =	vst v3;
	v3 =	vbroadcast v1, $0x9  }
0x2d: {  	[tilespmem:$0x180] =	vst v2;
	v2 =	vbroadcast v1, $0xA  }
0x2e: {  	v4 =	vld [tilespmem:$0x10];
	[tilespmem:$0x190] =	vst v3;
	v3 =	vbroadcast v1, $0xB  }
0x2f: {  	[tilespmem:$0x1A0] =	vst v2;
	v2 =	vbroadcast v1, $0xC  }
0x30: {  	[tilespmem:$0x1B0] =	vst v3;
	v3 =	vbroadcast v1, $0xD  }
0x31: {  	[tilespmem:$0x1C0] =	vst v2;
	v2 =	vbroadcast v1, $0xE  }
0x32: {  	[tilespmem:$0x1D0] =	vst v3;
	v1 =	vbroadcast v1, $0xF  }
0x33: {  	[tilespmem:$0x1E0] =	vst v2;
	v2 =	vbroadcast v4, $0x0  }
0x34: {  	[tilespmem:$0x1F0] =	vst v1;
	v1 =	vbroadcast v4, $0x1  }
0x35: {  	[tilespmem:$0x200] =	vst v2;
	v2 =	vbroadcast v4, $0x2  }
0x36: {  	[tilespmem:$0x210] =	vst v1;
	v1 =	vbroadcast v4, $0x3  }
0x37: {  	[tilespmem:$0x220] =	vst v2;
	v2 =	vbroadcast v4, $0x4  }
0x38: {  	[tilespmem:$0x230] =	vst v1;
	v1 =	vbroadcast v4, $0x5  }
0x39: {  	[tilespmem:$0x240] =	vst v2;
	v2 =	vbroadcast v4, $0x6  }
0x3a: {  	[tilespmem:$0x250] =	vst v1;
	v1 =	vbroadcast v4, $0x7  }
0x3b: {  	[tilespmem:$0x260] =	vst v2;
	v2 =	vbroadcast v4, $0x8  }
0x3c: {  	[tilespmem:$0x270] =	vst v1;
	v1 =	vbroadcast v4, $0x9  }
0x3d: {  	[tilespmem:$0x280] =	vst v2;
	v2 =	vbroadcast v4, $0xA  }
0x3e: {  	v3 =	vld [tilespmem:$0x20];
	[tilespmem:$0x290] =	vst v1;
	v1 =	vbroadcast v4, $0xB  }
0x3f: {  	[tilespmem:$0x2A0] =	vst v2;
	v2 =	vbroadcast v4, $0xC  }
0x40: {  	[tilespmem:$0x2B0] =	vst v1;
	v1 =	vbroadcast v4, $0xD  }
0x41: {  	[tilespmem:$0x2C0] =	vst v2;
	v2 =	vbroadcast v4, $0xE  }
0x42: {  	[tilespmem:$0x2D0] =	vst v1;
	v1 =	vbroadcast v4, $0xF  }
0x43: {  	[tilespmem:$0x2E0] =	vst v2;
	v2 =	vbroadcast v3, $0x0  }
0x44: {  	[tilespmem:$0x2F0] =	vst v1;
	v1 =	vbroadcast v3, $0x1  }
0x45: {  	[tilespmem:$0x300] =	vst v2;
	v2 =	vbroadcast v3, $0x2  }
0x46: {  	[tilespmem:$0x310] =	vst v1;
	v1 =	vbroadcast v3, $0x3  }
0x47: {  	[tilespmem:$0x320] =	vst v2;
	v2 =	vbroadcast v3, $0x4  }
0x48: {  	[tilespmem:$0x330] =	vst v1;
	v1 =	vbroadcast v3, $0x5  }
0x49: {  	[tilespmem:$0x340] =	vst v2;
	v2 =	vbroadcast v3, $0x6  }
0x4a: {  	[tilespmem:$0x350] =	vst v1;
	v1 =	vbroadcast v3, $0x7  }
0x4b: {  	[tilespmem:$0x360] =	vst v2;
	v2 =	vbroadcast v3, $0x8  }
0x4c: {  	[tilespmem:$0x370] =	vst v1;
	v1 =	vbroadcast v3, $0x9  }
0x4d: {  	[tilespmem:$0x380] =	vst v2;
	v2 =	vbroadcast v3, $0xA  }
0x4e: {  	v4 =	vld [tilespmem:$0x30];
	[tilespmem:$0x390] =	vst v1;
	v1 =	vbroadcast v3, $0xB  }
0x4f: {  	[tilespmem:$0x3A0] =	vst v2;
	v2 =	vbroadcast v3, $0xC  }
0x50: {  	[tilespmem:$0x3B0] =	vst v1;
	v1 =	vbroadcast v3, $0xD  }
0x51: {  	[tilespmem:$0x3C0] =	vst v2;
	v2 =	vbroadcast v3, $0xE  }
0x52: {  	[tilespmem:$0x3D0] =	vst v1;
	v1 =	vbroadcast v3, $0xF  }
0x53: {  	[tilespmem:$0x3E0] =	vst v2;
	v2 =	vbroadcast v4, $0x0  }
0x54: {  	[tilespmem:$0x3F0] =	vst v1;
	v1 =	vbroadcast v4, $0x1  }
0x55: {  	[tilespmem:$0x400] =	vst v2;
	v2 =	vbroadcast v4, $0x2  }
0x56: {  	[tilespmem:$0x410] =	vst v1;
	v1 =	vbroadcast v4, $0x3  }
0x57: {  	[tilespmem:$0x420] =	vst v2;
	v2 =	vbroadcast v4, $0x4  }
0x58: {  	[tilespmem:$0x430] =	vst v1;
	v1 =	vbroadcast v4, $0x5  }
0x59: {  	[tilespmem:$0x440] =	vst v2;
	v2 =	vbroadcast v4, $0x6  }
0x5a: {  	[tilespmem:$0x450] =	vst v1;
	v1 =	vbroadcast v4, $0x7  }
0x5b: {  	[tilespmem:$0x460] =	vst v2;
	v2 =	vbroadcast v4, $0x8  }
0x5c: {  	[tilespmem:$0x470] =	vst v1;
	v1 =	vbroadcast v4, $0x9  }
0x5d: {  	[tilespmem:$0x480] =	vst v2;
	v2 =	vbroadcast v4, $0xA  }
0x5e: {  	v3 =	vld [tilespmem:$0x40];
	[tilespmem:$0x490] =	vst v1;
	v1 =	vbroadcast v4, $0xB  }
0x5f: {  	[tilespmem:$0x4A0] =	vst v2;
	v2 =	vbroadcast v4, $0xC  }
0x60: {  	[tilespmem:$0x4B0] =	vst v1;
	v1 =	vbroadcast v4, $0xD  }
0x61: {  	[tilespmem:$0x4C0] =	vst v2;
	v2 =	vbroadcast v4, $0xE  }
0x62: {  	[tilespmem:$0x4D0] =	vst v1;
	v1 =	vbroadcast v4, $0xF  }
0x63: {  	[tilespmem:$0x4E0] =	vst v2;
	v2 =	vbroadcast v3, $0x0  }
0x64: {  	[tilespmem:$0x4F0] =	vst v1;
	v1 =	vbroadcast v3, $0x1  }
0x65: {  	[tilespmem:$0x500] =	vst v2;
	v2 =	vbroadcast v3, $0x2  }
0x66: {  	[tilespmem:$0x510] =	vst v1;
	v1 =	vbroadcast v3, $0x3  }
0x67: {  	[tilespmem:$0x520] =	vst v2;
	v2 =	vbroadcast v3, $0x4  }
0x68: {  	[tilespmem:$0x530] =	vst v1;
	v1 =	vbroadcast v3, $0x5  }
0x69: {  	[tilespmem:$0x540] =	vst v2;
	v2 =	vbroadcast v3, $0x6  }
0x6a: {  	[tilespmem:$0x550] =	vst v1;
	v1 =	vbroadcast v3, $0x7  }
0x6b: {  	[tilespmem:$0x560] =	vst v2;
	v2 =	vbroadcast v3, $0x8  }
0x6c: {  	[tilespmem:$0x570] =	vst v1;
	v1 =	vbroadcast v3, $0x9  }
0x6d: {  	[tilespmem:$0x580] =	vst v2;
	v2 =	vbroadcast v3, $0xA  }
0x6e: {  	v4 =	vld [tilespmem:$0x50];
	[tilespmem:$0x590] =	vst v1;
	v1 =	vbroadcast v3, $0xB  }
0x6f: {  	[tilespmem:$0x5A0] =	vst v2;
	v2 =	vbroadcast v3, $0xC  }
0x70: {  	[tilespmem:$0x5B0] =	vst v1;
	v1 =	vbroadcast v3, $0xD  }
0x71: {  	[tilespmem:$0x5C0] =	vst v2;
	v2 =	vbroadcast v3, $0xE  }
0x72: {  	[tilespmem:$0x5D0] =	vst v1;
	v1 =	vbroadcast v3, $0xF  }
0x73: {  	[tilespmem:$0x5E0] =	vst v2;
	v2 =	vbroadcast v4, $0x0  }
0x74: {  	[tilespmem:$0x5F0] =	vst v1;
	v1 =	vbroadcast v4, $0x1  }
0x75: {  	[tilespmem:$0x600] =	vst v2;
	v2 =	vbroadcast v4, $0x2  }
0x76: {  	[tilespmem:$0x610] =	vst v1;
	v1 =	vbroadcast v4, $0x3  }
0x77: {  	[tilespmem:$0x620] =	vst v2;
	v2 =	vbroadcast v4, $0x4  }
0x78: {  	[tilespmem:$0x630] =	vst v1;
	v1 =	vbroadcast v4, $0x5  }
0x79: {  	[tilespmem:$0x640] =	vst v2;
	v2 =	vbroadcast v4, $0x6  }
0x7a: {  	[tilespmem:$0x650] =	vst v1;
	v1 =	vbroadcast v4, $0x7  }
0x7b: {  	[tilespmem:$0x660] =	vst v2;
	v2 =	vbroadcast v4, $0x8  }
0x7c: {  	[tilespmem:$0x670] =	vst v1;
	v1 =	vbroadcast v4, $0x9  }
0x7d: {  	[tilespmem:$0x680] =	vst v2;
	v2 =	vbroadcast v4, $0xA  }
0x7e: {  	v3 =	vld [tilespmem:$0x60];
	[tilespmem:$0x690] =	vst v1;
	v1 =	vbroadcast v4, $0xB  }
0x7f: {  	[tilespmem:$0x6A0] =	vst v2;
	v2 =	vbroadcast v4, $0xC  }
0x80: {  	[tilespmem:$0x6B0] =	vst v1;
	v1 =	vbroadcast v4, $0xD  }
0x81: {  	[tilespmem:$0x6C0] =	vst v2;
	v2 =	vbroadcast v4, $0xE  }
0x82: {  	[tilespmem:$0x6D0] =	vst v1;
	v1 =	vbroadcast v4, $0xF  }
0x83: {  	[tilespmem:$0x6E0] =	vst v2;
	v2 =	vbroadcast v3, $0x0  }
0x84: {  	[tilespmem:$0x6F0] =	vst v1;
	v1 =	vbroadcast v3, $0x1  }
0x85: {  	[tilespmem:$0x700] =	vst v2;
	v2 =	vbroadcast v3, $0x2  }
0x86: {  	[tilespmem:$0x710] =	vst v1;
	v1 =	vbroadcast v3, $0x3  }
0x87: {  	[tilespmem:$0x720] =	vst v2;
	v2 =	vbroadcast v3, $0x4  }
0x88: {  	[tilespmem:$0x730] =	vst v1;
	v1 =	vbroadcast v3, $0x5  }
0x89: {  	[tilespmem:$0x740] =	vst v2;
	v2 =	vbroadcast v3, $0x6  }
0x8a: {  	[tilespmem:$0x750] =	vst v1;
	v1 =	vbroadcast v3, $0x7  }
0x8b: {  	[tilespmem:$0x760] =	vst v2;
	v2 =	vbroadcast v3, $0x8  }
0x8c: {  	[tilespmem:$0x770] =	vst v1;
	v1 =	vbroadcast v3, $0x9  }
0x8d: {  	[tilespmem:$0x780] =	vst v2;
	v2 =	vbroadcast v3, $0xA  }
0x8e: {  	v4 =	vld [tilespmem:$0x70];
	[tilespmem:$0x790] =	vst v1;
	v1 =	vbroadcast v3, $0xB  }
0x8f: {  	[tilespmem:$0x7A0] =	vst v2;
	v2 =	vbroadcast v3, $0xC  }
0x90: {  	[tilespmem:$0x7B0] =	vst v1;
	v1 =	vbroadcast v3, $0xD  }
0x91: {  	[tilespmem:$0x7C0] =	vst v2;
	v2 =	vbroadcast v3, $0xE  }
0x92: {  	[tilespmem:$0x7D0] =	vst v1;
	v1 =	vbroadcast v3, $0xF  }
0x93: {  	[tilespmem:$0x7E0] =	vst v2;
	v2 =	vbroadcast v4, $0x0  }
0x94: {  	[tilespmem:$0x7F0] =	vst v1;
	v1 =	vbroadcast v4, $0x1  }
0x95: {  	[tilespmem:$0x800] =	vst v2;
	v2 =	vbroadcast v4, $0x2  }
0x96: {  	[tilespmem:$0x810] =	vst v1;
	v1 =	vbroadcast v4, $0x3  }
0x97: {  	[tilespmem:$0x820] =	vst v2;
	v2 =	vbroadcast v4, $0x4  }
0x98: {  	[tilespmem:$0x830] =	vst v1;
	v1 =	vbroadcast v4, $0x5  }
0x99: {  	[tilespmem:$0x840] =	vst v2;
	v2 =	vbroadcast v4, $0x6  }
0x9a: {  	[tilespmem:$0x850] =	vst v1;
	v1 =	vbroadcast v4, $0x7  }
0x9b: {  	[tilespmem:$0x860] =	vst v2;
	v2 =	vbroadcast v4, $0x8  }
0x9c: {  	[tilespmem:$0x870] =	vst v1;
	v1 =	vbroadcast v4, $0x9  }
0x9d: {  	[tilespmem:$0x880] =	vst v2;
	v2 =	vbroadcast v4, $0xA  }
0x9e: {  	v3 =	vld [tilespmem:$0x80];
	[tilespmem:$0x890] =	vst v1;
	v1 =	vbroadcast v4, $0xB  }
0x9f: {  	[tilespmem:$0x8A0] =	vst v2;
	v2 =	vbroadcast v4, $0xC  }
0xa0: {  	[tilespmem:$0x8B0] =	vst v1;
	v1 =	vbroadcast v4, $0xD  }
0xa1: {  	[tilespmem:$0x8C0] =	vst v2;
	v2 =	vbroadcast v4, $0xE  }
0xa2: {  	[tilespmem:$0x8D0] =	vst v1;
	v1 =	vbroadcast v4, $0xF  }
0xa3: {  	[tilespmem:$0x8E0] =	vst v2;
	v2 =	vbroadcast v3, $0x0  }
0xa4: {  	[tilespmem:$0x8F0] =	vst v1;
	v1 =	vbroadcast v3, $0x1  }
0xa5: {  	[tilespmem:$0x900] =	vst v2;
	v2 =	vbroadcast v3, $0x2  }
0xa6: {  	[tilespmem:$0x910] =	vst v1;
	v1 =	vbroadcast v3, $0x3  }
0xa7: {  	[tilespmem:$0x920] =	vst v2;
	v2 =	vbroadcast v3, $0x4  }
0xa8: {  	[tilespmem:$0x930] =	vst v1;
	v1 =	vbroadcast v3, $0x5  }
0xa9: {  	[tilespmem:$0x940] =	vst v2;
	v2 =	vbroadcast v3, $0x6  }
0xaa: {  	[tilespmem:$0x950] =	vst v1;
	v1 =	vbroadcast v3, $0x7  }
0xab: {  	[tilespmem:$0x960] =	vst v2;
	v2 =	vbroadcast v3, $0x8  }
0xac: {  	[tilespmem:$0x970] =	vst v1;
	v1 =	vbroadcast v3, $0x9  }
0xad: {  	[tilespmem:$0x980] =	vst v2;
	v2 =	vbroadcast v3, $0xA  }
0xae: {  	v4 =	vld [tilespmem:$0x90];
	[tilespmem:$0x990] =	vst v1;
	v1 =	vbroadcast v3, $0xB  }
0xaf: {  	[tilespmem:$0x9A0] =	vst v2;
	v2 =	vbroadcast v3, $0xC  }
0xb0: {  	[tilespmem:$0x9B0] =	vst v1;
	v1 =	vbroadcast v3, $0xD  }
0xb1: {  	[tilespmem:$0x9C0] =	vst v2;
	v2 =	vbroadcast v3, $0xE  }
0xb2: {  	[tilespmem:$0x9D0] =	vst v1;
	v1 =	vbroadcast v3, $0xF  }
0xb3: {  	[tilespmem:$0x9E0] =	vst v2;
	v2 =	vbroadcast v4, $0x0  }
0xb4: {  	[tilespmem:$0x9F0] =	vst v1;
	v1 =	vbroadcast v4, $0x1  }
0xb5: {  	[tilespmem:$0xA00] =	vst v2;
	v2 =	vbroadcast v4, $0x2  }
0xb6: {  	[tilespmem:$0xA10] =	vst v1;
	v1 =	vbroadcast v4, $0x3  }
0xb7: {  	[tilespmem:$0xA20] =	vst v2;
	v2 =	vbroadcast v4, $0x4  }
0xb8: {  	[tilespmem:$0xA30] =	vst v1;
	v1 =	vbroadcast v4, $0x5  }
0xb9: {  	[tilespmem:$0xA40] =	vst v2;
	v2 =	vbroadcast v4, $0x6  }
0xba: {  	[tilespmem:$0xA50] =	vst v1;
	v1 =	vbroadcast v4, $0x7  }
0xbb: {  	[tilespmem:$0xA60] =	vst v2;
	v2 =	vbroadcast v4, $0x8  }
0xbc: {  	[tilespmem:$0xA70] =	vst v1;
	v1 =	vbroadcast v4, $0x9  }
0xbd: {  	[tilespmem:$0xA80] =	vst v2;
	v2 =	vbroadcast v4, $0xA  }
0xbe: {  	v3 =	vld [tilespmem:$0xA0];
	[tilespmem:$0xA90] =	vst v1;
	v1 =	vbroadcast v4, $0xB  }
0xbf: {  	[tilespmem:$0xAA0] =	vst v2;
	v2 =	vbroadcast v4, $0xC  }
0xc0: {  	[tilespmem:$0xAB0] =	vst v1;
	v1 =	vbroadcast v4, $0xD  }
0xc1: {  	[tilespmem:$0xAC0] =	vst v2;
	v2 =	vbroadcast v4, $0xE  }
0xc2: {  	[tilespmem:$0xAD0] =	vst v1;
	v1 =	vbroadcast v4, $0xF  }
0xc3: {  	[tilespmem:$0xAE0] =	vst v2;
	v2 =	vbroadcast v3, $0x0  }
0xc4: {  	[tilespmem:$0xAF0] =	vst v1;
	v1 =	vbroadcast v3, $0x1  }
0xc5: {  	[tilespmem:$0xB00] =	vst v2;
	v2 =	vbroadcast v3, $0x2  }
0xc6: {  	[tilespmem:$0xB10] =	vst v1;
	v1 =	vbroadcast v3, $0x3  }
0xc7: {  	[tilespmem:$0xB20] =	vst v2;
	v2 =	vbroadcast v3, $0x4  }
0xc8: {  	[tilespmem:$0xB30] =	vst v1;
	v1 =	vbroadcast v3, $0x5  }
0xc9: {  	[tilespmem:$0xB40] =	vst v2;
	v2 =	vbroadcast v3, $0x6  }
0xca: {  	[tilespmem:$0xB50] =	vst v1;
	v1 =	vbroadcast v3, $0x7  }
0xcb: {  	[tilespmem:$0xB60] =	vst v2;
	v2 =	vbroadcast v3, $0x8  }
0xcc: {  	[tilespmem:$0xB70] =	vst v1;
	v1 =	vbroadcast v3, $0x9  }
0xcd: {  	[tilespmem:$0xB80] =	vst v2;
	v2 =	vbroadcast v3, $0xA  }
0xce: {  	v4 =	vld [tilespmem:$0xB0];
	[tilespmem:$0xB90] =	vst v1;
	v1 =	vbroadcast v3, $0xB  }
0xcf: {  	[tilespmem:$0xBA0] =	vst v2;
	v2 =	vbroadcast v3, $0xC  }
0xd0: {  	[tilespmem:$0xBB0] =	vst v1;
	v1 =	vbroadcast v3, $0xD  }
0xd1: {  	[tilespmem:$0xBC0] =	vst v2;
	v2 =	vbroadcast v3, $0xE  }
0xd2: {  	[tilespmem:$0xBD0] =	vst v1;
	v1 =	vbroadcast v3, $0xF  }
0xd3: {  	[tilespmem:$0xBE0] =	vst v2;
	v2 =	vbroadcast v4, $0x0  }
0xd4: {  	[tilespmem:$0xBF0] =	vst v1;
	v1 =	vbroadcast v4, $0x1  }
0xd5: {  	[tilespmem:$0xC00] =	vst v2;
	v2 =	vbroadcast v4, $0x2  }
0xd6: {  	[tilespmem:$0xC10] =	vst v1;
	v1 =	vbroadcast v4, $0x3  }
0xd7: {  	[tilespmem:$0xC20] =	vst v2;
	v2 =	vbroadcast v4, $0x4  }
0xd8: {  	[tilespmem:$0xC30] =	vst v1;
	v1 =	vbroadcast v4, $0x5  }
0xd9: {  	[tilespmem:$0xC40] =	vst v2;
	v2 =	vbroadcast v4, $0x6  }
0xda: {  	[tilespmem:$0xC50] =	vst v1;
	v1 =	vbroadcast v4, $0x7  }
0xdb: {  	[tilespmem:$0xC60] =	vst v2;
	v2 =	vbroadcast v4, $0x8  }
0xdc: {  	[tilespmem:$0xC70] =	vst v1;
	v1 =	vbroadcast v4, $0x9  }
0xdd: {  	[tilespmem:$0xC80] =	vst v2;
	v2 =	vbroadcast v4, $0xA  }
0xde: {  	v3 =	vld [tilespmem:$0xC0];
	[tilespmem:$0xC90] =	vst v1;
	v1 =	vbroadcast v4, $0xB  }
0xdf: {  	[tilespmem:$0xCA0] =	vst v2;
	v2 =	vbroadcast v4, $0xC  }
0xe0: {  	[tilespmem:$0xCB0] =	vst v1;
	v1 =	vbroadcast v4, $0xD  }
0xe1: {  	[tilespmem:$0xCC0] =	vst v2;
	v2 =	vbroadcast v4, $0xE  }
0xe2: {  	[tilespmem:$0xCD0] =	vst v1;
	v1 =	vbroadcast v4, $0xF  }
0xe3: {  	[tilespmem:$0xCE0] =	vst v2;
	v2 =	vbroadcast v3, $0x0  }
0xe4: {  	[tilespmem:$0xCF0] =	vst v1;
	v1 =	vbroadcast v3, $0x1  }
0xe5: {  	[tilespmem:$0xD00] =	vst v2;
	v2 =	vbroadcast v3, $0x2  }
0xe6: {  	[tilespmem:$0xD10] =	vst v1;
	v1 =	vbroadcast v3, $0x3  }
0xe7: {  	[tilespmem:$0xD20] =	vst v2;
	v2 =	vbroadcast v3, $0x4  }
0xe8: {  	[tilespmem:$0xD30] =	vst v1;
	v1 =	vbroadcast v3, $0x5  }
0xe9: {  	[tilespmem:$0xD40] =	vst v2;
	v2 =	vbroadcast v3, $0x6  }
0xea: {  	[tilespmem:$0xD50] =	vst v1;
	v1 =	vbroadcast v3, $0x7  }
0xeb: {  	[tilespmem:$0xD60] =	vst v2;
	v2 =	vbroadcast v3, $0x8  }
0xec: {  	[tilespmem:$0xD70] =	vst v1;
	v1 =	vbroadcast v3, $0x9  }
0xed: {  	[tilespmem:$0xD80] =	vst v2;
	v2 =	vbroadcast v3, $0xA  }
0xee: {  	v4 =	vld [tilespmem:$0xD0];
	[tilespmem:$0xD90] =	vst v1;
	v1 =	vbroadcast v3, $0xB  }
0xef: {  	[tilespmem:$0xDA0] =	vst v2;
	v2 =	vbroadcast v3, $0xC  }
0xf0: {  	[tilespmem:$0xDB0] =	vst v1;
	v1 =	vbroadcast v3, $0xD  }
0xf1: {  	[tilespmem:$0xDC0] =	vst v2;
	v2 =	vbroadcast v3, $0xE  }
0xf2: {  	[tilespmem:$0xDD0] =	vst v1;
	v1 =	vbroadcast v3, $0xF  }
0xf3: {  	[tilespmem:$0xDE0] =	vst v2;
	v2 =	vbroadcast v4, $0x0  }
0xf4: {  	[tilespmem:$0xDF0] =	vst v1;
	v1 =	vbroadcast v4, $0x1  }
0xf5: {  	[tilespmem:$0xE00] =	vst v2;
	v2 =	vbroadcast v4, $0x2  }
0xf6: {  	[tilespmem:$0xE10] =	vst v1;
	v1 =	vbroadcast v4, $0x3  }
0xf7: {  	[tilespmem:$0xE20] =	vst v2;
	v2 =	vbroadcast v4, $0x4  }
0xf8: {  	[tilespmem:$0xE30] =	vst v1;
	v1 =	vbroadcast v4, $0x5  }
0xf9: {  	[tilespmem:$0xE40] =	vst v2;
	v2 =	vbroadcast v4, $0x6  }
0xfa: {  	[tilespmem:$0xE50] =	vst v1;
	v1 =	vbroadcast v4, $0x7  }
0xfb: {  	[tilespmem:$0xE60] =	vst v2;
	v2 =	vbroadcast v4, $0x8  }
0xfc: {  	[tilespmem:$0xE70] =	vst v1;
	v1 =	vbroadcast v4, $0x9  }
0xfd: {  	[tilespmem:$0xE80] =	vst v2;
	v2 =	vbroadcast v4, $0xA  }
0xfe: {  	v3 =	vld [tilespmem:$0xE0];
	[tilespmem:$0xE90] =	vst v1;
	v1 =	vbroadcast v4, $0xB  }
0xff: {  	[tilespmem:$0xEA0] =	vst v2;
	v2 =	vbroadcast v4, $0xC  }
0x100: {  	[tilespmem:$0xEB0] =	vst v1;
	v1 =	vbroadcast v4, $0xD  }
0x101: {  	[tilespmem:$0xEC0] =	vst v2;
	v2 =	vbroadcast v4, $0xE  }
0x102: {  	[tilespmem:$0xED0] =	vst v1;
	v1 =	vbroadcast v4, $0xF  }
0x103: {  	[tilespmem:$0xEE0] =	vst v2;
	v2 =	vbroadcast v3, $0x0  }
0x104: {  	[tilespmem:$0xEF0] =	vst v1;
	v1 =	vbroadcast v3, $0x1  }
0x105: {  	[tilespmem:$0xF00] =	vst v2;
	v2 =	vbroadcast v3, $0x2  }
0x106: {  	[tilespmem:$0xF10] =	vst v1;
	v1 =	vbroadcast v3, $0x3  }
0x107: {  	[tilespmem:$0xF20] =	vst v2;
	v2 =	vbroadcast v3, $0x4  }
0x108: {  	[tilespmem:$0xF30] =	vst v1;
	v1 =	vbroadcast v3, $0x5  }
0x109: {  	[tilespmem:$0xF40] =	vst v2;
	v2 =	vbroadcast v3, $0x6  }
0x10a: {  	[tilespmem:$0xF50] =	vst v1;
	v1 =	vbroadcast v3, $0x7  }
0x10b: {  	[tilespmem:$0xF60] =	vst v2;
	v2 =	vbroadcast v3, $0x8  }
0x10c: {  	[tilespmem:$0xF70] =	vst v1;
	v1 =	vbroadcast v3, $0x9  }
0x10d: {  	[tilespmem:$0xF80] =	vst v2;
	v2 =	vbroadcast v3, $0xA  }
0x10e: {  	v4 =	vld [tilespmem:$0xF0];
	[tilespmem:$0xF90] =	vst v1;
	v1 =	vbroadcast v3, $0xB  }
0x10f: {  	[tilespmem:$0xFA0] =	vst v2;
	v2 =	vbroadcast v3, $0xC  }
0x110: {  	[tilespmem:$0xFB0] =	vst v1;
	v1 =	vbroadcast v3, $0xD  }
0x111: {  	[tilespmem:$0xFC0] =	vst v2;
	v2 =	vbroadcast v3, $0xE  }
0x112: {  	[tilespmem:$0xFD0] =	vst v1;
	v1 =	vbroadcast v3, $0xF  }
0x113: {  	[tilespmem:$0xFE0] =	vst v2;
	v2 =	vbroadcast v4, $0x0  }
0x114: {  	[tilespmem:$0xFF0] =	vst v1;
	v1 =	vbroadcast v4, $0x1  }
0x115: {  	[tilespmem:$0x1000] =	vst v2;
	v2 =	vbroadcast v4, $0x2  }
0x116: {  	[tilespmem:$0x1010] =	vst v1;
	v1 =	vbroadcast v4, $0x3  }
0x117: {  	[tilespmem:$0x1020] =	vst v2;
	v2 =	vbroadcast v4, $0x4  }
0x118: {  	[tilespmem:$0x1030] =	vst v1;
	v1 =	vbroadcast v4, $0x5  }
0x119: {  	[tilespmem:$0x1040] =	vst v2;
	v2 =	vbroadcast v4, $0x6  }
0x11a: {  	[tilespmem:$0x1050] =	vst v1;
	v1 =	vbroadcast v4, $0x7  }
0x11b: {  	[tilespmem:$0x1060] =	vst v2;
	v2 =	vbroadcast v4, $0x8  }
0x11c: {  	[tilespmem:$0x1070] =	vst v1;
	v1 =	vbroadcast v4, $0x9  }
0x11d: {  	[tilespmem:$0x1080] =	vst v2;
	v2 =	vbroadcast v4, $0xA  }
0x11e: {  	[tilespmem:$0x1090] =	vst v1;
	v1 =	vbroadcast v4, $0xB  }
0x11f: {  	[tilespmem:$0x10A0] =	vst v2;
	v2 =	vbroadcast v4, $0xC  }
0x120: {  	[tilespmem:$0x10B0] =	vst v1;
	v1 =	vbroadcast v4, $0xD  }
0x121: {  	[tilespmem:$0x10C0] =	vst v2;
	v2 =	vbroadcast v4, $0xE  }
0x122: {  	[tilespmem:$0x10D0] =	vst v1;
	v1 =	vbroadcast v4, $0xF  }
0x123: {  	[tilespmem:$0x10E0] =	vst v2  }
0x124: {  	s1 =	simm.s32 $0x0;
	[tilespmem:$0x10F0] =	vst v1  }
0x125: {  	v8 =	vimm.f32 $0.0e+00;
	v4 =	vimm.f32 $0.0e+00;
	[tilespmem:s6], [sflag:$0x1] =	stream.linear.gather [hbm4b:s9+s7], $0x7000, $0x38;
	[tilespmem:$0x1D420] =	vst v63  }
.LBB2_2:
0x126: {  	s2 =	smul.u32 $0xE000, s1;
	_ =	sdelay $0x1  }
0x127: {  	s2 =	sadd.s32 s8, s2  }
0x128: {  	s3 =	sshrl.u32 s2, $0x3  }
0x129: {  	s3 =	sadd.s32 s0, s3  }
0x12a: {  	s3 =	sadd.s32 $0xE00, s3  }
0x12b: {  	[tilespmem:s19], [sflag:$0x2] =	stream.linear.gather [hbm4b:s3+s7], $0x7000, $0x38;
	[tilespmem:$0x1D420] =	vst v63  }
0x12c: {  	_ =	swait.ge [sflag:s20], $0x7000  }
0x12d: {  	[sflag:s20] =	ssyncset.done $0x0  }
0x12e: {  	s4 =	simm.s32 $0x1440;
	[sflag:s20] =	ssyncadd.s32 $0xFFFF9000  }
0x12f: {  	v10 =	vld [tilespmem:s4+$0xFFFFFFC0]  }
0x130: {  	v7 =	vld [tilespmem:s4+$0xFFFFFFD0]  }
0x131: {  	v6 =	vld [tilespmem:s4+$0xFFFFFFE0]  }
0x132: {  	v5 =	vld [tilespmem:s4+$0xFFFFFFF0]  }
0x133: {  	v3 =	vld [tilespmem:s4+$0x0]  }
0x134: {  	v2 =	vld [tilespmem:s4+$0x10];
	v11 =	vmul.f32 v10, v10  }
0x135: {  	v13 =	vimm.f32 $0.0e+00;
	v12 =	vimm.f32 $0.0e+00;
	v1 =	vld [tilespmem:s4+$0x20];
	v9 =	vmul.f32 v7, v7  }
0x136: {  	s3 =	simm.s32 $0x0;
	v10 =	vadd.f32 v10, v8;
	v8 =	vadd.f32 v11, v4;
	v11 =	vmul.f32 v6, v6;
	v4 =	vld [tilespmem:s4+$0x30];
	s4 =	simm.s32 $0x14C0  }
.LBB2_3:
0x137: {  	v14 =	vld [tilespmem:s4+$0xFFFFFFC0];
	v13 =	vadd.f32 v7, v13;
	v9 =	vadd.f32 v9, v12;
	v12 =	vmul.f32 v5, v5  }
0x138: {  	s3 =	sadd.s32 $0x8, s3;
	v7 =	vld [tilespmem:s4+$0xFFFFFFD0];
	v10 =	vadd.f32 v6, v10;
	v8 =	vadd.f32 v11, v8;
	v11 =	vmul.f32 v3, v3  }
0x139: {  	p0 =	slt.u32 s3, $0x6F8;
	v6 =	vld [tilespmem:s4+$0xFFFFFFE0];
	v13 =	vadd.f32 v5, v13;
	v9 =	vadd.f32 v12, v9;
	v12 =	vmul.f32 v2, v2  }
.Ltmp0:
0x13a: {  	v5 =	vld [tilespmem:s4+$0xFFFFFFF0];
	v10 =	vadd.f32 v3, v10;
	v8 =	vadd.f32 v11, v8;
	v11 =	vmul.f32 v1, v1;
	(pc) =	sbr.rel @p0 .LBB2_3-.Ltmp0, $4  }
0x13b: {  	v3 =	vld [tilespmem:s4+$0x0];
	v13 =	vadd.f32 v2, v13;
	v12 =	vadd.f32 v12, v9;
	v15 =	vmul.f32 v4, v4  }
0x13c: {  	v16 =	vmul.f32 v14, v14;
	v2 =	vld [tilespmem:s4+$0x10];
	v10 =	vadd.f32 v1, v10;
	v8 =	vadd.f32 v11, v8  }
0x13d: {  	v9 =	vmul.f32 v7, v7;
	v1 =	vld [tilespmem:s4+$0x20];
	v13 =	vadd.f32 v4, v13;
	v12 =	vadd.f32 v15, v12  }
0x13e: {  	v10 =	vadd.f32 v14, v10;
	v8 =	vadd.f32 v16, v8;
	v11 =	vmul.f32 v6, v6;
	v4 =	vld [tilespmem:s4+$0x30];
	s4 =	sadd.s32 $0x80, s4  }
0x13f: {  	p0 =	seq.s32 s1, $0xD  }
0x140: {  	s2 =	sshrl.u32 @!p0 s2, $0x3  }
0x141: {  	s2 =	sadd.s32 @!p0 s0, s2  }
0x142: {  	s3 =	simm.s32 @!p0 $0x0;
	s4 =	simm.s32 @!p0 $0x1400;
	s2 =	sadd.s32 @!p0 $0x1C00, s2  }
0x143: {  	v7 =	vadd.f32 v7, v13;
	[tilespmem:s4], [sflag:$0x1] =	stream.linear.gather @!p0 [hbm4b:s2+s3], $0x7000, $0x38;
	[tilespmem:$0x1D420] =	vst v63  }
0x144: {  	v9 =	vadd.f32 v9, v12;
	v12 =	vmul.f32 v5, v5;
	v6 =	vadd.f32 v6, v10;
	_ =	swait.ge [sflag:s21], $0x7000  }
0x145: {  	v8 =	vadd.f32 v11, v8;
	v10 =	vmul.f32 v3, v3;
	v5 =	vadd.f32 v5, v7;
	[sflag:s21] =	ssyncset.done $0x0  }
0x146: {  	s31 =	simm.s32 $0x8440;
	v7 =	vadd.f32 v12, v9;
	v9 =	vmul.f32 v2, v2;
	v6 =	vadd.f32 v3, v6;
	[sflag:s21] =	ssyncadd.s32 $0xFFFF9000  }
0x147: {  	v8 =	vadd.f32 v10, v8;
	v2 =	vadd.f32 v2, v5;
	v10 =	vld [tilespmem:s31+$0xFFFFFFC0]  }
0x148: {  	v11 =	vmul.f32 v1, v1;
	v7 =	vadd.f32 v9, v7;
	v9 =	vmul.f32 v4, v4;
	v3 =	vld [tilespmem:s31+$0xFFFFFFD0]  }
0x149: {  	v1 =	vadd.f32 v1, v6;
	v2 =	vadd.f32 v4, v2;
	v5 =	vld [tilespmem:s31+$0xFFFFFFE0]  }
0x14a: {  	v6 =	vadd.f32 v11, v8;
	v7 =	vadd.f32 v9, v7;
	v4 =	vld [tilespmem:s31+$0xFFFFFFF0]  }
0x14b: {  	v9 =	vadd.f32 v2, v1;
	v1 =	vld [tilespmem:s31+$0x0]  }
0x14c: {  	v7 =	vadd.f32 v7, v6;
	v6 =	vld [tilespmem:s31+$0x10];
	v12 =	vmul.f32 v10, v10  }
0x14d: {  	v13 =	vimm.f32 $0.0e+00;
	v11 =	vimm.f32 $0.0e+00;
	v2 =	vld [tilespmem:s31+$0x20];
	v8 =	vmul.f32 v3, v3  }
0x14e: {  	s2 =	simm.s32 $0x0;
	s3 =	simm.s32 $0x84C0;
	v9 =	vadd.f32 v10, v9;
	v10 =	vadd.f32 v12, v7;
	v12 =	vmul.f32 v5, v5;
	v7 =	vld [tilespmem:s31+$0x30]  }
.LBB2_5:
0x14f: {  	v14 =	vld [tilespmem:s3+$0xFFFFFFC0];
	v11 =	vadd.f32 v3, v11;
	v8 =	vadd.f32 v8, v13;
	v13 =	vmul.f32 v4, v4  }
0x150: {  	s2 =	sadd.s32 $0x8, s2;
	v3 =	vld [tilespmem:s3+$0xFFFFFFD0];
	v9 =	vadd.f32 v5, v9;
	v10 =	vadd.f32 v12, v10;
	v12 =	vmul.f32 v1, v1  }
0x151: {  	p0 =	slt.u32 s2, $0x6F8;
	v5 =	vld [tilespmem:s3+$0xFFFFFFE0];
	v11 =	vadd.f32 v4, v11;
	v8 =	vadd.f32 v13, v8;
	v13 =	vmul.f32 v6, v6  }
.Ltmp1:
0x152: {  	v4 =	vld [tilespmem:s3+$0xFFFFFFF0];
	v9 =	vadd.f32 v1, v9;
	v10 =	vadd.f32 v12, v10;
	v12 =	vmul.f32 v2, v2;
	(pc) =	sbr.rel @p0 .LBB2_5-.Ltmp1, $4  }
0x153: {  	v1 =	vld [tilespmem:s3+$0x0];
	v11 =	vadd.f32 v6, v11;
	v13 =	vadd.f32 v13, v8;
	v15 =	vmul.f32 v7, v7  }
0x154: {  	v16 =	vmul.f32 v14, v14;
	v6 =	vld [tilespmem:s3+$0x10];
	v9 =	vadd.f32 v2, v9;
	v10 =	vadd.f32 v12, v10  }
0x155: {  	v8 =	vmul.f32 v3, v3;
	v2 =	vld [tilespmem:s3+$0x20];
	v11 =	vadd.f32 v7, v11;
	v13 =	vadd.f32 v15, v13  }
0x156: {  	v9 =	vadd.f32 v14, v9;
	v10 =	vadd.f32 v16, v10;
	v12 =	vmul.f32 v5, v5;
	v7 =	vld [tilespmem:s3+$0x30];
	s3 =	sadd.s32 $0x80, s3  }
0x157: {  	v3 =	vadd.f32 v3, v11;
	v8 =	vadd.f32 v8, v13;
	v11 =	vmul.f32 v4, v4  }
0x158: {  	v5 =	vadd.f32 v5, v9;
	v9 =	vadd.f32 v12, v10;
	v10 =	vmul.f32 v1, v1  }
0x159: {  	s1 =	sadd.s32 $0x1, s1;
	v3 =	vadd.f32 v4, v3;
	v4 =	vadd.f32 v11, v8;
	v8 =	vmul.f32 v6, v6  }
0x15a: {  	p0 =	sne.s32 s1, $0xE;
	v1 =	vadd.f32 v1, v5;
	v5 =	vadd.f32 v10, v9;
	v9 =	vmul.f32 v2, v2  }
.Ltmp2:
0x15b: {  	v3 =	vadd.f32 v6, v3;
	v4 =	vadd.f32 v8, v4;
	v6 =	vmul.f32 v7, v7;
	(pc) =	sbr.rel @p0 .LBB2_2-.Ltmp2, $3  }
0x15c: {  	v1 =	vadd.f32 v2, v1;
	v2 =	vadd.f32 v9, v5  }
0x15d: {  	v3 =	vadd.f32 v7, v3;
	v4 =	vadd.f32 v6, v4;
	_ =	sdelay $0x1  }
0x15e: {  	v8 =	vadd.f32 v3, v1;
	v4 =	vadd.f32 v4, v2  }
0x15f: {  	_ = 	snop  }
0x160: {  	s1 =	rddreg [dreg:$0x9];
	s2 =	simm.s32 $0x1200;
	[tilespmem:$0x1200] =	vst v8  }
0x161: {  	[spmem:s1] =	stream.linear.scatter [tilespmem:s2], [sflag:$0x5], $0x10, $0x38;
	[tilespmem:$0x1D420] =	vst v63  }
0x162: {  	_ =	swait.ge [sflag:s15], $0x10  }
0x163: {  	[sflag:s15] =	ssyncset.done $0x0  }
0x164: {  	[sflag:s15] =	ssyncadd.s32 $0xFFFFFFF0  }
0x165: {  	s12 =	simm.s32 $0x1280;
	s11 =	rddreg [dreg:$0xa];
	[tilespmem:$0x1280] =	vst v4  }
0x166: {  	[spmem:s11] =	stream.linear.scatter [tilespmem:s12], [sflag:$0x5], $0x10, $0x38;
	[tilespmem:$0x1D420] =	vst v63  }
0x167: {  	_ =	swait.ge [sflag:s15], $0x10  }
0x168: {  	[sflag:s15] =	ssyncset.done $0x0  }
0x169: {  	[sflag:s15] =	ssyncadd.s32 $0xFFFFFFF0  }
0x16a: {  	[bflag:$0x0] =	sbarrier.arrive $0xFFFF  }
0x16b: {  	s14 =	simm.s32 $0x1300;
	s13 =	rddreg [dreg:$0xb]  }
0x16c: {  	[tilespmem:s14], [sflag:$0x5] =	stream.linear.gather [spmem:s13], $0x40, $0x38;
	[tilespmem:$0x1D420] =	vst v63  }
0x16d: {  	_ =	swait.ge [sflag:s15], $0x40  }
0x16e: {  	[sflag:s15] =	ssyncset.done $0x0  }
0x16f: {  	s17 =	simm.s32 $0x1380;
	s16 =	rddreg [dreg:$0xc];
	[sflag:s15] =	ssyncadd.s32 $0xFFFFFFC0  }
0x170: {  	[tilespmem:s17], [sflag:$0x5] =	stream.linear.gather [spmem:s16], $0x40, $0x38;
	[tilespmem:$0x1D420] =	vst v63  }
0x171: {  	_ =	swait.ge [sflag:s15], $0x40  }
0x172: {  	[sflag:s15] =	ssyncset.done $0x0  }
0x173: {  	[sflag:s15] =	ssyncadd.s32 $0xFFFFFFC0  }
0x174: {  	v1 =	vld [tilespmem:$0x1300]  }
0x175: {  	v2 =	vld [tilespmem:$0x1310];
	_ =	sdelay $0x1  }
0x176: {  	v3 =	vld [tilespmem:$0x1320];
	_ =	sdelay $0x1  }
0x177: {  	v61 =	vld [tilespmem:$0x1330]  }
0x178: {  	v1 =	vadd.f32 v2, v1;
	_ =	sdelay $0x1  }
0x179: {  	v1 =	vadd.f32 v3, v1;
	_ =	sdelay $0x1  }
0x17a: {  	v1 =	vadd.f32 v61, v1;
	_ =	sdelay $0x1  }
0x17b: {  	(v2sf) =	vpush v1, $0x0  }
0x17c: {  	(v2sf) =	vpush v1, $0x1  }
0x17d: {  	(v2sf) =	vpush v1, $0x2  }
0x17e: {  	(v2sf) =	vpush v1, $0x3  }
0x17f: {  	v2 =	vld [tilespmem:$0x1380];
	(v2sf) =	vpush v1, $0x4  }
0x180: {  	v3 =	vld [tilespmem:$0x1390];
	(v2sf) =	vpush v1, $0x5  }
0x181: {  	(v2sf) =	vpush v1, $0x6  }
0x182: {  	v62 =	vld [tilespmem:$0x13A0];
	(v2sf) =	vpush v1, $0x7  }
0x183: {  	(v2sf) =	vpush v1, $0x8  }
0x184: {  	v5 =	vld [tilespmem:$0x13B0];
	(v2sf) =	vpush v1, $0x9  }
0x185: {  	v2 =	vadd.f32 v3, v2;
	(v2sf) =	vpush v1, $0xA  }
0x186: {  	(v2sf) =	vpush v1, $0xB  }
0x187: {  	v2 =	vadd.f32 v62, v2;
	(v2sf) =	vpush v1, $0xC  }
0x188: {  	(v2sf) =	vpush v1, $0xD  }
0x189: {  	v2 =	vadd.f32 v5, v2;
	(v2sf) =	vpush v1, $0xE  }
0x18a: {  	s23 =	spop (v2sf);
	(v2sf) =	vpush v1, $0xF  }
0x18b: {  	s24 =	spop (v2sf);
	(v2sf) =	vpush v2, $0x0  }
0x18c: {  	s25 =	spop (v2sf);
	(v2sf) =	vpush v2, $0x1  }
0x18d: {  	s10 =	spop (v2sf)  }
0x18e: {  	(v2sf) =	vpush v2, $0x2;
	s11 =	spop (v2sf)  }
0x18f: {  	s12 =	spop (v2sf)  }
0x190: {  	(v2sf) =	vpush v2, $0x3;
	s13 =	spop (v2sf)  }
0x191: {  	s14 =	spop (v2sf)  }
0x192: {  	(v2sf) =	vpush v2, $0x4;
	s31 =	spop (v2sf)  }
0x193: {  	(v2sf) =	vpush v2, $0x5;
	s22 =	spop (v2sf)  }
0x194: {  	(v2sf) =	vpush v2, $0x6;
	s17 =	spop (v2sf)  }
0x195: {  	(v2sf) =	vpush v2, $0x7;
	s16 =	spop (v2sf)  }
0x196: {  	(v2sf) =	vpush v2, $0x8;
	s4 =	spop (v2sf)  }
0x197: {  	s23 =	sadd.f32 s24, s23;
	(v2sf) =	vpush v2, $0x9;
	s3 =	spop (v2sf)  }
0x198: {  	v1 =	vld [tilespmem:$0x1100];
	(v2sf) =	vpush v2, $0xA;
	s2 =	spop (v2sf)  }
0x199: {  	s23 =	sadd.f32 s23, s25;
	s1 =	spop (v2sf);
	(v2sf) =	vpush v2, $0xB  }
0x19a: {  	s9 =	spop (v2sf);
	(v2sf) =	vpush v2, $0xC  }
0x19b: {  	s10 =	sadd.f32 s23, s10;
	s18 =	spop (v2sf);
	(v2sf) =	vpush v2, $0xD  }
0x19c: {  	s9 =	sadd.f32 s18, s9;
	(v2sf) =	vpush v2, $0xE  }
0x19d: {  	v1 =	vnsel vm0, $0x0, v1;
	s10 =	sadd.f32 s10, s11;
	s25 =	spop (v2sf);
	(v2sf) =	vpush v2, $0xF  }
0x19e: {  	s9 =	sadd.f32 s9, s25;
	(v2sf) =	vpush v1, $0x0  }
0x19f: {  	s10 =	sadd.f32 s10, s12;
	s6 =	spop (v2sf);
	(v2sf) =	vpush v1, $0x1  }
0x1a0: {  	s9 =	sadd.f32 s9, s6;
	(v2sf) =	vpush v1, $0x2  }
0x1a1: {  	s10 =	sadd.f32 s10, s13;
	s18 =	spop (v2sf);
	(v2sf) =	vpush v1, $0x3  }
0x1a2: {  	s23 =	spop (v2sf);
	s9 =	sadd.f32 s9, s18;
	(v2sf) =	vpush v1, $0x4  }
0x1a3: {  	s10 =	sadd.f32 s10, s14;
	s24 =	spop (v2sf);
	(v2sf) =	vpush v1, $0x5  }
0x1a4: {  	s25 =	spop (v2sf);
	s9 =	sadd.f32 s9, s23;
	(v2sf) =	vpush v1, $0x6  }
0x1a5: {  	s10 =	sadd.f32 s10, s31;
	s6 =	spop (v2sf);
	(v2sf) =	vpush v1, $0x7  }
0x1a6: {  	s18 =	spop (v2sf);
	s9 =	sadd.f32 s9, s24;
	(v2sf) =	vpush v1, $0x8  }
0x1a7: {  	s10 =	sadd.f32 s10, s22;
	s24 =	spop (v2sf);
	(v2sf) =	vpush v1, $0x9  }
0x1a8: {  	v2 =	vld [tilespmem:$0x1180];
	s9 =	sadd.f32 s9, s25;
	s23 =	spop (v2sf);
	(v2sf) =	vpush v1, $0xA  }
0x1a9: {  	s10 =	sadd.f32 s10, s17;
	s25 =	spop (v2sf);
	(v2sf) =	vpush v1, $0xB  }
0x1aa: {  	s9 =	sadd.f32 s9, s6;
	s31 =	spop (v2sf);
	(v2sf) =	vpush v1, $0xC  }
0x1ab: {  	s10 =	sadd.f32 s10, s16;
	s6 =	spop (v2sf);
	(v2sf) =	vpush v1, $0xD  }
0x1ac: {  	s9 =	sadd.f32 s9, s18;
	s18 =	spop (v2sf);
	(v2sf) =	vpush v1, $0xE  }
0x1ad: {  	s4 =	sadd.f32 s10, s4;
	s17 =	spop (v2sf);
	(v2sf) =	vpush v1, $0xF;
	v1 =	vnsel vm0, $0x0, v2  }
0x1ae: {  	s9 =	sadd.f32 s9, s24;
	s14 =	spop (v2sf);
	(v2sf) =	vpush v1, $0x0  }
0x1af: {  	s3 =	sadd.f32 s4, s3;
	s16 =	spop (v2sf);
	(v2sf) =	vpush v1, $0x1  }
0x1b0: {  	s24 =	spop (v2sf);
	s9 =	sadd.f32 s9, s23  }
0x1b1: {  	s2 =	sadd.f32 s3, s2;
	(v2sf) =	vpush v1, $0x2;
	s11 =	spop (v2sf)  }
0x1b2: {  	s9 =	sadd.f32 s9, s25;
	s10 =	spop (v2sf)  }
0x1b3: {  	s1 =	sadd.f32 s2, s1;
	(v2sf) =	vpush v1, $0x3;
	s23 =	spop (v2sf)  }
0x1b4: {  	s31 =	sadd.f32 s9, s31;
	s9 =	spop (v2sf)  }
0x1b5: {  	s2 =	smul.f32 $3.114038520e-07, s1;
	(v2sf) =	vpush v1, $0x4;
	s13 =	spop (v2sf)  }
0x1b6: {  	s6 =	sadd.f32 s31, s6;
	s22 =	spop (v2sf)  }
0x1b7: {  	s14 =	sadd.f32 s14, s17;
	s25 =	spop (v2sf);
	(v2sf) =	vpush v1, $0x5  }
0x1b8: {  	s3 =	sadd.f32 s6, s18;
	s12 =	spop (v2sf)  }
0x1b9: {  	(v2sf) =	vpush v1, $0x6;
	s18 =	smul.f32 s2, s2;
	s31 =	spop (v2sf)  }
0x1ba: {  	s6 =	smul.f32 $3.114038520e-07, s3;
	s4 =	spop (v2sf)  }
0x1bb: {  	s14 =	sadd.f32 s14, s16;
	(v2sf) =	vpush v1, $0x7;
	s3 =	spop (v2sf)  }
0x1bc: {  	s1 =	spop (v2sf);
	s6 =	ssub.f32 s6, s18  }
0x1bd: {  	s14 =	sadd.f32 s14, s24;
	(v2sf) =	vpush v1, $0x8;
	s17 =	spop (v2sf)  }
0x1be: {  	s18 =	spop (v2sf);
	s6 =	sadd.f32 $9.999999740e-06, s6  }
0x1bf: {  	(v2sf) =	vpush v1, $0x9;
	s16 =	sadd.f32 s18, s17  }
0x1c0: {  	s11 =	sadd.f32 s14, s11;
	s24 =	spop (v2sf);
	v2 =	vmov s6  }
0x1c1: {  	(v2sf) =	vpush v1, $0xA;
	s16 =	sadd.f32 s16, s24;
	v3 =	vshrl.u32 v2, $0x1;
	v2 =	vmul.f32 $5.000000000e-01, v2  }
0x1c2: {  	s10 =	sadd.f32 s11, s10;
	s17 =	spop (v2sf);
	v3 =	vsub.s32 $0x5F3759DF, v3  }
0x1c3: {  	(v2sf) =	vpush v1, $0xB;
	s6 =	sadd.f32 s16, s17;
	v63 =	vmul.f32 v3, v2  }
0x1c4: {  	s10 =	sadd.f32 s10, s23;
	s18 =	spop (v2sf)  }
0x1c5: {  	(v2sf) =	vpush v1, $0xC;
	s6 =	sadd.f32 s6, s18;
	v4 =	vmul.f32 v3, v63  }
0x1c6: {  	s9 =	sadd.f32 s10, s9;
	s24 =	spop (v2sf)  }
0x1c7: {  	(v2sf) =	vpush v1, $0xD;
	s6 =	sadd.f32 s6, s24;
	v4 =	vsub.f32 $1.500000000e+00, v4  }
0x1c8: {  	s9 =	sadd.f32 s9, s13;
	s11 =	spop (v2sf)  }
0x1c9: {  	(v2sf) =	vpush v1, $0xE;
	s6 =	sadd.f32 s6, s11;
	v3 =	vmul.f32 v3, v4  }
0x1ca: {  	s9 =	sadd.f32 s9, s22;
	s14 =	spop (v2sf)  }
0x1cb: {  	(v2sf) =	vpush v1, $0xF;
	s6 =	sadd.f32 s6, s14;
	v1 =	vmul.f32 v3, v2  }
0x1cc: {  	s9 =	sadd.f32 s9, s25;
	s16 =	spop (v2sf)  }
0x1cd: {  	s6 =	sadd.f32 s6, s16;
	v1 =	vmul.f32 v1, v3  }
0x1ce: {  	s9 =	sadd.f32 s9, s12;
	s17 =	spop (v2sf)  }
0x1cf: {  	s6 =	sadd.f32 s6, s17;
	v1 =	vsub.f32 $1.500000000e+00, v1  }
0x1d0: {  	s9 =	sadd.f32 s9, s31;
	s18 =	spop (v2sf)  }
0x1d1: {  	s6 =	sadd.f32 s6, s18;
	v1 =	vmul.f32 v1, v3  }
0x1d2: {  	s4 =	sadd.f32 s9, s4;
	s22 =	spop (v2sf)  }
0x1d3: {  	s6 =	sadd.f32 s6, s22;
	v2 =	vmul.f32 v1, v2  }
0x1d4: {  	s3 =	sadd.f32 s4, s3;
	s23 =	spop (v2sf)  }
0x1d5: {  	s6 =	sadd.f32 s6, s23;
	v2 =	vmul.f32 v2, v1  }
0x1d6: {  	s1 =	sadd.f32 s3, s1;
	s24 =	spop (v2sf)  }
0x1d7: {  	s4 =	sadd.f32 s6, s24;
	v2 =	vsub.f32 $1.500000000e+00, v2  }
0x1d8: {  	s25 =	spop (v2sf)  }
0x1d9: {  	s1 =	smul.f32 $2.550000000e+02, s1;
	s3 =	sadd.f32 s4, s25;
	v1 =	vmul.f32 v2, v1  }
0x1da: {  	s31 =	spop (v2sf)  }
0x1db: {  	s3 =	sadd.f32 s3, s31;
	v1 =	vmul.f32 s1, v1;
	_ =	sdelay $0x1  }
0x1dc: {  	s3 =	smul.f32 $2.550000000e+02, s3;
	v2 =	vmul.f32 s2, v1  }
0x1dd: {  	s9 =	rddreg [dreg:$0x8];
	s6 =	simm.s32 $0x1400;
	s1 =	simm.s32 $0x0  }
0x1de: {  	[tilespmem:s6], [sflag:$0x1] =	stream.linear.gather [hbm4b:s9+s1], $0x7000, $0x38;
	v2 =	vsub.f32 s3, v2;
	[tilespmem:$0x1D420] =	vst v63  }
.LBB2_8:
0x1df: {  	s2 =	smul.u32 $0xE000, s1;
	_ =	sdelay $0x1  }
0x1e0: {  	s2 =	sadd.s32 s8, s2  }
0x1e1: {  	s3 =	sshrl.u32 s2, $0x3  }
0x1e2: {  	s2 =	sadd.s32 $0xE00, s3  }
0x1e3: {  	s4 =	sadd.s32 s0, s2  }
0x1e4: {  	[tilespmem:s19], [sflag:$0x2] =	stream.linear.gather [hbm4b:s4+s7], $0x7000, $0x38;
	[tilespmem:$0x1D420] =	vst v63  }
0x1e5: {  	_ =	swait.ge [sflag:s20], $0x7000  }
0x1e6: {  	p0 =	seq.s32 s1, $0x0;
	[sflag:s20] =	ssyncset.done $0x0  }
0x1e7: {  	s4 =	simm.s32 @!p0 $0x3;
	[sflag:s20] =	ssyncadd.s32 $0xFFFF9000  }
0x1e8: {  	_ =	swait.ge @!p0 [sflag:s4], $0x7000  }
0x1e9: {  	[sflag:s4] =	ssyncset.done @!p0 $0x0  }
0x1ea: {  	s25 =	simm.s32 $0x1440;
	[sflag:s4] =	ssyncadd.s32 @!p0 $0xFFFF9000  }
0x1eb: {  	v3 =	vld [tilespmem:s25+$0x30]  }
0x1ec: {  	v4 =	vld [tilespmem:s25+$0xFFFFFFD0]  }
0x1ed: {  	v5 =	vld [tilespmem:s25+$0xFFFFFFE0]  }
0x1ee: {  	v6 =	vld [tilespmem:s25+$0xFFFFFFF0]  }
0x1ef: {  	v7 =	vld [tilespmem:s25+$0x0]  }
0x1f0: {  	v8 =	vld [tilespmem:s25+$0x10]  }
0x1f1: {  	v9 =	vld [tilespmem:s25+$0x20]  }
0x1f2: {  	v10 =	vld [tilespmem:s25+$0xFFFFFFC0]  }
0x1f3: {  	v3 =	vmul.f32 v3, v1;
	v4 =	vmul.f32 v4, v1  }
0x1f4: {  	v5 =	vmul.f32 v5, v1;
	v6 =	vmul.f32 v6, v1  }
0x1f5: {  	v7 =	vmul.f32 v7, v1;
	v8 =	vmul.f32 v8, v1  }
0x1f6: {  	v9 =	vmul.f32 v9, v1;
	v3 =	vadd.f32 v3, v2;
	v4 =	vadd.f32 v4, v2  }
0x1f7: {  	v10 =	vmul.f32 v10, v1;
	v5 =	vadd.f32 v5, v2;
	v6 =	vadd.f32 v6, v2  }
0x1f8: {  	v7 =	vadd.f32 v7, v2;
	v8 =	vadd.f32 v8, v2  }
0x1f9: {  	v9 =	vadd.f32 v9, v2;
	v10 =	vadd.f32 v10, v2;
	v3 =	vmax.f32 v3, $0.0e+00  }
0x1fa: {  	v4 =	vmax.f32 v4, $0.0e+00;
	v5 =	vmax.f32 v5, $0.0e+00;
	v6 =	vmax.f32 v6, $0.0e+00  }
0x1fb: {  	v7 =	vmax.f32 v7, $0.0e+00;
	v8 =	vmax.f32 v8, $0.0e+00;
	v10 =	vmax.f32 v10, $0.0e+00  }
0x1fc: {  	v9 =	vmax.f32 v9, $0.0e+00;
	v3 =	vmin.f32 v3, $2.550000000e+02;
	v10 =	vmin.f32 v10, $2.550000000e+02  }
0x1fd: {  	v4 =	vmin.f32 v4, $2.550000000e+02;
	v5 =	vmin.f32 v5, $2.550000000e+02;
	v11 =	vtrunc.f32 v3  }
0x1fe: {  	v6 =	vmin.f32 v6, $2.550000000e+02;
	v7 =	vmin.f32 v7, $2.550000000e+02;
	v11 =	vcvt.f32.s32 v11  }
0x1ff: {  	v8 =	vmin.f32 v8, $2.550000000e+02;
	v18 =	vmin.f32 v9, $2.550000000e+02;
	v14 =	vtrunc.f32 v10  }
0x200: {  	v15 =	vtrunc.f32 v4;
	v16 =	vtrunc.f32 v5;
	v12 =	vadd.s32 $0x1, v11  }
0x201: {  	v17 =	vtrunc.f32 v6;
	v9 =	vtrunc.f32 v7;
	vm1 =	vlt.s32 v12, $0xFF  }
0x202: {  	v19 =	vtrunc.f32 v8;
	v13 =	vshll.u32 v11, $0x4;
	v12 =	vnsel vm1, $0xFF, v12  }
0x203: {  	v20 =	vtrunc.f32 v18;
	v13 =	vor.u32 v0, v13;
	v12 =	vshll.u32 v12, $0x4  }
0x204: {  	v14 =	vcvt.f32.s32 v14;
	v21 =	vcvt.f32.s32 v15;
	v12 =	vor.u32 v0, v12  }
0x205: {  	v22 =	vcvt.f32.s32 v16;
	v17 =	vcvt.f32.s32 v17  }
0x206: {  	v9 =	vcvt.f32.s32 v9;
	v19 =	vcvt.f32.s32 v19  }
0x207: {  	v20 =	vcvt.f32.s32 v20;
	v15 =	vadd.s32 $0x1, v14;
	v16 =	vadd.s32 $0x1, v21  }
0x208: {  	v11 =	vcvt.s32.f32 v11;
	v23 =	vadd.s32 $0x1, v22;
	v24 =	vadd.s32 $0x1, v17;
	v13 =	vld.idx.msk [tilespmem:v13+s26+$0x0], $0xffff  }
0x209: {  	v25 =	vadd.s32 $0x1, v9;
	v26 =	vadd.s32 $0x1, v19;
	v27 =	vshll.u32 v17, $0x4;
	v12 =	vld.idx.msk [tilespmem:v12+s26+$0x0], $0xffff  }
0x20a: {  	v30 =	vshll.u32 v9, $0x4;
	v31 =	vshll.u32 v19, $0x4;
	v17 =	vcvt.s32.f32 v17  }
0x20b: {  	v33 =	vshll.u32 v20, $0x4;
	v9 =	vcvt.s32.f32 v9;
	v19 =	vcvt.s32.f32 v19  }
0x20c: {  	vm2 =	vlt.s32 v16, $0xFF;
	vm3 =	vlt.s32 v23, $0xFF;
	vm4 =	vlt.s32 v24, $0xFF  }
0x20d: {  	vm5 =	vlt.s32 v25, $0xFF;
	vm6 =	vlt.s32 v26, $0xFF;
	v3 =	vsub.f32 v3, v11  }
0x20e: {  	vm1 =	vlt.s32 v15, $0xFF;
	v6 =	vsub.f32 v6, v17;
	v11 =	vsub.f32 v12, v13  }
0x20f: {  	v7 =	vsub.f32 v7, v9;
	v9 =	vsub.f32 v8, v19;
	v12 =	vadd.s32 $0x1, v20  }
0x210: {  	vm7 =	vlt.s32 v12, $0xFF;
	v3 =	vmul.f32 v3, v11;
	v11 =	vnsel vm1, $0xFF, v15  }
0x211: {  	v15 =	vnsel vm2, $0xFF, v16;
	v16 =	vnsel vm5, $0xFF, v25;
	v12 =	vnsel vm7, $0xFF, v12  }
0x212: {  	v25 =	vshll.u32 v21, $0x4;
	v21 =	vcvt.s32.f32 v21;
	v11 =	vshll.u32 v11, $0x4  }
0x213: {  	v15 =	vshll.u32 v15, $0x4;
	v12 =	vshll.u32 v12, $0x4;
	v28 =	vadd.f32 v3, v13  }
0x214: {  	v3 =	vnsel vm3, $0xFF, v23;
	v13 =	vnsel vm4, $0xFF, v24;
	v23 =	vnsel vm6, $0xFF, v26  }
0x215: {  	s31 =	simm.s32 $0x14C0;
	v24 =	vshll.u32 v14, $0x4;
	v26 =	vshll.u32 v22, $0x4;
	v11 =	vor.u32 v0, v11  }
0x216: {  	v19 =	vld [tilespmem:s31+$0xFFFFFFC0];
	v32 =	vor.u32 v0, v15;
	v15 =	vor.u32 v0, v12;
	v22 =	vcvt.s32.f32 v22  }
0x217: {  	v12 =	vld [tilespmem:s31+$0x30];
	v4 =	vsub.f32 v4, v21;
	v3 =	vshll.u32 v3, $0x4;
	v23 =	vshll.u32 v23, $0x4  }
0x218: {  	v21 =	vld [tilespmem:s31+$0x0];
	v13 =	vshll.u32 v13, $0x4;
	v34 =	vor.u32 v0, v3;
	v29 =	vor.u32 v0, v23  }
0x219: {  	v23 =	vor.u32 v0, v25;
	v25 =	vor.u32 v0, v26;
	v3 =	vcvt.s32.f32 v14;
	v14 =	vld [tilespmem:s31+$0xFFFFFFD0]  }
0x21a: {  	v26 =	vor.u32 v0, v27;
	v27 =	vor.u32 v0, v30;
	v30 =	vor.u32 v0, v31;
	v31 =	vld [tilespmem:s31+$0xFFFFFFE0]  }
0x21b: {  	v20 =	vcvt.s32.f32 v20;
	v13 =	vor.u32 v0, v13;
	v5 =	vsub.f32 v5, v22;
	v22 =	vld [tilespmem:s31+$0x10]  }
0x21c: {  	v19 =	vmul.f32 v19, v1;
	v16 =	vshll.u32 v16, $0x4;
	v3 =	vsub.f32 v10, v3;
	v10 =	vld [tilespmem:s31+$0xFFFFFFF0]  }
0x21d: {  	v8 =	vsub.f32 v18, v20;
	v35 =	vor.u32 v0, v16;
	v12 =	vmul.f32 v12, v1  }
0x21e: {  	v17 =	vld [tilespmem:s31+$0x20];
	v16 =	vor.u32 v0, v33;
	v24 =	vor.u32 v0, v24;
	v20 =	vmul.f32 v21, v1  }
0x21f: {  	v57 =	vld.idx.msk [tilespmem:v11+s26+$0x0], $0xffff;
	v14 =	vmul.f32 v14, v1;
	v31 =	vmul.f32 v31, v1;
	v12 =	vadd.f32 v12, v2  }
0x220: {  	v21 =	vmul.f32 v22, v1;
	v11 =	vadd.f32 v20, v2;
	v37 =	vld.idx.msk [tilespmem:v13+s26+$0x0], $0xffff;
	v13 =	vadd.f32 v19, v2  }
0x221: {  	v14 =	vadd.f32 v14, v2;
	v10 =	vmul.f32 v10, v1;
	v18 =	vadd.f32 v31, v2  }
0x222: {  	v12 =	vmax.f32 v12, $0.0e+00;
	v20 =	vadd.f32 v21, v2;
	v38 =	vmax.f32 v11, $0.0e+00  }
0x223: {  	v32 =	vld.idx.msk [tilespmem:v32+s26+$0x0], $0xffff;
	v11 =	vmax.f32 v13, $0.0e+00;
	v31 =	vmin.f32 v12, $2.550000000e+02;
	v12 =	vmul.f32 v17, v1  }
0x224: {  	v13 =	vld.idx.msk [tilespmem:v23+s26+$0x0], $0xffff;
	v45 =	vmin.f32 v11, $2.550000000e+02;
	v10 =	vadd.f32 v10, v2;
	v17 =	vtrunc.f32 v31  }
0x225: {  	v11 =	vld.idx.msk [tilespmem:v26+s26+$0x0], $0xffff;
	v14 =	vmax.f32 v14, $0.0e+00;
	v39 =	vmax.f32 v20, $0.0e+00;
	v26 =	vtrunc.f32 v45  }
0x226: {  	v36 =	vcvt.f32.s32 v17;
	v17 =	vmax.f32 v18, $0.0e+00;
	v18 =	vadd.f32 v12, v2  }
0x227: {  	v21 =	vmin.f32 v14, $2.550000000e+02;
	v46 =	vcvt.f32.s32 v26;
	v19 =	vmax.f32 v10, $0.0e+00  }
0x228: {  	v14 =	vld.idx.msk [tilespmem:v27+s26+$0x0], $0xffff;
	v22 =	vmin.f32 v17, $2.550000000e+02;
	v17 =	vmin.f32 v39, $2.550000000e+02;
	v27 =	vtrunc.f32 v21  }
0x229: {  	v10 =	vadd.s32 $0x1, v36;
	v20 =	vshll.u32 v36, $0x4;
	v18 =	vmax.f32 v18, $0.0e+00  }
0x22a: {  	v19 =	vmin.f32 v19, $2.550000000e+02;
	v58 =	vtrunc.f32 v22;
	v23 =	vsub.f32 v32, v13  }
0x22b: {  	v49 =	vld.idx.msk [tilespmem:v29+s26+$0x0], $0xffff;
	v61 =	vtrunc.f32 v17;
	v47 =	vcvt.f32.s32 v27;
	v63 =	vadd.s32 $0x1, v46  }
0x22c: {  	v12 =	vld.idx.msk [tilespmem:v24+s26+$0x0], $0xffff;
	v36 =	vcvt.s32.f32 v36;
	v29 =	vshll.u32 v46, $0x4;
	vm1 =	vlt.s32 v10, $0xFF  }
0x22d: {  	v35 =	vld.idx.msk [tilespmem:v35+s26+$0x0], $0xffff;
	v24 =	vor.u32 v0, v20;
	v18 =	vmin.f32 v18, $2.550000000e+02;
	v59 =	vtrunc.f32 v19  }
0x22e: {  	v27 =	vsub.f32 v37, v11;
	v37 =	vcvt.f32.s32 v58;
	v51 =	vcvt.f32.s32 v61  }
0x22f: {  	v10 =	vnsel vm1, $0xFF, v10;
	v42 =	vtrunc.f32 v18;
	v48 =	vcvt.f32.s32 v59  }
0x230: {  	v53 =	vadd.s32 $0x1, v47;
	v31 =	vsub.f32 v31, v36;
	vm1 =	vlt.s32 v63, $0xFF  }
0x231: {  	v52 =	vshll.u32 v47, $0x4;
	v20 =	vshll.u32 v10, $0x4;
	v10 =	vld.idx.msk [tilespmem:v25+s26+$0x0], $0xffff;
	v25 =	vsub.f32 v57, v12  }
0x232: {  	v26 =	vsub.f32 v35, v14;
	v32 =	vcvt.f32.s32 v42;
	v56 =	vadd.s32 $0x1, v51  }
0x233: {  	vm2 =	vlt.s32 v53, $0xFF;
	v33 =	vnsel vm1, $0xFF, v63;
	v63 =	vcvt.s32.f32 v46  }
0x234: {  	v46 =	vcvt.s32.f32 v47;
	v40 =	vor.u32 v0, v20;
	v20 =	vmin.f32 v38, $2.550000000e+02  }
0x235: {  	v38 =	vadd.s32 $0x1, v37;
	v54 =	vadd.s32 $0x1, v48;
	vm15 =	vlt.s32 v56, $0xFF  }
0x236: {  	v34 =	vld.idx.msk [tilespmem:v34+s26+$0x0], $0xffff;
	v58 =	vnsel vm2, $0xFF, v53;
	v33 =	vshll.u32 v33, $0x4;
	v53 =	vshll.u32 v37, $0x4  }
0x237: {  	v47 =	vcvt.s32.f32 v48;
	v60 =	vtrunc.f32 v20;
	vm13 =	vlt.s32 v54, $0xFF;
	v41 =	vld.idx.msk [tilespmem:v24+s26+$0x0], $0xffff  }
0x238: {  	v57 =	vadd.s32 $0x1, v32;
	v50 =	vcvt.f32.s32 v60;
	v60 =	vnsel vm13, $0xFF, v54;
	v54 =	vld.idx.msk [tilespmem:v15+s26+$0x0], $0xffff  }
0x239: {  	vm3 =	vlt.s32 v38, $0xFF;
	v45 =	vsub.f32 v45, v63;
	vm1 =	vlt.s32 v57, $0xFF;
	v62 =	vld.idx.msk [tilespmem:v40+s26+$0x0], $0xffff  }
0x23a: {  	v59 =	vnsel vm3, $0xFF, v38;
	v15 =	vld.idx.msk [tilespmem:v30+s26+$0x0], $0xffff;
	v30 =	vshll.u32 v32, $0x4;
	v36 =	vnsel vm1, $0xFF, v57  }
0x23b: {  	v35 =	vshll.u32 v59, $0x4;
	v38 =	vshll.u32 v60, $0x4;
	v57 =	vshll.u32 v51, $0x4  }
0x23c: {  	v30 =	vor.u32 v0, v30;
	v24 =	vsub.f32 v34, v10;
	v55 =	vadd.s32 $0x1, v50  }
0x23d: {  	v36 =	vshll.u32 v36, $0x4;
	v60 =	vor.u32 v0, v35;
	v44 =	vor.u32 v0, v38  }
0x23e: {  	v38 =	vor.u32 v0, v53;
	vm14 =	vlt.s32 v55, $0xFF;
	v34 =	vsub.f32 v62, v41  }
0x23f: {  	v40 =	vor.u32 v0, v29;
	v61 =	vnsel vm14, $0xFF, v55;
	v55 =	vshll.u32 v48, $0x4  }
0x240: {  	v31 =	vmul.f32 v31, v34;
	v34 =	vshll.u32 v58, $0x4;
	v58 =	vor.u32 v0, v33  }
0x241: {  	v16 =	vld.idx.msk [tilespmem:v16+s26+$0x0], $0xffff;
	v48 =	vcvt.s32.f32 v51;
	v39 =	vshll.u32 v61, $0x4;
	v59 =	vor.u32 v0, v34  }
0x242: {  	v35 =	vor.u32 v0, v55;
	v62 =	vnsel vm15, $0xFF, v56;
	v31 =	vadd.f32 v31, v41  }
0x243: {  	s4 =	simm.s32 $0xF4C0;
	v43 =	vor.u32 v0, v39;
	v39 =	vor.u32 v0, v52;
	v41 =	vshll.u32 v62, $0x4  }
0x244: {  	s16 =	simm.s32 $0xF440;
	v56 =	vshll.u32 v50, $0x4;
	v50 =	vcvt.s32.f32 v50;
	v42 =	vor.u32 v0, v41;
	[tilespmem:s4+$0x30] =	vst v31;
	v31 =	vld.idx.msk [tilespmem:v60+s26+$0x0], $0xffff  }
0x245: {  	[tilespmem:s16+$0x30] =	vst v28;
	v41 =	vor.u32 v0, v36;
	v36 =	vsub.f32 v49, v15;
	v49 =	vcvt.s32.f32 v37;
	v29 =	vld.idx.msk [tilespmem:v58+s26+$0x0], $0xffff  }
0x246: {  	s17 =	simm.s32 $0x8;
	s22 =	simm.s32 $0x1540;
	v33 =	vor.u32 v0, v57;
	v34 =	vor.u32 v0, v56;
	v37 =	vsub.f32 v54, v16;
	v28 =	vld.idx.msk [tilespmem:v59+s26+$0x0], $0xffff  }
.LBB2_9:
0x247: {  	v51 =	vld [tilespmem:s22+$0x30];
	s17 =	sadd.s32 $0x8, s17;
	v21 =	vsub.f32 v21, v46;
	v22 =	vsub.f32 v22, v49;
	v32 =	vcvt.s32.f32 v32  }
0x248: {  	v19 =	vsub.f32 v19, v47;
	v25 =	vmul.f32 v3, v25;
	v46 =	vld [tilespmem:s22+$0xFFFFFFD0];
	p1 =	slt.u32 s17, $0x6F8;
	v20 =	vsub.f32 v20, v50;
	v3 =	vmovc v45  }
0x249: {  	v23 =	vmul.f32 v4, v23;
	v17 =	vsub.f32 v17, v48;
	v45 =	vld [tilespmem:s22+$0xFFFFFFE0];
	v18 =	vsub.f32 v18, v32;
	v4 =	vmovc v21  }
0x24a: {  	v24 =	vmul.f32 v5, v24;
	v12 =	vadd.f32 v25, v12;
	v25 =	vmul.f32 v6, v27;
	v5 =	vmovc v22;
	v21 =	vld [tilespmem:s22+$0xFFFFFFF0]  }
0x24b: {  	v7 =	vmul.f32 v7, v26;
	v9 =	vmul.f32 v9, v36;
	v13 =	vadd.f32 v23, v13;
	v6 =	vmovc v19;
	v22 =	vld [tilespmem:s22+$0x0]  }
0x24c: {  	v8 =	vmul.f32 v8, v37;
	v10 =	vadd.f32 v24, v10;
	v19 =	vld [tilespmem:s22+$0x10];
	v23 =	vmul.f32 v51, v1;
	[tilespmem:s16+$0xFFFFFFC0] =	vst v12  }
0x24d: {  	v7 =	vadd.f32 v7, v14;
	v11 =	vadd.f32 v25, v11;
	v12 =	vmul.f32 v46, v1;
	v24 =	vld [tilespmem:s22+$0x20];
	[tilespmem:s16+$0xFFFFFFD0] =	vst v13  }
0x24e: {  	v9 =	vadd.f32 v9, v15;
	v13 =	vld [tilespmem:s22+$0xFFFFFFC0];
	v14 =	vmul.f32 v45, v1;
	v23 =	vadd.f32 v23, v2;
	[tilespmem:s16+$0xFFFFFFE0] =	vst v10  }
0x24f: {  	v8 =	vadd.f32 v8, v16;
	v10 =	vadd.f32 v12, v2;
	v12 =	vmul.f32 v21, v1;
	v26 =	vld.idx.msk [tilespmem:v44+s26+$0x0], $0xffff  }
0x250: {  	v14 =	vadd.f32 v14, v2;
	v15 =	vmul.f32 v22, v1;
	v16 =	vmax.f32 v23, $0.0e+00;
	v32 =	vld.idx.msk [tilespmem:v43+s26+$0x0], $0xffff;
	[tilespmem:s16+$0xFFFFFFF0] =	vst v11  }
0x251: {  	v11 =	vadd.f32 v12, v2;
	v12 =	vmul.f32 v19, v1;
	v43 =	vmin.f32 v16, $2.550000000e+02;
	v36 =	vld.idx.msk [tilespmem:v42+s26+$0x0], $0xffff;
	[tilespmem:s16+$0x0] =	vst v7  }
0x252: {  	v15 =	vadd.f32 v15, v2;
	v24 =	vmul.f32 v24, v1;
	v16 =	vtrunc.f32 v43;
	v37 =	vld.idx.msk [tilespmem:v41+s26+$0x0], $0xffff;
	[tilespmem:s16+$0x10] =	vst v9  }
0x253: {  	v19 =	vmul.f32 v13, v1;
	v21 =	vadd.f32 v12, v2;
	v41 =	vcvt.f32.s32 v16;
	v12 =	vld.idx.msk [tilespmem:v40+s26+$0x0], $0xffff;
	[tilespmem:s16+$0x20] =	vst v8;
	s16 =	smov.u32 s4  }
0x254: {  	v7 =	vmovc v20;
	v22 =	vmax.f32 v14, $0.0e+00;
	v9 =	vmovc v17;
	v16 =	vmax.f32 v10, $0.0e+00;
	v23 =	vadd.f32 v24, v2;
	v13 =	vld.idx.msk [tilespmem:v39+s26+$0x0], $0xffff  }
0x255: {  	v17 =	vmax.f32 v11, $0.0e+00;
	v8 =	vmovc v18;
	v14 =	vadd.f32 v19, v2;
	v19 =	vadd.s32 $0x1, v41;
	v10 =	vld.idx.msk [tilespmem:v38+s26+$0x0], $0xffff  }
0x256: {  	v18 =	vmax.f32 v15, $0.0e+00;
	v24 =	vmax.f32 v21, $0.0e+00;
	vm1 =	vlt.s32 v19, $0xFF;
	v11 =	vld.idx.msk [tilespmem:v35+s26+$0x0], $0xffff  }
0x257: {  	v20 =	vmax.f32 v14, $0.0e+00;
	v15 =	vnsel vm1, $0xFF, v19;
	v19 =	vshll.u32 v41, $0x4;
	v14 =	vld.idx.msk [tilespmem:v34+s26+$0x0], $0xffff  }
0x258: {  	v23 =	vmax.f32 v23, $0.0e+00;
	v27 =	vor.u32 v0, v19;
	v19 =	vshll.u32 v15, $0x4;
	v15 =	vld.idx.msk [tilespmem:v33+s26+$0x0], $0xffff  }
0x259: {  	v21 =	vmin.f32 v16, $2.550000000e+02;
	v45 =	vmin.f32 v20, $2.550000000e+02;
	v33 =	vor.u32 v0, v19;
	v16 =	vld.idx.msk [tilespmem:v30+s26+$0x0], $0xffff  }
0x25a: {  	v22 =	vmin.f32 v22, $2.550000000e+02;
	v20 =	vmin.f32 v18, $2.550000000e+02;
	v19 =	vmin.f32 v17, $2.550000000e+02  }
0x25b: {  	v18 =	vmin.f32 v23, $2.550000000e+02;
	v30 =	vtrunc.f32 v45;
	v17 =	vmin.f32 v24, $2.550000000e+02  }
0x25c: {  	v35 =	vtrunc.f32 v22;
	v34 =	vtrunc.f32 v21;
	v25 =	vsub.f32 v29, v12  }
0x25d: {  	v38 =	vtrunc.f32 v20;
	v23 =	vsub.f32 v28, v13;
	v29 =	vtrunc.f32 v19;
	v39 =	vld.idx.msk [tilespmem:v27+s26+$0x0], $0xffff  }
0x25e: {  	v40 =	vtrunc.f32 v18;
	v28 =	vtrunc.f32 v17;
	v24 =	vsub.f32 v31, v10;
	v33 =	vld.idx.msk [tilespmem:v33+s26+$0x0], $0xffff  }
0x25f: {  	v46 =	vcvt.f32.s32 v34;
	v31 =	vcvt.f32.s32 v30;
	v27 =	vsub.f32 v26, v11  }
0x260: {  	v47 =	vcvt.f32.s32 v35;
	v48 =	vcvt.f32.s32 v29;
	v26 =	vsub.f32 v32, v14  }
0x261: {  	v50 =	vcvt.f32.s32 v38;
	v51 =	vcvt.f32.s32 v28;
	v29 =	vadd.s32 $0x1, v31  }
0x262: {  	v30 =	vcvt.s32.f32 v41;
	v28 =	vadd.s32 $0x1, v46;
	v32 =	vcvt.f32.s32 v40  }
0x263: {  	v34 =	vadd.s32 $0x1, v47;
	v38 =	vadd.s32 $0x1, v50;
	v35 =	vadd.s32 $0x1, v48  }
0x264: {  	v30 =	vsub.f32 v43, v30;
	v40 =	vadd.s32 $0x1, v51;
	v33 =	vsub.f32 v33, v39  }
0x265: {  	vm2 =	vlt.s32 v28, $0xFF;
	vm1 =	vlt.s32 v29, $0xFF;
	v41 =	vadd.s32 $0x1, v32  }
0x266: {  	vm3 =	vlt.s32 v34, $0xFF;
	vm4 =	vlt.s32 v35, $0xFF;
	v30 =	vmul.f32 v30, v33  }
0x267: {  	vm5 =	vlt.s32 v38, $0xFF;
	vm6 =	vlt.s32 v40, $0xFF;
	vm7 =	vlt.s32 v41, $0xFF  }
0x268: {  	v28 =	vnsel vm2, $0xFF, v28;
	v29 =	vnsel vm1, $0xFF, v29;
	v30 =	vadd.f32 v30, v39  }
0x269: {  	s4 =	sadd.s32 $0x80, s4;
	v33 =	vnsel vm3, $0xFF, v34;
	v34 =	vnsel vm4, $0xFF, v35;
	v35 =	vnsel vm5, $0xFF, v38  }
0x26a: {  	v29 =	vshll.u32 v29, $0x4;
	v38 =	vnsel vm6, $0xFF, v40;
	v39 =	vnsel vm7, $0xFF, v41;
	[tilespmem:s4+$0x30] =	vst v30  }
0x26b: {  	v28 =	vshll.u32 v28, $0x4;
	v30 =	vshll.u32 v33, $0x4;
	v33 =	vshll.u32 v34, $0x4  }
0x26c: {  	v34 =	vshll.u32 v35, $0x4;
	v35 =	vshll.u32 v38, $0x4;
	v38 =	vshll.u32 v39, $0x4  }
0x26d: {  	v52 =	vshll.u32 v47, $0x4;
	v49 =	vshll.u32 v46, $0x4;
	v39 =	vshll.u32 v31, $0x4  }
0x26e: {  	v54 =	vshll.u32 v50, $0x4;
	v53 =	vshll.u32 v48, $0x4;
	v55 =	vshll.u32 v51, $0x4  }
0x26f: {  	v28 =	vor.u32 v0, v28;
	v56 =	vshll.u32 v32, $0x4;
	v29 =	vor.u32 v0, v29  }
0x270: {  	v57 =	vor.u32 v0, v30;
	v44 =	vor.u32 v0, v33;
	v43 =	vor.u32 v0, v34  }
0x271: {  	v40 =	vor.u32 v0, v39;
	v42 =	vor.u32 v0, v35;
	v41 =	vor.u32 v0, v38  }
.Ltmp3:
0x272: {  	v39 =	vor.u32 v0, v49;
	v38 =	vor.u32 v0, v52;
	v35 =	vor.u32 v0, v53;
	(pc) =	sbr.rel @p1 .LBB2_9-.Ltmp3, $4  }
0x273: {  	v34 =	vor.u32 v0, v54;
	v33 =	vor.u32 v0, v55;
	v30 =	vor.u32 v0, v56  }
0x274: {  	v46 =	vcvt.s32.f32 v46;
	v36 =	vsub.f32 v36, v15;
	v31 =	vcvt.s32.f32 v31;
	v29 =	vld.idx.msk [tilespmem:v29+s26+$0x0], $0xffff  }
0x275: {  	v37 =	vsub.f32 v37, v16;
	v49 =	vcvt.s32.f32 v47;
	v47 =	vcvt.s32.f32 v48;
	v28 =	vld.idx.msk [tilespmem:v28+s26+$0x0], $0xffff  }
0x276: {  	s22 =	sadd.s32 $0x80, s22;
	v50 =	vcvt.s32.f32 v50;
	v48 =	vcvt.s32.f32 v51;
	v45 =	vsub.f32 v45, v31;
	v31 =	vld.idx.msk [tilespmem:v57+s26+$0x0], $0xffff  }
0x277: {  	_ =	sdelay $0x3  }
0x278: {  	v44 =	vld.idx.msk [tilespmem:v44+s26+$0x0], $0xffff  }
0x279: {  	v43 =	vld.idx.msk [tilespmem:v43+s26+$0x0], $0xffff  }
0x27a: {  	v42 =	vld.idx.msk [tilespmem:v42+s26+$0x0], $0xffff  }
0x27b: {  	v21 =	vsub.f32 v21, v46;
	v32 =	vcvt.s32.f32 v32;
	v41 =	vld.idx.msk [tilespmem:v41+s26+$0x0], $0xffff;
	v3 =	vmul.f32 v3, v25  }
0x27c: {  	v19 =	vsub.f32 v19, v47;
	v47 =	vld.idx.msk [tilespmem:v40+s26+$0x0], $0xffff;
	v4 =	vmul.f32 v4, v23;
	v5 =	vmul.f32 v5, v24  }
0x27d: {  	v22 =	vsub.f32 v22, v49;
	v6 =	vmul.f32 v6, v27;
	v49 =	vld.idx.msk [tilespmem:v38+s26+$0x0], $0xffff;
	v7 =	vmul.f32 v7, v26  }
0x27e: {  	v9 =	vmul.f32 v9, v36;
	v52 =	vld.idx.msk [tilespmem:v34+s26+$0x0], $0xffff;
	v20 =	vsub.f32 v20, v50;
	v3 =	vadd.f32 v3, v12  }
0x27f: {  	v51 =	vmul.f32 v8, v37;
	v54 =	vld.idx.msk [tilespmem:v33+s26+$0x0], $0xffff;
	v17 =	vsub.f32 v17, v48;
	v4 =	vadd.f32 v4, v13  }
0x280: {  	v48 =	vld.idx.msk [tilespmem:v39+s26+$0x0], $0xffff;
	v18 =	vsub.f32 v18, v32;
	[tilespmem:s16+$0xFFFFFFC0] =	vst v3;
	v3 =	vadd.f32 v5, v10  }
0x281: {  	v50 =	vld.idx.msk [tilespmem:v35+s26+$0x0], $0xffff;
	v53 =	vadd.f32 v6, v11;
	[tilespmem:s16+$0xFFFFFFD0] =	vst v4;
	v55 =	vsub.f32 v29, v47  }
0x282: {  	v7 =	vadd.f32 v7, v14;
	v57 =	vsub.f32 v31, v49;
	[tilespmem:s16+$0xFFFFFFE0] =	vst v3;
	v3 =	vld.idx.msk [tilespmem:v30+s26+$0x0], $0xffff  }
0x283: {  	v9 =	vadd.f32 v9, v15;
	[tilespmem:s16+$0xFFFFFFF0] =	vst v53;
	v59 =	vsub.f32 v43, v52;
	v10 =	vmul.f32 v45, v55  }
0x284: {  	v5 =	vadd.f32 v51, v16;
	[tilespmem:s16+$0x0] =	vst v7;
	v60 =	vsub.f32 v42, v54;
	v4 =	vmul.f32 v22, v57  }
0x285: {  	[tilespmem:s16+$0x10] =	vst v9;
	v56 =	vsub.f32 v28, v48;
	v9 =	vmul.f32 v20, v59;
	v10 =	vadd.f32 v10, v47  }
0x286: {  	v58 =	vsub.f32 v44, v50;
	[tilespmem:s16+$0x20] =	vst v5;
	v5 =	vmul.f32 v17, v60;
	v4 =	vadd.f32 v4, v49  }
0x287: {  	v11 =	vmul.f32 v21, v56;
	v8 =	vadd.f32 v9, v52;
	v61 =	vsub.f32 v41, v3;
	[tilespmem:s4+$0xFFFFFFC0] =	vst v10  }
0x288: {  	v7 =	vmul.f32 v19, v58;
	v63 =	vadd.f32 v5, v54;
	[tilespmem:s4+$0xFFFFFFE0] =	vst v4  }
0x289: {  	p1 =	sne.s32 s1, $0xD;
	v11 =	vadd.f32 v11, v48;
	[tilespmem:s4+$0x0] =	vst v8;
	v62 =	vmul.f32 v18, v61  }
.Ltmp4:
0x28a: {  	v7 =	vadd.f32 v7, v50;
	[tilespmem:s4+$0x10] =	vst v63;
	(pc) =	sbr.rel @p1 .LBB2_12-.Ltmp4, $4  }
0x28b: {  	[tilespmem:s4+$0xFFFFFFD0] =	vst v11;
	v3 =	vadd.f32 v62, v3  }
0x28c: {  	[tilespmem:s4+$0xFFFFFFF0] =	vst v7  }
0x28d: {  	s31 =	sadd.s32 s5, s3;
	[tilespmem:s4+$0x20] =	vst v3  }
0x28e: {  	[hbm4b:s31+s7] =	stream.linear.scatter [tilespmem:s28], [sflag:$0x3], $0x7000, $0x38;
	[tilespmem:$0x1D420] =	vst v63  }
.Ltmp5:
0x28f: {  	(pc) =	sbr.rel .LBB2_13-.Ltmp5, $4  }
0x290: {  	_ = 	snop  }
0x291: {  	_ =	swait.ge [sflag:s21], $0x7000  }
0x292: {  	[sflag:s21] =	ssyncset.done $0x0  }
0x293: {  	[sflag:s21] =	ssyncadd.s32 $0xFFFF9000  }
.LBB2_12:
0x294: {  	s3 =	sadd.s32 s0, s3  }
.Ltmp6:
0x295: {  	s3 =	sadd.s32 $0x1C00, s3;
	(pc) =	sbr.rel @p0 .LBB2_14-.Ltmp6, $4  }
0x296: {  	[tilespmem:s6], [sflag:$0x1] =	stream.linear.gather [hbm4b:s3+s7], $0x7000, $0x38;
	[tilespmem:$0x1D420] =	vst v63  }
0x297: {  	_ =	swait.ge [sflag:s21], $0x7000  }
0x298: {  	[sflag:s21] =	ssyncset.done $0x0  }
0x299: {  	[sflag:s21] =	ssyncadd.s32 $0xFFFF9000  }
.LBB2_13:
0x29a: {  	_ =	swait.ge [sflag:s29], $0x7000  }
0x29b: {  	[sflag:s29] =	ssyncset.done $0x0  }
0x29c: {  	[sflag:s29] =	ssyncadd.s32 $0xFFFF9000  }
.LBB2_14:
0x29d: {  	s3 =	simm.s32 $0x8440  }
0x29e: {  	v3 =	vld [tilespmem:s3+$0x30]  }
0x29f: {  	v4 =	vld [tilespmem:s3+$0xFFFFFFD0]  }
0x2a0: {  	v5 =	vld [tilespmem:s3+$0xFFFFFFE0]  }
0x2a1: {  	v6 =	vld [tilespmem:s3+$0xFFFFFFF0]  }
0x2a2: {  	v7 =	vld [tilespmem:s3+$0x0]  }
0x2a3: {  	v8 =	vld [tilespmem:s3+$0x10]  }
0x2a4: {  	v9 =	vld [tilespmem:s3+$0x20]  }
0x2a5: {  	v10 =	vld [tilespmem:s3+$0xFFFFFFC0]  }
0x2a6: {  	v3 =	vmul.f32 v3, v1;
	v4 =	vmul.f32 v4, v1  }
0x2a7: {  	v5 =	vmul.f32 v5, v1;
	v6 =	vmul.f32 v6, v1  }
0x2a8: {  	v7 =	vmul.f32 v7, v1;
	v8 =	vmul.f32 v8, v1  }
0x2a9: {  	v9 =	vmul.f32 v9, v1;
	v3 =	vadd.f32 v3, v2;
	v4 =	vadd.f32 v4, v2  }
0x2aa: {  	v10 =	vmul.f32 v10, v1;
	v5 =	vadd.f32 v5, v2;
	v6 =	vadd.f32 v6, v2  }
0x2ab: {  	v7 =	vadd.f32 v7, v2;
	v8 =	vadd.f32 v8, v2  }
0x2ac: {  	v9 =	vadd.f32 v9, v2;
	v10 =	vadd.f32 v10, v2;
	v3 =	vmax.f32 v3, $0.0e+00  }
0x2ad: {  	v4 =	vmax.f32 v4, $0.0e+00;
	v5 =	vmax.f32 v5, $0.0e+00;
	v6 =	vmax.f32 v6, $0.0e+00  }
0x2ae: {  	v7 =	vmax.f32 v7, $0.0e+00;
	v8 =	vmax.f32 v8, $0.0e+00;
	v10 =	vmax.f32 v10, $0.0e+00  }
0x2af: {  	v9 =	vmax.f32 v9, $0.0e+00;
	v3 =	vmin.f32 v3, $2.550000000e+02;
	v10 =	vmin.f32 v10, $2.550000000e+02  }
0x2b0: {  	v4 =	vmin.f32 v4, $2.550000000e+02;
	v5 =	vmin.f32 v5, $2.550000000e+02;
	v11 =	vtrunc.f32 v3  }
0x2b1: {  	v6 =	vmin.f32 v6, $2.550000000e+02;
	v7 =	vmin.f32 v7, $2.550000000e+02;
	v11 =	vcvt.f32.s32 v11  }
0x2b2: {  	v8 =	vmin.f32 v8, $2.550000000e+02;
	v18 =	vmin.f32 v9, $2.550000000e+02;
	v14 =	vtrunc.f32 v10  }
0x2b3: {  	v15 =	vtrunc.f32 v4;
	v16 =	vtrunc.f32 v5;
	v12 =	vadd.s32 $0x1, v11  }
0x2b4: {  	v17 =	vtrunc.f32 v6;
	v9 =	vtrunc.f32 v7;
	vm1 =	vlt.s32 v12, $0xFF  }
0x2b5: {  	v19 =	vtrunc.f32 v8;
	v13 =	vshll.u32 v11, $0x4;
	v12 =	vnsel vm1, $0xFF, v12  }
0x2b6: {  	v20 =	vtrunc.f32 v18;
	v13 =	vor.u32 v0, v13;
	v12 =	vshll.u32 v12, $0x4  }
0x2b7: {  	v14 =	vcvt.f32.s32 v14;
	v21 =	vcvt.f32.s32 v15;
	v12 =	vor.u32 v0, v12  }
0x2b8: {  	v22 =	vcvt.f32.s32 v16;
	v17 =	vcvt.f32.s32 v17  }
0x2b9: {  	v9 =	vcvt.f32.s32 v9;
	v19 =	vcvt.f32.s32 v19  }
0x2ba: {  	v20 =	vcvt.f32.s32 v20;
	v15 =	vadd.s32 $0x1, v14;
	v16 =	vadd.s32 $0x1, v21  }
0x2bb: {  	v11 =	vcvt.s32.f32 v11;
	v23 =	vadd.s32 $0x1, v22;
	v24 =	vadd.s32 $0x1, v17;
	v13 =	vld.idx.msk [tilespmem:v13+s26+$0x0], $0xffff  }
0x2bc: {  	v25 =	vadd.s32 $0x1, v9;
	v26 =	vadd.s32 $0x1, v19;
	v27 =	vshll.u32 v17, $0x4;
	v12 =	vld.idx.msk [tilespmem:v12+s26+$0x0], $0xffff  }
0x2bd: {  	v30 =	vshll.u32 v9, $0x4;
	v31 =	vshll.u32 v19, $0x4;
	v17 =	vcvt.s32.f32 v17  }
0x2be: {  	v33 =	vshll.u32 v20, $0x4;
	v9 =	vcvt.s32.f32 v9;
	v19 =	vcvt.s32.f32 v19  }
0x2bf: {  	vm2 =	vlt.s32 v16, $0xFF;
	vm3 =	vlt.s32 v23, $0xFF;
	vm4 =	vlt.s32 v24, $0xFF  }
0x2c0: {  	vm5 =	vlt.s32 v25, $0xFF;
	vm6 =	vlt.s32 v26, $0xFF;
	v3 =	vsub.f32 v3, v11  }
0x2c1: {  	vm1 =	vlt.s32 v15, $0xFF;
	v6 =	vsub.f32 v6, v17;
	v11 =	vsub.f32 v12, v13  }
0x2c2: {  	v7 =	vsub.f32 v7, v9;
	v9 =	vsub.f32 v8, v19;
	v12 =	vadd.s32 $0x1, v20  }
0x2c3: {  	vm7 =	vlt.s32 v12, $0xFF;
	v3 =	vmul.f32 v3, v11;
	v11 =	vnsel vm1, $0xFF, v15  }
0x2c4: {  	v15 =	vnsel vm2, $0xFF, v16;
	v16 =	vnsel vm5, $0xFF, v25;
	v12 =	vnsel vm7, $0xFF, v12  }
0x2c5: {  	v25 =	vshll.u32 v21, $0x4;
	v21 =	vcvt.s32.f32 v21;
	v11 =	vshll.u32 v11, $0x4  }
0x2c6: {  	v15 =	vshll.u32 v15, $0x4;
	v12 =	vshll.u32 v12, $0x4;
	v28 =	vadd.f32 v3, v13  }
0x2c7: {  	v3 =	vnsel vm3, $0xFF, v23;
	v13 =	vnsel vm4, $0xFF, v24;
	v23 =	vnsel vm6, $0xFF, v26  }
0x2c8: {  	s31 =	simm.s32 $0x84C0;
	v24 =	vshll.u32 v14, $0x4;
	v26 =	vshll.u32 v22, $0x4;
	v11 =	vor.u32 v0, v11  }
0x2c9: {  	v19 =	vld [tilespmem:s31+$0xFFFFFFC0];
	v32 =	vor.u32 v0, v15;
	v15 =	vor.u32 v0, v12;
	v22 =	vcvt.s32.f32 v22  }
0x2ca: {  	v12 =	vld [tilespmem:s31+$0x30];
	v4 =	vsub.f32 v4, v21;
	v3 =	vshll.u32 v3, $0x4;
	v23 =	vshll.u32 v23, $0x4  }
0x2cb: {  	v21 =	vld [tilespmem:s31+$0x0];
	v13 =	vshll.u32 v13, $0x4;
	v34 =	vor.u32 v0, v3;
	v29 =	vor.u32 v0, v23  }
0x2cc: {  	v23 =	vor.u32 v0, v25;
	v25 =	vor.u32 v0, v26;
	v3 =	vcvt.s32.f32 v14;
	v14 =	vld [tilespmem:s31+$0xFFFFFFD0]  }
0x2cd: {  	v26 =	vor.u32 v0, v27;
	v27 =	vor.u32 v0, v30;
	v30 =	vor.u32 v0, v31;
	v31 =	vld [tilespmem:s31+$0xFFFFFFE0]  }
0x2ce: {  	v20 =	vcvt.s32.f32 v20;
	v13 =	vor.u32 v0, v13;
	v5 =	vsub.f32 v5, v22;
	v22 =	vld [tilespmem:s31+$0x10]  }
0x2cf: {  	v19 =	vmul.f32 v19, v1;
	v16 =	vshll.u32 v16, $0x4;
	v3 =	vsub.f32 v10, v3;
	v10 =	vld [tilespmem:s31+$0xFFFFFFF0]  }
0x2d0: {  	v8 =	vsub.f32 v18, v20;
	v35 =	vor.u32 v0, v16;
	v12 =	vmul.f32 v12, v1  }
0x2d1: {  	v17 =	vld [tilespmem:s31+$0x20];
	v16 =	vor.u32 v0, v33;
	v24 =	vor.u32 v0, v24;
	v20 =	vmul.f32 v21, v1  }
0x2d2: {  	v57 =	vld.idx.msk [tilespmem:v11+s26+$0x0], $0xffff;
	v14 =	vmul.f32 v14, v1;
	v31 =	vmul.f32 v31, v1;
	v12 =	vadd.f32 v12, v2  }
0x2d3: {  	v21 =	vmul.f32 v22, v1;
	v11 =	vadd.f32 v20, v2;
	v37 =	vld.idx.msk [tilespmem:v13+s26+$0x0], $0xffff;
	v13 =	vadd.f32 v19, v2  }
0x2d4: {  	v14 =	vadd.f32 v14, v2;
	v10 =	vmul.f32 v10, v1;
	v18 =	vadd.f32 v31, v2  }
0x2d5: {  	v12 =	vmax.f32 v12, $0.0e+00;
	v20 =	vadd.f32 v21, v2;
	v38 =	vmax.f32 v11, $0.0e+00  }
0x2d6: {  	v32 =	vld.idx.msk [tilespmem:v32+s26+$0x0], $0xffff;
	v11 =	vmax.f32 v13, $0.0e+00;
	v31 =	vmin.f32 v12, $2.550000000e+02;
	v12 =	vmul.f32 v17, v1  }
0x2d7: {  	v13 =	vld.idx.msk [tilespmem:v23+s26+$0x0], $0xffff;
	v45 =	vmin.f32 v11, $2.550000000e+02;
	v10 =	vadd.f32 v10, v2;
	v17 =	vtrunc.f32 v31  }
0x2d8: {  	v11 =	vld.idx.msk [tilespmem:v26+s26+$0x0], $0xffff;
	v14 =	vmax.f32 v14, $0.0e+00;
	v39 =	vmax.f32 v20, $0.0e+00;
	v26 =	vtrunc.f32 v45  }
0x2d9: {  	v36 =	vcvt.f32.s32 v17;
	v17 =	vmax.f32 v18, $0.0e+00;
	v18 =	vadd.f32 v12, v2  }
0x2da: {  	v21 =	vmin.f32 v14, $2.550000000e+02;
	v46 =	vcvt.f32.s32 v26;
	v19 =	vmax.f32 v10, $0.0e+00  }
0x2db: {  	v14 =	vld.idx.msk [tilespmem:v27+s26+$0x0], $0xffff;
	v22 =	vmin.f32 v17, $2.550000000e+02;
	v17 =	vmin.f32 v39, $2.550000000e+02;
	v27 =	vtrunc.f32 v21  }
0x2dc: {  	v10 =	vadd.s32 $0x1, v36;
	v20 =	vshll.u32 v36, $0x4;
	v18 =	vmax.f32 v18, $0.0e+00  }
0x2dd: {  	v19 =	vmin.f32 v19, $2.550000000e+02;
	v58 =	vtrunc.f32 v22;
	v23 =	vsub.f32 v32, v13  }
0x2de: {  	v49 =	vld.idx.msk [tilespmem:v29+s26+$0x0], $0xffff;
	v61 =	vtrunc.f32 v17;
	v47 =	vcvt.f32.s32 v27;
	v63 =	vadd.s32 $0x1, v46  }
0x2df: {  	v12 =	vld.idx.msk [tilespmem:v24+s26+$0x0], $0xffff;
	v36 =	vcvt.s32.f32 v36;
	v29 =	vshll.u32 v46, $0x4;
	vm1 =	vlt.s32 v10, $0xFF  }
0x2e0: {  	v35 =	vld.idx.msk [tilespmem:v35+s26+$0x0], $0xffff;
	v24 =	vor.u32 v0, v20;
	v18 =	vmin.f32 v18, $2.550000000e+02;
	v59 =	vtrunc.f32 v19  }
0x2e1: {  	v27 =	vsub.f32 v37, v11;
	v37 =	vcvt.f32.s32 v58;
	v51 =	vcvt.f32.s32 v61  }
0x2e2: {  	v10 =	vnsel vm1, $0xFF, v10;
	v42 =	vtrunc.f32 v18;
	v48 =	vcvt.f32.s32 v59  }
0x2e3: {  	v53 =	vadd.s32 $0x1, v47;
	v31 =	vsub.f32 v31, v36;
	vm1 =	vlt.s32 v63, $0xFF  }
0x2e4: {  	v52 =	vshll.u32 v47, $0x4;
	v20 =	vshll.u32 v10, $0x4;
	v10 =	vld.idx.msk [tilespmem:v25+s26+$0x0], $0xffff;
	v25 =	vsub.f32 v57, v12  }
0x2e5: {  	v26 =	vsub.f32 v35, v14;
	v32 =	vcvt.f32.s32 v42;
	v56 =	vadd.s32 $0x1, v51  }
0x2e6: {  	vm2 =	vlt.s32 v53, $0xFF;
	v33 =	vnsel vm1, $0xFF, v63;
	v63 =	vcvt.s32.f32 v46  }
0x2e7: {  	v46 =	vcvt.s32.f32 v47;
	v40 =	vor.u32 v0, v20;
	v20 =	vmin.f32 v38, $2.550000000e+02  }
0x2e8: {  	v38 =	vadd.s32 $0x1, v37;
	v54 =	vadd.s32 $0x1, v48;
	vm15 =	vlt.s32 v56, $0xFF  }
0x2e9: {  	v34 =	vld.idx.msk [tilespmem:v34+s26+$0x0], $0xffff;
	v58 =	vnsel vm2, $0xFF, v53;
	v33 =	vshll.u32 v33, $0x4;
	v53 =	vshll.u32 v37, $0x4  }
0x2ea: {  	v47 =	vcvt.s32.f32 v48;
	v60 =	vtrunc.f32 v20;
	vm13 =	vlt.s32 v54, $0xFF;
	v41 =	vld.idx.msk [tilespmem:v24+s26+$0x0], $0xffff  }
0x2eb: {  	v57 =	vadd.s32 $0x1, v32;
	v50 =	vcvt.f32.s32 v60;
	v60 =	vnsel vm13, $0xFF, v54;
	v54 =	vld.idx.msk [tilespmem:v15+s26+$0x0], $0xffff  }
0x2ec: {  	vm3 =	vlt.s32 v38, $0xFF;
	v45 =	vsub.f32 v45, v63;
	vm1 =	vlt.s32 v57, $0xFF;
	v62 =	vld.idx.msk [tilespmem:v40+s26+$0x0], $0xffff  }
0x2ed: {  	v59 =	vnsel vm3, $0xFF, v38;
	v15 =	vld.idx.msk [tilespmem:v30+s26+$0x0], $0xffff;
	v30 =	vshll.u32 v32, $0x4;
	v36 =	vnsel vm1, $0xFF, v57  }
0x2ee: {  	v35 =	vshll.u32 v59, $0x4;
	v38 =	vshll.u32 v60, $0x4;
	v57 =	vshll.u32 v51, $0x4  }
0x2ef: {  	v30 =	vor.u32 v0, v30;
	v24 =	vsub.f32 v34, v10;
	v55 =	vadd.s32 $0x1, v50  }
0x2f0: {  	v36 =	vshll.u32 v36, $0x4;
	v60 =	vor.u32 v0, v35;
	v44 =	vor.u32 v0, v38  }
0x2f1: {  	v38 =	vor.u32 v0, v53;
	vm14 =	vlt.s32 v55, $0xFF;
	v34 =	vsub.f32 v62, v41  }
0x2f2: {  	v40 =	vor.u32 v0, v29;
	v61 =	vnsel vm14, $0xFF, v55;
	v55 =	vshll.u32 v48, $0x4  }
0x2f3: {  	v31 =	vmul.f32 v31, v34;
	v34 =	vshll.u32 v58, $0x4;
	v58 =	vor.u32 v0, v33  }
0x2f4: {  	v16 =	vld.idx.msk [tilespmem:v16+s26+$0x0], $0xffff;
	v48 =	vcvt.s32.f32 v51;
	v39 =	vshll.u32 v61, $0x4;
	v59 =	vor.u32 v0, v34  }
0x2f5: {  	v35 =	vor.u32 v0, v55;
	v62 =	vnsel vm15, $0xFF, v56;
	v31 =	vadd.f32 v31, v41  }
0x2f6: {  	s3 =	simm.s32 $0x164C0;
	v43 =	vor.u32 v0, v39;
	v39 =	vor.u32 v0, v52;
	v41 =	vshll.u32 v62, $0x4  }
0x2f7: {  	s4 =	simm.s32 $0x16440;
	v56 =	vshll.u32 v50, $0x4;
	v50 =	vcvt.s32.f32 v50;
	v42 =	vor.u32 v0, v41;
	[tilespmem:s3+$0x30] =	vst v31;
	v31 =	vld.idx.msk [tilespmem:v60+s26+$0x0], $0xffff  }
0x2f8: {  	[tilespmem:s4+$0x30] =	vst v28;
	v41 =	vor.u32 v0, v36;
	v36 =	vsub.f32 v49, v15;
	v49 =	vcvt.s32.f32 v37;
	v29 =	vld.idx.msk [tilespmem:v58+s26+$0x0], $0xffff  }
0x2f9: {  	s16 =	simm.s32 $0x8;
	s17 =	simm.s32 $0x8540;
	v33 =	vor.u32 v0, v57;
	v34 =	vor.u32 v0, v56;
	v37 =	vsub.f32 v54, v16;
	v28 =	vld.idx.msk [tilespmem:v59+s26+$0x0], $0xffff  }
.LBB2_15:
0x2fa: {  	v51 =	vld [tilespmem:s17+$0x30];
	s16 =	sadd.s32 $0x8, s16;
	v21 =	vsub.f32 v21, v46;
	v22 =	vsub.f32 v22, v49;
	v32 =	vcvt.s32.f32 v32  }
0x2fb: {  	v19 =	vsub.f32 v19, v47;
	v25 =	vmul.f32 v3, v25;
	v46 =	vld [tilespmem:s17+$0xFFFFFFD0];
	p0 =	slt.u32 s16, $0x6F8;
	v20 =	vsub.f32 v20, v50;
	v3 =	vmovc v45  }
0x2fc: {  	v23 =	vmul.f32 v4, v23;
	v17 =	vsub.f32 v17, v48;
	v45 =	vld [tilespmem:s17+$0xFFFFFFE0];
	v18 =	vsub.f32 v18, v32;
	v4 =	vmovc v21  }
0x2fd: {  	v24 =	vmul.f32 v5, v24;
	v12 =	vadd.f32 v25, v12;
	v25 =	vmul.f32 v6, v27;
	v5 =	vmovc v22;
	v21 =	vld [tilespmem:s17+$0xFFFFFFF0]  }
0x2fe: {  	v7 =	vmul.f32 v7, v26;
	v9 =	vmul.f32 v9, v36;
	v13 =	vadd.f32 v23, v13;
	v6 =	vmovc v19;
	v22 =	vld [tilespmem:s17+$0x0]  }
0x2ff: {  	v8 =	vmul.f32 v8, v37;
	v10 =	vadd.f32 v24, v10;
	v19 =	vld [tilespmem:s17+$0x10];
	v23 =	vmul.f32 v51, v1;
	[tilespmem:s4+$0xFFFFFFC0] =	vst v12  }
0x300: {  	v7 =	vadd.f32 v7, v14;
	v11 =	vadd.f32 v25, v11;
	v12 =	vmul.f32 v46, v1;
	v24 =	vld [tilespmem:s17+$0x20];
	[tilespmem:s4+$0xFFFFFFD0] =	vst v13  }
0x301: {  	v9 =	vadd.f32 v9, v15;
	v13 =	vld [tilespmem:s17+$0xFFFFFFC0];
	v14 =	vmul.f32 v45, v1;
	v23 =	vadd.f32 v23, v2;
	[tilespmem:s4+$0xFFFFFFE0] =	vst v10  }
0x302: {  	v8 =	vadd.f32 v8, v16;
	v10 =	vadd.f32 v12, v2;
	v12 =	vmul.f32 v21, v1;
	v26 =	vld.idx.msk [tilespmem:v44+s26+$0x0], $0xffff  }
0x303: {  	v14 =	vadd.f32 v14, v2;
	v15 =	vmul.f32 v22, v1;
	v16 =	vmax.f32 v23, $0.0e+00;
	v32 =	vld.idx.msk [tilespmem:v43+s26+$0x0], $0xffff;
	[tilespmem:s4+$0xFFFFFFF0] =	vst v11  }
0x304: {  	v11 =	vadd.f32 v12, v2;
	v12 =	vmul.f32 v19, v1;
	v43 =	vmin.f32 v16, $2.550000000e+02;
	v36 =	vld.idx.msk [tilespmem:v42+s26+$0x0], $0xffff;
	[tilespmem:s4+$0x0] =	vst v7  }
0x305: {  	v15 =	vadd.f32 v15, v2;
	v24 =	vmul.f32 v24, v1;
	v16 =	vtrunc.f32 v43;
	v37 =	vld.idx.msk [tilespmem:v41+s26+$0x0], $0xffff;
	[tilespmem:s4+$0x10] =	vst v9  }
0x306: {  	v19 =	vmul.f32 v13, v1;
	v21 =	vadd.f32 v12, v2;
	v41 =	vcvt.f32.s32 v16;
	v12 =	vld.idx.msk [tilespmem:v40+s26+$0x0], $0xffff;
	[tilespmem:s4+$0x20] =	vst v8;
	s4 =	smov.u32 s3  }
0x307: {  	v7 =	vmovc v20;
	v22 =	vmax.f32 v14, $0.0e+00;
	v9 =	vmovc v17;
	v16 =	vmax.f32 v10, $0.0e+00;
	v23 =	vadd.f32 v24, v2;
	v13 =	vld.idx.msk [tilespmem:v39+s26+$0x0], $0xffff  }
0x308: {  	v17 =	vmax.f32 v11, $0.0e+00;
	v8 =	vmovc v18;
	v14 =	vadd.f32 v19, v2;
	v19 =	vadd.s32 $0x1, v41;
	v10 =	vld.idx.msk [tilespmem:v38+s26+$0x0], $0xffff  }
0x309: {  	v18 =	vmax.f32 v15, $0.0e+00;
	v24 =	vmax.f32 v21, $0.0e+00;
	vm1 =	vlt.s32 v19, $0xFF;
	v11 =	vld.idx.msk [tilespmem:v35+s26+$0x0], $0xffff  }
0x30a: {  	v20 =	vmax.f32 v14, $0.0e+00;
	v15 =	vnsel vm1, $0xFF, v19;
	v19 =	vshll.u32 v41, $0x4;
	v14 =	vld.idx.msk [tilespmem:v34+s26+$0x0], $0xffff  }
0x30b: {  	v23 =	vmax.f32 v23, $0.0e+00;
	v27 =	vor.u32 v0, v19;
	v19 =	vshll.u32 v15, $0x4;
	v15 =	vld.idx.msk [tilespmem:v33+s26+$0x0], $0xffff  }
0x30c: {  	v21 =	vmin.f32 v16, $2.550000000e+02;
	v45 =	vmin.f32 v20, $2.550000000e+02;
	v33 =	vor.u32 v0, v19;
	v16 =	vld.idx.msk [tilespmem:v30+s26+$0x0], $0xffff  }
0x30d: {  	v22 =	vmin.f32 v22, $2.550000000e+02;
	v20 =	vmin.f32 v18, $2.550000000e+02;
	v19 =	vmin.f32 v17, $2.550000000e+02  }
0x30e: {  	v18 =	vmin.f32 v23, $2.550000000e+02;
	v30 =	vtrunc.f32 v45;
	v17 =	vmin.f32 v24, $2.550000000e+02  }
0x30f: {  	v35 =	vtrunc.f32 v22;
	v34 =	vtrunc.f32 v21;
	v25 =	vsub.f32 v29, v12  }
0x310: {  	v38 =	vtrunc.f32 v20;
	v23 =	vsub.f32 v28, v13;
	v29 =	vtrunc.f32 v19;
	v39 =	vld.idx.msk [tilespmem:v27+s26+$0x0], $0xffff  }
0x311: {  	v40 =	vtrunc.f32 v18;
	v28 =	vtrunc.f32 v17;
	v24 =	vsub.f32 v31, v10;
	v33 =	vld.idx.msk [tilespmem:v33+s26+$0x0], $0xffff  }
0x312: {  	v46 =	vcvt.f32.s32 v34;
	v31 =	vcvt.f32.s32 v30;
	v27 =	vsub.f32 v26, v11  }
0x313: {  	v47 =	vcvt.f32.s32 v35;
	v48 =	vcvt.f32.s32 v29;
	v26 =	vsub.f32 v32, v14  }
0x314: {  	v50 =	vcvt.f32.s32 v38;
	v51 =	vcvt.f32.s32 v28;
	v29 =	vadd.s32 $0x1, v31  }
0x315: {  	v30 =	vcvt.s32.f32 v41;
	v28 =	vadd.s32 $0x1, v46;
	v32 =	vcvt.f32.s32 v40  }
0x316: {  	v34 =	vadd.s32 $0x1, v47;
	v38 =	vadd.s32 $0x1, v50;
	v35 =	vadd.s32 $0x1, v48  }
0x317: {  	v30 =	vsub.f32 v43, v30;
	v40 =	vadd.s32 $0x1, v51;
	v33 =	vsub.f32 v33, v39  }
0x318: {  	vm2 =	vlt.s32 v28, $0xFF;
	vm1 =	vlt.s32 v29, $0xFF;
	v41 =	vadd.s32 $0x1, v32  }
0x319: {  	vm3 =	vlt.s32 v34, $0xFF;
	vm4 =	vlt.s32 v35, $0xFF;
	v30 =	vmul.f32 v30, v33  }
0x31a: {  	vm5 =	vlt.s32 v38, $0xFF;
	vm6 =	vlt.s32 v40, $0xFF;
	vm7 =	vlt.s32 v41, $0xFF  }
0x31b: {  	v28 =	vnsel vm2, $0xFF, v28;
	v29 =	vnsel vm1, $0xFF, v29;
	v30 =	vadd.f32 v30, v39  }
0x31c: {  	s3 =	sadd.s32 $0x80, s3;
	v33 =	vnsel vm3, $0xFF, v34;
	v34 =	vnsel vm4, $0xFF, v35;
	v35 =	vnsel vm5, $0xFF, v38  }
0x31d: {  	v29 =	vshll.u32 v29, $0x4;
	v38 =	vnsel vm6, $0xFF, v40;
	v39 =	vnsel vm7, $0xFF, v41;
	[tilespmem:s3+$0x30] =	vst v30  }
0x31e: {  	v28 =	vshll.u32 v28, $0x4;
	v30 =	vshll.u32 v33, $0x4;
	v33 =	vshll.u32 v34, $0x4  }
0x31f: {  	v34 =	vshll.u32 v35, $0x4;
	v35 =	vshll.u32 v38, $0x4;
	v38 =	vshll.u32 v39, $0x4  }
0x320: {  	v52 =	vshll.u32 v47, $0x4;
	v49 =	vshll.u32 v46, $0x4;
	v39 =	vshll.u32 v31, $0x4  }
0x321: {  	v54 =	vshll.u32 v50, $0x4;
	v53 =	vshll.u32 v48, $0x4;
	v55 =	vshll.u32 v51, $0x4  }
0x322: {  	v28 =	vor.u32 v0, v28;
	v56 =	vshll.u32 v32, $0x4;
	v29 =	vor.u32 v0, v29  }
0x323: {  	v57 =	vor.u32 v0, v30;
	v44 =	vor.u32 v0, v33;
	v43 =	vor.u32 v0, v34  }
0x324: {  	v40 =	vor.u32 v0, v39;
	v42 =	vor.u32 v0, v35;
	v41 =	vor.u32 v0, v38  }
.Ltmp7:
0x325: {  	v39 =	vor.u32 v0, v49;
	v38 =	vor.u32 v0, v52;
	v35 =	vor.u32 v0, v53;
	(pc) =	sbr.rel @p0 .LBB2_15-.Ltmp7, $4  }
0x326: {  	v34 =	vor.u32 v0, v54;
	v33 =	vor.u32 v0, v55;
	v30 =	vor.u32 v0, v56  }
0x327: {  	v46 =	vcvt.s32.f32 v46;
	v36 =	vsub.f32 v36, v15;
	v31 =	vcvt.s32.f32 v31;
	v29 =	vld.idx.msk [tilespmem:v29+s26+$0x0], $0xffff  }
0x328: {  	v37 =	vsub.f32 v37, v16;
	v49 =	vcvt.s32.f32 v47;
	v47 =	vcvt.s32.f32 v48;
	v28 =	vld.idx.msk [tilespmem:v28+s26+$0x0], $0xffff  }
0x329: {  	s17 =	sadd.s32 $0x80, s17;
	v50 =	vcvt.s32.f32 v50;
	v48 =	vcvt.s32.f32 v51;
	v45 =	vsub.f32 v45, v31;
	v31 =	vld.idx.msk [tilespmem:v57+s26+$0x0], $0xffff  }
0x32a: {  	_ =	sdelay $0x3  }
0x32b: {  	v44 =	vld.idx.msk [tilespmem:v44+s26+$0x0], $0xffff  }
0x32c: {  	v43 =	vld.idx.msk [tilespmem:v43+s26+$0x0], $0xffff  }
0x32d: {  	v42 =	vld.idx.msk [tilespmem:v42+s26+$0x0], $0xffff  }
0x32e: {  	v21 =	vsub.f32 v21, v46;
	v32 =	vcvt.s32.f32 v32;
	v41 =	vld.idx.msk [tilespmem:v41+s26+$0x0], $0xffff;
	v3 =	vmul.f32 v3, v25  }
0x32f: {  	v19 =	vsub.f32 v19, v47;
	v47 =	vld.idx.msk [tilespmem:v40+s26+$0x0], $0xffff;
	v4 =	vmul.f32 v4, v23;
	v5 =	vmul.f32 v5, v24  }
0x330: {  	v22 =	vsub.f32 v22, v49;
	v6 =	vmul.f32 v6, v27;
	v49 =	vld.idx.msk [tilespmem:v38+s26+$0x0], $0xffff;
	v7 =	vmul.f32 v7, v26  }
0x331: {  	v9 =	vmul.f32 v9, v36;
	v52 =	vld.idx.msk [tilespmem:v34+s26+$0x0], $0xffff;
	v20 =	vsub.f32 v20, v50;
	v3 =	vadd.f32 v3, v12  }
0x332: {  	v51 =	vmul.f32 v8, v37;
	v54 =	vld.idx.msk [tilespmem:v33+s26+$0x0], $0xffff;
	v17 =	vsub.f32 v17, v48;
	v4 =	vadd.f32 v4, v13  }
0x333: {  	v48 =	vld.idx.msk [tilespmem:v39+s26+$0x0], $0xffff;
	v18 =	vsub.f32 v18, v32;
	[tilespmem:s4+$0xFFFFFFC0] =	vst v3;
	v3 =	vadd.f32 v5, v10  }
0x334: {  	v50 =	vld.idx.msk [tilespmem:v35+s26+$0x0], $0xffff;
	v53 =	vadd.f32 v6, v11;
	[tilespmem:s4+$0xFFFFFFD0] =	vst v4;
	v55 =	vsub.f32 v29, v47  }
0x335: {  	v7 =	vadd.f32 v7, v14;
	v57 =	vsub.f32 v31, v49;
	[tilespmem:s4+$0xFFFFFFE0] =	vst v3;
	v3 =	vld.idx.msk [tilespmem:v30+s26+$0x0], $0xffff  }
0x336: {  	v9 =	vadd.f32 v9, v15;
	[tilespmem:s4+$0xFFFFFFF0] =	vst v53;
	v59 =	vsub.f32 v43, v52;
	v10 =	vmul.f32 v45, v55  }
0x337: {  	v5 =	vadd.f32 v51, v16;
	[tilespmem:s4+$0x0] =	vst v7;
	v60 =	vsub.f32 v42, v54;
	v4 =	vmul.f32 v22, v57  }
0x338: {  	[tilespmem:s4+$0x10] =	vst v9;
	v56 =	vsub.f32 v28, v48;
	v9 =	vmul.f32 v20, v59;
	v10 =	vadd.f32 v10, v47  }
0x339: {  	v58 =	vsub.f32 v44, v50;
	[tilespmem:s4+$0x20] =	vst v5;
	v5 =	vmul.f32 v17, v60;
	v4 =	vadd.f32 v4, v49  }
0x33a: {  	v11 =	vmul.f32 v21, v56;
	v8 =	vadd.f32 v9, v52;
	v61 =	vsub.f32 v41, v3;
	[tilespmem:s3+$0xFFFFFFC0] =	vst v10  }
0x33b: {  	s1 =	sadd.s32 $0x1, s1;
	v7 =	vmul.f32 v19, v58;
	v63 =	vadd.f32 v5, v54;
	[tilespmem:s3+$0xFFFFFFE0] =	vst v4  }
0x33c: {  	p0 =	sne.s32 s1, $0xE;
	v11 =	vadd.f32 v11, v48;
	[tilespmem:s3+$0x0] =	vst v8;
	v62 =	vmul.f32 v18, v61  }
.Ltmp8:
0x33d: {  	v7 =	vadd.f32 v7, v50;
	[tilespmem:s3+$0x10] =	vst v63;
	(pc) =	sbr.rel @p0 .LBB2_8-.Ltmp8, $4  }
0x33e: {  	[tilespmem:s3+$0xFFFFFFD0] =	vst v11;
	v3 =	vadd.f32 v62, v3  }
0x33f: {  	[tilespmem:s3+$0xFFFFFFF0] =	vst v7  }
0x340: {  	s2 =	sadd.s32 s5, s2;
	[tilespmem:s3+$0x20] =	vst v3  }
0x341: {  	[hbm4b:s2+s7] =	stream.linear.scatter [tilespmem:s30], [sflag:$0x4], $0x7000, $0x38;
	[tilespmem:$0x1D420] =	vst v63  }
0x342: {  	s1 =	simm.s32 $0x3  }
0x343: {  	_ =	swait.ge [sflag:s1], $0x7000  }
0x344: {  	[sflag:s1] =	ssyncset.done $0x0  }
0x345: {  	[sflag:s1] =	ssyncadd.s32 $0xFFFF9000  }
0x346: {  	_ =	swait.ge [sflag:s29], $0x7000  }
0x347: {  	s2 =	rddreg [dreg:$0xe]  }
0x348: {  	s31 =	rddreg [dreg:$0xd];
	s2 =	sadd.s32 $0x1, s2  }
0x349: {  	p0 =	sne.s32 s2, s31  }
.Ltmp9:
0x34a: {  	_ = 	snop;
	(pc) =	sbr.rel @p0 .LBB2_1-.Ltmp9, $3  }
0x34b: {  	_ =	sdelay $0x1  }
0x34c: {  	[sflag:s29] =	ssyncset.done $0x0  }
0x34d: {  	[sflag:s29] =	ssyncadd.s32 $0xFFFF9000  }
0x34e: {  	_ =	sfence.sel $0x180000  }
0x34f: {  	[bflag:$0x0] =	sbarrier.arrive $0xFFFF  }
0x350: {  	_ =	strace $0x90000047  }
0x351: {  	s0 =	stileid.u32;
	[bflag:$0x2] =	sbarrier.arrive $0xFFFF  }
0x352: {  	p0 =	sne.s32 s0, $0x0;
	s0 =	rddreg [dreg:$0x7]  }
0x353: {  	s0 =	sadd.s32 @!p0 $0x100000, s0  }
0x354: {  	[sflag:s0] =	ssyncadd.tile.s32 @!p0 $0x1;
	_ =	shalt  }
.Lfunc_end2:
_tile_overlayer_lowered:
.L_overlay_start_2:
0x355: {  	(tag) =	ssettag $0x2  }
0x356: {  	s0 =	rddreg [dreg:$0x0];
	s2 =	stileid.u32  }
0x357: {  	s1 =	rddreg [dreg:$0x1];
	p0 =	sne.s32 s2, $0x0  }
0x358: {  	s3 =	rddreg [dreg:$0x2];
	[bflag:$0x3] =	sbarrier.arrive $0xFFFF;
	s2 =	simm.s32 @!p0 $0x1C05  }
0x359: {  	[timem:s3], [sflag:s2] =	dma.local @!p0 [hbm:s0], s1  }
0x35a: {  	s0 =	simm.s32 @!p0 $0x5  }
0x35b: {  	_ =	swait.ge @!p0 [sflag:s0], s1  }
0x35c: {  	s1 =	ssub.s32 @!p0 $0x0, s1;
	[sflag:s0] =	ssyncset.done @!p0 $0x0  }
0x35d: {  	[sflag:s0] =	ssyncadd.s32 @!p0 s1  }
0x35e: {  	[bflag:$0x3] =	sbarrier.arrive $0xFFFF  }
0x35f: {  	_ =	shalt  }

</sc_bundles>
